<compile_context>
chip_gen: v7x
topology: tpu7x:2x2x1
jax: 0.10.2.dev20260603
libtpu: 0.0.44.dev20260713+nightly
codegen_flags: <defaults>
</compile_context>

<pallas_src>
import functools

import jax
import jax.numpy as jnp
from jax import lax
from jax.experimental import pallas as pl
from jax.experimental.pallas import tpu as pltpu
from jax.experimental.pallas import tpu_sc as plsc

_NC = 2
_NS = 16
_NW = _NC * _NS
_EB = 80


_NBUF = 3
_PACK_SHIFT = 14


@functools.lru_cache(maxsize=None)
def _make_sc_agg(n_pad, d, nb):
    rows_per_tile = n_pad // _NS
    mesh = plsc.VectorSubcoreMesh(core_axis_name="c", subcore_axis_name="s",
                                  num_cores=_NC, num_subcores=_NS)

    scratch = [
        pltpu.VMEM((nb, _EB), jnp.int32),
        [pltpu.VMEM((_EB,), jnp.int32) for _ in range(_NBUF)],
        [pltpu.VMEM((_EB,), jnp.int32) for _ in range(_NBUF)],
        [pltpu.VMEM((_EB, d), jnp.float32) for _ in range(_NBUF)],
        [pltpu.SemaphoreType.DMA for _ in range(_NBUF)],
        [pltpu.SemaphoreType.DMA for _ in range(_NBUF)],
        pltpu.VMEM_SHARED((n_pad, d), jnp.float32),
    ]

    @functools.partial(
        pl.kernel,
        out_type=jax.ShapeDtypeStruct((_NC, n_pad, d), jnp.float32),
        mesh=mesh,
        scratch_types=scratch,
    )
    def sc_agg(h_hbm, pk_hbm, out_hbm,
               pk_v, srcs, dsts, rows, gsem, ssem, acc_sh):
        c = lax.axis_index("c")
        s = lax.axis_index("s")
        wid = c * _NS + s
        row0 = s * rows_per_tile

        pltpu.sync_copy(pk_hbm.at[wid], pk_v)

        def fire(i, b):
            for j in range(_EB // 16):
                p = pk_v[i, pl.ds(j * 16, 16)]
                srcs[b][pl.ds(j * 16, 16)] = lax.bitwise_and(
                    p, jnp.int32((1 << _PACK_SHIFT) - 1))
                dsts[b][pl.ds(j * 16, 16)] = lax.shift_right_logical(
                    p, jnp.int32(_PACK_SHIFT))
            pltpu.async_copy(h_hbm.at[srcs[b]], rows[b], gsem[b])

        def drain_gather(b):
            pltpu.make_async_copy(h_hbm.at[srcs[b]], rows[b], gsem[b]).wait()

        def drain_scatter(b):
            pltpu.make_async_copy(rows[b], acc_sh.at[dsts[b]],
                                  ssem[b]).wait()

        for b in range(_NBUF - 1):
            fire(b, b)

        zrow = rows[_NBUF - 1]
        zv = jnp.zeros((16,), jnp.float32)

        @pl.loop(0, _EB)
        def _zfill(r):
            for j in range(d // 16):
                zrow[r, pl.ds(j * 16, 16)] = zv

        @pl.loop(0, rows_per_tile // _EB)
        def _zcopy(k):
            pltpu.sync_copy(zrow, acc_sh.at[pl.ds(row0 + k * _EB, _EB)])

        rem = rows_per_tile % _EB
        if rem:
            pltpu.sync_copy(zrow.at[pl.ds(0, rem)],
                            acc_sh.at[pl.ds(row0 + (rows_per_tile // _EB) * _EB,
                                            rem)])
        plsc.subcore_barrier()

        @pl.loop(0, nb // _NBUF)
        def _edge_group(j):
            i0 = j * _NBUF
            for b in range(_NBUF):
                i = i0 + b
                nxt = i + _NBUF - 1
                slot = (b + _NBUF - 1) % _NBUF

                @pl.when(nxt < nb)
                def _():
                    @pl.when(nxt >= _NBUF)
                    def _():
                        drain_scatter(slot)

                    fire(nxt, slot)

                drain_gather(b)
                pltpu.async_copy(rows[b], acc_sh.at[dsts[b]], ssem[b],
                                 add=True)

        for b in range(_NBUF):
            drain_scatter(b)

        plsc.subcore_barrier()
        pltpu.sync_copy(acc_sh.at[pl.ds(row0, rows_per_tile)],
                        out_hbm.at[c, pl.ds(row0, rows_per_tile)])

    return sc_agg


def _sc_agg(h, packed2, n_pad):
    d = h.shape[1]
    nb = packed2.shape[1]
    return _make_sc_agg(n_pad, d, nb)(h, packed2)


def _gin_dense(h, agg2, w1, b1, w2, b2, eps, first):
    n, d = h.shape
    hd = w1.shape[1]
    blk = 2048
    grid = (pl.cdiv(n, blk),)

    def body(h_ref, a_ref, w1_ref, b1_ref, w2_ref, b2_ref, eps_ref, o_ref):
        z = (1.0 + eps_ref[0]) * h_ref[...] + a_ref[0] + a_ref[1]
        a1 = jnp.dot(z, w1_ref[...], preferred_element_type=jnp.float32)
        a1 = jnp.maximum(a1 + b1_ref[...], 0.0)
        o = jnp.dot(a1, w2_ref[...], preferred_element_type=jnp.float32)
        r = jnp.maximum(o + b2_ref[...], 0.0)
        o_ref[...] = r if first else h_ref[...] + r

    return pl.pallas_call(
        body,
        grid=grid,
        in_specs=[
            pl.BlockSpec((blk, d), lambda i: (i, 0)),
            pl.BlockSpec((_NC, blk, d), lambda i: (0, i, 0)),
            pl.BlockSpec((d, hd), lambda i: (0, 0)),
            pl.BlockSpec((1, hd), lambda i: (0, 0)),
            pl.BlockSpec((hd, hd), lambda i: (0, 0)),
            pl.BlockSpec((1, hd), lambda i: (0, 0)),
            pl.BlockSpec(memory_space=pltpu.SMEM),
        ],
        out_specs=pl.BlockSpec((blk, hd), lambda i: (i, 0)),
        out_shape=jax.ShapeDtypeStruct((n, hd), jnp.float32),
    )(h, agg2, w1, b1.reshape(1, -1), w2, b2.reshape(1, -1), eps.reshape(1))


def _sigmoid(x):
    return 1.0 / (1.0 + jnp.exp(-x))


def _ln(x, g, b):
    mu = jnp.mean(x, axis=-1, keepdims=True)
    var = jnp.mean((x - mu) * (x - mu), axis=-1, keepdims=True)
    return (x - mu) / jnp.sqrt(var + 1e-5) * g + b


def _heads(h, agg2, cp, att_p, ang_p, rad_p):
    n, d = h.shape
    blk = 2048
    grid = (pl.cdiv(n, blk),)

    def pad_w(w, out_w=128):
        return jnp.pad(w, ((0, 0), (0, out_w - w.shape[1])))

    def pad_b(b, out_w=128):
        return jnp.pad(b, (0, out_w - b.shape[0])).reshape(1, -1)

    wa = pad_w(att_p['W'])
    ba = pad_b(att_p['b'])
    a1, ab1 = ang_p['lin1']['W'], ang_p['lin1']['b'].reshape(1, -1)
    g1, gb1 = ang_p['ln1']['g'].reshape(1, -1), ang_p['ln1']['b'].reshape(1, -1)
    a2, ab2 = ang_p['lin2']['W'], ang_p['lin2']['b'].reshape(1, -1)
    g2, gb2 = ang_p['ln2']['g'].reshape(1, -1), ang_p['ln2']['b'].reshape(1, -1)
    a3 = pad_w(ang_p['lin3']['W'])
    ab3 = pad_b(ang_p['lin3']['b'])
    r1, rb1 = rad_p['lin1']['W'], rad_p['lin1']['b'].reshape(1, -1)
    rg1, rgb1 = rad_p['ln1']['g'].reshape(1, -1), rad_p['ln1']['b'].reshape(1, -1)
    r2 = pad_w(rad_p['lin2']['W'])
    rb2 = pad_b(rad_p['lin2']['b'])

    d2 = a1.shape[1]

    def body(h_ref, ag_ref, w1_ref, b1_ref, w2_ref, b2_ref, eps_ref,
             wa_r, ba_r, a1_r, ab1_r, g1_r, gb1_r, a2_r, ab2_r,
             g2_r, gb2_r, a3_r, ab3_r, r1_r, rb1_r, rg1_r, rgb1_r,
             r2_r, rb2_r, o_ref):
        z = (1.0 + eps_ref[0]) * h_ref[...] + ag_ref[0] + ag_ref[1]
        t4 = jnp.dot(z, w1_ref[...], preferred_element_type=jnp.float32)
        t4 = jnp.maximum(t4 + b1_ref[...], 0.0)
        o4 = jnp.dot(t4, w2_ref[...], preferred_element_type=jnp.float32)
        hv = h_ref[...] + jnp.maximum(o4 + b2_ref[...], 0.0)
        att = _sigmoid(jnp.dot(hv, wa_r[...],
                               preferred_element_type=jnp.float32) + ba_r[...])
        hw = hv * att[:, 0:1]

        t = jnp.dot(hw, a1_r[...], preferred_element_type=jnp.float32) + ab1_r[...]
        t = jnp.maximum(_ln(t, g1_r[...], gb1_r[...]), 0.0)
        t = jnp.dot(t, a2_r[...], preferred_element_type=jnp.float32) + ab2_r[...]
        t = jnp.maximum(_ln(t, g2_r[...], gb2_r[...]), 0.0)
        ang = jnp.dot(t, a3_r[...], preferred_element_type=jnp.float32) + ab3_r[...]
        theta = ang[:, 0:1]
        phi = ang[:, 1:2]

        u = jnp.dot(hw, r1_r[...], preferred_element_type=jnp.float32) + rb1_r[...]
        u = jnp.maximum(_ln(u, rg1_r[...], rgb1_r[...]), 0.0)
        rr = _sigmoid(jnp.dot(u, r2_r[...],
                              preferred_element_type=jnp.float32) + rb2_r[...])
        r = 0.9 + 0.2 * rr[:, 0:1]

        st = jnp.sin(theta)
        cx = r * st * jnp.cos(phi)
        cy = r * st * jnp.sin(phi)
        cz = r * jnp.cos(theta)
        nrm = jnp.sqrt(cx * cx + cy * cy + cz * cz) + 1e-8
        o_ref[:, 0:1] = cx / nrm
        o_ref[:, 1:2] = cy / nrm
        o_ref[:, 2:3] = cz / nrm

    full = lambda shape: pl.BlockSpec(shape, lambda i: (0, 0))
    return pl.pallas_call(
        body,
        grid=grid,
        in_specs=[
            pl.BlockSpec((blk, d), lambda i: (i, 0)),
            pl.BlockSpec((_NC, blk, d), lambda i: (0, i, 0)),
            full((d, d)), full((1, d)), full((d, d)), full((1, d)),
            pl.BlockSpec(memory_space=pltpu.SMEM),
            full((d, 128)), full((1, 128)),
            full((d, d2)), full((1, d2)), full((1, d2)), full((1, d2)),
            full((d2, d)), full((1, d)), full((1, d)), full((1, d)),
            full((d, 128)), full((1, 128)),
            full((d, d)), full((1, d)), full((1, d)), full((1, d)),
            full((d, 128)), full((1, 128)),
        ],
        out_specs=pl.BlockSpec((blk, 128), lambda i: (i, 0)),
        out_shape=jax.ShapeDtypeStruct((n, 128), jnp.float32),
    )(h, agg2, cp['lin1']['W'], cp['lin1']['b'].reshape(1, -1),
      cp['lin2']['W'], cp['lin2']['b'].reshape(1, -1), cp['eps'].reshape(1),
      wa, ba, a1, ab1, g1, gb1, a2, ab2, g2, gb2, a3, ab3,
      r1, rb1, rg1, rgb1, r2, rb2)


def kernel(x, edge_index, params):
    src = edge_index[0]
    dst = edge_index[1]
    n, d = x.shape
    e = src.shape[0]
    n_pad = ((n + 127) // 128) * 128

    grp = _NW * _EB * _NBUF
    e_pad = ((e + grp - 1) // grp) * grp
    pad_n = e_pad - e
    pad_src = (jnp.arange(pad_n, dtype=jnp.int32) * 97) % n
    pad_dst = n + (jnp.arange(pad_n, dtype=jnp.int32) % (n_pad - n))
    src_p = jnp.concatenate([src, pad_src])
    dst_p = jnp.concatenate([dst, pad_dst])
    packed2 = (src_p | (dst_p << _PACK_SHIFT)).reshape(_NW, -1, _EB)

    h = x
    convs = params['convs']
    for i, cp in enumerate(convs[:-1]):
        agg2 = _sc_agg(h, packed2, n_pad)
        h = _gin_dense(h, agg2, cp['lin1']['W'], cp['lin1']['b'],
                       cp['lin2']['W'], cp['lin2']['b'], cp['eps'],
                       first=(i == 0))

    agg2 = _sc_agg(h, packed2, n_pad)
    coords = _heads(h, agg2, convs[-1], params['attention'],
                    params['angle'], params['radius'])
    return coords[:, :3]

# --- scband reference (transcript-rebuilt; emitter-appended) ---
"""Pipeline reference for scband-gnn-model-gin-51762945851518 (READ-ONLY COPY).

The authoritative reference and input builder live on the scoring server;
editing this copy changes nothing except your own understanding.
"""

import jax, jax.numpy as jnp
import numpy as np

N = 10000
E = 320000
D = 128
H = 128
NUM_LAYERS = 4

def _linear(p, x):
    return x @ p['W'] + p['b']

def _layernorm(p, x):
    mu = jnp.mean(x, axis=-1, keepdims=True)
    var = jnp.var(x, axis=-1, keepdims=True)
    return (x - mu) / jnp.sqrt(var + 1e-5) * p['g'] + p['b']

def _mk_linear(key, fi, fo):
    lim = 0.5 * np.sqrt(6.0 / (fi + fo))
    return {'W': jax.random.uniform(key, (fi, fo), jnp.float32, -lim, lim), 'b': jnp.zeros((fo,), jnp.float32)}

def setup_inputs(seed: int = 0):
    key = jax.random.key(seed)
    keys = jax.random.split(key, 20)
    x = jax.random.normal(keys[0], (N, D), jnp.float32)
    edge_index = jax.random.randint(keys[1], (2, E), 0, N, jnp.int32)
    convs = []
    for i in range(NUM_LAYERS):
        fi = D if i == 0 else H
        k1, k2 = jax.random.split(keys[2 + i])
        convs.append({'lin1': _mk_linear(k1, fi, H), 'lin2': _mk_linear(k2, H, H), 'eps': jnp.zeros((), jnp.float32)})
    params = {
        'convs': convs,
        'attention': _mk_linear(keys[10], H, 1),
        'angle': {
            'lin1': _mk_linear(keys[11], H, 2 * H),
            'ln1': {'g': jnp.ones((2 * H,), jnp.float32), 'b': jnp.zeros((2 * H,), jnp.float32)},
            'lin2': _mk_linear(keys[12], 2 * H, H),
            'ln2': {'g': jnp.ones((H,), jnp.float32), 'b': jnp.zeros((H,), jnp.float32)},
            'lin3': _mk_linear(keys[13], H, 2),
        },
        'radius': {
            'lin1': _mk_linear(keys[14], H, H),
            'ln1': {'g': jnp.ones((H,), jnp.float32), 'b': jnp.zeros((H,), jnp.float32)},
            'lin2': _mk_linear(keys[15], H, 1),
        },
    }
    return {'x': x, 'edge_index': edge_index, 'params': params}

def _forward(x, params, edge_index):
    src = edge_index[0]
    dst = edge_index[1]
    def gin(p, h):
        agg = jnp.zeros_like(h).at[dst].add(h[src])
        z = (1.0 + p['eps']) * h + agg
        z = jax.nn.relu(_linear(p['lin1'], z))
        return _linear(p['lin2'], z)
    h = jax.nn.relu(gin(params['convs'][0], x))
    for i in range(1, NUM_LAYERS):
        h = h + jax.nn.relu(gin(params['convs'][i], h))
    att = jax.nn.sigmoid(_linear(params['attention'], h))
    hw = h * att
    ap = params['angle']
    a = jax.nn.relu(_layernorm(ap['ln1'], _linear(ap['lin1'], hw)))
    a = jax.nn.relu(_layernorm(ap['ln2'], _linear(ap['lin2'], a)))
    angles = _linear(ap['lin3'], a)
    rp = params['radius']
    r = jax.nn.relu(_layernorm(rp['ln1'], _linear(rp['lin1'], hw)))
    r = jax.nn.sigmoid(_linear(rp['lin2'], r))
    r = 0.9 + 0.2 * r
    theta = angles[:, 0:1]
    phi = angles[:, 1:2]
    coords = jnp.concatenate([r * jnp.sin(theta) * jnp.cos(phi), r * jnp.sin(theta) * jnp.sin(phi), r * jnp.cos(theta)], axis=-1)
    coords = coords / (jnp.linalg.norm(coords, axis=-1, keepdims=True) + 1e-8)
    return coords

def reference(x, edge_index, params):
    return _forward(x, params, edge_index)

if __name__ == "__main__":
    import jax
    _d = setup_inputs()
    print(jax.jit(kernel)(*tuple(_d.values())))

</pallas_src>

<mosaic_0001>
#map = affine_map<(d0, d1) -> (0, 0)>
#map1 = affine_map<(d0, d1) -> (0, 0, 0)>
module attributes {stable_mosaic.version = 14 : i64} {
  func.func @sc_agg(%arg0: i32, %arg1: i32, %arg2: memref<10000x128xf32, #tpu.memory_space<hbm>>, %arg3: memref<32x126x80xi32, #tpu.memory_space<hbm>>, %arg4: memref<2x10112x128xf32, #tpu.memory_space<hbm>>, %arg5: memref<126x80xi32, #tpu.memory_space<vmem>>, %arg6: memref<80xi32, #tpu.memory_space<vmem>>, %arg7: memref<80xi32, #tpu.memory_space<vmem>>, %arg8: memref<80xi32, #tpu.memory_space<vmem>>, %arg9: memref<80xi32, #tpu.memory_space<vmem>>, %arg10: memref<80xi32, #tpu.memory_space<vmem>>, %arg11: memref<80xi32, #tpu.memory_space<vmem>>, %arg12: memref<80x128xf32, #tpu.memory_space<vmem>>, %arg13: memref<80x128xf32, #tpu.memory_space<vmem>>, %arg14: memref<80x128xf32, #tpu.memory_space<vmem>>, %arg15: memref<!tpu.dma_semaphore, #tpu.memory_space<semaphore_mem>>, %arg16: memref<!tpu.dma_semaphore, #tpu.memory_space<semaphore_mem>>, %arg17: memref<!tpu.dma_semaphore, #tpu.memory_space<semaphore_mem>>, %arg18: memref<!tpu.dma_semaphore, #tpu.memory_space<semaphore_mem>>, %arg19: memref<!tpu.dma_semaphore, #tpu.memory_space<semaphore_mem>>, %arg20: memref<!tpu.dma_semaphore, #tpu.memory_space<semaphore_mem>>, %arg21: memref<10112x128xf32, #tpu.memory_space<vmem_shared>>) attributes {dimension_semantics = [#tpu.dimension_semantics<core_parallel>, #tpu.dimension_semantics<subcore_parallel>], iteration_bounds = array<i64: 2, 16>, scalar_prefetch = 0 : i64, scratch_operands = 17 : i64, tpu.core_type = #tpu.core_type<sc_vector_subcore>, window_params = [{transform_indices = #map}, {transform_indices = #map1}, {transform_indices = #map1}]} {
    %mul3A = arith.constant 16 : i32
    %mul3A_0 = arith.muli %arg0, %mul3A : i32
    %add3A = arith.addi %mul3A_0, %arg1 : i32
    %mul3A_1 = arith.constant 632 : i32
    %mul3A_2 = arith.muli %arg1, %mul3A_1 : i32
    "tpu.region"() ({
      %run_scoped3A = tpu.sem_alloc : memref<!tpu.dma_semaphore, #tpu.memory_space<semaphore_mem>>
      %dma_start3A_220 = arith.constant 0 : i32
      %dma_start3A_221 = arith.constant 0 : i32
      %dma_start3A_222 = tpu.memref_slice %arg3[%add3A, %dma_start3A_220, %dma_start3A_221] : memref<32x126x80xi32, #tpu.memory_space<hbm>> -> memref<1x126x80xi32, #tpu.memory_space<hbm>>
      %dma_start3A_223 = tpu.memref_squeeze %dma_start3A_222 : memref<1x126x80xi32, #tpu.memory_space<hbm>> -> memref<126x80xi32, #tpu.memory_space<hbm>>
      %dma_start3A_224 = arith.constant 0 : i32
      %dma_start3A_225 = arith.constant 0 : i32
      %dma_start3A_226 = tpu.memref_slice %arg3[%add3A, %dma_start3A_224, %dma_start3A_225] : memref<32x126x80xi32, #tpu.memory_space<hbm>> -> memref<1x126x80xi32, #tpu.memory_space<hbm>>
      %dma_start3A_227 = tpu.memref_squeeze %dma_start3A_226 : memref<1x126x80xi32, #tpu.memory_space<hbm>> -> memref<126x80xi32, #tpu.memory_space<hbm>>
      tpu.enqueue_dma source(%dma_start3A_227 : memref<126x80xi32, #tpu.memory_space<hbm>>) target(%arg5 : memref<126x80xi32, #tpu.memory_space<vmem>>) target_semaphore(%run_scoped3A : memref<!tpu.dma_semaphore, #tpu.memory_space<semaphore_mem>>)
      %dma_wait3A_228 = arith.constant 0 : i32
      %dma_wait3A_229 = arith.constant 0 : i32
      %dma_wait3A_230 = tpu.memref_slice %arg3[%add3A, %dma_wait3A_228, %dma_wait3A_229] : memref<32x126x80xi32, #tpu.memory_space<hbm>> -> memref<1x126x80xi32, #tpu.memory_space<hbm>>
      %dma_wait3A_231 = tpu.memref_squeeze %dma_wait3A_230 : memref<1x126x80xi32, #tpu.memory_space<hbm>> -> memref<126x80xi32, #tpu.memory_space<hbm>>
      %dma_wait3A_232 = arith.constant 0 : i32
      %dma_wait3A_233 = arith.constant 0 : i32
      %dma_wait3A_234 = tpu.memref_slice %arg3[%add3A, %dma_wait3A_232, %dma_wait3A_233] : memref<32x126x80xi32, #tpu.memory_space<hbm>> -> memref<1x126x80xi32, #tpu.memory_space<hbm>>
      %dma_wait3A_235 = tpu.memref_squeeze %dma_wait3A_234 : memref<1x126x80xi32, #tpu.memory_space<hbm>> -> memref<126x80xi32, #tpu.memory_space<hbm>>
      tpu.wait_dma2 semaphore(%run_scoped3A : memref<!tpu.dma_semaphore, #tpu.memory_space<semaphore_mem>>) src(%dma_wait3A_235 : memref<126x80xi32, #tpu.memory_space<hbm>>) dst(%arg5 : memref<126x80xi32, #tpu.memory_space<vmem>>)
      tpu.yield
    }) : () -> ()
    %get3A = arith.constant 0 : i32
    %get3A_3 = arith.index_cast %get3A : i32 to index
    %get3A_4 = arith.constant 0 : index
    %get3A_5 = tpu.vector_load %arg5[%get3A_3, %get3A_4] {strides = array<i32>} : memref<126x80xi32, #tpu.memory_space<vmem>>, vector<1x16xi32>,
    %get3A_6 = vector.shape_cast %get3A_5 : vector<1x16xi32> to vector<16xi32>
    %and3A = arith.constant 16383 : i32
    %and3A_7 = vector.broadcast %and3A : i32 to vector<16xi32>
    %and3A_8 = arith.andi %get3A_6, %and3A_7 : vector<16xi32>
    %swap3A = arith.constant 0 : index
    %swap3A_9 = tpu.vector_load %arg6[%swap3A] {strides = array<i32>} : memref<80xi32, #tpu.memory_space<vmem>>, vector<16xi32>,
    %swap3A_10 = vector.shape_cast %swap3A_9 : vector<16xi32> to vector<16xi32>
    %swap3A_11 = vector.shape_cast %and3A_8 : vector<16xi32> to vector<16xi32>
    tpu.vector_store %arg6[%swap3A], %swap3A_11 {strides = array<i32>} : memref<80xi32, #tpu.memory_space<vmem>>, vector<16xi32>,
    %shift_right_logical3A = arith.constant 14 : i32
    %shift_right_logical3A_12 = vector.broadcast %shift_right_logical3A : i32 to vector<16xi32>
    %shift_right_logical3A_13 = arith.shrui %get3A_6, %shift_right_logical3A_12 : vector<16xi32>
    %swap3A_14 = arith.constant 0 : index
    %swap3A_15 = tpu.vector_load %arg9[%swap3A_14] {strides = array<i32>} : memref<80xi32, #tpu.memory_space<vmem>>, vector<16xi32>,
    %swap3A_16 = vector.shape_cast %swap3A_15 : vector<16xi32> to vector<16xi32>
    %swap3A_17 = vector.shape_cast %shift_right_logical3A_13 : vector<16xi32> to vector<16xi32>
    tpu.vector_store %arg9[%swap3A_14], %swap3A_17 {strides = array<i32>} : memref<80xi32, #tpu.memory_space<vmem>>, vector<16xi32>,
    %get3A_18 = arith.constant 0 : i32
    %get3A_19 = arith.index_cast %get3A_18 : i32 to index
    %get3A_20 = arith.constant 16 : index
    %get3A_21 = tpu.vector_load %arg5[%get3A_19, %get3A_20] {strides = array<i32>} : memref<126x80xi32, #tpu.memory_space<vmem>>, vector<1x16xi32>,
    %get3A_22 = vector.shape_cast %get3A_21 : vector<1x16xi32> to vector<16xi32>
    %and3A_23 = arith.constant 16383 : i32
    %and3A_24 = vector.broadcast %and3A_23 : i32 to vector<16xi32>
    %and3A_25 = arith.andi %get3A_22, %and3A_24 : vector<16xi32>
    %swap3A_26 = arith.constant 16 : index
    %swap3A_27 = tpu.vector_load %arg6[%swap3A_26] {strides = array<i32>} : memref<80xi32, #tpu.memory_space<vmem>>, vector<16xi32>,
    %swap3A_28 = vector.shape_cast %swap3A_27 : vector<16xi32> to vector<16xi32>
    %swap3A_29 = vector.shape_cast %and3A_25 : vector<16xi32> to vector<16xi32>
    tpu.vector_store %arg6[%swap3A_26], %swap3A_29 {strides = array<i32>} : memref<80xi32, #tpu.memory_space<vmem>>, vector<16xi32>,
    %shift_right_logical3A_30 = arith.constant 14 : i32
    %shift_right_logical3A_31 = vector.broadcast %shift_right_logical3A_30 : i32 to vector<16xi32>
    %shift_right_logical3A_32 = arith.shrui %get3A_22, %shift_right_logical3A_31 : vector<16xi32>
    %swap3A_33 = arith.constant 16 : index
    %swap3A_34 = tpu.vector_load %arg9[%swap3A_33] {strides = array<i32>} : memref<80xi32, #tpu.memory_space<vmem>>, vector<16xi32>,
    %swap3A_35 = vector.shape_cast %swap3A_34 : vector<16xi32> to vector<16xi32>
    %swap3A_36 = vector.shape_cast %shift_right_logical3A_32 : vector<16xi32> to vector<16xi32>
    tpu.vector_store %arg9[%swap3A_33], %swap3A_36 {strides = array<i32>} : memref<80xi32, #tpu.memory_space<vmem>>, vector<16xi32>,
    %get3A_37 = arith.constant 0 : i32
    %get3A_38 = arith.index_cast %get3A_37 : i32 to index
    %get3A_39 = arith.constant 32 : index
    %get3A_40 = tpu.vector_load %arg5[%get3A_38, %get3A_39] {strides = array<i32>} : memref<126x80xi32, #tpu.memory_space<vmem>>, vector<1x16xi32>,
    %get3A_41 = vector.shape_cast %get3A_40 : vector<1x16xi32> to vector<16xi32>
    %and3A_42 = arith.constant 16383 : i32
    %and3A_43 = vector.broadcast %and3A_42 : i32 to vector<16xi32>
    %and3A_44 = arith.andi %get3A_41, %and3A_43 : vector<16xi32>
    %swap3A_45 = arith.constant 32 : index
    %swap3A_46 = tpu.vector_load %arg6[%swap3A_45] {strides = array<i32>} : memref<80xi32, #tpu.memory_space<vmem>>, vector<16xi32>,
    %swap3A_47 = vector.shape_cast %swap3A_46 : vector<16xi32> to vector<16xi32>
    %swap3A_48 = vector.shape_cast %and3A_44 : vector<16xi32> to vector<16xi32>
    tpu.vector_store %arg6[%swap3A_45], %swap3A_48 {strides = array<i32>} : memref<80xi32, #tpu.memory_space<vmem>>, vector<16xi32>,
    %shift_right_logical3A_49 = arith.constant 14 : i32
    %shift_right_logical3A_50 = vector.broadcast %shift_right_logical3A_49 : i32 to vector<16xi32>
    %shift_right_logical3A_51 = arith.shrui %get3A_41, %shift_right_logical3A_50 : vector<16xi32>
    %swap3A_52 = arith.constant 32 : index
    %swap3A_53 = tpu.vector_load %arg9[%swap3A_52] {strides = array<i32>} : memref<80xi32, #tpu.memory_space<vmem>>, vector<16xi32>,
    %swap3A_54 = vector.shape_cast %swap3A_53 : vector<16xi32> to vector<16xi32>
    %swap3A_55 = vector.shape_cast %shift_right_logical3A_51 : vector<16xi32> to vector<16xi32>
    tpu.vector_store %arg9[%swap3A_52], %swap3A_55 {strides = array<i32>} : memref<80xi32, #tpu.memory_space<vmem>>, vector<16xi32>,
    %get3A_56 = arith.constant 0 : i32
    %get3A_57 = arith.index_cast %get3A_56 : i32 to index
    %get3A_58 = arith.constant 48 : index
    %get3A_59 = tpu.vector_load %arg5[%get3A_57, %get3A_58] {strides = array<i32>} : memref<126x80xi32, #tpu.memory_space<vmem>>, vector<1x16xi32>,
    %get3A_60 = vector.shape_cast %get3A_59 : vector<1x16xi32> to vector<16xi32>
    %and3A_61 = arith.constant 16383 : i32
    %and3A_62 = vector.broadcast %and3A_61 : i32 to vector<16xi32>
    %and3A_63 = arith.andi %get3A_60, %and3A_62 : vector<16xi32>
    %swap3A_64 = arith.constant 48 : index
    %swap3A_65 = tpu.vector_load %arg6[%swap3A_64] {strides = array<i32>} : memref<80xi32, #tpu.memory_space<vmem>>, vector<16xi32>,
    %swap3A_66 = vector.shape_cast %swap3A_65 : vector<16xi32> to vector<16xi32>
    %swap3A_67 = vector.shape_cast %and3A_63 : vector<16xi32> to vector<16xi32>
    tpu.vector_store %arg6[%swap3A_64], %swap3A_67 {strides = array<i32>} : memref<80xi32, #tpu.memory_space<vmem>>, vector<16xi32>,
    %shift_right_logical3A_68 = arith.constant 14 : i32
    %shift_right_logical3A_69 = vector.broadcast %shift_right_logical3A_68 : i32 to vector<16xi32>
    %shift_right_logical3A_70 = arith.shrui %get3A_60, %shift_right_logical3A_69 : vector<16xi32>
    %swap3A_71 = arith.constant 48 : index
    %swap3A_72 = tpu.vector_load %arg9[%swap3A_71] {strides = array<i32>} : memref<80xi32, #tpu.memory_space<vmem>>, vector<16xi32>,
    %swap3A_73 = vector.shape_cast %swap3A_72 : vector<16xi32> to vector<16xi32>
    %swap3A_74 = vector.shape_cast %shift_right_logical3A_70 : vector<16xi32> to vector<16xi32>
    tpu.vector_store %arg9[%swap3A_71], %swap3A_74 {strides = array<i32>} : memref<80xi32, #tpu.memory_space<vmem>>, vector<16xi32>,
    %get3A_75 = arith.constant 0 : i32
    %get3A_76 = arith.index_cast %get3A_75 : i32 to index
    %get3A_77 = arith.constant 64 : index
    %get3A_78 = tpu.vector_load %arg5[%get3A_76, %get3A_77] {strides = array<i32>} : memref<126x80xi32, #tpu.memory_space<vmem>>, vector<1x16xi32>,
    %get3A_79 = vector.shape_cast %get3A_78 : vector<1x16xi32> to vector<16xi32>
    %and3A_80 = arith.constant 16383 : i32
    %and3A_81 = vector.broadcast %and3A_80 : i32 to vector<16xi32>
    %and3A_82 = arith.andi %get3A_79, %and3A_81 : vector<16xi32>
    %swap3A_83 = arith.constant 64 : index
    %swap3A_84 = tpu.vector_load %arg6[%swap3A_83] {strides = array<i32>} : memref<80xi32, #tpu.memory_space<vmem>>, vector<16xi32>,
    %swap3A_85 = vector.shape_cast %swap3A_84 : vector<16xi32> to vector<16xi32>
    %swap3A_86 = vector.shape_cast %and3A_82 : vector<16xi32> to vector<16xi32>
    tpu.vector_store %arg6[%swap3A_83], %swap3A_86 {strides = array<i32>} : memref<80xi32, #tpu.memory_space<vmem>>, vector<16xi32>,
    %shift_right_logical3A_87 = arith.constant 14 : i32
    %shift_right_logical3A_88 = vector.broadcast %shift_right_logical3A_87 : i32 to vector<16xi32>
    %shift_right_logical3A_89 = arith.shrui %get3A_79, %shift_right_logical3A_88 : vector<16xi32>
    %swap3A_90 = arith.constant 64 : index
    %swap3A_91 = tpu.vector_load %arg9[%swap3A_90] {strides = array<i32>} : memref<80xi32, #tpu.memory_space<vmem>>, vector<16xi32>,
    %swap3A_92 = vector.shape_cast %swap3A_91 : vector<16xi32> to vector<16xi32>
    %swap3A_93 = vector.shape_cast %shift_right_logical3A_89 : vector<16xi32> to vector<16xi32>
    tpu.vector_store %arg9[%swap3A_90], %swap3A_93 {strides = array<i32>} : memref<80xi32, #tpu.memory_space<vmem>>, vector<16xi32>,
    %dma_start3A = arith.constant 0 : i32
    %dma_start3A_94 = arith.constant 0 : i32
    %dma_start3A_95 = tpu.memref_slice %arg2[%dma_start3A, %dma_start3A_94] : memref<10000x128xf32, #tpu.memory_space<hbm>> -> memref<10000x128xf32, #tpu.memory_space<hbm>>
    tpu.enqueue_indirect_dma source(%dma_start3A_95 : memref<10000x128xf32, #tpu.memory_space<hbm>>) target(%arg12 : memref<80x128xf32, #tpu.memory_space<vmem>>) offsets(%arg6 : memref<80xi32, #tpu.memory_space<vmem>>) semaphore(%arg15 : memref<!tpu.dma_semaphore, #tpu.memory_space<semaphore_mem>>)
    %get3A_96 = arith.constant 1 : i32
    %get3A_97 = arith.index_cast %get3A_96 : i32 to index
    %get3A_98 = arith.constant 0 : index
    %get3A_99 = tpu.vector_load %arg5[%get3A_97, %get3A_98] {strides = array<i32>} : memref<126x80xi32, #tpu.memory_space<vmem>>, vector<1x16xi32>,
    %get3A_100 = vector.shape_cast %get3A_99 : vector<1x16xi32> to vector<16xi32>
    %and3A_101 = arith.constant 16383 : i32
    %and3A_102 = vector.broadcast %and3A_101 : i32 to vector<16xi32>
    %and3A_103 = arith.andi %get3A_100, %and3A_102 : vector<16xi32>
    %swap3A_104 = arith.constant 0 : index
    %swap3A_105 = tpu.vector_load %arg7[%swap3A_104] {strides = array<i32>} : memref<80xi32, #tpu.memory_space<vmem>>, vector<16xi32>,
    %swap3A_106 = vector.shape_cast %swap3A_105 : vector<16xi32> to vector<16xi32>
    %swap3A_107 = vector.shape_cast %and3A_103 : vector<16xi32> to vector<16xi32>
    tpu.vector_store %arg7[%swap3A_104], %swap3A_107 {strides = array<i32>} : memref<80xi32, #tpu.memory_space<vmem>>, vector<16xi32>,
    %shift_right_logical3A_108 = arith.constant 14 : i32
    %shift_right_logical3A_109 = vector.broadcast %shift_right_logical3A_108 : i32 to vector<16xi32>
    %shift_right_logical3A_110 = arith.shrui %get3A_100, %shift_right_logical3A_109 : vector<16xi32>
    %swap3A_111 = arith.constant 0 : index
    %swap3A_112 = tpu.vector_load %arg10[%swap3A_111] {strides = array<i32>} : memref<80xi32, #tpu.memory_space<vmem>>, vector<16xi32>,
    %swap3A_113 = vector.shape_cast %swap3A_112 : vector<16xi32> to vector<16xi32>
    %swap3A_114 = vector.shape_cast %shift_right_logical3A_110 : vector<16xi32> to vector<16xi32>
    tpu.vector_store %arg10[%swap3A_111], %swap3A_114 {strides = array<i32>} : memref<80xi32, #tpu.memory_space<vmem>>, vector<16xi32>,
    %get3A_115 = arith.constant 1 : i32
    %get3A_116 = arith.index_cast %get3A_115 : i32 to index
    %get3A_117 = arith.constant 16 : index
    %get3A_118 = tpu.vector_load %arg5[%get3A_116, %get3A_117] {strides = array<i32>} : memref<126x80xi32, #tpu.memory_space<vmem>>, vector<1x16xi32>,
    %get3A_119 = vector.shape_cast %get3A_118 : vector<1x16xi32> to vector<16xi32>
    %and3A_120 = arith.constant 16383 : i32
    %and3A_121 = vector.broadcast %and3A_120 : i32 to vector<16xi32>
    %and3A_122 = arith.andi %get3A_119, %and3A_121 : vector<16xi32>
    %swap3A_123 = arith.constant 16 : index
    %swap3A_124 = tpu.vector_load %arg7[%swap3A_123] {strides = array<i32>} : memref<80xi32, #tpu.memory_space<vmem>>, vector<16xi32>,
    %swap3A_125 = vector.shape_cast %swap3A_124 : vector<16xi32> to vector<16xi32>
    %swap3A_126 = vector.shape_cast %and3A_122 : vector<16xi32> to vector<16xi32>
    tpu.vector_store %arg7[%swap3A_123], %swap3A_126 {strides = array<i32>} : memref<80xi32, #tpu.memory_space<vmem>>, vector<16xi32>,
    %shift_right_logical3A_127 = arith.constant 14 : i32
    %shift_right_logical3A_128 = vector.broadcast %shift_right_logical3A_127 : i32 to vector<16xi32>
    %shift_right_logical3A_129 = arith.shrui %get3A_119, %shift_right_logical3A_128 : vector<16xi32>
    %swap3A_130 = arith.constant 16 : index
    %swap3A_131 = tpu.vector_load %arg10[%swap3A_130] {strides = array<i32>} : memref<80xi32, #tpu.memory_space<vmem>>, vector<16xi32>,
    %swap3A_132 = vector.shape_cast %swap3A_131 : vector<16xi32> to vector<16xi32>
    %swap3A_133 = vector.shape_cast %shift_right_logical3A_129 : vector<16xi32> to vector<16xi32>
    tpu.vector_store %arg10[%swap3A_130], %swap3A_133 {strides = array<i32>} : memref<80xi32, #tpu.memory_space<vmem>>, vector<16xi32>,
    %get3A_134 = arith.constant 1 : i32
    %get3A_135 = arith.index_cast %get3A_134 : i32 to index
    %get3A_136 = arith.constant 32 : index
    %get3A_137 = tpu.vector_load %arg5[%get3A_135, %get3A_136] {strides = array<i32>} : memref<126x80xi32, #tpu.memory_space<vmem>>, vector<1x16xi32>,
    %get3A_138 = vector.shape_cast %get3A_137 : vector<1x16xi32> to vector<16xi32>
    %and3A_139 = arith.constant 16383 : i32
    %and3A_140 = vector.broadcast %and3A_139 : i32 to vector<16xi32>
    %and3A_141 = arith.andi %get3A_138, %and3A_140 : vector<16xi32>
    %swap3A_142 = arith.constant 32 : index
    %swap3A_143 = tpu.vector_load %arg7[%swap3A_142] {strides = array<i32>} : memref<80xi32, #tpu.memory_space<vmem>>, vector<16xi32>,
    %swap3A_144 = vector.shape_cast %swap3A_143 : vector<16xi32> to vector<16xi32>
    %swap3A_145 = vector.shape_cast %and3A_141 : vector<16xi32> to vector<16xi32>
    tpu.vector_store %arg7[%swap3A_142], %swap3A_145 {strides = array<i32>} : memref<80xi32, #tpu.memory_space<vmem>>, vector<16xi32>,
    %shift_right_logical3A_146 = arith.constant 14 : i32
    %shift_right_logical3A_147 = vector.broadcast %shift_right_logical3A_146 : i32 to vector<16xi32>
    %shift_right_logical3A_148 = arith.shrui %get3A_138, %shift_right_logical3A_147 : vector<16xi32>
    %swap3A_149 = arith.constant 32 : index
    %swap3A_150 = tpu.vector_load %arg10[%swap3A_149] {strides = array<i32>} : memref<80xi32, #tpu.memory_space<vmem>>, vector<16xi32>,
    %swap3A_151 = vector.shape_cast %swap3A_150 : vector<16xi32> to vector<16xi32>
    %swap3A_152 = vector.shape_cast %shift_right_logical3A_148 : vector<16xi32> to vector<16xi32>
    tpu.vector_store %arg10[%swap3A_149], %swap3A_152 {strides = array<i32>} : memref<80xi32, #tpu.memory_space<vmem>>, vector<16xi32>,
    %get3A_153 = arith.constant 1 : i32
    %get3A_154 = arith.index_cast %get3A_153 : i32 to index
    %get3A_155 = arith.constant 48 : index
    %get3A_156 = tpu.vector_load %arg5[%get3A_154, %get3A_155] {strides = array<i32>} : memref<126x80xi32, #tpu.memory_space<vmem>>, vector<1x16xi32>,
    %get3A_157 = vector.shape_cast %get3A_156 : vector<1x16xi32> to vector<16xi32>
    %and3A_158 = arith.constant 16383 : i32
    %and3A_159 = vector.broadcast %and3A_158 : i32 to vector<16xi32>
    %and3A_160 = arith.andi %get3A_157, %and3A_159 : vector<16xi32>
    %swap3A_161 = arith.constant 48 : index
    %swap3A_162 = tpu.vector_load %arg7[%swap3A_161] {strides = array<i32>} : memref<80xi32, #tpu.memory_space<vmem>>, vector<16xi32>,
    %swap3A_163 = vector.shape_cast %swap3A_162 : vector<16xi32> to vector<16xi32>
    %swap3A_164 = vector.shape_cast %and3A_160 : vector<16xi32> to vector<16xi32>
    tpu.vector_store %arg7[%swap3A_161], %swap3A_164 {strides = array<i32>} : memref<80xi32, #tpu.memory_space<vmem>>, vector<16xi32>,
    %shift_right_logical3A_165 = arith.constant 14 : i32
    %shift_right_logical3A_166 = vector.broadcast %shift_right_logical3A_165 : i32 to vector<16xi32>
    %shift_right_logical3A_167 = arith.shrui %get3A_157, %shift_right_logical3A_166 : vector<16xi32>
    %swap3A_168 = arith.constant 48 : index
    %swap3A_169 = tpu.vector_load %arg10[%swap3A_168] {strides = array<i32>} : memref<80xi32, #tpu.memory_space<vmem>>, vector<16xi32>,
    %swap3A_170 = vector.shape_cast %swap3A_169 : vector<16xi32> to vector<16xi32>
    %swap3A_171 = vector.shape_cast %shift_right_logical3A_167 : vector<16xi32> to vector<16xi32>
    tpu.vector_store %arg10[%swap3A_168], %swap3A_171 {strides = array<i32>} : memref<80xi32, #tpu.memory_space<vmem>>, vector<16xi32>,
    %get3A_172 = arith.constant 1 : i32
    %get3A_173 = arith.index_cast %get3A_172 : i32 to index
    %get3A_174 = arith.constant 64 : index
    %get3A_175 = tpu.vector_load %arg5[%get3A_173, %get3A_174] {strides = array<i32>} : memref<126x80xi32, #tpu.memory_space<vmem>>, vector<1x16xi32>,
    %get3A_176 = vector.shape_cast %get3A_175 : vector<1x16xi32> to vector<16xi32>
    %and3A_177 = arith.constant 16383 : i32
    %and3A_178 = vector.broadcast %and3A_177 : i32 to vector<16xi32>
    %and3A_179 = arith.andi %get3A_176, %and3A_178 : vector<16xi32>
    %swap3A_180 = arith.constant 64 : index
    %swap3A_181 = tpu.vector_load %arg7[%swap3A_180] {strides = array<i32>} : memref<80xi32, #tpu.memory_space<vmem>>, vector<16xi32>,
    %swap3A_182 = vector.shape_cast %swap3A_181 : vector<16xi32> to vector<16xi32>
    %swap3A_183 = vector.shape_cast %and3A_179 : vector<16xi32> to vector<16xi32>
    tpu.vector_store %arg7[%swap3A_180], %swap3A_183 {strides = array<i32>} : memref<80xi32, #tpu.memory_space<vmem>>, vector<16xi32>,
    %shift_right_logical3A_184 = arith.constant 14 : i32
    %shift_right_logical3A_185 = vector.broadcast %shift_right_logical3A_184 : i32 to vector<16xi32>
    %shift_right_logical3A_186 = arith.shrui %get3A_176, %shift_right_logical3A_185 : vector<16xi32>
    %swap3A_187 = arith.constant 64 : index
    %swap3A_188 = tpu.vector_load %arg10[%swap3A_187] {strides = array<i32>} : memref<80xi32, #tpu.memory_space<vmem>>, vector<16xi32>,
    %swap3A_189 = vector.shape_cast %swap3A_188 : vector<16xi32> to vector<16xi32>
    %swap3A_190 = vector.shape_cast %shift_right_logical3A_186 : vector<16xi32> to vector<16xi32>
    tpu.vector_store %arg10[%swap3A_187], %swap3A_190 {strides = array<i32>} : memref<80xi32, #tpu.memory_space<vmem>>, vector<16xi32>,
    %dma_start3A_191 = arith.constant 0 : i32
    %dma_start3A_192 = arith.constant 0 : i32
    %dma_start3A_193 = tpu.memref_slice %arg2[%dma_start3A_191, %dma_start3A_192] : memref<10000x128xf32, #tpu.memory_space<hbm>> -> memref<10000x128xf32, #tpu.memory_space<hbm>>
    tpu.enqueue_indirect_dma source(%dma_start3A_193 : memref<10000x128xf32, #tpu.memory_space<hbm>>) target(%arg13 : memref<80x128xf32, #tpu.memory_space<vmem>>) offsets(%arg7 : memref<80xi32, #tpu.memory_space<vmem>>) semaphore(%arg16 : memref<!tpu.dma_semaphore, #tpu.memory_space<semaphore_mem>>)
    %broadcast_in_dim3A = arith.constant 0.000000e+00 : f32
    %broadcast_in_dim3A_194 = vector.broadcast %broadcast_in_dim3A : f32 to vector<16xf32>
    %scan3A = arith.constant 0 : i32
    %scan3A_195 = arith.constant 80 : i32
    %scan3A_196 = arith.addi %scan3A, %scan3A_195 : i32
    %scan3A_197 = arith.constant 1 : i32
    scf.for %scan3A_220 = %scan3A to %scan3A_196 step %scan3A_197  : i32 {
      %mul3A_221 = arith.constant 1 : i32
      %mul3A_222 = arith.muli %scan3A_220, %mul3A_221 : i32
      %add3A_223 = arith.constant 0 : i32
      %add3A_224 = arith.addi %add3A_223, %mul3A_222 : i32
      %swap3A_225 = arith.index_cast %add3A_224 : i32 to index
      %swap3A_226 = arith.constant 0 : index
      %swap3A_227 = tpu.vector_load %arg14[%swap3A_225, %swap3A_226] {strides = array<i32>} : memref<80x128xf32, #tpu.memory_space<vmem>>, vector<1x16xf32>,
      %swap3A_228 = vector.shape_cast %swap3A_227 : vector<1x16xf32> to vector<16xf32>
      %swap3A_229 = vector.shape_cast %broadcast_in_dim3A_194 : vector<16xf32> to vector<1x16xf32>
      tpu.vector_store %arg14[%swap3A_225, %swap3A_226], %swap3A_229 {strides = array<i32>} : memref<80x128xf32, #tpu.memory_space<vmem>>, vector<1x16xf32>,
      %swap3A_230 = arith.index_cast %add3A_224 : i32 to index
      %swap3A_231 = arith.constant 16 : index
      %swap3A_232 = tpu.vector_load %arg14[%swap3A_230, %swap3A_231] {strides = array<i32>} : memref<80x128xf32, #tpu.memory_space<vmem>>, vector<1x16xf32>,
      %swap3A_233 = vector.shape_cast %swap3A_232 : vector<1x16xf32> to vector<16xf32>
      %swap3A_234 = vector.shape_cast %broadcast_in_dim3A_194 : vector<16xf32> to vector<1x16xf32>
      tpu.vector_store %arg14[%swap3A_230, %swap3A_231], %swap3A_234 {strides = array<i32>} : memref<80x128xf32, #tpu.memory_space<vmem>>, vector<1x16xf32>,
      %swap3A_235 = arith.index_cast %add3A_224 : i32 to index
      %swap3A_236 = arith.constant 32 : index
      %swap3A_237 = tpu.vector_load %arg14[%swap3A_235, %swap3A_236] {strides = array<i32>} : memref<80x128xf32, #tpu.memory_space<vmem>>, vector<1x16xf32>,
      %swap3A_238 = vector.shape_cast %swap3A_237 : vector<1x16xf32> to vector<16xf32>
      %swap3A_239 = vector.shape_cast %broadcast_in_dim3A_194 : vector<16xf32> to vector<1x16xf32>
      tpu.vector_store %arg14[%swap3A_235, %swap3A_236], %swap3A_239 {strides = array<i32>} : memref<80x128xf32, #tpu.memory_space<vmem>>, vector<1x16xf32>,
      %swap3A_240 = arith.index_cast %add3A_224 : i32 to index
      %swap3A_241 = arith.constant 48 : index
      %swap3A_242 = tpu.vector_load %arg14[%swap3A_240, %swap3A_241] {strides = array<i32>} : memref<80x128xf32, #tpu.memory_space<vmem>>, vector<1x16xf32>,
      %swap3A_243 = vector.shape_cast %swap3A_242 : vector<1x16xf32> to vector<16xf32>
      %swap3A_244 = vector.shape_cast %broadcast_in_dim3A_194 : vector<16xf32> to vector<1x16xf32>
      tpu.vector_store %arg14[%swap3A_240, %swap3A_241], %swap3A_244 {strides = array<i32>} : memref<80x128xf32, #tpu.memory_space<vmem>>, vector<1x16xf32>,
      %swap3A_245 = arith.index_cast %add3A_224 : i32 to index
      %swap3A_246 = arith.constant 64 : index
      %swap3A_247 = tpu.vector_load %arg14[%swap3A_245, %swap3A_246] {strides = array<i32>} : memref<80x128xf32, #tpu.memory_space<vmem>>, vector<1x16xf32>,
      %swap3A_248 = vector.shape_cast %swap3A_247 : vector<1x16xf32> to vector<16xf32>
      %swap3A_249 = vector.shape_cast %broadcast_in_dim3A_194 : vector<16xf32> to vector<1x16xf32>
      tpu.vector_store %arg14[%swap3A_245, %swap3A_246], %swap3A_249 {strides = array<i32>} : memref<80x128xf32, #tpu.memory_space<vmem>>, vector<1x16xf32>,
      %swap3A_250 = arith.index_cast %add3A_224 : i32 to index
      %swap3A_251 = arith.constant 80 : index
      %swap3A_252 = tpu.vector_load %arg14[%swap3A_250, %swap3A_251] {strides = array<i32>} : memref<80x128xf32, #tpu.memory_space<vmem>>, vector<1x16xf32>,
      %swap3A_253 = vector.shape_cast %swap3A_252 : vector<1x16xf32> to vector<16xf32>
      %swap3A_254 = vector.shape_cast %broadcast_in_dim3A_194 : vector<16xf32> to vector<1x16xf32>
      tpu.vector_store %arg14[%swap3A_250, %swap3A_251], %swap3A_254 {strides = array<i32>} : memref<80x128xf32, #tpu.memory_space<vmem>>, vector<1x16xf32>,
      %swap3A_255 = arith.index_cast %add3A_224 : i32 to index
      %swap3A_256 = arith.constant 96 : index
      %swap3A_257 = tpu.vector_load %arg14[%swap3A_255, %swap3A_256] {strides = array<i32>} : memref<80x128xf32, #tpu.memory_space<vmem>>, vector<1x16xf32>,
      %swap3A_258 = vector.shape_cast %swap3A_257 : vector<1x16xf32> to vector<16xf32>
      %swap3A_259 = vector.shape_cast %broadcast_in_dim3A_194 : vector<16xf32> to vector<1x16xf32>
      tpu.vector_store %arg14[%swap3A_255, %swap3A_256], %swap3A_259 {strides = array<i32>} : memref<80x128xf32, #tpu.memory_space<vmem>>, vector<1x16xf32>,
      %swap3A_260 = arith.index_cast %add3A_224 : i32 to index
      %swap3A_261 = arith.constant 112 : index
      %swap3A_262 = tpu.vector_load %arg14[%swap3A_260, %swap3A_261] {strides = array<i32>} : memref<80x128xf32, #tpu.memory_space<vmem>>, vector<1x16xf32>,
      %swap3A_263 = vector.shape_cast %swap3A_262 : vector<1x16xf32> to vector<16xf32>
      %swap3A_264 = vector.shape_cast %broadcast_in_dim3A_194 : vector<16xf32> to vector<1x16xf32>
      tpu.vector_store %arg14[%swap3A_260, %swap3A_261], %swap3A_264 {strides = array<i32>} : memref<80x128xf32, #tpu.memory_space<vmem>>, vector<1x16xf32>,
    }
    %scan3A_198 = arith.constant 80 : i32
    %scan3A_199 = arith.constant 0 : i32
    %scan3A_200 = arith.constant 7 : i32
    %scan3A_201 = arith.addi %scan3A_199, %scan3A_200 : i32
    %scan3A_202 = arith.constant 1 : i32
    scf.for %scan3A_220 = %scan3A_199 to %scan3A_201 step %scan3A_202  : i32 {
      %mul3A_221 = arith.constant 1 : i32
      %mul3A_222 = arith.muli %scan3A_220, %mul3A_221 : i32
      %add3A_223 = arith.constant 0 : i32
      %add3A_224 = arith.addi %add3A_223, %mul3A_222 : i32
      %mul3A_225 = arith.constant 80 : i32
      %mul3A_226 = arith.muli %add3A_224, %mul3A_225 : i32
      %add3A_227 = arith.addi %mul3A_2, %mul3A_226 : i32
      "tpu.region"() ({
        %run_scoped3A = tpu.sem_alloc : memref<!tpu.dma_semaphore, #tpu.memory_space<semaphore_mem>>
        %dma_start3A_228 = arith.constant 0 : i32
        %dma_start3A_229 = tpu.memref_slice %arg21[%add3A_227, %dma_start3A_228] : memref<10112x128xf32, #tpu.memory_space<vmem_shared>> -> memref<80x128xf32, #tpu.memory_space<vmem_shared>>
        %dma_start3A_230 = arith.constant 0 : i32
        %dma_start3A_231 = tpu.memref_slice %arg21[%add3A_227, %dma_start3A_230] : memref<10112x128xf32, #tpu.memory_space<vmem_shared>> -> memref<80x128xf32, #tpu.memory_space<vmem_shared>>
        tpu.enqueue_dma source(%arg14 : memref<80x128xf32, #tpu.memory_space<vmem>>) target(%dma_start3A_231 : memref<80x128xf32, #tpu.memory_space<vmem_shared>>) target_semaphore(%run_scoped3A : memref<!tpu.dma_semaphore, #tpu.memory_space<semaphore_mem>>)
        %dma_wait3A_232 = arith.constant 0 : i32
        %dma_wait3A_233 = tpu.memref_slice %arg21[%add3A_227, %dma_wait3A_232] : memref<10112x128xf32, #tpu.memory_space<vmem_shared>> -> memref<80x128xf32, #tpu.memory_space<vmem_shared>>
        %dma_wait3A_234 = arith.constant 0 : i32
        %dma_wait3A_235 = tpu.memref_slice %arg21[%add3A_227, %dma_wait3A_234] : memref<10112x128xf32, #tpu.memory_space<vmem_shared>> -> memref<80x128xf32, #tpu.memory_space<vmem_shared>>
        tpu.wait_dma2 semaphore(%run_scoped3A : memref<!tpu.dma_semaphore, #tpu.memory_space<semaphore_mem>>) src(%arg14 : memref<80x128xf32, #tpu.memory_space<vmem>>) dst(%dma_wait3A_235 : memref<80x128xf32, #tpu.memory_space<vmem_shared>>)
        tpu.yield
      }) : () -> ()
    }
    %scan3A_203 = arith.constant 7 : i32
    %add3A_204 = arith.constant 560 : i32
    %add3A_205 = arith.addi %mul3A_2, %add3A_204 : i32
    "tpu.region"() ({
      %run_scoped3A = tpu.sem_alloc : memref<!tpu.dma_semaphore, #tpu.memory_space<semaphore_mem>>
      %dma_start3A_220 = arith.constant 0 : i32
      %dma_start3A_221 = arith.constant 0 : i32
      %dma_start3A_222 = tpu.memref_slice %arg14[%dma_start3A_220, %dma_start3A_221] : memref<80x128xf32, #tpu.memory_space<vmem>> -> memref<72x128xf32, #tpu.memory_space<vmem>>
      %dma_start3A_223 = arith.constant 0 : i32
      %dma_start3A_224 = tpu.memref_slice %arg21[%add3A_205, %dma_start3A_223] : memref<10112x128xf32, #tpu.memory_space<vmem_shared>> -> memref<72x128xf32, #tpu.memory_space<vmem_shared>>
      %dma_start3A_225 = arith.constant 0 : i32
      %dma_start3A_226 = tpu.memref_slice %arg21[%add3A_205, %dma_start3A_225] : memref<10112x128xf32, #tpu.memory_space<vmem_shared>> -> memref<72x128xf32, #tpu.memory_space<vmem_shared>>
      %dma_start3A_227 = arith.constant 0 : i32
      %dma_start3A_228 = arith.constant 0 : i32
      %dma_start3A_229 = tpu.memref_slice %arg14[%dma_start3A_227, %dma_start3A_228] : memref<80x128xf32, #tpu.memory_space<vmem>> -> memref<72x128xf32, #tpu.memory_space<vmem>>
      tpu.enqueue_dma source(%dma_start3A_229 : memref<72x128xf32, #tpu.memory_space<vmem>>) target(%dma_start3A_226 : memref<72x128xf32, #tpu.memory_space<vmem_shared>>) target_semaphore(%run_scoped3A : memref<!tpu.dma_semaphore, #tpu.memory_space<semaphore_mem>>)
      %dma_wait3A_230 = arith.constant 0 : i32
      %dma_wait3A_231 = arith.constant 0 : i32
      %dma_wait3A_232 = tpu.memref_slice %arg14[%dma_wait3A_230, %dma_wait3A_231] : memref<80x128xf32, #tpu.memory_space<vmem>> -> memref<72x128xf32, #tpu.memory_space<vmem>>
      %dma_wait3A_233 = arith.constant 0 : i32
      %dma_wait3A_234 = tpu.memref_slice %arg21[%add3A_205, %dma_wait3A_233] : memref<10112x128xf32, #tpu.memory_space<vmem_shared>> -> memref<72x128xf32, #tpu.memory_space<vmem_shared>>
      %dma_wait3A_235 = arith.constant 0 : i32
      %dma_wait3A_236 = tpu.memref_slice %arg21[%add3A_205, %dma_wait3A_235] : memref<10112x128xf32, #tpu.memory_space<vmem_shared>> -> memref<72x128xf32, #tpu.memory_space<vmem_shared>>
      %dma_wait3A_237 = arith.constant 0 : i32
      %dma_wait3A_238 = arith.constant 0 : i32
      %dma_wait3A_239 = tpu.memref_slice %arg14[%dma_wait3A_237, %dma_wait3A_238] : memref<80x128xf32, #tpu.memory_space<vmem>> -> memref<72x128xf32, #tpu.memory_space<vmem>>
      tpu.wait_dma2 semaphore(%run_scoped3A : memref<!tpu.dma_semaphore, #tpu.memory_space<semaphore_mem>>) src(%dma_wait3A_239 : memref<72x128xf32, #tpu.memory_space<vmem>>) dst(%dma_wait3A_236 : memref<72x128xf32, #tpu.memory_space<vmem_shared>>)
      tpu.yield
    }) : () -> ()
    %barrier3A = arith.constant 0 : index
    tpu.barrier barrier_id(%barrier3A)
    %scan3A_206 = arith.constant 0 : i32
    %scan3A_207 = arith.constant 42 : i32
    %scan3A_208 = arith.addi %scan3A_206, %scan3A_207 : i32
    %scan3A_209 = arith.constant 1 : i32
    scf.for %scan3A_220 = %scan3A_206 to %scan3A_208 step %scan3A_209  : i32 {
      %mul3A_221 = arith.constant 1 : i32
      %mul3A_222 = arith.muli %scan3A_220, %mul3A_221 : i32
      %add3A_223 = arith.constant 0 : i32
      %add3A_224 = arith.addi %add3A_223, %mul3A_222 : i32
      %mul3A_225 = arith.constant 3 : i32
      %mul3A_226 = arith.muli %add3A_224, %mul3A_225 : i32
      %add3A_227 = arith.constant 0 : i32
      %add3A_228 = arith.addi %mul3A_226, %add3A_227 : i32
      %add3A_229 = arith.constant 3 : i32
      %add3A_230 = arith.addi %add3A_228, %add3A_229 : i32
      %sub3A = arith.constant 1 : i32
      %sub3A_231 = arith.subi %add3A_230, %sub3A : i32
      %lt3A = arith.constant 126 : i32
      %lt3A_232 = arith.cmpi slt, %sub3A_231, %lt3A : i32
      %convert_element_type3A = arith.extui %lt3A_232 : i1 to i32
      %cond3A = arith.constant 0 : i32
      %cond3A_233 = arith.cmpi ne, %convert_element_type3A, %cond3A : i32
      scf.if %cond3A_233 {
        %ge3A = arith.constant 3 : i32
        %ge3A_274 = arith.cmpi sge, %sub3A_231, %ge3A : i32
        %convert_element_type3A_275 = arith.extui %ge3A_274 : i1 to i32
        %cond3A_276 = arith.constant 0 : i32
        %cond3A_277 = arith.cmpi ne, %convert_element_type3A_275, %cond3A_276 : i32
        scf.if %cond3A_277 {
          %dma_wait3A_371 = arith.constant 0 : i32
          %dma_wait3A_372 = arith.constant 0 : i32
          %dma_wait3A_373 = tpu.memref_slice %arg21[%dma_wait3A_371, %dma_wait3A_372] : memref<10112x128xf32, #tpu.memory_space<vmem_shared>> -> memref<10112x128xf32, #tpu.memory_space<vmem_shared>>
          tpu.wait_indirect_dma semaphore(%arg20 : memref<!tpu.dma_semaphore, #tpu.memory_space<semaphore_mem>>) src(%arg14 : memref<80x128xf32, #tpu.memory_space<vmem>>) dst(%dma_wait3A_373 : memref<10112x128xf32, #tpu.memory_space<vmem_shared>>)
        } else {
        }
        %get3A_278 = arith.index_cast %sub3A_231 : i32 to index
        %get3A_279 = arith.constant 0 : index
        %get3A_280 = tpu.vector_load %arg5[%get3A_278, %get3A_279] {strides = array<i32>} : memref<126x80xi32, #tpu.memory_space<vmem>>, vector<1x16xi32>,
        %get3A_281 = vector.shape_cast %get3A_280 : vector<1x16xi32> to vector<16xi32>
        %and3A_282 = arith.constant 16383 : i32
        %and3A_283 = vector.broadcast %and3A_282 : i32 to vector<16xi32>
        %and3A_284 = arith.andi %get3A_281, %and3A_283 : vector<16xi32>
        %swap3A_285 = arith.constant 0 : index
        %swap3A_286 = tpu.vector_load %arg8[%swap3A_285] {strides = array<i32>} : memref<80xi32, #tpu.memory_space<vmem>>, vector<16xi32>,
        %swap3A_287 = vector.shape_cast %swap3A_286 : vector<16xi32> to vector<16xi32>
        %swap3A_288 = vector.shape_cast %and3A_284 : vector<16xi32> to vector<16xi32>
        tpu.vector_store %arg8[%swap3A_285], %swap3A_288 {strides = array<i32>} : memref<80xi32, #tpu.memory_space<vmem>>, vector<16xi32>,
        %shift_right_logical3A_289 = arith.constant 14 : i32
        %shift_right_logical3A_290 = vector.broadcast %shift_right_logical3A_289 : i32 to vector<16xi32>
        %shift_right_logical3A_291 = arith.shrui %get3A_281, %shift_right_logical3A_290 : vector<16xi32>
        %swap3A_292 = arith.constant 0 : index
        %swap3A_293 = tpu.vector_load %arg11[%swap3A_292] {strides = array<i32>} : memref<80xi32, #tpu.memory_space<vmem>>, vector<16xi32>,
        %swap3A_294 = vector.shape_cast %swap3A_293 : vector<16xi32> to vector<16xi32>
        %swap3A_295 = vector.shape_cast %shift_right_logical3A_291 : vector<16xi32> to vector<16xi32>
        tpu.vector_store %arg11[%swap3A_292], %swap3A_295 {strides = array<i32>} : memref<80xi32, #tpu.memory_space<vmem>>, vector<16xi32>,
        %get3A_296 = arith.index_cast %sub3A_231 : i32 to index
        %get3A_297 = arith.constant 16 : index
        %get3A_298 = tpu.vector_load %arg5[%get3A_296, %get3A_297] {strides = array<i32>} : memref<126x80xi32, #tpu.memory_space<vmem>>, vector<1x16xi32>,
        %get3A_299 = vector.shape_cast %get3A_298 : vector<1x16xi32> to vector<16xi32>
        %and3A_300 = arith.constant 16383 : i32
        %and3A_301 = vector.broadcast %and3A_300 : i32 to vector<16xi32>
        %and3A_302 = arith.andi %get3A_299, %and3A_301 : vector<16xi32>
        %swap3A_303 = arith.constant 16 : index
        %swap3A_304 = tpu.vector_load %arg8[%swap3A_303] {strides = array<i32>} : memref<80xi32, #tpu.memory_space<vmem>>, vector<16xi32>,
        %swap3A_305 = vector.shape_cast %swap3A_304 : vector<16xi32> to vector<16xi32>
        %swap3A_306 = vector.shape_cast %and3A_302 : vector<16xi32> to vector<16xi32>
        tpu.vector_store %arg8[%swap3A_303], %swap3A_306 {strides = array<i32>} : memref<80xi32, #tpu.memory_space<vmem>>, vector<16xi32>,
        %shift_right_logical3A_307 = arith.constant 14 : i32
        %shift_right_logical3A_308 = vector.broadcast %shift_right_logical3A_307 : i32 to vector<16xi32>
        %shift_right_logical3A_309 = arith.shrui %get3A_299, %shift_right_logical3A_308 : vector<16xi32>
        %swap3A_310 = arith.constant 16 : index
        %swap3A_311 = tpu.vector_load %arg11[%swap3A_310] {strides = array<i32>} : memref<80xi32, #tpu.memory_space<vmem>>, vector<16xi32>,
        %swap3A_312 = vector.shape_cast %swap3A_311 : vector<16xi32> to vector<16xi32>
        %swap3A_313 = vector.shape_cast %shift_right_logical3A_309 : vector<16xi32> to vector<16xi32>
        tpu.vector_store %arg11[%swap3A_310], %swap3A_313 {strides = array<i32>} : memref<80xi32, #tpu.memory_space<vmem>>, vector<16xi32>,
        %get3A_314 = arith.index_cast %sub3A_231 : i32 to index
        %get3A_315 = arith.constant 32 : index
        %get3A_316 = tpu.vector_load %arg5[%get3A_314, %get3A_315] {strides = array<i32>} : memref<126x80xi32, #tpu.memory_space<vmem>>, vector<1x16xi32>,
        %get3A_317 = vector.shape_cast %get3A_316 : vector<1x16xi32> to vector<16xi32>
        %and3A_318 = arith.constant 16383 : i32
        %and3A_319 = vector.broadcast %and3A_318 : i32 to vector<16xi32>
        %and3A_320 = arith.andi %get3A_317, %and3A_319 : vector<16xi32>
        %swap3A_321 = arith.constant 32 : index
        %swap3A_322 = tpu.vector_load %arg8[%swap3A_321] {strides = array<i32>} : memref<80xi32, #tpu.memory_space<vmem>>, vector<16xi32>,
        %swap3A_323 = vector.shape_cast %swap3A_322 : vector<16xi32> to vector<16xi32>
        %swap3A_324 = vector.shape_cast %and3A_320 : vector<16xi32> to vector<16xi32>
        tpu.vector_store %arg8[%swap3A_321], %swap3A_324 {strides = array<i32>} : memref<80xi32, #tpu.memory_space<vmem>>, vector<16xi32>,
        %shift_right_logical3A_325 = arith.constant 14 : i32
        %shift_right_logical3A_326 = vector.broadcast %shift_right_logical3A_325 : i32 to vector<16xi32>
        %shift_right_logical3A_327 = arith.shrui %get3A_317, %shift_right_logical3A_326 : vector<16xi32>
        %swap3A_328 = arith.constant 32 : index
        %swap3A_329 = tpu.vector_load %arg11[%swap3A_328] {strides = array<i32>} : memref<80xi32, #tpu.memory_space<vmem>>, vector<16xi32>,
        %swap3A_330 = vector.shape_cast %swap3A_329 : vector<16xi32> to vector<16xi32>
        %swap3A_331 = vector.shape_cast %shift_right_logical3A_327 : vector<16xi32> to vector<16xi32>
        tpu.vector_store %arg11[%swap3A_328], %swap3A_331 {strides = array<i32>} : memref<80xi32, #tpu.memory_space<vmem>>, vector<16xi32>,
        %get3A_332 = arith.index_cast %sub3A_231 : i32 to index
        %get3A_333 = arith.constant 48 : index
        %get3A_334 = tpu.vector_load %arg5[%get3A_332, %get3A_333] {strides = array<i32>} : memref<126x80xi32, #tpu.memory_space<vmem>>, vector<1x16xi32>,
        %get3A_335 = vector.shape_cast %get3A_334 : vector<1x16xi32> to vector<16xi32>
        %and3A_336 = arith.constant 16383 : i32
        %and3A_337 = vector.broadcast %and3A_336 : i32 to vector<16xi32>
        %and3A_338 = arith.andi %get3A_335, %and3A_337 : vector<16xi32>
        %swap3A_339 = arith.constant 48 : index
        %swap3A_340 = tpu.vector_load %arg8[%swap3A_339] {strides = array<i32>} : memref<80xi32, #tpu.memory_space<vmem>>, vector<16xi32>,
        %swap3A_341 = vector.shape_cast %swap3A_340 : vector<16xi32> to vector<16xi32>
        %swap3A_342 = vector.shape_cast %and3A_338 : vector<16xi32> to vector<16xi32>
        tpu.vector_store %arg8[%swap3A_339], %swap3A_342 {strides = array<i32>} : memref<80xi32, #tpu.memory_space<vmem>>, vector<16xi32>,
        %shift_right_logical3A_343 = arith.constant 14 : i32
        %shift_right_logical3A_344 = vector.broadcast %shift_right_logical3A_343 : i32 to vector<16xi32>
        %shift_right_logical3A_345 = arith.shrui %get3A_335, %shift_right_logical3A_344 : vector<16xi32>
        %swap3A_346 = arith.constant 48 : index
        %swap3A_347 = tpu.vector_load %arg11[%swap3A_346] {strides = array<i32>} : memref<80xi32, #tpu.memory_space<vmem>>, vector<16xi32>,
        %swap3A_348 = vector.shape_cast %swap3A_347 : vector<16xi32> to vector<16xi32>
        %swap3A_349 = vector.shape_cast %shift_right_logical3A_345 : vector<16xi32> to vector<16xi32>
        tpu.vector_store %arg11[%swap3A_346], %swap3A_349 {strides = array<i32>} : memref<80xi32, #tpu.memory_space<vmem>>, vector<16xi32>,
        %get3A_350 = arith.index_cast %sub3A_231 : i32 to index
        %get3A_351 = arith.constant 64 : index
        %get3A_352 = tpu.vector_load %arg5[%get3A_350, %get3A_351] {strides = array<i32>} : memref<126x80xi32, #tpu.memory_space<vmem>>, vector<1x16xi32>,
        %get3A_353 = vector.shape_cast %get3A_352 : vector<1x16xi32> to vector<16xi32>
        %and3A_354 = arith.constant 16383 : i32
        %and3A_355 = vector.broadcast %and3A_354 : i32 to vector<16xi32>
        %and3A_356 = arith.andi %get3A_353, %and3A_355 : vector<16xi32>
        %swap3A_357 = arith.constant 64 : index
        %swap3A_358 = tpu.vector_load %arg8[%swap3A_357] {strides = array<i32>} : memref<80xi32, #tpu.memory_space<vmem>>, vector<16xi32>,
        %swap3A_359 = vector.shape_cast %swap3A_358 : vector<16xi32> to vector<16xi32>
        %swap3A_360 = vector.shape_cast %and3A_356 : vector<16xi32> to vector<16xi32>
        tpu.vector_store %arg8[%swap3A_357], %swap3A_360 {strides = array<i32>} : memref<80xi32, #tpu.memory_space<vmem>>, vector<16xi32>,
        %shift_right_logical3A_361 = arith.constant 14 : i32
        %shift_right_logical3A_362 = vector.broadcast %shift_right_logical3A_361 : i32 to vector<16xi32>
        %shift_right_logical3A_363 = arith.shrui %get3A_353, %shift_right_logical3A_362 : vector<16xi32>
        %swap3A_364 = arith.constant 64 : index
        %swap3A_365 = tpu.vector_load %arg11[%swap3A_364] {strides = array<i32>} : memref<80xi32, #tpu.memory_space<vmem>>, vector<16xi32>,
        %swap3A_366 = vector.shape_cast %swap3A_365 : vector<16xi32> to vector<16xi32>
        %swap3A_367 = vector.shape_cast %shift_right_logical3A_363 : vector<16xi32> to vector<16xi32>
        tpu.vector_store %arg11[%swap3A_364], %swap3A_367 {strides = array<i32>} : memref<80xi32, #tpu.memory_space<vmem>>, vector<16xi32>,
        %dma_start3A_368 = arith.constant 0 : i32
        %dma_start3A_369 = arith.constant 0 : i32
        %dma_start3A_370 = tpu.memref_slice %arg2[%dma_start3A_368, %dma_start3A_369] : memref<10000x128xf32, #tpu.memory_space<hbm>> -> memref<10000x128xf32, #tpu.memory_space<hbm>>
        tpu.enqueue_indirect_dma source(%dma_start3A_370 : memref<10000x128xf32, #tpu.memory_space<hbm>>) target(%arg14 : memref<80x128xf32, #tpu.memory_space<vmem>>) offsets(%arg8 : memref<80xi32, #tpu.memory_space<vmem>>) semaphore(%arg17 : memref<!tpu.dma_semaphore, #tpu.memory_space<semaphore_mem>>)
      } else {
      }
      %dma_wait3A_234 = arith.constant 0 : i32
      %dma_wait3A_235 = arith.constant 0 : i32
      %dma_wait3A_236 = tpu.memref_slice %arg2[%dma_wait3A_234, %dma_wait3A_235] : memref<10000x128xf32, #tpu.memory_space<hbm>> -> memref<10000x128xf32, #tpu.memory_space<hbm>>
      tpu.wait_indirect_dma semaphore(%arg15 : memref<!tpu.dma_semaphore, #tpu.memory_space<semaphore_mem>>) src(%dma_wait3A_236 : memref<10000x128xf32, #tpu.memory_space<hbm>>) dst(%arg12 : memref<80x128xf32, #tpu.memory_space<vmem>>)
      %dma_start3A_237 = arith.constant 0 : i32
      %dma_start3A_238 = arith.constant 0 : i32
      %dma_start3A_239 = tpu.memref_slice %arg21[%dma_start3A_237, %dma_start3A_238] : memref<10112x128xf32, #tpu.memory_space<vmem_shared>> -> memref<10112x128xf32, #tpu.memory_space<vmem_shared>>
      tpu.enqueue_indirect_dma source(%arg12 : memref<80x128xf32, #tpu.memory_space<vmem>>) target(%dma_start3A_239 : memref<10112x128xf32, #tpu.memory_space<vmem_shared>>) offsets(%arg9 : memref<80xi32, #tpu.memory_space<vmem>>) semaphore(%arg18 : memref<!tpu.dma_semaphore, #tpu.memory_space<semaphore_mem>>) {add = true}
      %add3A_240 = arith.constant 1 : i32
      %add3A_241 = arith.addi %mul3A_226, %add3A_240 : i32
      %add3A_242 = arith.constant 3 : i32
      %add3A_243 = arith.addi %add3A_241, %add3A_242 : i32
      %sub3A_244 = arith.constant 1 : i32
      %sub3A_245 = arith.subi %add3A_243, %sub3A_244 : i32
      %lt3A_246 = arith.constant 126 : i32
      %lt3A_247 = arith.cmpi slt, %sub3A_245, %lt3A_246 : i32
      %convert_element_type3A_248 = arith.extui %lt3A_247 : i1 to i32
      %cond3A_249 = arith.constant 0 : i32
      %cond3A_250 = arith.cmpi ne, %convert_element_type3A_248, %cond3A_249 : i32
      scf.if %cond3A_250 {
        %ge3A = arith.constant 3 : i32
        %ge3A_274 = arith.cmpi sge, %sub3A_245, %ge3A : i32
        %convert_element_type3A_275 = arith.extui %ge3A_274 : i1 to i32
        %cond3A_276 = arith.constant 0 : i32
        %cond3A_277 = arith.cmpi ne, %convert_element_type3A_275, %cond3A_276 : i32
        scf.if %cond3A_277 {
          %dma_wait3A_371 = arith.constant 0 : i32
          %dma_wait3A_372 = arith.constant 0 : i32
          %dma_wait3A_373 = tpu.memref_slice %arg21[%dma_wait3A_371, %dma_wait3A_372] : memref<10112x128xf32, #tpu.memory_space<vmem_shared>> -> memref<10112x128xf32, #tpu.memory_space<vmem_shared>>
          tpu.wait_indirect_dma semaphore(%arg18 : memref<!tpu.dma_semaphore, #tpu.memory_space<semaphore_mem>>) src(%arg12 : memref<80x128xf32, #tpu.memory_space<vmem>>) dst(%dma_wait3A_373 : memref<10112x128xf32, #tpu.memory_space<vmem_shared>>)
        } else {
        }
        %get3A_278 = arith.index_cast %sub3A_245 : i32 to index
        %get3A_279 = arith.constant 0 : index
        %get3A_280 = tpu.vector_load %arg5[%get3A_278, %get3A_279] {strides = array<i32>} : memref<126x80xi32, #tpu.memory_space<vmem>>, vector<1x16xi32>,
        %get3A_281 = vector.shape_cast %get3A_280 : vector<1x16xi32> to vector<16xi32>
        %and3A_282 = arith.constant 16383 : i32
        %and3A_283 = vector.broadcast %and3A_282 : i32 to vector<16xi32>
        %and3A_284 = arith.andi %get3A_281, %and3A_283 : vector<16xi32>
        %swap3A_285 = arith.constant 0 : index
        %swap3A_286 = tpu.vector_load %arg6[%swap3A_285] {strides = array<i32>} : memref<80xi32, #tpu.memory_space<vmem>>, vector<16xi32>,
        %swap3A_287 = vector.shape_cast %swap3A_286 : vector<16xi32> to vector<16xi32>
        %swap3A_288 = vector.shape_cast %and3A_284 : vector<16xi32> to vector<16xi32>
        tpu.vector_store %arg6[%swap3A_285], %swap3A_288 {strides = array<i32>} : memref<80xi32, #tpu.memory_space<vmem>>, vector<16xi32>,
        %shift_right_logical3A_289 = arith.constant 14 : i32
        %shift_right_logical3A_290 = vector.broadcast %shift_right_logical3A_289 : i32 to vector<16xi32>
        %shift_right_logical3A_291 = arith.shrui %get3A_281, %shift_right_logical3A_290 : vector<16xi32>
        %swap3A_292 = arith.constant 0 : index
        %swap3A_293 = tpu.vector_load %arg9[%swap3A_292] {strides = array<i32>} : memref<80xi32, #tpu.memory_space<vmem>>, vector<16xi32>,
        %swap3A_294 = vector.shape_cast %swap3A_293 : vector<16xi32> to vector<16xi32>
        %swap3A_295 = vector.shape_cast %shift_right_logical3A_291 : vector<16xi32> to vector<16xi32>
        tpu.vector_store %arg9[%swap3A_292], %swap3A_295 {strides = array<i32>} : memref<80xi32, #tpu.memory_space<vmem>>, vector<16xi32>,
        %get3A_296 = arith.index_cast %sub3A_245 : i32 to index
        %get3A_297 = arith.constant 16 : index
        %get3A_298 = tpu.vector_load %arg5[%get3A_296, %get3A_297] {strides = array<i32>} : memref<126x80xi32, #tpu.memory_space<vmem>>, vector<1x16xi32>,
        %get3A_299 = vector.shape_cast %get3A_298 : vector<1x16xi32> to vector<16xi32>
        %and3A_300 = arith.constant 16383 : i32
        %and3A_301 = vector.broadcast %and3A_300 : i32 to vector<16xi32>
        %and3A_302 = arith.andi %get3A_299, %and3A_301 : vector<16xi32>
        %swap3A_303 = arith.constant 16 : index
        %swap3A_304 = tpu.vector_load %arg6[%swap3A_303] {strides = array<i32>} : memref<80xi32, #tpu.memory_space<vmem>>, vector<16xi32>,
        %swap3A_305 = vector.shape_cast %swap3A_304 : vector<16xi32> to vector<16xi32>
        %swap3A_306 = vector.shape_cast %and3A_302 : vector<16xi32> to vector<16xi32>
        tpu.vector_store %arg6[%swap3A_303], %swap3A_306 {strides = array<i32>} : memref<80xi32, #tpu.memory_space<vmem>>, vector<16xi32>,
        %shift_right_logical3A_307 = arith.constant 14 : i32
        %shift_right_logical3A_308 = vector.broadcast %shift_right_logical3A_307 : i32 to vector<16xi32>
        %shift_right_logical3A_309 = arith.shrui %get3A_299, %shift_right_logical3A_308 : vector<16xi32>
        %swap3A_310 = arith.constant 16 : index
        %swap3A_311 = tpu.vector_load %arg9[%swap3A_310] {strides = array<i32>} : memref<80xi32, #tpu.memory_space<vmem>>, vector<16xi32>,
        %swap3A_312 = vector.shape_cast %swap3A_311 : vector<16xi32> to vector<16xi32>
        %swap3A_313 = vector.shape_cast %shift_right_logical3A_309 : vector<16xi32> to vector<16xi32>
        tpu.vector_store %arg9[%swap3A_310], %swap3A_313 {strides = array<i32>} : memref<80xi32, #tpu.memory_space<vmem>>, vector<16xi32>,
        %get3A_314 = arith.index_cast %sub3A_245 : i32 to index
        %get3A_315 = arith.constant 32 : index
        %get3A_316 = tpu.vector_load %arg5[%get3A_314, %get3A_315] {strides = array<i32>} : memref<126x80xi32, #tpu.memory_space<vmem>>, vector<1x16xi32>,
        %get3A_317 = vector.shape_cast %get3A_316 : vector<1x16xi32> to vector<16xi32>
        %and3A_318 = arith.constant 16383 : i32
        %and3A_319 = vector.broadcast %and3A_318 : i32 to vector<16xi32>
        %and3A_320 = arith.andi %get3A_317, %and3A_319 : vector<16xi32>
        %swap3A_321 = arith.constant 32 : index
        %swap3A_322 = tpu.vector_load %arg6[%swap3A_321] {strides = array<i32>} : memref<80xi32, #tpu.memory_space<vmem>>, vector<16xi32>,
        %swap3A_323 = vector.shape_cast %swap3A_322 : vector<16xi32> to vector<16xi32>
        %swap3A_324 = vector.shape_cast %and3A_320 : vector<16xi32> to vector<16xi32>
        tpu.vector_store %arg6[%swap3A_321], %swap3A_324 {strides = array<i32>} : memref<80xi32, #tpu.memory_space<vmem>>, vector<16xi32>,
        %shift_right_logical3A_325 = arith.constant 14 : i32
        %shift_right_logical3A_326 = vector.broadcast %shift_right_logical3A_325 : i32 to vector<16xi32>
        %shift_right_logical3A_327 = arith.shrui %get3A_317, %shift_right_logical3A_326 : vector<16xi32>
        %swap3A_328 = arith.constant 32 : index
        %swap3A_329 = tpu.vector_load %arg9[%swap3A_328] {strides = array<i32>} : memref<80xi32, #tpu.memory_space<vmem>>, vector<16xi32>,
        %swap3A_330 = vector.shape_cast %swap3A_329 : vector<16xi32> to vector<16xi32>
        %swap3A_331 = vector.shape_cast %shift_right_logical3A_327 : vector<16xi32> to vector<16xi32>
        tpu.vector_store %arg9[%swap3A_328], %swap3A_331 {strides = array<i32>} : memref<80xi32, #tpu.memory_space<vmem>>, vector<16xi32>,
        %get3A_332 = arith.index_cast %sub3A_245 : i32 to index
        %get3A_333 = arith.constant 48 : index
        %get3A_334 = tpu.vector_load %arg5[%get3A_332, %get3A_333] {strides = array<i32>} : memref<126x80xi32, #tpu.memory_space<vmem>>, vector<1x16xi32>,
        %get3A_335 = vector.shape_cast %get3A_334 : vector<1x16xi32> to vector<16xi32>
        %and3A_336 = arith.constant 16383 : i32
        %and3A_337 = vector.broadcast %and3A_336 : i32 to vector<16xi32>
        %and3A_338 = arith.andi %get3A_335, %and3A_337 : vector<16xi32>
        %swap3A_339 = arith.constant 48 : index
        %swap3A_340 = tpu.vector_load %arg6[%swap3A_339] {strides = array<i32>} : memref<80xi32, #tpu.memory_space<vmem>>, vector<16xi32>,
        %swap3A_341 = vector.shape_cast %swap3A_340 : vector<16xi32> to vector<16xi32>
        %swap3A_342 = vector.shape_cast %and3A_338 : vector<16xi32> to vector<16xi32>
        tpu.vector_store %arg6[%swap3A_339], %swap3A_342 {strides = array<i32>} : memref<80xi32, #tpu.memory_space<vmem>>, vector<16xi32>,
        %shift_right_logical3A_343 = arith.constant 14 : i32
        %shift_right_logical3A_344 = vector.broadcast %shift_right_logical3A_343 : i32 to vector<16xi32>
        %shift_right_logical3A_345 = arith.shrui %get3A_335, %shift_right_logical3A_344 : vector<16xi32>
        %swap3A_346 = arith.constant 48 : index
        %swap3A_347 = tpu.vector_load %arg9[%swap3A_346] {strides = array<i32>} : memref<80xi32, #tpu.memory_space<vmem>>, vector<16xi32>,
        %swap3A_348 = vector.shape_cast %swap3A_347 : vector<16xi32> to vector<16xi32>
        %swap3A_349 = vector.shape_cast %shift_right_logical3A_345 : vector<16xi32> to vector<16xi32>
        tpu.vector_store %arg9[%swap3A_346], %swap3A_349 {strides = array<i32>} : memref<80xi32, #tpu.memory_space<vmem>>, vector<16xi32>,
        %get3A_350 = arith.index_cast %sub3A_245 : i32 to index
        %get3A_351 = arith.constant 64 : index
        %get3A_352 = tpu.vector_load %arg5[%get3A_350, %get3A_351] {strides = array<i32>} : memref<126x80xi32, #tpu.memory_space<vmem>>, vector<1x16xi32>,
        %get3A_353 = vector.shape_cast %get3A_352 : vector<1x16xi32> to vector<16xi32>
        %and3A_354 = arith.constant 16383 : i32
        %and3A_355 = vector.broadcast %and3A_354 : i32 to vector<16xi32>
        %and3A_356 = arith.andi %get3A_353, %and3A_355 : vector<16xi32>
        %swap3A_357 = arith.constant 64 : index
        %swap3A_358 = tpu.vector_load %arg6[%swap3A_357] {strides = array<i32>} : memref<80xi32, #tpu.memory_space<vmem>>, vector<16xi32>,
        %swap3A_359 = vector.shape_cast %swap3A_358 : vector<16xi32> to vector<16xi32>
        %swap3A_360 = vector.shape_cast %and3A_356 : vector<16xi32> to vector<16xi32>
        tpu.vector_store %arg6[%swap3A_357], %swap3A_360 {strides = array<i32>} : memref<80xi32, #tpu.memory_space<vmem>>, vector<16xi32>,
        %shift_right_logical3A_361 = arith.constant 14 : i32
        %shift_right_logical3A_362 = vector.broadcast %shift_right_logical3A_361 : i32 to vector<16xi32>
        %shift_right_logical3A_363 = arith.shrui %get3A_353, %shift_right_logical3A_362 : vector<16xi32>
        %swap3A_364 = arith.constant 64 : index
        %swap3A_365 = tpu.vector_load %arg9[%swap3A_364] {strides = array<i32>} : memref<80xi32, #tpu.memory_space<vmem>>, vector<16xi32>,
        %swap3A_366 = vector.shape_cast %swap3A_365 : vector<16xi32> to vector<16xi32>
        %swap3A_367 = vector.shape_cast %shift_right_logical3A_363 : vector<16xi32> to vector<16xi32>
        tpu.vector_store %arg9[%swap3A_364], %swap3A_367 {strides = array<i32>} : memref<80xi32, #tpu.memory_space<vmem>>, vector<16xi32>,
        %dma_start3A_368 = arith.constant 0 : i32
        %dma_start3A_369 = arith.constant 0 : i32
        %dma_start3A_370 = tpu.memref_slice %arg2[%dma_start3A_368, %dma_start3A_369] : memref<10000x128xf32, #tpu.memory_space<hbm>> -> memref<10000x128xf32, #tpu.memory_space<hbm>>
        tpu.enqueue_indirect_dma source(%dma_start3A_370 : memref<10000x128xf32, #tpu.memory_space<hbm>>) target(%arg12 : memref<80x128xf32, #tpu.memory_space<vmem>>) offsets(%arg6 : memref<80xi32, #tpu.memory_space<vmem>>) semaphore(%arg15 : memref<!tpu.dma_semaphore, #tpu.memory_space<semaphore_mem>>)
      } else {
      }
      %dma_wait3A_251 = arith.constant 0 : i32
      %dma_wait3A_252 = arith.constant 0 : i32
      %dma_wait3A_253 = tpu.memref_slice %arg2[%dma_wait3A_251, %dma_wait3A_252] : memref<10000x128xf32, #tpu.memory_space<hbm>> -> memref<10000x128xf32, #tpu.memory_space<hbm>>
      tpu.wait_indirect_dma semaphore(%arg16 : memref<!tpu.dma_semaphore, #tpu.memory_space<semaphore_mem>>) src(%dma_wait3A_253 : memref<10000x128xf32, #tpu.memory_space<hbm>>) dst(%arg13 : memref<80x128xf32, #tpu.memory_space<vmem>>)
      %dma_start3A_254 = arith.constant 0 : i32
      %dma_start3A_255 = arith.constant 0 : i32
      %dma_start3A_256 = tpu.memref_slice %arg21[%dma_start3A_254, %dma_start3A_255] : memref<10112x128xf32, #tpu.memory_space<vmem_shared>> -> memref<10112x128xf32, #tpu.memory_space<vmem_shared>>
      tpu.enqueue_indirect_dma source(%arg13 : memref<80x128xf32, #tpu.memory_space<vmem>>) target(%dma_start3A_256 : memref<10112x128xf32, #tpu.memory_space<vmem_shared>>) offsets(%arg10 : memref<80xi32, #tpu.memory_space<vmem>>) semaphore(%arg19 : memref<!tpu.dma_semaphore, #tpu.memory_space<semaphore_mem>>) {add = true}
      %add3A_257 = arith.constant 2 : i32
      %add3A_258 = arith.addi %mul3A_226, %add3A_257 : i32
      %add3A_259 = arith.constant 3 : i32
      %add3A_260 = arith.addi %add3A_258, %add3A_259 : i32
      %sub3A_261 = arith.constant 1 : i32
      %sub3A_262 = arith.subi %add3A_260, %sub3A_261 : i32
      %lt3A_263 = arith.constant 126 : i32
      %lt3A_264 = arith.cmpi slt, %sub3A_262, %lt3A_263 : i32
      %convert_element_type3A_265 = arith.extui %lt3A_264 : i1 to i32
      %cond3A_266 = arith.constant 0 : i32
      %cond3A_267 = arith.cmpi ne, %convert_element_type3A_265, %cond3A_266 : i32
      scf.if %cond3A_267 {
        %ge3A = arith.constant 3 : i32
        %ge3A_274 = arith.cmpi sge, %sub3A_262, %ge3A : i32
        %convert_element_type3A_275 = arith.extui %ge3A_274 : i1 to i32
        %cond3A_276 = arith.constant 0 : i32
        %cond3A_277 = arith.cmpi ne, %convert_element_type3A_275, %cond3A_276 : i32
        scf.if %cond3A_277 {
          %dma_wait3A_371 = arith.constant 0 : i32
          %dma_wait3A_372 = arith.constant 0 : i32
          %dma_wait3A_373 = tpu.memref_slice %arg21[%dma_wait3A_371, %dma_wait3A_372] : memref<10112x128xf32, #tpu.memory_space<vmem_shared>> -> memref<10112x128xf32, #tpu.memory_space<vmem_shared>>
          tpu.wait_indirect_dma semaphore(%arg19 : memref<!tpu.dma_semaphore, #tpu.memory_space<semaphore_mem>>) src(%arg13 : memref<80x128xf32, #tpu.memory_space<vmem>>) dst(%dma_wait3A_373 : memref<10112x128xf32, #tpu.memory_space<vmem_shared>>)
        } else {
        }
        %get3A_278 = arith.index_cast %sub3A_262 : i32 to index
        %get3A_279 = arith.constant 0 : index
        %get3A_280 = tpu.vector_load %arg5[%get3A_278, %get3A_279] {strides = array<i32>} : memref<126x80xi32, #tpu.memory_space<vmem>>, vector<1x16xi32>,
        %get3A_281 = vector.shape_cast %get3A_280 : vector<1x16xi32> to vector<16xi32>
        %and3A_282 = arith.constant 16383 : i32
        %and3A_283 = vector.broadcast %and3A_282 : i32 to vector<16xi32>
        %and3A_284 = arith.andi %get3A_281, %and3A_283 : vector<16xi32>
        %swap3A_285 = arith.constant 0 : index
        %swap3A_286 = tpu.vector_load %arg7[%swap3A_285] {strides = array<i32>} : memref<80xi32, #tpu.memory_space<vmem>>, vector<16xi32>,
        %swap3A_287 = vector.shape_cast %swap3A_286 : vector<16xi32> to vector<16xi32>
        %swap3A_288 = vector.shape_cast %and3A_284 : vector<16xi32> to vector<16xi32>
        tpu.vector_store %arg7[%swap3A_285], %swap3A_288 {strides = array<i32>} : memref<80xi32, #tpu.memory_space<vmem>>, vector<16xi32>,
        %shift_right_logical3A_289 = arith.constant 14 : i32
        %shift_right_logical3A_290 = vector.broadcast %shift_right_logical3A_289 : i32 to vector<16xi32>
        %shift_right_logical3A_291 = arith.shrui %get3A_281, %shift_right_logical3A_290 : vector<16xi32>
        %swap3A_292 = arith.constant 0 : index
        %swap3A_293 = tpu.vector_load %arg10[%swap3A_292] {strides = array<i32>} : memref<80xi32, #tpu.memory_space<vmem>>, vector<16xi32>,
        %swap3A_294 = vector.shape_cast %swap3A_293 : vector<16xi32> to vector<16xi32>
        %swap3A_295 = vector.shape_cast %shift_right_logical3A_291 : vector<16xi32> to vector<16xi32>
        tpu.vector_store %arg10[%swap3A_292], %swap3A_295 {strides = array<i32>} : memref<80xi32, #tpu.memory_space<vmem>>, vector<16xi32>,
        %get3A_296 = arith.index_cast %sub3A_262 : i32 to index
        %get3A_297 = arith.constant 16 : index
        %get3A_298 = tpu.vector_load %arg5[%get3A_296, %get3A_297] {strides = array<i32>} : memref<126x80xi32, #tpu.memory_space<vmem>>, vector<1x16xi32>,
        %get3A_299 = vector.shape_cast %get3A_298 : vector<1x16xi32> to vector<16xi32>
        %and3A_300 = arith.constant 16383 : i32
        %and3A_301 = vector.broadcast %and3A_300 : i32 to vector<16xi32>
        %and3A_302 = arith.andi %get3A_299, %and3A_301 : vector<16xi32>
        %swap3A_303 = arith.constant 16 : index
        %swap3A_304 = tpu.vector_load %arg7[%swap3A_303] {strides = array<i32>} : memref<80xi32, #tpu.memory_space<vmem>>, vector<16xi32>,
        %swap3A_305 = vector.shape_cast %swap3A_304 : vector<16xi32> to vector<16xi32>
        %swap3A_306 = vector.shape_cast %and3A_302 : vector<16xi32> to vector<16xi32>
        tpu.vector_store %arg7[%swap3A_303], %swap3A_306 {strides = array<i32>} : memref<80xi32, #tpu.memory_space<vmem>>, vector<16xi32>,
        %shift_right_logical3A_307 = arith.constant 14 : i32
        %shift_right_logical3A_308 = vector.broadcast %shift_right_logical3A_307 : i32 to vector<16xi32>
        %shift_right_logical3A_309 = arith.shrui %get3A_299, %shift_right_logical3A_308 : vector<16xi32>
        %swap3A_310 = arith.constant 16 : index
        %swap3A_311 = tpu.vector_load %arg10[%swap3A_310] {strides = array<i32>} : memref<80xi32, #tpu.memory_space<vmem>>, vector<16xi32>,
        %swap3A_312 = vector.shape_cast %swap3A_311 : vector<16xi32> to vector<16xi32>
        %swap3A_313 = vector.shape_cast %shift_right_logical3A_309 : vector<16xi32> to vector<16xi32>
        tpu.vector_store %arg10[%swap3A_310], %swap3A_313 {strides = array<i32>} : memref<80xi32, #tpu.memory_space<vmem>>, vector<16xi32>,
        %get3A_314 = arith.index_cast %sub3A_262 : i32 to index
        %get3A_315 = arith.constant 32 : index
        %get3A_316 = tpu.vector_load %arg5[%get3A_314, %get3A_315] {strides = array<i32>} : memref<126x80xi32, #tpu.memory_space<vmem>>, vector<1x16xi32>,
        %get3A_317 = vector.shape_cast %get3A_316 : vector<1x16xi32> to vector<16xi32>
        %and3A_318 = arith.constant 16383 : i32
        %and3A_319 = vector.broadcast %and3A_318 : i32 to vector<16xi32>
        %and3A_320 = arith.andi %get3A_317, %and3A_319 : vector<16xi32>
        %swap3A_321 = arith.constant 32 : index
        %swap3A_322 = tpu.vector_load %arg7[%swap3A_321] {strides = array<i32>} : memref<80xi32, #tpu.memory_space<vmem>>, vector<16xi32>,
        %swap3A_323 = vector.shape_cast %swap3A_322 : vector<16xi32> to vector<16xi32>
        %swap3A_324 = vector.shape_cast %and3A_320 : vector<16xi32> to vector<16xi32>
        tpu.vector_store %arg7[%swap3A_321], %swap3A_324 {strides = array<i32>} : memref<80xi32, #tpu.memory_space<vmem>>, vector<16xi32>,
        %shift_right_logical3A_325 = arith.constant 14 : i32
        %shift_right_logical3A_326 = vector.broadcast %shift_right_logical3A_325 : i32 to vector<16xi32>
        %shift_right_logical3A_327 = arith.shrui %get3A_317, %shift_right_logical3A_326 : vector<16xi32>
        %swap3A_328 = arith.constant 32 : index
        %swap3A_329 = tpu.vector_load %arg10[%swap3A_328] {strides = array<i32>} : memref<80xi32, #tpu.memory_space<vmem>>, vector<16xi32>,
        %swap3A_330 = vector.shape_cast %swap3A_329 : vector<16xi32> to vector<16xi32>
        %swap3A_331 = vector.shape_cast %shift_right_logical3A_327 : vector<16xi32> to vector<16xi32>
        tpu.vector_store %arg10[%swap3A_328], %swap3A_331 {strides = array<i32>} : memref<80xi32, #tpu.memory_space<vmem>>, vector<16xi32>,
        %get3A_332 = arith.index_cast %sub3A_262 : i32 to index
        %get3A_333 = arith.constant 48 : index
        %get3A_334 = tpu.vector_load %arg5[%get3A_332, %get3A_333] {strides = array<i32>} : memref<126x80xi32, #tpu.memory_space<vmem>>, vector<1x16xi32>,
        %get3A_335 = vector.shape_cast %get3A_334 : vector<1x16xi32> to vector<16xi32>
        %and3A_336 = arith.constant 16383 : i32
        %and3A_337 = vector.broadcast %and3A_336 : i32 to vector<16xi32>
        %and3A_338 = arith.andi %get3A_335, %and3A_337 : vector<16xi32>
        %swap3A_339 = arith.constant 48 : index
        %swap3A_340 = tpu.vector_load %arg7[%swap3A_339] {strides = array<i32>} : memref<80xi32, #tpu.memory_space<vmem>>, vector<16xi32>,
        %swap3A_341 = vector.shape_cast %swap3A_340 : vector<16xi32> to vector<16xi32>
        %swap3A_342 = vector.shape_cast %and3A_338 : vector<16xi32> to vector<16xi32>
        tpu.vector_store %arg7[%swap3A_339], %swap3A_342 {strides = array<i32>} : memref<80xi32, #tpu.memory_space<vmem>>, vector<16xi32>,
        %shift_right_logical3A_343 = arith.constant 14 : i32
        %shift_right_logical3A_344 = vector.broadcast %shift_right_logical3A_343 : i32 to vector<16xi32>
        %shift_right_logical3A_345 = arith.shrui %get3A_335, %shift_right_logical3A_344 : vector<16xi32>
        %swap3A_346 = arith.constant 48 : index
        %swap3A_347 = tpu.vector_load %arg10[%swap3A_346] {strides = array<i32>} : memref<80xi32, #tpu.memory_space<vmem>>, vector<16xi32>,
        %swap3A_348 = vector.shape_cast %swap3A_347 : vector<16xi32> to vector<16xi32>
        %swap3A_349 = vector.shape_cast %shift_right_logical3A_345 : vector<16xi32> to vector<16xi32>
        tpu.vector_store %arg10[%swap3A_346], %swap3A_349 {strides = array<i32>} : memref<80xi32, #tpu.memory_space<vmem>>, vector<16xi32>,
        %get3A_350 = arith.index_cast %sub3A_262 : i32 to index
        %get3A_351 = arith.constant 64 : index
        %get3A_352 = tpu.vector_load %arg5[%get3A_350, %get3A_351] {strides = array<i32>} : memref<126x80xi32, #tpu.memory_space<vmem>>, vector<1x16xi32>,
        %get3A_353 = vector.shape_cast %get3A_352 : vector<1x16xi32> to vector<16xi32>
        %and3A_354 = arith.constant 16383 : i32
        %and3A_355 = vector.broadcast %and3A_354 : i32 to vector<16xi32>
        %and3A_356 = arith.andi %get3A_353, %and3A_355 : vector<16xi32>
        %swap3A_357 = arith.constant 64 : index
        %swap3A_358 = tpu.vector_load %arg7[%swap3A_357] {strides = array<i32>} : memref<80xi32, #tpu.memory_space<vmem>>, vector<16xi32>,
        %swap3A_359 = vector.shape_cast %swap3A_358 : vector<16xi32> to vector<16xi32>
        %swap3A_360 = vector.shape_cast %and3A_356 : vector<16xi32> to vector<16xi32>
        tpu.vector_store %arg7[%swap3A_357], %swap3A_360 {strides = array<i32>} : memref<80xi32, #tpu.memory_space<vmem>>, vector<16xi32>,
        %shift_right_logical3A_361 = arith.constant 14 : i32
        %shift_right_logical3A_362 = vector.broadcast %shift_right_logical3A_361 : i32 to vector<16xi32>
        %shift_right_logical3A_363 = arith.shrui %get3A_353, %shift_right_logical3A_362 : vector<16xi32>
        %swap3A_364 = arith.constant 64 : index
        %swap3A_365 = tpu.vector_load %arg10[%swap3A_364] {strides = array<i32>} : memref<80xi32, #tpu.memory_space<vmem>>, vector<16xi32>,
        %swap3A_366 = vector.shape_cast %swap3A_365 : vector<16xi32> to vector<16xi32>
        %swap3A_367 = vector.shape_cast %shift_right_logical3A_363 : vector<16xi32> to vector<16xi32>
        tpu.vector_store %arg10[%swap3A_364], %swap3A_367 {strides = array<i32>} : memref<80xi32, #tpu.memory_space<vmem>>, vector<16xi32>,
        %dma_start3A_368 = arith.constant 0 : i32
        %dma_start3A_369 = arith.constant 0 : i32
        %dma_start3A_370 = tpu.memref_slice %arg2[%dma_start3A_368, %dma_start3A_369] : memref<10000x128xf32, #tpu.memory_space<hbm>> -> memref<10000x128xf32, #tpu.memory_space<hbm>>
        tpu.enqueue_indirect_dma source(%dma_start3A_370 : memref<10000x128xf32, #tpu.memory_space<hbm>>) target(%arg13 : memref<80x128xf32, #tpu.memory_space<vmem>>) offsets(%arg7 : memref<80xi32, #tpu.memory_space<vmem>>) semaphore(%arg16 : memref<!tpu.dma_semaphore, #tpu.memory_space<semaphore_mem>>)
      } else {
      }
      %dma_wait3A_268 = arith.constant 0 : i32
      %dma_wait3A_269 = arith.constant 0 : i32
      %dma_wait3A_270 = tpu.memref_slice %arg2[%dma_wait3A_268, %dma_wait3A_269] : memref<10000x128xf32, #tpu.memory_space<hbm>> -> memref<10000x128xf32, #tpu.memory_space<hbm>>
      tpu.wait_indirect_dma semaphore(%arg17 : memref<!tpu.dma_semaphore, #tpu.memory_space<semaphore_mem>>) src(%dma_wait3A_270 : memref<10000x128xf32, #tpu.memory_space<hbm>>) dst(%arg14 : memref<80x128xf32, #tpu.memory_space<vmem>>)
      %dma_start3A_271 = arith.constant 0 : i32
      %dma_start3A_272 = arith.constant 0 : i32
      %dma_start3A_273 = tpu.memref_slice %arg21[%dma_start3A_271, %dma_start3A_272] : memref<10112x128xf32, #tpu.memory_space<vmem_shared>> -> memref<10112x128xf32, #tpu.memory_space<vmem_shared>>
      tpu.enqueue_indirect_dma source(%arg14 : memref<80x128xf32, #tpu.memory_space<vmem>>) target(%dma_start3A_273 : memref<10112x128xf32, #tpu.memory_space<vmem_shared>>) offsets(%arg11 : memref<80xi32, #tpu.memory_space<vmem>>) semaphore(%arg20 : memref<!tpu.dma_semaphore, #tpu.memory_space<semaphore_mem>>) {add = true}
    }
    %scan3A_210 = arith.constant 42 : i32
    %dma_wait3A = arith.constant 0 : i32
    %dma_wait3A_211 = arith.constant 0 : i32
    %dma_wait3A_212 = tpu.memref_slice %arg21[%dma_wait3A, %dma_wait3A_211] : memref<10112x128xf32, #tpu.memory_space<vmem_shared>> -> memref<10112x128xf32, #tpu.memory_space<vmem_shared>>
    tpu.wait_indirect_dma semaphore(%arg18 : memref<!tpu.dma_semaphore, #tpu.memory_space<semaphore_mem>>) src(%arg12 : memref<80x128xf32, #tpu.memory_space<vmem>>) dst(%dma_wait3A_212 : memref<10112x128xf32, #tpu.memory_space<vmem_shared>>)
    %dma_wait3A_213 = arith.constant 0 : i32
    %dma_wait3A_214 = arith.constant 0 : i32
    %dma_wait3A_215 = tpu.memref_slice %arg21[%dma_wait3A_213, %dma_wait3A_214] : memref<10112x128xf32, #tpu.memory_space<vmem_shared>> -> memref<10112x128xf32, #tpu.memory_space<vmem_shared>>
    tpu.wait_indirect_dma semaphore(%arg19 : memref<!tpu.dma_semaphore, #tpu.memory_space<semaphore_mem>>) src(%arg13 : memref<80x128xf32, #tpu.memory_space<vmem>>) dst(%dma_wait3A_215 : memref<10112x128xf32, #tpu.memory_space<vmem_shared>>)
    %dma_wait3A_216 = arith.constant 0 : i32
    %dma_wait3A_217 = arith.constant 0 : i32
    %dma_wait3A_218 = tpu.memref_slice %arg21[%dma_wait3A_216, %dma_wait3A_217] : memref<10112x128xf32, #tpu.memory_space<vmem_shared>> -> memref<10112x128xf32, #tpu.memory_space<vmem_shared>>
    tpu.wait_indirect_dma semaphore(%arg20 : memref<!tpu.dma_semaphore, #tpu.memory_space<semaphore_mem>>) src(%arg14 : memref<80x128xf32, #tpu.memory_space<vmem>>) dst(%dma_wait3A_218 : memref<10112x128xf32, #tpu.memory_space<vmem_shared>>)
    %barrier3A_219 = arith.constant 0 : index
    tpu.barrier barrier_id(%barrier3A_219)
    "tpu.region"() ({
      %run_scoped3A = tpu.sem_alloc : memref<!tpu.dma_semaphore, #tpu.memory_space<semaphore_mem>>
      %dma_start3A_220 = arith.constant 0 : i32
      %dma_start3A_221 = tpu.memref_slice %arg4[%arg0, %mul3A_2, %dma_start3A_220] : memref<2x10112x128xf32, #tpu.memory_space<hbm>> -> memref<1x632x128xf32, #tpu.memory_space<hbm>>
      %dma_start3A_222 = tpu.memref_squeeze %dma_start3A_221 : memref<1x632x128xf32, #tpu.memory_space<hbm>> -> memref<632x128xf32, #tpu.memory_space<hbm>>
      %dma_start3A_223 = arith.constant 0 : i32
      %dma_start3A_224 = tpu.memref_slice %arg21[%mul3A_2, %dma_start3A_223] : memref<10112x128xf32, #tpu.memory_space<vmem_shared>> -> memref<632x128xf32, #tpu.memory_space<vmem_shared>>
      tpu.enqueue_dma source(%dma_start3A_224 : memref<632x128xf32, #tpu.memory_space<vmem_shared>>) target(%dma_start3A_222 : memref<632x128xf32, #tpu.memory_space<hbm>>) target_semaphore(%run_scoped3A : memref<!tpu.dma_semaphore, #tpu.memory_space<semaphore_mem>>)
      %dma_wait3A_225 = arith.constant 0 : i32
      %dma_wait3A_226 = tpu.memref_slice %arg4[%arg0, %mul3A_2, %dma_wait3A_225] : memref<2x10112x128xf32, #tpu.memory_space<hbm>> -> memref<1x632x128xf32, #tpu.memory_space<hbm>>
      %dma_wait3A_227 = tpu.memref_squeeze %dma_wait3A_226 : memref<1x632x128xf32, #tpu.memory_space<hbm>> -> memref<632x128xf32, #tpu.memory_space<hbm>>
      %dma_wait3A_228 = arith.constant 0 : i32
      %dma_wait3A_229 = tpu.memref_slice %arg21[%mul3A_2, %dma_wait3A_228] : memref<10112x128xf32, #tpu.memory_space<vmem_shared>> -> memref<632x128xf32, #tpu.memory_space<vmem_shared>>
      tpu.wait_dma2 semaphore(%run_scoped3A : memref<!tpu.dma_semaphore, #tpu.memory_space<semaphore_mem>>) src(%dma_wait3A_229 : memref<632x128xf32, #tpu.memory_space<vmem_shared>>) dst(%dma_wait3A_227 : memref<632x128xf32, #tpu.memory_space<hbm>>)
      tpu.yield
    }) : () -> ()
    return
  }
}

#map = affine_map<(d0, d1) -> (0, 0)>
#map1 = affine_map<(d0, d1) -> (0, 0, 0)>
module attributes {stable_mosaic.version = 14 : i64} {
  func.func @sc_agg(%arg0: i32, %arg1: i32, %arg2: memref<10000x128xf32, #tpu.memory_space<hbm>>, %arg3: memref<32x126x80xi32, #tpu.memory_space<hbm>>, %arg4: memref<2x10112x128xf32, #tpu.memory_space<hbm>>, %arg5: memref<126x80xi32, #tpu.memory_space<vmem>>, %arg6: memref<80xi32, #tpu.memory_space<vmem>>, %arg7: memref<80xi32, #tpu.memory_space<vmem>>, %arg8: memref<80xi32, #tpu.memory_space<vmem>>, %arg9: memref<80xi32, #tpu.memory_space<vmem>>, %arg10: memref<80xi32, #tpu.memory_space<vmem>>, %arg11: memref<80xi32, #tpu.memory_space<vmem>>, %arg12: memref<80x128xf32, #tpu.memory_space<vmem>>, %arg13: memref<80x128xf32, #tpu.memory_space<vmem>>, %arg14: memref<80x128xf32, #tpu.memory_space<vmem>>, %arg15: memref<!tpu.dma_semaphore, #tpu.memory_space<semaphore_mem>>, %arg16: memref<!tpu.dma_semaphore, #tpu.memory_space<semaphore_mem>>, %arg17: memref<!tpu.dma_semaphore, #tpu.memory_space<semaphore_mem>>, %arg18: memref<!tpu.dma_semaphore, #tpu.memory_space<semaphore_mem>>, %arg19: memref<!tpu.dma_semaphore, #tpu.memory_space<semaphore_mem>>, %arg20: memref<!tpu.dma_semaphore, #tpu.memory_space<semaphore_mem>>, %arg21: memref<10112x128xf32, #tpu.memory_space<vmem_shared>>) attributes {dimension_semantics = [#tpu.dimension_semantics<core_parallel>, #tpu.dimension_semantics<subcore_parallel>], iteration_bounds = array<i64: 2, 16>, scalar_prefetch = 0 : i64, scratch_operands = 17 : i64, tpu.core_type = #tpu.core_type<sc_vector_subcore>, window_params = [{transform_indices = #map}, {transform_indices = #map1}, {transform_indices = #map1}]} {
    %mul3A = arith.constant 16 : i32
    %mul3A_0 = arith.muli %arg0, %mul3A : i32
    %add3A = arith.addi %mul3A_0, %arg1 : i32
    %mul3A_1 = arith.constant 632 : i32
    %mul3A_2 = arith.muli %arg1, %mul3A_1 : i32
    "tpu.region"() ({
      %run_scoped3A = tpu.sem_alloc : memref<!tpu.dma_semaphore, #tpu.memory_space<semaphore_mem>>
      %dma_start3A_220 = arith.constant 0 : i32
      %dma_start3A_221 = arith.constant 0 : i32
      %dma_start3A_222 = tpu.memref_slice %arg3[%add3A, %dma_start3A_220, %dma_start3A_221] : memref<32x126x80xi32, #tpu.memory_space<hbm>> -> memref<1x126x80xi32, #tpu.memory_space<hbm>>
      %dma_start3A_223 = tpu.memref_squeeze %dma_start3A_222 : memref<1x126x80xi32, #tpu.memory_space<hbm>> -> memref<126x80xi32, #tpu.memory_space<hbm>>
      %dma_start3A_224 = arith.constant 0 : i32
      %dma_start3A_225 = arith.constant 0 : i32
      %dma_start3A_226 = tpu.memref_slice %arg3[%add3A, %dma_start3A_224, %dma_start3A_225] : memref<32x126x80xi32, #tpu.memory_space<hbm>> -> memref<1x126x80xi32, #tpu.memory_space<hbm>>
      %dma_start3A_227 = tpu.memref_squeeze %dma_start3A_226 : memref<1x126x80xi32, #tpu.memory_space<hbm>> -> memref<126x80xi32, #tpu.memory_space<hbm>>
      tpu.enqueue_dma source(%dma_start3A_227 : memref<126x80xi32, #tpu.memory_space<hbm>>) target(%arg5 : memref<126x80xi32, #tpu.memory_space<vmem>>) target_semaphore(%run_scoped3A : memref<!tpu.dma_semaphore, #tpu.memory_space<semaphore_mem>>)
      %dma_wait3A_228 = arith.constant 0 : i32
      %dma_wait3A_229 = arith.constant 0 : i32
      %dma_wait3A_230 = tpu.memref_slice %arg3[%add3A, %dma_wait3A_228, %dma_wait3A_229] : memref<32x126x80xi32, #tpu.memory_space<hbm>> -> memref<1x126x80xi32, #tpu.memory_space<hbm>>
      %dma_wait3A_231 = tpu.memref_squeeze %dma_wait3A_230 : memref<1x126x80xi32, #tpu.memory_space<hbm>> -> memref<126x80xi32, #tpu.memory_space<hbm>>
      %dma_wait3A_232 = arith.constant 0 : i32
      %dma_wait3A_233 = arith.constant 0 : i32
      %dma_wait3A_234 = tpu.memref_slice %arg3[%add3A, %dma_wait3A_232, %dma_wait3A_233] : memref<32x126x80xi32, #tpu.memory_space<hbm>> -> memref<1x126x80xi32, #tpu.memory_space<hbm>>
      %dma_wait3A_235 = tpu.memref_squeeze %dma_wait3A_234 : memref<1x126x80xi32, #tpu.memory_space<hbm>> -> memref<126x80xi32, #tpu.memory_space<hbm>>
      tpu.wait_dma2 semaphore(%run_scoped3A : memref<!tpu.dma_semaphore, #tpu.memory_space<semaphore_mem>>) src(%dma_wait3A_235 : memref<126x80xi32, #tpu.memory_space<hbm>>) dst(%arg5 : memref<126x80xi32, #tpu.memory_space<vmem>>)
      tpu.yield
    }) : () -> ()
    %get3A = arith.constant 0 : i32
    %get3A_3 = arith.index_cast %get3A : i32 to index
    %get3A_4 = arith.constant 0 : index
    %get3A_5 = tpu.vector_load %arg5[%get3A_3, %get3A_4] {strides = array<i32>} : memref<126x80xi32, #tpu.memory_space<vmem>>, vector<1x16xi32>,
    %get3A_6 = vector.shape_cast %get3A_5 : vector<1x16xi32> to vector<16xi32>
    %and3A = arith.constant 16383 : i32
    %and3A_7 = vector.broadcast %and3A : i32 to vector<16xi32>
    %and3A_8 = arith.andi %get3A_6, %and3A_7 : vector<16xi32>
    %swap3A = arith.constant 0 : index
    %swap3A_9 = tpu.vector_load %arg6[%swap3A] {strides = array<i32>} : memref<80xi32, #tpu.memory_space<vmem>>, vector<16xi32>,
    %swap3A_10 = vector.shape_cast %swap3A_9 : vector<16xi32> to vector<16xi32>
    %swap3A_11 = vector.shape_cast %and3A_8 : vector<16xi32> to vector<16xi32>
    tpu.vector_store %arg6[%swap3A], %swap3A_11 {strides = array<i32>} : memref<80xi32, #tpu.memory_space<vmem>>, vector<16xi32>,
    %shift_right_logical3A = arith.constant 14 : i32
    %shift_right_logical3A_12 = vector.broadcast %shift_right_logical3A : i32 to vector<16xi32>
    %shift_right_logical3A_13 = arith.shrui %get3A_6, %shift_right_logical3A_12 : vector<16xi32>
    %swap3A_14 = arith.constant 0 : index
    %swap3A_15 = tpu.vector_load %arg9[%swap3A_14] {strides = array<i32>} : memref<80xi32, #tpu.memory_space<vmem>>, vector<16xi32>,
    %swap3A_16 = vector.shape_cast %swap3A_15 : vector<16xi32> to vector<16xi32>
    %swap3A_17 = vector.shape_cast %shift_right_logical3A_13 : vector<16xi32> to vector<16xi32>
    tpu.vector_store %arg9[%swap3A_14], %swap3A_17 {strides = array<i32>} : memref<80xi32, #tpu.memory_space<vmem>>, vector<16xi32>,
    %get3A_18 = arith.constant 0 : i32
    %get3A_19 = arith.index_cast %get3A_18 : i32 to index
    %get3A_20 = arith.constant 16 : index
    %get3A_21 = tpu.vector_load %arg5[%get3A_19, %get3A_20] {strides = array<i32>} : memref<126x80xi32, #tpu.memory_space<vmem>>, vector<1x16xi32>,
    %get3A_22 = vector.shape_cast %get3A_21 : vector<1x16xi32> to vector<16xi32>
    %and3A_23 = arith.constant 16383 : i32
    %and3A_24 = vector.broadcast %and3A_23 : i32 to vector<16xi32>
    %and3A_25 = arith.andi %get3A_22, %and3A_24 : vector<16xi32>
    %swap3A_26 = arith.constant 16 : index
    %swap3A_27 = tpu.vector_load %arg6[%swap3A_26] {strides = array<i32>} : memref<80xi32, #tpu.memory_space<vmem>>, vector<16xi32>,
    %swap3A_28 = vector.shape_cast %swap3A_27 : vector<16xi32> to vector<16xi32>
    %swap3A_29 = vector.shape_cast %and3A_25 : vector<16xi32> to vector<16xi32>
    tpu.vector_store %arg6[%swap3A_26], %swap3A_29 {strides = array<i32>} : memref<80xi32, #tpu.memory_space<vmem>>, vector<16xi32>,
    %shift_right_logical3A_30 = arith.constant 14 : i32
    %shift_right_logical3A_31 = vector.broadcast %shift_right_logical3A_30 : i32 to vector<16xi32>
    %shift_right_logical3A_32 = arith.shrui %get3A_22, %shift_right_logical3A_31 : vector<16xi32>
    %swap3A_33 = arith.constant 16 : index
    %swap3A_34 = tpu.vector_load %arg9[%swap3A_33] {strides = array<i32>} : memref<80xi32, #tpu.memory_space<vmem>>, vector<16xi32>,
    %swap3A_35 = vector.shape_cast %swap3A_34 : vector<16xi32> to vector<16xi32>
    %swap3A_36 = vector.shape_cast %shift_right_logical3A_32 : vector<16xi32> to vector<16xi32>
    tpu.vector_store %arg9[%swap3A_33], %swap3A_36 {strides = array<i32>} : memref<80xi32, #tpu.memory_space<vmem>>, vector<16xi32>,
    %get3A_37 = arith.constant 0 : i32
    %get3A_38 = arith.index_cast %get3A_37 : i32 to index
    %get3A_39 = arith.constant 32 : index
    %get3A_40 = tpu.vector_load %arg5[%get3A_38, %get3A_39] {strides = array<i32>} : memref<126x80xi32, #tpu.memory_space<vmem>>, vector<1x16xi32>,
    %get3A_41 = vector.shape_cast %get3A_40 : vector<1x16xi32> to vector<16xi32>
    %and3A_42 = arith.constant 16383 : i32
    %and3A_43 = vector.broadcast %and3A_42 : i32 to vector<16xi32>
    %and3A_44 = arith.andi %get3A_41, %and3A_43 : vector<16xi32>
    %swap3A_45 = arith.constant 32 : index
    %swap3A_46 = tpu.vector_load %arg6[%swap3A_45] {strides = array<i32>} : memref<80xi32, #tpu.memory_space<vmem>>, vector<16xi32>,
    %swap3A_47 = vector.shape_cast %swap3A_46 : vector<16xi32> to vector<16xi32>
    %swap3A_48 = vector.shape_cast %and3A_44 : vector<16xi32> to vector<16xi32>
    tpu.vector_store %arg6[%swap3A_45], %swap3A_48 {strides = array<i32>} : memref<80xi32, #tpu.memory_space<vmem>>, vector<16xi32>,
    %shift_right_logical3A_49 = arith.constant 14 : i32
    %shift_right_logical3A_50 = vector.broadcast %shift_right_logical3A_49 : i32 to vector<16xi32>
    %shift_right_logical3A_51 = arith.shrui %get3A_41, %shift_right_logical3A_50 : vector<16xi32>
    %swap3A_52 = arith.constant 32 : index
    %swap3A_53 = tpu.vector_load %arg9[%swap3A_52] {strides = array<i32>} : memref<80xi32, #tpu.memory_space<vmem>>, vector<16xi32>,
    %swap3A_54 = vector.shape_cast %swap3A_53 : vector<16xi32> to vector<16xi32>
    %swap3A_55 = vector.shape_cast %shift_right_logical3A_51 : vector<16xi32> to vector<16xi32>
    tpu.vector_store %arg9[%swap3A_52], %swap3A_55 {strides = array<i32>} : memref<80xi32, #tpu.memory_space<vmem>>, vector<16xi32>,
    %get3A_56 = arith.constant 0 : i32
    %get3A_57 = arith.index_cast %get3A_56 : i32 to index
    %get3A_58 = arith.constant 48 : index
    %get3A_59 = tpu.vector_load %arg5[%get3A_57, %get3A_58] {strides = array<i32>} : memref<126x80xi32, #tpu.memory_space<vmem>>, vector<1x16xi32>,
    %get3A_60 = vector.shape_cast %get3A_59 : vector<1x16xi32> to vector<16xi32>
    %and3A_61 = arith.constant 16383 : i32
    %and3A_62 = vector.broadcast %and3A_61 : i32 to vector<16xi32>
    %and3A_63 = arith.andi %get3A_60, %and3A_62 : vector<16xi32>
    %swap3A_64 = arith.constant 48 : index
    %swap3A_65 = tpu.vector_load %arg6[%swap3A_64] {strides = array<i32>} : memref<80xi32, #tpu.memory_space<vmem>>, vector<16xi32>,
    %swap3A_66 = vector.shape_cast %swap3A_65 : vector<16xi32> to vector<16xi32>
    %swap3A_67 = vector.shape_cast %and3A_63 : vector<16xi32> to vector<16xi32>
    tpu.vector_store %arg6[%swap3A_64], %swap3A_67 {strides = array<i32>} : memref<80xi32, #tpu.memory_space<vmem>>, vector<16xi32>,
    %shift_right_logical3A_68 = arith.constant 14 : i32
    %shift_right_logical3A_69 = vector.broadcast %shift_right_logical3A_68 : i32 to vector<16xi32>
    %shift_right_logical3A_70 = arith.shrui %get3A_60, %shift_right_logical3A_69 : vector<16xi32>
    %swap3A_71 = arith.constant 48 : index
    %swap3A_72 = tpu.vector_load %arg9[%swap3A_71] {strides = array<i32>} : memref<80xi32, #tpu.memory_space<vmem>>, vector<16xi32>,
    %swap3A_73 = vector.shape_cast %swap3A_72 : vector<16xi32> to vector<16xi32>
    %swap3A_74 = vector.shape_cast %shift_right_logical3A_70 : vector<16xi32> to vector<16xi32>
    tpu.vector_store %arg9[%swap3A_71], %swap3A_74 {strides = array<i32>} : memref<80xi32, #tpu.memory_space<vmem>>, vector<16xi32>,
    %get3A_75 = arith.constant 0 : i32
    %get3A_76 = arith.index_cast %get3A_75 : i32 to index
    %get3A_77 = arith.constant 64 : index
    %get3A_78 = tpu.vector_load %arg5[%get3A_76, %get3A_77] {strides = array<i32>} : memref<126x80xi32, #tpu.memory_space<vmem>>, vector<1x16xi32>,
    %get3A_79 = vector.shape_cast %get3A_78 : vector<1x16xi32> to vector<16xi32>
    %and3A_80 = arith.constant 16383 : i32
    %and3A_81 = vector.broadcast %and3A_80 : i32 to vector<16xi32>
    %and3A_82 = arith.andi %get3A_79, %and3A_81 : vector<16xi32>
    %swap3A_83 = arith.constant 64 : index
    %swap3A_84 = tpu.vector_load %arg6[%swap3A_83] {strides = array<i32>} : memref<80xi32, #tpu.memory_space<vmem>>, vector<16xi32>,
    %swap3A_85 = vector.shape_cast %swap3A_84 : vector<16xi32> to vector<16xi32>
    %swap3A_86 = vector.shape_cast %and3A_82 : vector<16xi32> to vector<16xi32>
    tpu.vector_store %arg6[%swap3A_83], %swap3A_86 {strides = array<i32>} : memref<80xi32, #tpu.memory_space<vmem>>, vector<16xi32>,
    %shift_right_logical3A_87 = arith.constant 14 : i32
    %shift_right_logical3A_88 = vector.broadcast %shift_right_logical3A_87 : i32 to vector<16xi32>
    %shift_right_logical3A_89 = arith.shrui %get3A_79, %shift_right_logical3A_88 : vector<16xi32>
    %swap3A_90 = arith.constant 64 : index
    %swap3A_91 = tpu.vector_load %arg9[%swap3A_90] {strides = array<i32>} : memref<80xi32, #tpu.memory_space<vmem>>, vector<16xi32>,
    %swap3A_92 = vector.shape_cast %swap3A_91 : vector<16xi32> to vector<16xi32>
    %swap3A_93 = vector.shape_cast %shift_right_logical3A_89 : vector<16xi32> to vector<16xi32>
    tpu.vector_store %arg9[%swap3A_90], %swap3A_93 {strides = array<i32>} : memref<80xi32, #tpu.memory_space<vmem>>, vector<16xi32>,
    %dma_start3A = arith.constant 0 : i32
    %dma_start3A_94 = arith.constant 0 : i32
    %dma_start3A_95 = tpu.memref_slice %arg2[%dma_start3A, %dma_start3A_94] : memref<10000x128xf32, #tpu.memory_space<hbm>> -> memref<10000x128xf32, #tpu.memory_space<hbm>>
    tpu.enqueue_indirect_dma source(%dma_start3A_95 : memref<10000x128xf32, #tpu.memory_space<hbm>>) target(%arg12 : memref<80x128xf32, #tpu.memory_space<vmem>>) offsets(%arg6 : memref<80xi32, #tpu.memory_space<vmem>>) semaphore(%arg15 : memref<!tpu.dma_semaphore, #tpu.memory_space<semaphore_mem>>)
    %get3A_96 = arith.constant 1 : i32
    %get3A_97 = arith.index_cast %get3A_96 : i32 to index
    %get3A_98 = arith.constant 0 : index
    %get3A_99 = tpu.vector_load %arg5[%get3A_97, %get3A_98] {strides = array<i32>} : memref<126x80xi32, #tpu.memory_space<vmem>>, vector<1x16xi32>,
    %get3A_100 = vector.shape_cast %get3A_99 : vector<1x16xi32> to vector<16xi32>
    %and3A_101 = arith.constant 16383 : i32
    %and3A_102 = vector.broadcast %and3A_101 : i32 to vector<16xi32>
    %and3A_103 = arith.andi %get3A_100, %and3A_102 : vector<16xi32>
    %swap3A_104 = arith.constant 0 : index
    %swap3A_105 = tpu.vector_load %arg7[%swap3A_104] {strides = array<i32>} : memref<80xi32, #tpu.memory_space<vmem>>, vector<16xi32>,
    %swap3A_106 = vector.shape_cast %swap3A_105 : vector<16xi32> to vector<16xi32>
    %swap3A_107 = vector.shape_cast %and3A_103 : vector<16xi32> to vector<16xi32>
    tpu.vector_store %arg7[%swap3A_104], %swap3A_107 {strides = array<i32>} : memref<80xi32, #tpu.memory_space<vmem>>, vector<16xi32>,
    %shift_right_logical3A_108 = arith.constant 14 : i32
    %shift_right_logical3A_109 = vector.broadcast %shift_right_logical3A_108 : i32 to vector<16xi32>
    %shift_right_logical3A_110 = arith.shrui %get3A_100, %shift_right_logical3A_109 : vector<16xi32>
    %swap3A_111 = arith.constant 0 : index
    %swap3A_112 = tpu.vector_load %arg10[%swap3A_111] {strides = array<i32>} : memref<80xi32, #tpu.memory_space<vmem>>, vector<16xi32>,
    %swap3A_113 = vector.shape_cast %swap3A_112 : vector<16xi32> to vector<16xi32>
    %swap3A_114 = vector.shape_cast %shift_right_logical3A_110 : vector<16xi32> to vector<16xi32>
    tpu.vector_store %arg10[%swap3A_111], %swap3A_114 {strides = array<i32>} : memref<80xi32, #tpu.memory_space<vmem>>, vector<16xi32>,
    %get3A_115 = arith.constant 1 : i32
    %get3A_116 = arith.index_cast %get3A_115 : i32 to index
    %get3A_117 = arith.constant 16 : index
    %get3A_118 = tpu.vector_load %arg5[%get3A_116, %get3A_117] {strides = array<i32>} : memref<126x80xi32, #tpu.memory_space<vmem>>, vector<1x16xi32>,
    %get3A_119 = vector.shape_cast %get3A_118 : vector<1x16xi32> to vector<16xi32>
    %and3A_120 = arith.constant 16383 : i32
    %and3A_121 = vector.broadcast %and3A_120 : i32 to vector<16xi32>
    %and3A_122 = arith.andi %get3A_119, %and3A_121 : vector<16xi32>
    %swap3A_123 = arith.constant 16 : index
    %swap3A_124 = tpu.vector_load %arg7[%swap3A_123] {strides = array<i32>} : memref<80xi32, #tpu.memory_space<vmem>>, vector<16xi32>,
    %swap3A_125 = vector.shape_cast %swap3A_124 : vector<16xi32> to vector<16xi32>
    %swap3A_126 = vector.shape_cast %and3A_122 : vector<16xi32> to vector<16xi32>
    tpu.vector_store %arg7[%swap3A_123], %swap3A_126 {strides = array<i32>} : memref<80xi32, #tpu.memory_space<vmem>>, vector<16xi32>,
    %shift_right_logical3A_127 = arith.constant 14 : i32
    %shift_right_logical3A_128 = vector.broadcast %shift_right_logical3A_127 : i32 to vector<16xi32>
    %shift_right_logical3A_129 = arith.shrui %get3A_119, %shift_right_logical3A_128 : vector<16xi32>
    %swap3A_130 = arith.constant 16 : index
    %swap3A_131 = tpu.vector_load %arg10[%swap3A_130] {strides = array<i32>} : memref<80xi32, #tpu.memory_space<vmem>>, vector<16xi32>,
    %swap3A_132 = vector.shape_cast %swap3A_131 : vector<16xi32> to vector<16xi32>
    %swap3A_133 = vector.shape_cast %shift_right_logical3A_129 : vector<16xi32> to vector<16xi32>
    tpu.vector_store %arg10[%swap3A_130], %swap3A_133 {strides = array<i32>} : memref<80xi32, #tpu.memory_space<vmem>>, vector<16xi32>,
    %get3A_134 = arith.constant 1 : i32
    %get3A_135 = arith.index_cast %get3A_134 : i32 to index
    %get3A_136 = arith.constant 32 : index
    %get3A_137 = tpu.vector_load %arg5[%get3A_135, %get3A_136] {strides = array<i32>} : memref<126x80xi32, #tpu.memory_space<vmem>>, vector<1x16xi32>,
    %get3A_138 = vector.shape_cast %get3A_137 : vector<1x16xi32> to vector<16xi32>
    %and3A_139 = arith.constant 16383 : i32
    %and3A_140 = vector.broadcast %and3A_139 : i32 to vector<16xi32>
    %and3A_141 = arith.andi %get3A_138, %and3A_140 : vector<16xi32>
    %swap3A_142 = arith.constant 32 : index
    %swap3A_143 = tpu.vector_load %arg7[%swap3A_142] {strides = array<i32>} : memref<80xi32, #tpu.memory_space<vmem>>, vector<16xi32>,
    %swap3A_144 = vector.shape_cast %swap3A_143 : vector<16xi32> to vector<16xi32>
    %swap3A_145 = vector.shape_cast %and3A_141 : vector<16xi32> to vector<16xi32>
    tpu.vector_store %arg7[%swap3A_142], %swap3A_145 {strides = array<i32>} : memref<80xi32, #tpu.memory_space<vmem>>, vector<16xi32>,
    %shift_right_logical3A_146 = arith.constant 14 : i32
    %shift_right_logical3A_147 = vector.broadcast %shift_right_logical3A_146 : i32 to vector<16xi32>
    %shift_right_logical3A_148 = arith.shrui %get3A_138, %shift_right_logical3A_147 : vector<16xi32>
    %swap3A_149 = arith.constant 32 : index
    %swap3A_150 = tpu.vector_load %arg10[%swap3A_149] {strides = array<i32>} : memref<80xi32, #tpu.memory_space<vmem>>, vector<16xi32>,
    %swap3A_151 = vector.shape_cast %swap3A_150 : vector<16xi32> to vector<16xi32>
    %swap3A_152 = vector.shape_cast %shift_right_logical3A_148 : vector<16xi32> to vector<16xi32>
    tpu.vector_store %arg10[%swap3A_149], %swap3A_152 {strides = array<i32>} : memref<80xi32, #tpu.memory_space<vmem>>, vector<16xi32>,
    %get3A_153 = arith.constant 1 : i32
    %get3A_154 = arith.index_cast %get3A_153 : i32 to index
    %get3A_155 = arith.constant 48 : index
    %get3A_156 = tpu.vector_load %arg5[%get3A_154, %get3A_155] {strides = array<i32>} : memref<126x80xi32, #tpu.memory_space<vmem>>, vector<1x16xi32>,
    %get3A_157 = vector.shape_cast %get3A_156 : vector<1x16xi32> to vector<16xi32>
    %and3A_158 = arith.constant 16383 : i32
    %and3A_159 = vector.broadcast %and3A_158 : i32 to vector<16xi32>
    %and3A_160 = arith.andi %get3A_157, %and3A_159 : vector<16xi32>
    %swap3A_161 = arith.constant 48 : index
    %swap3A_162 = tpu.vector_load %arg7[%swap3A_161] {strides = array<i32>} : memref<80xi32, #tpu.memory_space<vmem>>, vector<16xi32>,
    %swap3A_163 = vector.shape_cast %swap3A_162 : vector<16xi32> to vector<16xi32>
    %swap3A_164 = vector.shape_cast %and3A_160 : vector<16xi32> to vector<16xi32>
    tpu.vector_store %arg7[%swap3A_161], %swap3A_164 {strides = array<i32>} : memref<80xi32, #tpu.memory_space<vmem>>, vector<16xi32>,
    %shift_right_logical3A_165 = arith.constant 14 : i32
    %shift_right_logical3A_166 = vector.broadcast %shift_right_logical3A_165 : i32 to vector<16xi32>
    %shift_right_logical3A_167 = arith.shrui %get3A_157, %shift_right_logical3A_166 : vector<16xi32>
    %swap3A_168 = arith.constant 48 : index
    %swap3A_169 = tpu.vector_load %arg10[%swap3A_168] {strides = array<i32>} : memref<80xi32, #tpu.memory_space<vmem>>, vector<16xi32>,
    %swap3A_170 = vector.shape_cast %swap3A_169 : vector<16xi32> to vector<16xi32>
    %swap3A_171 = vector.shape_cast %shift_right_logical3A_167 : vector<16xi32> to vector<16xi32>
    tpu.vector_store %arg10[%swap3A_168], %swap3A_171 {strides = array<i32>} : memref<80xi32, #tpu.memory_space<vmem>>, vector<16xi32>,
    %get3A_172 = arith.constant 1 : i32
    %get3A_173 = arith.index_cast %get3A_172 : i32 to index
    %get3A_174 = arith.constant 64 : index
    %get3A_175 = tpu.vector_load %arg5[%get3A_173, %get3A_174] {strides = array<i32>} : memref<126x80xi32, #tpu.memory_space<vmem>>, vector<1x16xi32>,
    %get3A_176 = vector.shape_cast %get3A_175 : vector<1x16xi32> to vector<16xi32>
    %and3A_177 = arith.constant 16383 : i32
    %and3A_178 = vector.broadcast %and3A_177 : i32 to vector<16xi32>
    %and3A_179 = arith.andi %get3A_176, %and3A_178 : vector<16xi32>
    %swap3A_180 = arith.constant 64 : index
    %swap3A_181 = tpu.vector_load %arg7[%swap3A_180] {strides = array<i32>} : memref<80xi32, #tpu.memory_space<vmem>>, vector<16xi32>,
    %swap3A_182 = vector.shape_cast %swap3A_181 : vector<16xi32> to vector<16xi32>
    %swap3A_183 = vector.shape_cast %and3A_179 : vector<16xi32> to vector<16xi32>
    tpu.vector_store %arg7[%swap3A_180], %swap3A_183 {strides = array<i32>} : memref<80xi32, #tpu.memory_space<vmem>>, vector<16xi32>,
    %shift_right_logical3A_184 = arith.constant 14 : i32
    %shift_right_logical3A_185 = vector.broadcast %shift_right_logical3A_184 : i32 to vector<16xi32>
    %shift_right_logical3A_186 = arith.shrui %get3A_176, %shift_right_logical3A_185 : vector<16xi32>
    %swap3A_187 = arith.constant 64 : index
    %swap3A_188 = tpu.vector_load %arg10[%swap3A_187] {strides = array<i32>} : memref<80xi32, #tpu.memory_space<vmem>>, vector<16xi32>,
    %swap3A_189 = vector.shape_cast %swap3A_188 : vector<16xi32> to vector<16xi32>
    %swap3A_190 = vector.shape_cast %shift_right_logical3A_186 : vector<16xi32> to vector<16xi32>
    tpu.vector_store %arg10[%swap3A_187], %swap3A_190 {strides = array<i32>} : memref<80xi32, #tpu.memory_space<vmem>>, vector<16xi32>,
    %dma_start3A_191 = arith.constant 0 : i32
    %dma_start3A_192 = arith.constant 0 : i32
    %dma_start3A_193 = tpu.memref_slice %arg2[%dma_start3A_191, %dma_start3A_192] : memref<10000x128xf32, #tpu.memory_space<hbm>> -> memref<10000x128xf32, #tpu.memory_space<hbm>>
    tpu.enqueue_indirect_dma source(%dma_start3A_193 : memref<10000x128xf32, #tpu.memory_space<hbm>>) target(%arg13 : memref<80x128xf32, #tpu.memory_space<vmem>>) offsets(%arg7 : memref<80xi32, #tpu.memory_space<vmem>>) semaphore(%arg16 : memref<!tpu.dma_semaphore, #tpu.memory_space<semaphore_mem>>)
    %broadcast_in_dim3A = arith.constant 0.000000e+00 : f32
    %broadcast_in_dim3A_194 = vector.broadcast %broadcast_in_dim3A : f32 to vector<16xf32>
    %scan3A = arith.constant 0 : i32
    %scan3A_195 = arith.constant 80 : i32
    %scan3A_196 = arith.addi %scan3A, %scan3A_195 : i32
    %scan3A_197 = arith.constant 1 : i32
    scf.for %scan3A_220 = %scan3A to %scan3A_196 step %scan3A_197  : i32 {
      %mul3A_221 = arith.constant 1 : i32
      %mul3A_222 = arith.muli %scan3A_220, %mul3A_221 : i32
      %add3A_223 = arith.constant 0 : i32
      %add3A_224 = arith.addi %add3A_223, %mul3A_222 : i32
      %swap3A_225 = arith.index_cast %add3A_224 : i32 to index
      %swap3A_226 = arith.constant 0 : index
      %swap3A_227 = tpu.vector_load %arg14[%swap3A_225, %swap3A_226] {strides = array<i32>} : memref<80x128xf32, #tpu.memory_space<vmem>>, vector<1x16xf32>,
      %swap3A_228 = vector.shape_cast %swap3A_227 : vector<1x16xf32> to vector<16xf32>
      %swap3A_229 = vector.shape_cast %broadcast_in_dim3A_194 : vector<16xf32> to vector<1x16xf32>
      tpu.vector_store %arg14[%swap3A_225, %swap3A_226], %swap3A_229 {strides = array<i32>} : memref<80x128xf32, #tpu.memory_space<vmem>>, vector<1x16xf32>,
      %swap3A_230 = arith.index_cast %add3A_224 : i32 to index
      %swap3A_231 = arith.constant 16 : index
      %swap3A_232 = tpu.vector_load %arg14[%swap3A_230, %swap3A_231] {strides = array<i32>} : memref<80x128xf32, #tpu.memory_space<vmem>>, vector<1x16xf32>,
      %swap3A_233 = vector.shape_cast %swap3A_232 : vector<1x16xf32> to vector<16xf32>
      %swap3A_234 = vector.shape_cast %broadcast_in_dim3A_194 : vector<16xf32> to vector<1x16xf32>
      tpu.vector_store %arg14[%swap3A_230, %swap3A_231], %swap3A_234 {strides = array<i32>} : memref<80x128xf32, #tpu.memory_space<vmem>>, vector<1x16xf32>,
      %swap3A_235 = arith.index_cast %add3A_224 : i32 to index
      %swap3A_236 = arith.constant 32 : index
      %swap3A_237 = tpu.vector_load %arg14[%swap3A_235, %swap3A_236] {strides = array<i32>} : memref<80x128xf32, #tpu.memory_space<vmem>>, vector<1x16xf32>,
      %swap3A_238 = vector.shape_cast %swap3A_237 : vector<1x16xf32> to vector<16xf32>
      %swap3A_239 = vector.shape_cast %broadcast_in_dim3A_194 : vector<16xf32> to vector<1x16xf32>
      tpu.vector_store %arg14[%swap3A_235, %swap3A_236], %swap3A_239 {strides = array<i32>} : memref<80x128xf32, #tpu.memory_space<vmem>>, vector<1x16xf32>,
      %swap3A_240 = arith.index_cast %add3A_224 : i32 to index
      %swap3A_241 = arith.constant 48 : index
      %swap3A_242 = tpu.vector_load %arg14[%swap3A_240, %swap3A_241] {strides = array<i32>} : memref<80x128xf32, #tpu.memory_space<vmem>>, vector<1x16xf32>,
      %swap3A_243 = vector.shape_cast %swap3A_242 : vector<1x16xf32> to vector<16xf32>
      %swap3A_244 = vector.shape_cast %broadcast_in_dim3A_194 : vector<16xf32> to vector<1x16xf32>
      tpu.vector_store %arg14[%swap3A_240, %swap3A_241], %swap3A_244 {strides = array<i32>} : memref<80x128xf32, #tpu.memory_space<vmem>>, vector<1x16xf32>,
      %swap3A_245 = arith.index_cast %add3A_224 : i32 to index
      %swap3A_246 = arith.constant 64 : index
      %swap3A_247 = tpu.vector_load %arg14[%swap3A_245, %swap3A_246] {strides = array<i32>} : memref<80x128xf32, #tpu.memory_space<vmem>>, vector<1x16xf32>,
      %swap3A_248 = vector.shape_cast %swap3A_247 : vector<1x16xf32> to vector<16xf32>
      %swap3A_249 = vector.shape_cast %broadcast_in_dim3A_194 : vector<16xf32> to vector<1x16xf32>
      tpu.vector_store %arg14[%swap3A_245, %swap3A_246], %swap3A_249 {strides = array<i32>} : memref<80x128xf32, #tpu.memory_space<vmem>>, vector<1x16xf32>,
      %swap3A_250 = arith.index_cast %add3A_224 : i32 to index
      %swap3A_251 = arith.constant 80 : index
      %swap3A_252 = tpu.vector_load %arg14[%swap3A_250, %swap3A_251] {strides = array<i32>} : memref<80x128xf32, #tpu.memory_space<vmem>>, vector<1x16xf32>,
      %swap3A_253 = vector.shape_cast %swap3A_252 : vector<1x16xf32> to vector<16xf32>
      %swap3A_254 = vector.shape_cast %broadcast_in_dim3A_194 : vector<16xf32> to vector<1x16xf32>
      tpu.vector_store %arg14[%swap3A_250, %swap3A_251], %swap3A_254 {strides = array<i32>} : memref<80x128xf32, #tpu.memory_space<vmem>>, vector<1x16xf32>,
      %swap3A_255 = arith.index_cast %add3A_224 : i32 to index
      %swap3A_256 = arith.constant 96 : index
      %swap3A_257 = tpu.vector_load %arg14[%swap3A_255, %swap3A_256] {strides = array<i32>} : memref<80x128xf32, #tpu.memory_space<vmem>>, vector<1x16xf32>,
      %swap3A_258 = vector.shape_cast %swap3A_257 : vector<1x16xf32> to vector<16xf32>
      %swap3A_259 = vector.shape_cast %broadcast_in_dim3A_194 : vector<16xf32> to vector<1x16xf32>
      tpu.vector_store %arg14[%swap3A_255, %swap3A_256], %swap3A_259 {strides = array<i32>} : memref<80x128xf32, #tpu.memory_space<vmem>>, vector<1x16xf32>,
      %swap3A_260 = arith.index_cast %add3A_224 : i32 to index
      %swap3A_261 = arith.constant 112 : index
      %swap3A_262 = tpu.vector_load %arg14[%swap3A_260, %swap3A_261] {strides = array<i32>} : memref<80x128xf32, #tpu.memory_space<vmem>>, vector<1x16xf32>,
      %swap3A_263 = vector.shape_cast %swap3A_262 : vector<1x16xf32> to vector<16xf32>
      %swap3A_264 = vector.shape_cast %broadcast_in_dim3A_194 : vector<16xf32> to vector<1x16xf32>
      tpu.vector_store %arg14[%swap3A_260, %swap3A_261], %swap3A_264 {strides = array<i32>} : memref<80x128xf32, #tpu.memory_space<vmem>>, vector<1x16xf32>,
    }
    %scan3A_198 = arith.constant 80 : i32
    %scan3A_199 = arith.constant 0 : i32
    %scan3A_200 = arith.constant 7 : i32
    %scan3A_201 = arith.addi %scan3A_199, %scan3A_200 : i32
    %scan3A_202 = arith.constant 1 : i32
    scf.for %scan3A_220 = %scan3A_199 to %scan3A_201 step %scan3A_202  : i32 {
      %mul3A_221 = arith.constant 1 : i32
      %mul3A_222 = arith.muli %scan3A_220, %mul3A_221 : i32
      %add3A_223 = arith.constant 0 : i32
      %add3A_224 = arith.addi %add3A_223, %mul3A_222 : i32
      %mul3A_225 = arith.constant 80 : i32
      %mul3A_226 = arith.muli %add3A_224, %mul3A_225 : i32
      %add3A_227 = arith.addi %mul3A_2, %mul3A_226 : i32
      "tpu.region"() ({
        %run_scoped3A = tpu.sem_alloc : memref<!tpu.dma_semaphore, #tpu.memory_space<semaphore_mem>>
        %dma_start3A_228 = arith.constant 0 : i32
        %dma_start3A_229 = tpu.memref_slice %arg21[%add3A_227, %dma_start3A_228] : memref<10112x128xf32, #tpu.memory_space<vmem_shared>> -> memref<80x128xf32, #tpu.memory_space<vmem_shared>>
        %dma_start3A_230 = arith.constant 0 : i32
        %dma_start3A_231 = tpu.memref_slice %arg21[%add3A_227, %dma_start3A_230] : memref<10112x128xf32, #tpu.memory_space<vmem_shared>> -> memref<80x128xf32, #tpu.memory_space<vmem_shared>>
        tpu.enqueue_dma source(%arg14 : memref<80x128xf32, #tpu.memory_space<vmem>>) target(%dma_start3A_231 : memref<80x128xf32, #tpu.memory_space<vmem_shared>>) target_semaphore(%run_scoped3A : memref<!tpu.dma_semaphore, #tpu.memory_space<semaphore_mem>>)
        %dma_wait3A_232 = arith.constant 0 : i32
        %dma_wait3A_233 = tpu.memref_slice %arg21[%add3A_227, %dma_wait3A_232] : memref<10112x128xf32, #tpu.memory_space<vmem_shared>> -> memref<80x128xf32, #tpu.memory_space<vmem_shared>>
        %dma_wait3A_234 = arith.constant 0 : i32
        %dma_wait3A_235 = tpu.memref_slice %arg21[%add3A_227, %dma_wait3A_234] : memref<10112x128xf32, #tpu.memory_space<vmem_shared>> -> memref<80x128xf32, #tpu.memory_space<vmem_shared>>
        tpu.wait_dma2 semaphore(%run_scoped3A : memref<!tpu.dma_semaphore, #tpu.memory_space<semaphore_mem>>) src(%arg14 : memref<80x128xf32, #tpu.memory_space<vmem>>) dst(%dma_wait3A_235 : memref<80x128xf32, #tpu.memory_space<vmem_shared>>)
        tpu.yield
      }) : () -> ()
    }
    %scan3A_203 = arith.constant 7 : i32
    %add3A_204 = arith.constant 560 : i32
    %add3A_205 = arith.addi %mul3A_2, %add3A_204 : i32
    "tpu.region"() ({
      %run_scoped3A = tpu.sem_alloc : memref<!tpu.dma_semaphore, #tpu.memory_space<semaphore_mem>>
      %dma_start3A_220 = arith.constant 0 : i32
      %dma_start3A_221 = arith.constant 0 : i32
      %dma_start3A_222 = tpu.memref_slice %arg14[%dma_start3A_220, %dma_start3A_221] : memref<80x128xf32, #tpu.memory_space<vmem>> -> memref<72x128xf32, #tpu.memory_space<vmem>>
      %dma_start3A_223 = arith.constant 0 : i32
      %dma_start3A_224 = tpu.memref_slice %arg21[%add3A_205, %dma_start3A_223] : memref<10112x128xf32, #tpu.memory_space<vmem_shared>> -> memref<72x128xf32, #tpu.memory_space<vmem_shared>>
      %dma_start3A_225 = arith.constant 0 : i32
      %dma_start3A_226 = tpu.memref_slice %arg21[%add3A_205, %dma_start3A_225] : memref<10112x128xf32, #tpu.memory_space<vmem_shared>> -> memref<72x128xf32, #tpu.memory_space<vmem_shared>>
      %dma_start3A_227 = arith.constant 0 : i32
      %dma_start3A_228 = arith.constant 0 : i32
      %dma_start3A_229 = tpu.memref_slice %arg14[%dma_start3A_227, %dma_start3A_228] : memref<80x128xf32, #tpu.memory_space<vmem>> -> memref<72x128xf32, #tpu.memory_space<vmem>>
      tpu.enqueue_dma source(%dma_start3A_229 : memref<72x128xf32, #tpu.memory_space<vmem>>) target(%dma_start3A_226 : memref<72x128xf32, #tpu.memory_space<vmem_shared>>) target_semaphore(%run_scoped3A : memref<!tpu.dma_semaphore, #tpu.memory_space<semaphore_mem>>)
      %dma_wait3A_230 = arith.constant 0 : i32
      %dma_wait3A_231 = arith.constant 0 : i32
      %dma_wait3A_232 = tpu.memref_slice %arg14[%dma_wait3A_230, %dma_wait3A_231] : memref<80x128xf32, #tpu.memory_space<vmem>> -> memref<72x128xf32, #tpu.memory_space<vmem>>
      %dma_wait3A_233 = arith.constant 0 : i32
      %dma_wait3A_234 = tpu.memref_slice %arg21[%add3A_205, %dma_wait3A_233] : memref<10112x128xf32, #tpu.memory_space<vmem_shared>> -> memref<72x128xf32, #tpu.memory_space<vmem_shared>>
      %dma_wait3A_235 = arith.constant 0 : i32
      %dma_wait3A_236 = tpu.memref_slice %arg21[%add3A_205, %dma_wait3A_235] : memref<10112x128xf32, #tpu.memory_space<vmem_shared>> -> memref<72x128xf32, #tpu.memory_space<vmem_shared>>
      %dma_wait3A_237 = arith.constant 0 : i32
      %dma_wait3A_238 = arith.constant 0 : i32
      %dma_wait3A_239 = tpu.memref_slice %arg14[%dma_wait3A_237, %dma_wait3A_238] : memref<80x128xf32, #tpu.memory_space<vmem>> -> memref<72x128xf32, #tpu.memory_space<vmem>>
      tpu.wait_dma2 semaphore(%run_scoped3A : memref<!tpu.dma_semaphore, #tpu.memory_space<semaphore_mem>>) src(%dma_wait3A_239 : memref<72x128xf32, #tpu.memory_space<vmem>>) dst(%dma_wait3A_236 : memref<72x128xf32, #tpu.memory_space<vmem_shared>>)
      tpu.yield
    }) : () -> ()
    %barrier3A = arith.constant 0 : index
    tpu.barrier barrier_id(%barrier3A)
    %scan3A_206 = arith.constant 0 : i32
    %scan3A_207 = arith.constant 42 : i32
    %scan3A_208 = arith.addi %scan3A_206, %scan3A_207 : i32
    %scan3A_209 = arith.constant 1 : i32
    scf.for %scan3A_220 = %scan3A_206 to %scan3A_208 step %scan3A_209  : i32 {
      %mul3A_221 = arith.constant 1 : i32
      %mul3A_222 = arith.muli %scan3A_220, %mul3A_221 : i32
      %add3A_223 = arith.constant 0 : i32
      %add3A_224 = arith.addi %add3A_223, %mul3A_222 : i32
      %mul3A_225 = arith.constant 3 : i32
      %mul3A_226 = arith.muli %add3A_224, %mul3A_225 : i32
      %add3A_227 = arith.constant 0 : i32
      %add3A_228 = arith.addi %mul3A_226, %add3A_227 : i32
      %add3A_229 = arith.constant 3 : i32
      %add3A_230 = arith.addi %add3A_228, %add3A_229 : i32
      %sub3A = arith.constant 1 : i32
      %sub3A_231 = arith.subi %add3A_230, %sub3A : i32
      %lt3A = arith.constant 126 : i32
      %lt3A_232 = arith.cmpi slt, %sub3A_231, %lt3A : i32
      %convert_element_type3A = arith.extui %lt3A_232 : i1 to i32
      %cond3A = arith.constant 0 : i32
      %cond3A_233 = arith.cmpi ne, %convert_element_type3A, %cond3A : i32
      scf.if %cond3A_233 {
        %ge3A = arith.constant 3 : i32
        %ge3A_274 = arith.cmpi sge, %sub3A_231, %ge3A : i32
        %convert_element_type3A_275 = arith.extui %ge3A_274 : i1 to i32
        %cond3A_276 = arith.constant 0 : i32
        %cond3A_277 = arith.cmpi ne, %convert_element_type3A_275, %cond3A_276 : i32
        scf.if %cond3A_277 {
          %dma_wait3A_371 = arith.constant 0 : i32
          %dma_wait3A_372 = arith.constant 0 : i32
          %dma_wait3A_373 = tpu.memref_slice %arg21[%dma_wait3A_371, %dma_wait3A_372] : memref<10112x128xf32, #tpu.memory_space<vmem_shared>> -> memref<10112x128xf32, #tpu.memory_space<vmem_shared>>
          tpu.wait_indirect_dma semaphore(%arg20 : memref<!tpu.dma_semaphore, #tpu.memory_space<semaphore_mem>>) src(%arg14 : memref<80x128xf32, #tpu.memory_space<vmem>>) dst(%dma_wait3A_373 : memref<10112x128xf32, #tpu.memory_space<vmem_shared>>)
        } else {
        }
        %get3A_278 = arith.index_cast %sub3A_231 : i32 to index
        %get3A_279 = arith.constant 0 : index
        %get3A_280 = tpu.vector_load %arg5[%get3A_278, %get3A_279] {strides = array<i32>} : memref<126x80xi32, #tpu.memory_space<vmem>>, vector<1x16xi32>,
        %get3A_281 = vector.shape_cast %get3A_280 : vector<1x16xi32> to vector<16xi32>
        %and3A_282 = arith.constant 16383 : i32
        %and3A_283 = vector.broadcast %and3A_282 : i32 to vector<16xi32>
        %and3A_284 = arith.andi %get3A_281, %and3A_283 : vector<16xi32>
        %swap3A_285 = arith.constant 0 : index
        %swap3A_286 = tpu.vector_load %arg8[%swap3A_285] {strides = array<i32>} : memref<80xi32, #tpu.memory_space<vmem>>, vector<16xi32>,
        %swap3A_287 = vector.shape_cast %swap3A_286 : vector<16xi32> to vector<16xi32>
        %swap3A_288 = vector.shape_cast %and3A_284 : vector<16xi32> to vector<16xi32>
        tpu.vector_store %arg8[%swap3A_285], %swap3A_288 {strides = array<i32>} : memref<80xi32, #tpu.memory_space<vmem>>, vector<16xi32>,
        %shift_right_logical3A_289 = arith.constant 14 : i32
        %shift_right_logical3A_290 = vector.broadcast %shift_right_logical3A_289 : i32 to vector<16xi32>
        %shift_right_logical3A_291 = arith.shrui %get3A_281, %shift_right_logical3A_290 : vector<16xi32>
        %swap3A_292 = arith.constant 0 : index
        %swap3A_293 = tpu.vector_load %arg11[%swap3A_292] {strides = array<i32>} : memref<80xi32, #tpu.memory_space<vmem>>, vector<16xi32>,
        %swap3A_294 = vector.shape_cast %swap3A_293 : vector<16xi32> to vector<16xi32>
        %swap3A_295 = vector.shape_cast %shift_right_logical3A_291 : vector<16xi32> to vector<16xi32>
        tpu.vector_store %arg11[%swap3A_292], %swap3A_295 {strides = array<i32>} : memref<80xi32, #tpu.memory_space<vmem>>, vector<16xi32>,
        %get3A_296 = arith.index_cast %sub3A_231 : i32 to index
        %get3A_297 = arith.constant 16 : index
        %get3A_298 = tpu.vector_load %arg5[%get3A_296, %get3A_297] {strides = array<i32>} : memref<126x80xi32, #tpu.memory_space<vmem>>, vector<1x16xi32>,
        %get3A_299 = vector.shape_cast %get3A_298 : vector<1x16xi32> to vector<16xi32>
        %and3A_300 = arith.constant 16383 : i32
        %and3A_301 = vector.broadcast %and3A_300 : i32 to vector<16xi32>
        %and3A_302 = arith.andi %get3A_299, %and3A_301 : vector<16xi32>
        %swap3A_303 = arith.constant 16 : index
        %swap3A_304 = tpu.vector_load %arg8[%swap3A_303] {strides = array<i32>} : memref<80xi32, #tpu.memory_space<vmem>>, vector<16xi32>,
        %swap3A_305 = vector.shape_cast %swap3A_304 : vector<16xi32> to vector<16xi32>
        %swap3A_306 = vector.shape_cast %and3A_302 : vector<16xi32> to vector<16xi32>
        tpu.vector_store %arg8[%swap3A_303], %swap3A_306 {strides = array<i32>} : memref<80xi32, #tpu.memory_space<vmem>>, vector<16xi32>,
        %shift_right_logical3A_307 = arith.constant 14 : i32
        %shift_right_logical3A_308 = vector.broadcast %shift_right_logical3A_307 : i32 to vector<16xi32>
        %shift_right_logical3A_309 = arith.shrui %get3A_299, %shift_right_logical3A_308 : vector<16xi32>
        %swap3A_310 = arith.constant 16 : index
        %swap3A_311 = tpu.vector_load %arg11[%swap3A_310] {strides = array<i32>} : memref<80xi32, #tpu.memory_space<vmem>>, vector<16xi32>,
        %swap3A_312 = vector.shape_cast %swap3A_311 : vector<16xi32> to vector<16xi32>
        %swap3A_313 = vector.shape_cast %shift_right_logical3A_309 : vector<16xi32> to vector<16xi32>
        tpu.vector_store %arg11[%swap3A_310], %swap3A_313 {strides = array<i32>} : memref<80xi32, #tpu.memory_space<vmem>>, vector<16xi32>,
        %get3A_314 = arith.index_cast %sub3A_231 : i32 to index
        %get3A_315 = arith.constant 32 : index
        %get3A_316 = tpu.vector_load %arg5[%get3A_314, %get3A_315] {strides = array<i32>} : memref<126x80xi32, #tpu.memory_space<vmem>>, vector<1x16xi32>,
        %get3A_317 = vector.shape_cast %get3A_316 : vector<1x16xi32> to vector<16xi32>
        %and3A_318 = arith.constant 16383 : i32
        %and3A_319 = vector.broadcast %and3A_318 : i32 to vector<16xi32>
        %and3A_320 = arith.andi %get3A_317, %and3A_319 : vector<16xi32>
        %swap3A_321 = arith.constant 32 : index
        %swap3A_322 = tpu.vector_load %arg8[%swap3A_321] {strides = array<i32>} : memref<80xi32, #tpu.memory_space<vmem>>, vector<16xi32>,
        %swap3A_323 = vector.shape_cast %swap3A_322 : vector<16xi32> to vector<16xi32>
        %swap3A_324 = vector.shape_cast %and3A_320 : vector<16xi32> to vector<16xi32>
        tpu.vector_store %arg8[%swap3A_321], %swap3A_324 {strides = array<i32>} : memref<80xi32, #tpu.memory_space<vmem>>, vector<16xi32>,
        %shift_right_logical3A_325 = arith.constant 14 : i32
        %shift_right_logical3A_326 = vector.broadcast %shift_right_logical3A_325 : i32 to vector<16xi32>
        %shift_right_logical3A_327 = arith.shrui %get3A_317, %shift_right_logical3A_326 : vector<16xi32>
        %swap3A_328 = arith.constant 32 : index
        %swap3A_329 = tpu.vector_load %arg11[%swap3A_328] {strides = array<i32>} : memref<80xi32, #tpu.memory_space<vmem>>, vector<16xi32>,
        %swap3A_330 = vector.shape_cast %swap3A_329 : vector<16xi32> to vector<16xi32>
        %swap3A_331 = vector.shape_cast %shift_right_logical3A_327 : vector<16xi32> to vector<16xi32>
        tpu.vector_store %arg11[%swap3A_328], %swap3A_331 {strides = array<i32>} : memref<80xi32, #tpu.memory_space<vmem>>, vector<16xi32>,
        %get3A_332 = arith.index_cast %sub3A_231 : i32 to index
        %get3A_333 = arith.constant 48 : index
        %get3A_334 = tpu.vector_load %arg5[%get3A_332, %get3A_333] {strides = array<i32>} : memref<126x80xi32, #tpu.memory_space<vmem>>, vector<1x16xi32>,
        %get3A_335 = vector.shape_cast %get3A_334 : vector<1x16xi32> to vector<16xi32>
        %and3A_336 = arith.constant 16383 : i32
        %and3A_337 = vector.broadcast %and3A_336 : i32 to vector<16xi32>
        %and3A_338 = arith.andi %get3A_335, %and3A_337 : vector<16xi32>
        %swap3A_339 = arith.constant 48 : index
        %swap3A_340 = tpu.vector_load %arg8[%swap3A_339] {strides = array<i32>} : memref<80xi32, #tpu.memory_space<vmem>>, vector<16xi32>,
        %swap3A_341 = vector.shape_cast %swap3A_340 : vector<16xi32> to vector<16xi32>
        %swap3A_342 = vector.shape_cast %and3A_338 : vector<16xi32> to vector<16xi32>
        tpu.vector_store %arg8[%swap3A_339], %swap3A_342 {strides = array<i32>} : memref<80xi32, #tpu.memory_space<vmem>>, vector<16xi32>,
        %shift_right_logical3A_343 = arith.constant 14 : i32
        %shift_right_logical3A_344 = vector.broadcast %shift_right_logical3A_343 : i32 to vector<16xi32>
        %shift_right_logical3A_345 = arith.shrui %get3A_335, %shift_right_logical3A_344 : vector<16xi32>
        %swap3A_346 = arith.constant 48 : index
        %swap3A_347 = tpu.vector_load %arg11[%swap3A_346] {strides = array<i32>} : memref<80xi32, #tpu.memory_space<vmem>>, vector<16xi32>,
        %swap3A_348 = vector.shape_cast %swap3A_347 : vector<16xi32> to vector<16xi32>
        %swap3A_349 = vector.shape_cast %shift_right_logical3A_345 : vector<16xi32> to vector<16xi32>
        tpu.vector_store %arg11[%swap3A_346], %swap3A_349 {strides = array<i32>} : memref<80xi32, #tpu.memory_space<vmem>>, vector<16xi32>,
        %get3A_350 = arith.index_cast %sub3A_231 : i32 to index
        %get3A_351 = arith.constant 64 : index
        %get3A_352 = tpu.vector_load %arg5[%get3A_350, %get3A_351] {strides = array<i32>} : memref<126x80xi32, #tpu.memory_space<vmem>>, vector<1x16xi32>,
        %get3A_353 = vector.shape_cast %get3A_352 : vector<1x16xi32> to vector<16xi32>
        %and3A_354 = arith.constant 16383 : i32
        %and3A_355 = vector.broadcast %and3A_354 : i32 to vector<16xi32>
        %and3A_356 = arith.andi %get3A_353, %and3A_355 : vector<16xi32>
        %swap3A_357 = arith.constant 64 : index
        %swap3A_358 = tpu.vector_load %arg8[%swap3A_357] {strides = array<i32>} : memref<80xi32, #tpu.memory_space<vmem>>, vector<16xi32>,
        %swap3A_359 = vector.shape_cast %swap3A_358 : vector<16xi32> to vector<16xi32>
        %swap3A_360 = vector.shape_cast %and3A_356 : vector<16xi32> to vector<16xi32>
        tpu.vector_store %arg8[%swap3A_357], %swap3A_360 {strides = array<i32>} : memref<80xi32, #tpu.memory_space<vmem>>, vector<16xi32>,
        %shift_right_logical3A_361 = arith.constant 14 : i32
        %shift_right_logical3A_362 = vector.broadcast %shift_right_logical3A_361 : i32 to vector<16xi32>
        %shift_right_logical3A_363 = arith.shrui %get3A_353, %shift_right_logical3A_362 : vector<16xi32>
        %swap3A_364 = arith.constant 64 : index
        %swap3A_365 = tpu.vector_load %arg11[%swap3A_364] {strides = array<i32>} : memref<80xi32, #tpu.memory_space<vmem>>, vector<16xi32>,
        %swap3A_366 = vector.shape_cast %swap3A_365 : vector<16xi32> to vector<16xi32>
        %swap3A_367 = vector.shape_cast %shift_right_logical3A_363 : vector<16xi32> to vector<16xi32>
        tpu.vector_store %arg11[%swap3A_364], %swap3A_367 {strides = array<i32>} : memref<80xi32, #tpu.memory_space<vmem>>, vector<16xi32>,
        %dma_start3A_368 = arith.constant 0 : i32
        %dma_start3A_369 = arith.constant 0 : i32
        %dma_start3A_370 = tpu.memref_slice %arg2[%dma_start3A_368, %dma_start3A_369] : memref<10000x128xf32, #tpu.memory_space<hbm>> -> memref<10000x128xf32, #tpu.memory_space<hbm>>
        tpu.enqueue_indirect_dma source(%dma_start3A_370 : memref<10000x128xf32, #tpu.memory_space<hbm>>) target(%arg14 : memref<80x128xf32, #tpu.memory_space<vmem>>) offsets(%arg8 : memref<80xi32, #tpu.memory_space<vmem>>) semaphore(%arg17 : memref<!tpu.dma_semaphore, #tpu.memory_space<semaphore_mem>>)
      } else {
      }
      %dma_wait3A_234 = arith.constant 0 : i32
      %dma_wait3A_235 = arith.constant 0 : i32
      %dma_wait3A_236 = tpu.memref_slice %arg2[%dma_wait3A_234, %dma_wait3A_235] : memref<10000x128xf32, #tpu.memory_space<hbm>> -> memref<10000x128xf32, #tpu.memory_space<hbm>>
      tpu.wait_indirect_dma semaphore(%arg15 : memref<!tpu.dma_semaphore, #tpu.memory_space<semaphore_mem>>) src(%dma_wait3A_236 : memref<10000x128xf32, #tpu.memory_space<hbm>>) dst(%arg12 : memref<80x128xf32, #tpu.memory_space<vmem>>)
      %dma_start3A_237 = arith.constant 0 : i32
      %dma_start3A_238 = arith.constant 0 : i32
      %dma_start3A_239 = tpu.memref_slice %arg21[%dma_start3A_237, %dma_start3A_238] : memref<10112x128xf32, #tpu.memory_space<vmem_shared>> -> memref<10112x128xf32, #tpu.memory_space<vmem_shared>>
      tpu.enqueue_indirect_dma source(%arg12 : memref<80x128xf32, #tpu.memory_space<vmem>>) target(%dma_start3A_239 : memref<10112x128xf32, #tpu.memory_space<vmem_shared>>) offsets(%arg9 : memref<80xi32, #tpu.memory_space<vmem>>) semaphore(%arg18 : memref<!tpu.dma_semaphore, #tpu.memory_space<semaphore_mem>>) {add = true}
      %add3A_240 = arith.constant 1 : i32
      %add3A_241 = arith.addi %mul3A_226, %add3A_240 : i32
      %add3A_242 = arith.constant 3 : i32
      %add3A_243 = arith.addi %add3A_241, %add3A_242 : i32
      %sub3A_244 = arith.constant 1 : i32
      %sub3A_245 = arith.subi %add3A_243, %sub3A_244 : i32
      %lt3A_246 = arith.constant 126 : i32
      %lt3A_247 = arith.cmpi slt, %sub3A_245, %lt3A_246 : i32
      %convert_element_type3A_248 = arith.extui %lt3A_247 : i1 to i32
      %cond3A_249 = arith.constant 0 : i32
      %cond3A_250 = arith.cmpi ne, %convert_element_type3A_248, %cond3A_249 : i32
      scf.if %cond3A_250 {
        %ge3A = arith.constant 3 : i32
        %ge3A_274 = arith.cmpi sge, %sub3A_245, %ge3A : i32
        %convert_element_type3A_275 = arith.extui %ge3A_274 : i1 to i32
        %cond3A_276 = arith.constant 0 : i32
        %cond3A_277 = arith.cmpi ne, %convert_element_type3A_275, %cond3A_276 : i32
        scf.if %cond3A_277 {
          %dma_wait3A_371 = arith.constant 0 : i32
          %dma_wait3A_372 = arith.constant 0 : i32
          %dma_wait3A_373 = tpu.memref_slice %arg21[%dma_wait3A_371, %dma_wait3A_372] : memref<10112x128xf32, #tpu.memory_space<vmem_shared>> -> memref<10112x128xf32, #tpu.memory_space<vmem_shared>>
          tpu.wait_indirect_dma semaphore(%arg18 : memref<!tpu.dma_semaphore, #tpu.memory_space<semaphore_mem>>) src(%arg12 : memref<80x128xf32, #tpu.memory_space<vmem>>) dst(%dma_wait3A_373 : memref<10112x128xf32, #tpu.memory_space<vmem_shared>>)
        } else {
        }
        %get3A_278 = arith.index_cast %sub3A_245 : i32 to index
        %get3A_279 = arith.constant 0 : index
        %get3A_280 = tpu.vector_load %arg5[%get3A_278, %get3A_279] {strides = array<i32>} : memref<126x80xi32, #tpu.memory_space<vmem>>, vector<1x16xi32>,
        %get3A_281 = vector.shape_cast %get3A_280 : vector<1x16xi32> to vector<16xi32>
        %and3A_282 = arith.constant 16383 : i32
        %and3A_283 = vector.broadcast %and3A_282 : i32 to vector<16xi32>
        %and3A_284 = arith.andi %get3A_281, %and3A_283 : vector<16xi32>
        %swap3A_285 = arith.constant 0 : index
        %swap3A_286 = tpu.vector_load %arg6[%swap3A_285] {strides = array<i32>} : memref<80xi32, #tpu.memory_space<vmem>>, vector<16xi32>,
        %swap3A_287 = vector.shape_cast %swap3A_286 : vector<16xi32> to vector<16xi32>
        %swap3A_288 = vector.shape_cast %and3A_284 : vector<16xi32> to vector<16xi32>
        tpu.vector_store %arg6[%swap3A_285], %swap3A_288 {strides = array<i32>} : memref<80xi32, #tpu.memory_space<vmem>>, vector<16xi32>,
        %shift_right_logical3A_289 = arith.constant 14 : i32
        %shift_right_logical3A_290 = vector.broadcast %shift_right_logical3A_289 : i32 to vector<16xi32>
        %shift_right_logical3A_291 = arith.shrui %get3A_281, %shift_right_logical3A_290 : vector<16xi32>
        %swap3A_292 = arith.constant 0 : index
        %swap3A_293 = tpu.vector_load %arg9[%swap3A_292] {strides = array<i32>} : memref<80xi32, #tpu.memory_space<vmem>>, vector<16xi32>,
        %swap3A_294 = vector.shape_cast %swap3A_293 : vector<16xi32> to vector<16xi32>
        %swap3A_295 = vector.shape_cast %shift_right_logical3A_291 : vector<16xi32> to vector<16xi32>
        tpu.vector_store %arg9[%swap3A_292], %swap3A_295 {strides = array<i32>} : memref<80xi32, #tpu.memory_space<vmem>>, vector<16xi32>,
        %get3A_296 = arith.index_cast %sub3A_245 : i32 to index
        %get3A_297 = arith.constant 16 : index
        %get3A_298 = tpu.vector_load %arg5[%get3A_296, %get3A_297] {strides = array<i32>} : memref<126x80xi32, #tpu.memory_space<vmem>>, vector<1x16xi32>,
        %get3A_299 = vector.shape_cast %get3A_298 : vector<1x16xi32> to vector<16xi32>
        %and3A_300 = arith.constant 16383 : i32
        %and3A_301 = vector.broadcast %and3A_300 : i32 to vector<16xi32>
        %and3A_302 = arith.andi %get3A_299, %and3A_301 : vector<16xi32>
        %swap3A_303 = arith.constant 16 : index
        %swap3A_304 = tpu.vector_load %arg6[%swap3A_303] {strides = array<i32>} : memref<80xi32, #tpu.memory_space<vmem>>, vector<16xi32>,
        %swap3A_305 = vector.shape_cast %swap3A_304 : vector<16xi32> to vector<16xi32>
        %swap3A_306 = vector.shape_cast %and3A_302 : vector<16xi32> to vector<16xi32>
        tpu.vector_store %arg6[%swap3A_303], %swap3A_306 {strides = array<i32>} : memref<80xi32, #tpu.memory_space<vmem>>, vector<16xi32>,
        %shift_right_logical3A_307 = arith.constant 14 : i32
        %shift_right_logical3A_308 = vector.broadcast %shift_right_logical3A_307 : i32 to vector<16xi32>
        %shift_right_logical3A_309 = arith.shrui %get3A_299, %shift_right_logical3A_308 : vector<16xi32>
        %swap3A_310 = arith.constant 16 : index
        %swap3A_311 = tpu.vector_load %arg9[%swap3A_310] {strides = array<i32>} : memref<80xi32, #tpu.memory_space<vmem>>, vector<16xi32>,
        %swap3A_312 = vector.shape_cast %swap3A_311 : vector<16xi32> to vector<16xi32>
        %swap3A_313 = vector.shape_cast %shift_right_logical3A_309 : vector<16xi32> to vector<16xi32>
        tpu.vector_store %arg9[%swap3A_310], %swap3A_313 {strides = array<i32>} : memref<80xi32, #tpu.memory_space<vmem>>, vector<16xi32>,
        %get3A_314 = arith.index_cast %sub3A_245 : i32 to index
        %get3A_315 = arith.constant 32 : index
        %get3A_316 = tpu.vector_load %arg5[%get3A_314, %get3A_315] {strides = array<i32>} : memref<126x80xi32, #tpu.memory_space<vmem>>, vector<1x16xi32>,
        %get3A_317 = vector.shape_cast %get3A_316 : vector<1x16xi32> to vector<16xi32>
        %and3A_318 = arith.constant 16383 : i32
        %and3A_319 = vector.broadcast %and3A_318 : i32 to vector<16xi32>
        %and3A_320 = arith.andi %get3A_317, %and3A_319 : vector<16xi32>
        %swap3A_321 = arith.constant 32 : index
        %swap3A_322 = tpu.vector_load %arg6[%swap3A_321] {strides = array<i32>} : memref<80xi32, #tpu.memory_space<vmem>>, vector<16xi32>,
        %swap3A_323 = vector.shape_cast %swap3A_322 : vector<16xi32> to vector<16xi32>
        %swap3A_324 = vector.shape_cast %and3A_320 : vector<16xi32> to vector<16xi32>
        tpu.vector_store %arg6[%swap3A_321], %swap3A_324 {strides = array<i32>} : memref<80xi32, #tpu.memory_space<vmem>>, vector<16xi32>,
        %shift_right_logical3A_325 = arith.constant 14 : i32
        %shift_right_logical3A_326 = vector.broadcast %shift_right_logical3A_325 : i32 to vector<16xi32>
        %shift_right_logical3A_327 = arith.shrui %get3A_317, %shift_right_logical3A_326 : vector<16xi32>
        %swap3A_328 = arith.constant 32 : index
        %swap3A_329 = tpu.vector_load %arg9[%swap3A_328] {strides = array<i32>} : memref<80xi32, #tpu.memory_space<vmem>>, vector<16xi32>,
        %swap3A_330 = vector.shape_cast %swap3A_329 : vector<16xi32> to vector<16xi32>
        %swap3A_331 = vector.shape_cast %shift_right_logical3A_327 : vector<16xi32> to vector<16xi32>
        tpu.vector_store %arg9[%swap3A_328], %swap3A_331 {strides = array<i32>} : memref<80xi32, #tpu.memory_space<vmem>>, vector<16xi32>,
        %get3A_332 = arith.index_cast %sub3A_245 : i32 to index
        %get3A_333 = arith.constant 48 : index
        %get3A_334 = tpu.vector_load %arg5[%get3A_332, %get3A_333] {strides = array<i32>} : memref<126x80xi32, #tpu.memory_space<vmem>>, vector<1x16xi32>,
        %get3A_335 = vector.shape_cast %get3A_334 : vector<1x16xi32> to vector<16xi32>
        %and3A_336 = arith.constant 16383 : i32
        %and3A_337 = vector.broadcast %and3A_336 : i32 to vector<16xi32>
        %and3A_338 = arith.andi %get3A_335, %and3A_337 : vector<16xi32>
        %swap3A_339 = arith.constant 48 : index
        %swap3A_340 = tpu.vector_load %arg6[%swap3A_339] {strides = array<i32>} : memref<80xi32, #tpu.memory_space<vmem>>, vector<16xi32>,
        %swap3A_341 = vector.shape_cast %swap3A_340 : vector<16xi32> to vector<16xi32>
        %swap3A_342 = vector.shape_cast %and3A_338 : vector<16xi32> to vector<16xi32>
        tpu.vector_store %arg6[%swap3A_339], %swap3A_342 {strides = array<i32>} : memref<80xi32, #tpu.memory_space<vmem>>, vector<16xi32>,
        %shift_right_logical3A_343 = arith.constant 14 : i32
        %shift_right_logical3A_344 = vector.broadcast %shift_right_logical3A_343 : i32 to vector<16xi32>
        %shift_right_logical3A_345 = arith.shrui %get3A_335, %shift_right_logical3A_344 : vector<16xi32>
        %swap3A_346 = arith.constant 48 : index
        %swap3A_347 = tpu.vector_load %arg9[%swap3A_346] {strides = array<i32>} : memref<80xi32, #tpu.memory_space<vmem>>, vector<16xi32>,
        %swap3A_348 = vector.shape_cast %swap3A_347 : vector<16xi32> to vector<16xi32>
        %swap3A_349 = vector.shape_cast %shift_right_logical3A_345 : vector<16xi32> to vector<16xi32>
        tpu.vector_store %arg9[%swap3A_346], %swap3A_349 {strides = array<i32>} : memref<80xi32, #tpu.memory_space<vmem>>, vector<16xi32>,
        %get3A_350 = arith.index_cast %sub3A_245 : i32 to index
        %get3A_351 = arith.constant 64 : index
        %get3A_352 = tpu.vector_load %arg5[%get3A_350, %get3A_351] {strides = array<i32>} : memref<126x80xi32, #tpu.memory_space<vmem>>, vector<1x16xi32>,
        %get3A_353 = vector.shape_cast %get3A_352 : vector<1x16xi32> to vector<16xi32>
        %and3A_354 = arith.constant 16383 : i32
        %and3A_355 = vector.broadcast %and3A_354 : i32 to vector<16xi32>
        %and3A_356 = arith.andi %get3A_353, %and3A_355 : vector<16xi32>
        %swap3A_357 = arith.constant 64 : index
        %swap3A_358 = tpu.vector_load %arg6[%swap3A_357] {strides = array<i32>} : memref<80xi32, #tpu.memory_space<vmem>>, vector<16xi32>,
        %swap3A_359 = vector.shape_cast %swap3A_358 : vector<16xi32> to vector<16xi32>
        %swap3A_360 = vector.shape_cast %and3A_356 : vector<16xi32> to vector<16xi32>
        tpu.vector_store %arg6[%swap3A_357], %swap3A_360 {strides = array<i32>} : memref<80xi32, #tpu.memory_space<vmem>>, vector<16xi32>,
        %shift_right_logical3A_361 = arith.constant 14 : i32
        %shift_right_logical3A_362 = vector.broadcast %shift_right_logical3A_361 : i32 to vector<16xi32>
        %shift_right_logical3A_363 = arith.shrui %get3A_353, %shift_right_logical3A_362 : vector<16xi32>
        %swap3A_364 = arith.constant 64 : index
        %swap3A_365 = tpu.vector_load %arg9[%swap3A_364] {strides = array<i32>} : memref<80xi32, #tpu.memory_space<vmem>>, vector<16xi32>,
        %swap3A_366 = vector.shape_cast %swap3A_365 : vector<16xi32> to vector<16xi32>
        %swap3A_367 = vector.shape_cast %shift_right_logical3A_363 : vector<16xi32> to vector<16xi32>
        tpu.vector_store %arg9[%swap3A_364], %swap3A_367 {strides = array<i32>} : memref<80xi32, #tpu.memory_space<vmem>>, vector<16xi32>,
        %dma_start3A_368 = arith.constant 0 : i32
        %dma_start3A_369 = arith.constant 0 : i32
        %dma_start3A_370 = tpu.memref_slice %arg2[%dma_start3A_368, %dma_start3A_369] : memref<10000x128xf32, #tpu.memory_space<hbm>> -> memref<10000x128xf32, #tpu.memory_space<hbm>>
        tpu.enqueue_indirect_dma source(%dma_start3A_370 : memref<10000x128xf32, #tpu.memory_space<hbm>>) target(%arg12 : memref<80x128xf32, #tpu.memory_space<vmem>>) offsets(%arg6 : memref<80xi32, #tpu.memory_space<vmem>>) semaphore(%arg15 : memref<!tpu.dma_semaphore, #tpu.memory_space<semaphore_mem>>)
      } else {
      }
      %dma_wait3A_251 = arith.constant 0 : i32
      %dma_wait3A_252 = arith.constant 0 : i32
      %dma_wait3A_253 = tpu.memref_slice %arg2[%dma_wait3A_251, %dma_wait3A_252] : memref<10000x128xf32, #tpu.memory_space<hbm>> -> memref<10000x128xf32, #tpu.memory_space<hbm>>
      tpu.wait_indirect_dma semaphore(%arg16 : memref<!tpu.dma_semaphore, #tpu.memory_space<semaphore_mem>>) src(%dma_wait3A_253 : memref<10000x128xf32, #tpu.memory_space<hbm>>) dst(%arg13 : memref<80x128xf32, #tpu.memory_space<vmem>>)
      %dma_start3A_254 = arith.constant 0 : i32
      %dma_start3A_255 = arith.constant 0 : i32
      %dma_start3A_256 = tpu.memref_slice %arg21[%dma_start3A_254, %dma_start3A_255] : memref<10112x128xf32, #tpu.memory_space<vmem_shared>> -> memref<10112x128xf32, #tpu.memory_space<vmem_shared>>
      tpu.enqueue_indirect_dma source(%arg13 : memref<80x128xf32, #tpu.memory_space<vmem>>) target(%dma_start3A_256 : memref<10112x128xf32, #tpu.memory_space<vmem_shared>>) offsets(%arg10 : memref<80xi32, #tpu.memory_space<vmem>>) semaphore(%arg19 : memref<!tpu.dma_semaphore, #tpu.memory_space<semaphore_mem>>) {add = true}
      %add3A_257 = arith.constant 2 : i32
      %add3A_258 = arith.addi %mul3A_226, %add3A_257 : i32
      %add3A_259 = arith.constant 3 : i32
      %add3A_260 = arith.addi %add3A_258, %add3A_259 : i32
      %sub3A_261 = arith.constant 1 : i32
      %sub3A_262 = arith.subi %add3A_260, %sub3A_261 : i32
      %lt3A_263 = arith.constant 126 : i32
      %lt3A_264 = arith.cmpi slt, %sub3A_262, %lt3A_263 : i32
      %convert_element_type3A_265 = arith.extui %lt3A_264 : i1 to i32
      %cond3A_266 = arith.constant 0 : i32
      %cond3A_267 = arith.cmpi ne, %convert_element_type3A_265, %cond3A_266 : i32
      scf.if %cond3A_267 {
        %ge3A = arith.constant 3 : i32
        %ge3A_274 = arith.cmpi sge, %sub3A_262, %ge3A : i32
        %convert_element_type3A_275 = arith.extui %ge3A_274 : i1 to i32
        %cond3A_276 = arith.constant 0 : i32
        %cond3A_277 = arith.cmpi ne, %convert_element_type3A_275, %cond3A_276 : i32
        scf.if %cond3A_277 {
          %dma_wait3A_371 = arith.constant 0 : i32
          %dma_wait3A_372 = arith.constant 0 : i32
          %dma_wait3A_373 = tpu.memref_slice %arg21[%dma_wait3A_371, %dma_wait3A_372] : memref<10112x128xf32, #tpu.memory_space<vmem_shared>> -> memref<10112x128xf32, #tpu.memory_space<vmem_shared>>
          tpu.wait_indirect_dma semaphore(%arg19 : memref<!tpu.dma_semaphore, #tpu.memory_space<semaphore_mem>>) src(%arg13 : memref<80x128xf32, #tpu.memory_space<vmem>>) dst(%dma_wait3A_373 : memref<10112x128xf32, #tpu.memory_space<vmem_shared>>)
        } else {
        }
        %get3A_278 = arith.index_cast %sub3A_262 : i32 to index
        %get3A_279 = arith.constant 0 : index
        %get3A_280 = tpu.vector_load %arg5[%get3A_278, %get3A_279] {strides = array<i32>} : memref<126x80xi32, #tpu.memory_space<vmem>>, vector<1x16xi32>,
        %get3A_281 = vector.shape_cast %get3A_280 : vector<1x16xi32> to vector<16xi32>
        %and3A_282 = arith.constant 16383 : i32
        %and3A_283 = vector.broadcast %and3A_282 : i32 to vector<16xi32>
        %and3A_284 = arith.andi %get3A_281, %and3A_283 : vector<16xi32>
        %swap3A_285 = arith.constant 0 : index
        %swap3A_286 = tpu.vector_load %arg7[%swap3A_285] {strides = array<i32>} : memref<80xi32, #tpu.memory_space<vmem>>, vector<16xi32>,
        %swap3A_287 = vector.shape_cast %swap3A_286 : vector<16xi32> to vector<16xi32>
        %swap3A_288 = vector.shape_cast %and3A_284 : vector<16xi32> to vector<16xi32>
        tpu.vector_store %arg7[%swap3A_285], %swap3A_288 {strides = array<i32>} : memref<80xi32, #tpu.memory_space<vmem>>, vector<16xi32>,
        %shift_right_logical3A_289 = arith.constant 14 : i32
        %shift_right_logical3A_290 = vector.broadcast %shift_right_logical3A_289 : i32 to vector<16xi32>
        %shift_right_logical3A_291 = arith.shrui %get3A_281, %shift_right_logical3A_290 : vector<16xi32>
        %swap3A_292 = arith.constant 0 : index
        %swap3A_293 = tpu.vector_load %arg10[%swap3A_292] {strides = array<i32>} : memref<80xi32, #tpu.memory_space<vmem>>, vector<16xi32>,
        %swap3A_294 = vector.shape_cast %swap3A_293 : vector<16xi32> to vector<16xi32>
        %swap3A_295 = vector.shape_cast %shift_right_logical3A_291 : vector<16xi32> to vector<16xi32>
        tpu.vector_store %arg10[%swap3A_292], %swap3A_295 {strides = array<i32>} : memref<80xi32, #tpu.memory_space<vmem>>, vector<16xi32>,
        %get3A_296 = arith.index_cast %sub3A_262 : i32 to index
        %get3A_297 = arith.constant 16 : index
        %get3A_298 = tpu.vector_load %arg5[%get3A_296, %get3A_297] {strides = array<i32>} : memref<126x80xi32, #tpu.memory_space<vmem>>, vector<1x16xi32>,
        %get3A_299 = vector.shape_cast %get3A_298 : vector<1x16xi32> to vector<16xi32>
        %and3A_300 = arith.constant 16383 : i32
        %and3A_301 = vector.broadcast %and3A_300 : i32 to vector<16xi32>
        %and3A_302 = arith.andi %get3A_299, %and3A_301 : vector<16xi32>
        %swap3A_303 = arith.constant 16 : index
        %swap3A_304 = tpu.vector_load %arg7[%swap3A_303] {strides = array<i32>} : memref<80xi32, #tpu.memory_space<vmem>>, vector<16xi32>,
        %swap3A_305 = vector.shape_cast %swap3A_304 : vector<16xi32> to vector<16xi32>
        %swap3A_306 = vector.shape_cast %and3A_302 : vector<16xi32> to vector<16xi32>
        tpu.vector_store %arg7[%swap3A_303], %swap3A_306 {strides = array<i32>} : memref<80xi32, #tpu.memory_space<vmem>>, vector<16xi32>,
        %shift_right_logical3A_307 = arith.constant 14 : i32
        %shift_right_logical3A_308 = vector.broadcast %shift_right_logical3A_307 : i32 to vector<16xi32>
        %shift_right_logical3A_309 = arith.shrui %get3A_299, %shift_right_logical3A_308 : vector<16xi32>
        %swap3A_310 = arith.constant 16 : index
        %swap3A_311 = tpu.vector_load %arg10[%swap3A_310] {strides = array<i32>} : memref<80xi32, #tpu.memory_space<vmem>>, vector<16xi32>,
        %swap3A_312 = vector.shape_cast %swap3A_311 : vector<16xi32> to vector<16xi32>
        %swap3A_313 = vector.shape_cast %shift_right_logical3A_309 : vector<16xi32> to vector<16xi32>
        tpu.vector_store %arg10[%swap3A_310], %swap3A_313 {strides = array<i32>} : memref<80xi32, #tpu.memory_space<vmem>>, vector<16xi32>,
        %get3A_314 = arith.index_cast %sub3A_262 : i32 to index
        %get3A_315 = arith.constant 32 : index
        %get3A_316 = tpu.vector_load %arg5[%get3A_314, %get3A_315] {strides = array<i32>} : memref<126x80xi32, #tpu.memory_space<vmem>>, vector<1x16xi32>,
        %get3A_317 = vector.shape_cast %get3A_316 : vector<1x16xi32> to vector<16xi32>
        %and3A_318 = arith.constant 16383 : i32
        %and3A_319 = vector.broadcast %and3A_318 : i32 to vector<16xi32>
        %and3A_320 = arith.andi %get3A_317, %and3A_319 : vector<16xi32>
        %swap3A_321 = arith.constant 32 : index
        %swap3A_322 = tpu.vector_load %arg7[%swap3A_321] {strides = array<i32>} : memref<80xi32, #tpu.memory_space<vmem>>, vector<16xi32>,
        %swap3A_323 = vector.shape_cast %swap3A_322 : vector<16xi32> to vector<16xi32>
        %swap3A_324 = vector.shape_cast %and3A_320 : vector<16xi32> to vector<16xi32>
        tpu.vector_store %arg7[%swap3A_321], %swap3A_324 {strides = array<i32>} : memref<80xi32, #tpu.memory_space<vmem>>, vector<16xi32>,
        %shift_right_logical3A_325 = arith.constant 14 : i32
        %shift_right_logical3A_326 = vector.broadcast %shift_right_logical3A_325 : i32 to vector<16xi32>
        %shift_right_logical3A_327 = arith.shrui %get3A_317, %shift_right_logical3A_326 : vector<16xi32>
        %swap3A_328 = arith.constant 32 : index
        %swap3A_329 = tpu.vector_load %arg10[%swap3A_328] {strides = array<i32>} : memref<80xi32, #tpu.memory_space<vmem>>, vector<16xi32>,
        %swap3A_330 = vector.shape_cast %swap3A_329 : vector<16xi32> to vector<16xi32>
        %swap3A_331 = vector.shape_cast %shift_right_logical3A_327 : vector<16xi32> to vector<16xi32>
        tpu.vector_store %arg10[%swap3A_328], %swap3A_331 {strides = array<i32>} : memref<80xi32, #tpu.memory_space<vmem>>, vector<16xi32>,
        %get3A_332 = arith.index_cast %sub3A_262 : i32 to index
        %get3A_333 = arith.constant 48 : index
        %get3A_334 = tpu.vector_load %arg5[%get3A_332, %get3A_333] {strides = array<i32>} : memref<126x80xi32, #tpu.memory_space<vmem>>, vector<1x16xi32>,
        %get3A_335 = vector.shape_cast %get3A_334 : vector<1x16xi32> to vector<16xi32>
        %and3A_336 = arith.constant 16383 : i32
        %and3A_337 = vector.broadcast %and3A_336 : i32 to vector<16xi32>
        %and3A_338 = arith.andi %get3A_335, %and3A_337 : vector<16xi32>
        %swap3A_339 = arith.constant 48 : index
        %swap3A_340 = tpu.vector_load %arg7[%swap3A_339] {strides = array<i32>} : memref<80xi32, #tpu.memory_space<vmem>>, vector<16xi32>,
        %swap3A_341 = vector.shape_cast %swap3A_340 : vector<16xi32> to vector<16xi32>
        %swap3A_342 = vector.shape_cast %and3A_338 : vector<16xi32> to vector<16xi32>
        tpu.vector_store %arg7[%swap3A_339], %swap3A_342 {strides = array<i32>} : memref<80xi32, #tpu.memory_space<vmem>>, vector<16xi32>,
        %shift_right_logical3A_343 = arith.constant 14 : i32
        %shift_right_logical3A_344 = vector.broadcast %shift_right_logical3A_343 : i32 to vector<16xi32>
        %shift_right_logical3A_345 = arith.shrui %get3A_335, %shift_right_logical3A_344 : vector<16xi32>
        %swap3A_346 = arith.constant 48 : index
        %swap3A_347 = tpu.vector_load %arg10[%swap3A_346] {strides = array<i32>} : memref<80xi32, #tpu.memory_space<vmem>>, vector<16xi32>,
        %swap3A_348 = vector.shape_cast %swap3A_347 : vector<16xi32> to vector<16xi32>
        %swap3A_349 = vector.shape_cast %shift_right_logical3A_345 : vector<16xi32> to vector<16xi32>
        tpu.vector_store %arg10[%swap3A_346], %swap3A_349 {strides = array<i32>} : memref<80xi32, #tpu.memory_space<vmem>>, vector<16xi32>,
        %get3A_350 = arith.index_cast %sub3A_262 : i32 to index
        %get3A_351 = arith.constant 64 : index
        %get3A_352 = tpu.vector_load %arg5[%get3A_350, %get3A_351] {strides = array<i32>} : memref<126x80xi32, #tpu.memory_space<vmem>>, vector<1x16xi32>,
        %get3A_353 = vector.shape_cast %get3A_352 : vector<1x16xi32> to vector<16xi32>
        %and3A_354 = arith.constant 16383 : i32
        %and3A_355 = vector.broadcast %and3A_354 : i32 to vector<16xi32>
        %and3A_356 = arith.andi %get3A_353, %and3A_355 : vector<16xi32>
        %swap3A_357 = arith.constant 64 : index
        %swap3A_358 = tpu.vector_load %arg7[%swap3A_357] {strides = array<i32>} : memref<80xi32, #tpu.memory_space<vmem>>, vector<16xi32>,
        %swap3A_359 = vector.shape_cast %swap3A_358 : vector<16xi32> to vector<16xi32>
        %swap3A_360 = vector.shape_cast %and3A_356 : vector<16xi32> to vector<16xi32>
        tpu.vector_store %arg7[%swap3A_357], %swap3A_360 {strides = array<i32>} : memref<80xi32, #tpu.memory_space<vmem>>, vector<16xi32>,
        %shift_right_logical3A_361 = arith.constant 14 : i32
        %shift_right_logical3A_362 = vector.broadcast %shift_right_logical3A_361 : i32 to vector<16xi32>
        %shift_right_logical3A_363 = arith.shrui %get3A_353, %shift_right_logical3A_362 : vector<16xi32>
        %swap3A_364 = arith.constant 64 : index
        %swap3A_365 = tpu.vector_load %arg10[%swap3A_364] {strides = array<i32>} : memref<80xi32, #tpu.memory_space<vmem>>, vector<16xi32>,
        %swap3A_366 = vector.shape_cast %swap3A_365 : vector<16xi32> to vector<16xi32>
        %swap3A_367 = vector.shape_cast %shift_right_logical3A_363 : vector<16xi32> to vector<16xi32>
        tpu.vector_store %arg10[%swap3A_364], %swap3A_367 {strides = array<i32>} : memref<80xi32, #tpu.memory_space<vmem>>, vector<16xi32>,
        %dma_start3A_368 = arith.constant 0 : i32
        %dma_start3A_369 = arith.constant 0 : i32
        %dma_start3A_370 = tpu.memref_slice %arg2[%dma_start3A_368, %dma_start3A_369] : memref<10000x128xf32, #tpu.memory_space<hbm>> -> memref<10000x128xf32, #tpu.memory_space<hbm>>
        tpu.enqueue_indirect_dma source(%dma_start3A_370 : memref<10000x128xf32, #tpu.memory_space<hbm>>) target(%arg13 : memref<80x128xf32, #tpu.memory_space<vmem>>) offsets(%arg7 : memref<80xi32, #tpu.memory_space<vmem>>) semaphore(%arg16 : memref<!tpu.dma_semaphore, #tpu.memory_space<semaphore_mem>>)
      } else {
      }
      %dma_wait3A_268 = arith.constant 0 : i32
      %dma_wait3A_269 = arith.constant 0 : i32
      %dma_wait3A_270 = tpu.memref_slice %arg2[%dma_wait3A_268, %dma_wait3A_269] : memref<10000x128xf32, #tpu.memory_space<hbm>> -> memref<10000x128xf32, #tpu.memory_space<hbm>>
      tpu.wait_indirect_dma semaphore(%arg17 : memref<!tpu.dma_semaphore, #tpu.memory_space<semaphore_mem>>) src(%dma_wait3A_270 : memref<10000x128xf32, #tpu.memory_space<hbm>>) dst(%arg14 : memref<80x128xf32, #tpu.memory_space<vmem>>)
      %dma_start3A_271 = arith.constant 0 : i32
      %dma_start3A_272 = arith.constant 0 : i32
      %dma_start3A_273 = tpu.memref_slice %arg21[%dma_start3A_271, %dma_start3A_272] : memref<10112x128xf32, #tpu.memory_space<vmem_shared>> -> memref<10112x128xf32, #tpu.memory_space<vmem_shared>>
      tpu.enqueue_indirect_dma source(%arg14 : memref<80x128xf32, #tpu.memory_space<vmem>>) target(%dma_start3A_273 : memref<10112x128xf32, #tpu.memory_space<vmem_shared>>) offsets(%arg11 : memref<80xi32, #tpu.memory_space<vmem>>) semaphore(%arg20 : memref<!tpu.dma_semaphore, #tpu.memory_space<semaphore_mem>>) {add = true}
    }
    %scan3A_210 = arith.constant 42 : i32
    %dma_wait3A = arith.constant 0 : i32
    %dma_wait3A_211 = arith.constant 0 : i32
    %dma_wait3A_212 = tpu.memref_slice %arg21[%dma_wait3A, %dma_wait3A_211] : memref<10112x128xf32, #tpu.memory_space<vmem_shared>> -> memref<10112x128xf32, #tpu.memory_space<vmem_shared>>
    tpu.wait_indirect_dma semaphore(%arg18 : memref<!tpu.dma_semaphore, #tpu.memory_space<semaphore_mem>>) src(%arg12 : memref<80x128xf32, #tpu.memory_space<vmem>>) dst(%dma_wait3A_212 : memref<10112x128xf32, #tpu.memory_space<vmem_shared>>)
    %dma_wait3A_213 = arith.constant 0 : i32
    %dma_wait3A_214 = arith.constant 0 : i32
    %dma_wait3A_215 = tpu.memref_slice %arg21[%dma_wait3A_213, %dma_wait3A_214] : memref<10112x128xf32, #tpu.memory_space<vmem_shared>> -> memref<10112x128xf32, #tpu.memory_space<vmem_shared>>
    tpu.wait_indirect_dma semaphore(%arg19 : memref<!tpu.dma_semaphore, #tpu.memory_space<semaphore_mem>>) src(%arg13 : memref<80x128xf32, #tpu.memory_space<vmem>>) dst(%dma_wait3A_215 : memref<10112x128xf32, #tpu.memory_space<vmem_shared>>)
    %dma_wait3A_216 = arith.constant 0 : i32
    %dma_wait3A_217 = arith.constant 0 : i32
    %dma_wait3A_218 = tpu.memref_slice %arg21[%dma_wait3A_216, %dma_wait3A_217] : memref<10112x128xf32, #tpu.memory_space<vmem_shared>> -> memref<10112x128xf32, #tpu.memory_space<vmem_shared>>
    tpu.wait_indirect_dma semaphore(%arg20 : memref<!tpu.dma_semaphore, #tpu.memory_space<semaphore_mem>>) src(%arg14 : memref<80x128xf32, #tpu.memory_space<vmem>>) dst(%dma_wait3A_218 : memref<10112x128xf32, #tpu.memory_space<vmem_shared>>)
    %barrier3A_219 = arith.constant 0 : index
    tpu.barrier barrier_id(%barrier3A_219)
    "tpu.region"() ({
      %run_scoped3A = tpu.sem_alloc : memref<!tpu.dma_semaphore, #tpu.memory_space<semaphore_mem>>
      %dma_start3A_220 = arith.constant 0 : i32
      %dma_start3A_221 = tpu.memref_slice %arg4[%arg0, %mul3A_2, %dma_start3A_220] : memref<2x10112x128xf32, #tpu.memory_space<hbm>> -> memref<1x632x128xf32, #tpu.memory_space<hbm>>
      %dma_start3A_222 = tpu.memref_squeeze %dma_start3A_221 : memref<1x632x128xf32, #tpu.memory_space<hbm>> -> memref<632x128xf32, #tpu.memory_space<hbm>>
      %dma_start3A_223 = arith.constant 0 : i32
      %dma_start3A_224 = tpu.memref_slice %arg21[%mul3A_2, %dma_start3A_223] : memref<10112x128xf32, #tpu.memory_space<vmem_shared>> -> memref<632x128xf32, #tpu.memory_space<vmem_shared>>
      tpu.enqueue_dma source(%dma_start3A_224 : memref<632x128xf32, #tpu.memory_space<vmem_shared>>) target(%dma_start3A_222 : memref<632x128xf32, #tpu.memory_space<hbm>>) target_semaphore(%run_scoped3A : memref<!tpu.dma_semaphore, #tpu.memory_space<semaphore_mem>>)
      %dma_wait3A_225 = arith.constant 0 : i32
      %dma_wait3A_226 = tpu.memref_slice %arg4[%arg0, %mul3A_2, %dma_wait3A_225] : memref<2x10112x128xf32, #tpu.memory_space<hbm>> -> memref<1x632x128xf32, #tpu.memory_space<hbm>>
      %dma_wait3A_227 = tpu.memref_squeeze %dma_wait3A_226 : memref<1x632x128xf32, #tpu.memory_space<hbm>> -> memref<632x128xf32, #tpu.memory_space<hbm>>
      %dma_wait3A_228 = arith.constant 0 : i32
      %dma_wait3A_229 = tpu.memref_slice %arg21[%mul3A_2, %dma_wait3A_228] : memref<10112x128xf32, #tpu.memory_space<vmem_shared>> -> memref<632x128xf32, #tpu.memory_space<vmem_shared>>
      tpu.wait_dma2 semaphore(%run_scoped3A : memref<!tpu.dma_semaphore, #tpu.memory_space<semaphore_mem>>) src(%dma_wait3A_229 : memref<632x128xf32, #tpu.memory_space<vmem_shared>>) dst(%dma_wait3A_227 : memref<632x128xf32, #tpu.memory_space<hbm>>)
      tpu.yield
    }) : () -> ()
    return
  }
}

#map = affine_map<(d0, d1) -> (0, 0)>
#map1 = affine_map<(d0, d1) -> (0, 0, 0)>
module attributes {stable_mosaic.version = 14 : i64} {
  func.func @sc_agg(%arg0: i32, %arg1: i32, %arg2: memref<10000x128xf32, #tpu.memory_space<hbm>>, %arg3: memref<32x126x80xi32, #tpu.memory_space<hbm>>, %arg4: memref<2x10112x128xf32, #tpu.memory_space<hbm>>, %arg5: memref<126x80xi32, #tpu.memory_space<vmem>>, %arg6: memref<80xi32, #tpu.memory_space<vmem>>, %arg7: memref<80xi32, #tpu.memory_space<vmem>>, %arg8: memref<80xi32, #tpu.memory_space<vmem>>, %arg9: memref<80xi32, #tpu.memory_space<vmem>>, %arg10: memref<80xi32, #tpu.memory_space<vmem>>, %arg11: memref<80xi32, #tpu.memory_space<vmem>>, %arg12: memref<80x128xf32, #tpu.memory_space<vmem>>, %arg13: memref<80x128xf32, #tpu.memory_space<vmem>>, %arg14: memref<80x128xf32, #tpu.memory_space<vmem>>, %arg15: memref<!tpu.dma_semaphore, #tpu.memory_space<semaphore_mem>>, %arg16: memref<!tpu.dma_semaphore, #tpu.memory_space<semaphore_mem>>, %arg17: memref<!tpu.dma_semaphore, #tpu.memory_space<semaphore_mem>>, %arg18: memref<!tpu.dma_semaphore, #tpu.memory_space<semaphore_mem>>, %arg19: memref<!tpu.dma_semaphore, #tpu.memory_space<semaphore_mem>>, %arg20: memref<!tpu.dma_semaphore, #tpu.memory_space<semaphore_mem>>, %arg21: memref<10112x128xf32, #tpu.memory_space<vmem_shared>>) attributes {dimension_semantics = [#tpu.dimension_semantics<core_parallel>, #tpu.dimension_semantics<subcore_parallel>], iteration_bounds = array<i64: 2, 16>, scalar_prefetch = 0 : i64, scratch_operands = 17 : i64, tpu.core_type = #tpu.core_type<sc_vector_subcore>, window_params = [{transform_indices = #map}, {transform_indices = #map1}, {transform_indices = #map1}]} {
    %mul3A = arith.constant 16 : i32
    %mul3A_0 = arith.muli %arg0, %mul3A : i32
    %add3A = arith.addi %mul3A_0, %arg1 : i32
    %mul3A_1 = arith.constant 632 : i32
    %mul3A_2 = arith.muli %arg1, %mul3A_1 : i32
    "tpu.region"() ({
      %run_scoped3A = tpu.sem_alloc : memref<!tpu.dma_semaphore, #tpu.memory_space<semaphore_mem>>
      %dma_start3A_220 = arith.constant 0 : i32
      %dma_start3A_221 = arith.constant 0 : i32
      %dma_start3A_222 = tpu.memref_slice %arg3[%add3A, %dma_start3A_220, %dma_start3A_221] : memref<32x126x80xi32, #tpu.memory_space<hbm>> -> memref<1x126x80xi32, #tpu.memory_space<hbm>>
      %dma_start3A_223 = tpu.memref_squeeze %dma_start3A_222 : memref<1x126x80xi32, #tpu.memory_space<hbm>> -> memref<126x80xi32, #tpu.memory_space<hbm>>
      %dma_start3A_224 = arith.constant 0 : i32
      %dma_start3A_225 = arith.constant 0 : i32
      %dma_start3A_226 = tpu.memref_slice %arg3[%add3A, %dma_start3A_224, %dma_start3A_225] : memref<32x126x80xi32, #tpu.memory_space<hbm>> -> memref<1x126x80xi32, #tpu.memory_space<hbm>>
      %dma_start3A_227 = tpu.memref_squeeze %dma_start3A_226 : memref<1x126x80xi32, #tpu.memory_space<hbm>> -> memref<126x80xi32, #tpu.memory_space<hbm>>
      tpu.enqueue_dma source(%dma_start3A_227 : memref<126x80xi32, #tpu.memory_space<hbm>>) target(%arg5 : memref<126x80xi32, #tpu.memory_space<vmem>>) target_semaphore(%run_scoped3A : memref<!tpu.dma_semaphore, #tpu.memory_space<semaphore_mem>>)
      %dma_wait3A_228 = arith.constant 0 : i32
      %dma_wait3A_229 = arith.constant 0 : i32
      %dma_wait3A_230 = tpu.memref_slice %arg3[%add3A, %dma_wait3A_228, %dma_wait3A_229] : memref<32x126x80xi32, #tpu.memory_space<hbm>> -> memref<1x126x80xi32, #tpu.memory_space<hbm>>
      %dma_wait3A_231 = tpu.memref_squeeze %dma_wait3A_230 : memref<1x126x80xi32, #tpu.memory_space<hbm>> -> memref<126x80xi32, #tpu.memory_space<hbm>>
      %dma_wait3A_232 = arith.constant 0 : i32
      %dma_wait3A_233 = arith.constant 0 : i32
      %dma_wait3A_234 = tpu.memref_slice %arg3[%add3A, %dma_wait3A_232, %dma_wait3A_233] : memref<32x126x80xi32, #tpu.memory_space<hbm>> -> memref<1x126x80xi32, #tpu.memory_space<hbm>>
      %dma_wait3A_235 = tpu.memref_squeeze %dma_wait3A_234 : memref<1x126x80xi32, #tpu.memory_space<hbm>> -> memref<126x80xi32, #tpu.memory_space<hbm>>
      tpu.wait_dma2 semaphore(%run_scoped3A : memref<!tpu.dma_semaphore, #tpu.memory_space<semaphore_mem>>) src(%dma_wait3A_235 : memref<126x80xi32, #tpu.memory_space<hbm>>) dst(%arg5 : memref<126x80xi32, #tpu.memory_space<vmem>>)
      tpu.yield
    }) : () -> ()
    %get3A = arith.constant 0 : i32
    %get3A_3 = arith.index_cast %get3A : i32 to index
    %get3A_4 = arith.constant 0 : index
    %get3A_5 = tpu.vector_load %arg5[%get3A_3, %get3A_4] {strides = array<i32>} : memref<126x80xi32, #tpu.memory_space<vmem>>, vector<1x16xi32>,
    %get3A_6 = vector.shape_cast %get3A_5 : vector<1x16xi32> to vector<16xi32>
    %and3A = arith.constant 16383 : i32
    %and3A_7 = vector.broadcast %and3A : i32 to vector<16xi32>
    %and3A_8 = arith.andi %get3A_6, %and3A_7 : vector<16xi32>
    %swap3A = arith.constant 0 : index
    %swap3A_9 = tpu.vector_load %arg6[%swap3A] {strides = array<i32>} : memref<80xi32, #tpu.memory_space<vmem>>, vector<16xi32>,
    %swap3A_10 = vector.shape_cast %swap3A_9 : vector<16xi32> to vector<16xi32>
    %swap3A_11 = vector.shape_cast %and3A_8 : vector<16xi32> to vector<16xi32>
    tpu.vector_store %arg6[%swap3A], %swap3A_11 {strides = array<i32>} : memref<80xi32, #tpu.memory_space<vmem>>, vector<16xi32>,
    %shift_right_logical3A = arith.constant 14 : i32
    %shift_right_logical3A_12 = vector.broadcast %shift_right_logical3A : i32 to vector<16xi32>
    %shift_right_logical3A_13 = arith.shrui %get3A_6, %shift_right_logical3A_12 : vector<16xi32>
    %swap3A_14 = arith.constant 0 : index
    %swap3A_15 = tpu.vector_load %arg9[%swap3A_14] {strides = array<i32>} : memref<80xi32, #tpu.memory_space<vmem>>, vector<16xi32>,
    %swap3A_16 = vector.shape_cast %swap3A_15 : vector<16xi32> to vector<16xi32>
    %swap3A_17 = vector.shape_cast %shift_right_logical3A_13 : vector<16xi32> to vector<16xi32>
    tpu.vector_store %arg9[%swap3A_14], %swap3A_17 {strides = array<i32>} : memref<80xi32, #tpu.memory_space<vmem>>, vector<16xi32>,
    %get3A_18 = arith.constant 0 : i32
    %get3A_19 = arith.index_cast %get3A_18 : i32 to index
    %get3A_20 = arith.constant 16 : index
    %get3A_21 = tpu.vector_load %arg5[%get3A_19, %get3A_20] {strides = array<i32>} : memref<126x80xi32, #tpu.memory_space<vmem>>, vector<1x16xi32>,
    %get3A_22 = vector.shape_cast %get3A_21 : vector<1x16xi32> to vector<16xi32>
    %and3A_23 = arith.constant 16383 : i32
    %and3A_24 = vector.broadcast %and3A_23 : i32 to vector<16xi32>
    %and3A_25 = arith.andi %get3A_22, %and3A_24 : vector<16xi32>
    %swap3A_26 = arith.constant 16 : index
    %swap3A_27 = tpu.vector_load %arg6[%swap3A_26] {strides = array<i32>} : memref<80xi32, #tpu.memory_space<vmem>>, vector<16xi32>,
    %swap3A_28 = vector.shape_cast %swap3A_27 : vector<16xi32> to vector<16xi32>
    %swap3A_29 = vector.shape_cast %and3A_25 : vector<16xi32> to vector<16xi32>
    tpu.vector_store %arg6[%swap3A_26], %swap3A_29 {strides = array<i32>} : memref<80xi32, #tpu.memory_space<vmem>>, vector<16xi32>,
    %shift_right_logical3A_30 = arith.constant 14 : i32
    %shift_right_logical3A_31 = vector.broadcast %shift_right_logical3A_30 : i32 to vector<16xi32>
    %shift_right_logical3A_32 = arith.shrui %get3A_22, %shift_right_logical3A_31 : vector<16xi32>
    %swap3A_33 = arith.constant 16 : index
    %swap3A_34 = tpu.vector_load %arg9[%swap3A_33] {strides = array<i32>} : memref<80xi32, #tpu.memory_space<vmem>>, vector<16xi32>,
    %swap3A_35 = vector.shape_cast %swap3A_34 : vector<16xi32> to vector<16xi32>
    %swap3A_36 = vector.shape_cast %shift_right_logical3A_32 : vector<16xi32> to vector<16xi32>
    tpu.vector_store %arg9[%swap3A_33], %swap3A_36 {strides = array<i32>} : memref<80xi32, #tpu.memory_space<vmem>>, vector<16xi32>,
    %get3A_37 = arith.constant 0 : i32
    %get3A_38 = arith.index_cast %get3A_37 : i32 to index
    %get3A_39 = arith.constant 32 : index
    %get3A_40 = tpu.vector_load %arg5[%get3A_38, %get3A_39] {strides = array<i32>} : memref<126x80xi32, #tpu.memory_space<vmem>>, vector<1x16xi32>,
    %get3A_41 = vector.shape_cast %get3A_40 : vector<1x16xi32> to vector<16xi32>
    %and3A_42 = arith.constant 16383 : i32
    %and3A_43 = vector.broadcast %and3A_42 : i32 to vector<16xi32>
    %and3A_44 = arith.andi %get3A_41, %and3A_43 : vector<16xi32>
    %swap3A_45 = arith.constant 32 : index
    %swap3A_46 = tpu.vector_load %arg6[%swap3A_45] {strides = array<i32>} : memref<80xi32, #tpu.memory_space<vmem>>, vector<16xi32>,
    %swap3A_47 = vector.shape_cast %swap3A_46 : vector<16xi32> to vector<16xi32>
    %swap3A_48 = vector.shape_cast %and3A_44 : vector<16xi32> to vector<16xi32>
    tpu.vector_store %arg6[%swap3A_45], %swap3A_48 {strides = array<i32>} : memref<80xi32, #tpu.memory_space<vmem>>, vector<16xi32>,
    %shift_right_logical3A_49 = arith.constant 14 : i32
    %shift_right_logical3A_50 = vector.broadcast %shift_right_logical3A_49 : i32 to vector<16xi32>
    %shift_right_logical3A_51 = arith.shrui %get3A_41, %shift_right_logical3A_50 : vector<16xi32>
    %swap3A_52 = arith.constant 32 : index
    %swap3A_53 = tpu.vector_load %arg9[%swap3A_52] {strides = array<i32>} : memref<80xi32, #tpu.memory_space<vmem>>, vector<16xi32>,
    %swap3A_54 = vector.shape_cast %swap3A_53 : vector<16xi32> to vector<16xi32>
    %swap3A_55 = vector.shape_cast %shift_right_logical3A_51 : vector<16xi32> to vector<16xi32>
    tpu.vector_store %arg9[%swap3A_52], %swap3A_55 {strides = array<i32>} : memref<80xi32, #tpu.memory_space<vmem>>, vector<16xi32>,
    %get3A_56 = arith.constant 0 : i32
    %get3A_57 = arith.index_cast %get3A_56 : i32 to index
    %get3A_58 = arith.constant 48 : index
    %get3A_59 = tpu.vector_load %arg5[%get3A_57, %get3A_58] {strides = array<i32>} : memref<126x80xi32, #tpu.memory_space<vmem>>, vector<1x16xi32>,
    %get3A_60 = vector.shape_cast %get3A_59 : vector<1x16xi32> to vector<16xi32>
    %and3A_61 = arith.constant 16383 : i32
    %and3A_62 = vector.broadcast %and3A_61 : i32 to vector<16xi32>
    %and3A_63 = arith.andi %get3A_60, %and3A_62 : vector<16xi32>
    %swap3A_64 = arith.constant 48 : index
    %swap3A_65 = tpu.vector_load %arg6[%swap3A_64] {strides = array<i32>} : memref<80xi32, #tpu.memory_space<vmem>>, vector<16xi32>,
    %swap3A_66 = vector.shape_cast %swap3A_65 : vector<16xi32> to vector<16xi32>
    %swap3A_67 = vector.shape_cast %and3A_63 : vector<16xi32> to vector<16xi32>
    tpu.vector_store %arg6[%swap3A_64], %swap3A_67 {strides = array<i32>} : memref<80xi32, #tpu.memory_space<vmem>>, vector<16xi32>,
    %shift_right_logical3A_68 = arith.constant 14 : i32
    %shift_right_logical3A_69 = vector.broadcast %shift_right_logical3A_68 : i32 to vector<16xi32>
    %shift_right_logical3A_70 = arith.shrui %get3A_60, %shift_right_logical3A_69 : vector<16xi32>
    %swap3A_71 = arith.constant 48 : index
    %swap3A_72 = tpu.vector_load %arg9[%swap3A_71] {strides = array<i32>} : memref<80xi32, #tpu.memory_space<vmem>>, vector<16xi32>,
    %swap3A_73 = vector.shape_cast %swap3A_72 : vector<16xi32> to vector<16xi32>
    %swap3A_74 = vector.shape_cast %shift_right_logical3A_70 : vector<16xi32> to vector<16xi32>
    tpu.vector_store %arg9[%swap3A_71], %swap3A_74 {strides = array<i32>} : memref<80xi32, #tpu.memory_space<vmem>>, vector<16xi32>,
    %get3A_75 = arith.constant 0 : i32
    %get3A_76 = arith.index_cast %get3A_75 : i32 to index
    %get3A_77 = arith.constant 64 : index
    %get3A_78 = tpu.vector_load %arg5[%get3A_76, %get3A_77] {strides = array<i32>} : memref<126x80xi32, #tpu.memory_space<vmem>>, vector<1x16xi32>,
    %get3A_79 = vector.shape_cast %get3A_78 : vector<1x16xi32> to vector<16xi32>
    %and3A_80 = arith.constant 16383 : i32
    %and3A_81 = vector.broadcast %and3A_80 : i32 to vector<16xi32>
    %and3A_82 = arith.andi %get3A_79, %and3A_81 : vector<16xi32>
    %swap3A_83 = arith.constant 64 : index
    %swap3A_84 = tpu.vector_load %arg6[%swap3A_83] {strides = array<i32>} : memref<80xi32, #tpu.memory_space<vmem>>, vector<16xi32>,
    %swap3A_85 = vector.shape_cast %swap3A_84 : vector<16xi32> to vector<16xi32>
    %swap3A_86 = vector.shape_cast %and3A_82 : vector<16xi32> to vector<16xi32>
    tpu.vector_store %arg6[%swap3A_83], %swap3A_86 {strides = array<i32>} : memref<80xi32, #tpu.memory_space<vmem>>, vector<16xi32>,
    %shift_right_logical3A_87 = arith.constant 14 : i32
    %shift_right_logical3A_88 = vector.broadcast %shift_right_logical3A_87 : i32 to vector<16xi32>
    %shift_right_logical3A_89 = arith.shrui %get3A_79, %shift_right_logical3A_88 : vector<16xi32>
    %swap3A_90 = arith.constant 64 : index
    %swap3A_91 = tpu.vector_load %arg9[%swap3A_90] {strides = array<i32>} : memref<80xi32, #tpu.memory_space<vmem>>, vector<16xi32>,
    %swap3A_92 = vector.shape_cast %swap3A_91 : vector<16xi32> to vector<16xi32>
    %swap3A_93 = vector.shape_cast %shift_right_logical3A_89 : vector<16xi32> to vector<16xi32>
    tpu.vector_store %arg9[%swap3A_90], %swap3A_93 {strides = array<i32>} : memref<80xi32, #tpu.memory_space<vmem>>, vector<16xi32>,
    %dma_start3A = arith.constant 0 : i32
    %dma_start3A_94 = arith.constant 0 : i32
    %dma_start3A_95 = tpu.memref_slice %arg2[%dma_start3A, %dma_start3A_94] : memref<10000x128xf32, #tpu.memory_space<hbm>> -> memref<10000x128xf32, #tpu.memory_space<hbm>>
    tpu.enqueue_indirect_dma source(%dma_start3A_95 : memref<10000x128xf32, #tpu.memory_space<hbm>>) target(%arg12 : memref<80x128xf32, #tpu.memory_space<vmem>>) offsets(%arg6 : memref<80xi32, #tpu.memory_space<vmem>>) semaphore(%arg15 : memref<!tpu.dma_semaphore, #tpu.memory_space<semaphore_mem>>)
    %get3A_96 = arith.constant 1 : i32
    %get3A_97 = arith.index_cast %get3A_96 : i32 to index
    %get3A_98 = arith.constant 0 : index
    %get3A_99 = tpu.vector_load %arg5[%get3A_97, %get3A_98] {strides = array<i32>} : memref<126x80xi32, #tpu.memory_space<vmem>>, vector<1x16xi32>,
    %get3A_100 = vector.shape_cast %get3A_99 : vector<1x16xi32> to vector<16xi32>
    %and3A_101 = arith.constant 16383 : i32
    %and3A_102 = vector.broadcast %and3A_101 : i32 to vector<16xi32>
    %and3A_103 = arith.andi %get3A_100, %and3A_102 : vector<16xi32>
    %swap3A_104 = arith.constant 0 : index
    %swap3A_105 = tpu.vector_load %arg7[%swap3A_104] {strides = array<i32>} : memref<80xi32, #tpu.memory_space<vmem>>, vector<16xi32>,
    %swap3A_106 = vector.shape_cast %swap3A_105 : vector<16xi32> to vector<16xi32>
    %swap3A_107 = vector.shape_cast %and3A_103 : vector<16xi32> to vector<16xi32>
    tpu.vector_store %arg7[%swap3A_104], %swap3A_107 {strides = array<i32>} : memref<80xi32, #tpu.memory_space<vmem>>, vector<16xi32>,
    %shift_right_logical3A_108 = arith.constant 14 : i32
    %shift_right_logical3A_109 = vector.broadcast %shift_right_logical3A_108 : i32 to vector<16xi32>
    %shift_right_logical3A_110 = arith.shrui %get3A_100, %shift_right_logical3A_109 : vector<16xi32>
    %swap3A_111 = arith.constant 0 : index
    %swap3A_112 = tpu.vector_load %arg10[%swap3A_111] {strides = array<i32>} : memref<80xi32, #tpu.memory_space<vmem>>, vector<16xi32>,
    %swap3A_113 = vector.shape_cast %swap3A_112 : vector<16xi32> to vector<16xi32>
    %swap3A_114 = vector.shape_cast %shift_right_logical3A_110 : vector<16xi32> to vector<16xi32>
    tpu.vector_store %arg10[%swap3A_111], %swap3A_114 {strides = array<i32>} : memref<80xi32, #tpu.memory_space<vmem>>, vector<16xi32>,
    %get3A_115 = arith.constant 1 : i32
    %get3A_116 = arith.index_cast %get3A_115 : i32 to index
    %get3A_117 = arith.constant 16 : index
    %get3A_118 = tpu.vector_load %arg5[%get3A_116, %get3A_117] {strides = array<i32>} : memref<126x80xi32, #tpu.memory_space<vmem>>, vector<1x16xi32>,
    %get3A_119 = vector.shape_cast %get3A_118 : vector<1x16xi32> to vector<16xi32>
    %and3A_120 = arith.constant 16383 : i32
    %and3A_121 = vector.broadcast %and3A_120 : i32 to vector<16xi32>
    %and3A_122 = arith.andi %get3A_119, %and3A_121 : vector<16xi32>
    %swap3A_123 = arith.constant 16 : index
    %swap3A_124 = tpu.vector_load %arg7[%swap3A_123] {strides = array<i32>} : memref<80xi32, #tpu.memory_space<vmem>>, vector<16xi32>,
    %swap3A_125 = vector.shape_cast %swap3A_124 : vector<16xi32> to vector<16xi32>
    %swap3A_126 = vector.shape_cast %and3A_122 : vector<16xi32> to vector<16xi32>
    tpu.vector_store %arg7[%swap3A_123], %swap3A_126 {strides = array<i32>} : memref<80xi32, #tpu.memory_space<vmem>>, vector<16xi32>,
    %shift_right_logical3A_127 = arith.constant 14 : i32
    %shift_right_logical3A_128 = vector.broadcast %shift_right_logical3A_127 : i32 to vector<16xi32>
    %shift_right_logical3A_129 = arith.shrui %get3A_119, %shift_right_logical3A_128 : vector<16xi32>
    %swap3A_130 = arith.constant 16 : index
    %swap3A_131 = tpu.vector_load %arg10[%swap3A_130] {strides = array<i32>} : memref<80xi32, #tpu.memory_space<vmem>>, vector<16xi32>,
    %swap3A_132 = vector.shape_cast %swap3A_131 : vector<16xi32> to vector<16xi32>
    %swap3A_133 = vector.shape_cast %shift_right_logical3A_129 : vector<16xi32> to vector<16xi32>
    tpu.vector_store %arg10[%swap3A_130], %swap3A_133 {strides = array<i32>} : memref<80xi32, #tpu.memory_space<vmem>>, vector<16xi32>,
    %get3A_134 = arith.constant 1 : i32
    %get3A_135 = arith.index_cast %get3A_134 : i32 to index
    %get3A_136 = arith.constant 32 : index
    %get3A_137 = tpu.vector_load %arg5[%get3A_135, %get3A_136] {strides = array<i32>} : memref<126x80xi32, #tpu.memory_space<vmem>>, vector<1x16xi32>,
    %get3A_138 = vector.shape_cast %get3A_137 : vector<1x16xi32> to vector<16xi32>
    %and3A_139 = arith.constant 16383 : i32
    %and3A_140 = vector.broadcast %and3A_139 : i32 to vector<16xi32>
    %and3A_141 = arith.andi %get3A_138, %and3A_140 : vector<16xi32>
    %swap3A_142 = arith.constant 32 : index
    %swap3A_143 = tpu.vector_load %arg7[%swap3A_142] {strides = array<i32>} : memref<80xi32, #tpu.memory_space<vmem>>, vector<16xi32>,
    %swap3A_144 = vector.shape_cast %swap3A_143 : vector<16xi32> to vector<16xi32>
    %swap3A_145 = vector.shape_cast %and3A_141 : vector<16xi32> to vector<16xi32>
    tpu.vector_store %arg7[%swap3A_142], %swap3A_145 {strides = array<i32>} : memref<80xi32, #tpu.memory_space<vmem>>, vector<16xi32>,
    %shift_right_logical3A_146 = arith.constant 14 : i32
    %shift_right_logical3A_147 = vector.broadcast %shift_right_logical3A_146 : i32 to vector<16xi32>
    %shift_right_logical3A_148 = arith.shrui %get3A_138, %shift_right_logical3A_147 : vector<16xi32>
    %swap3A_149 = arith.constant 32 : index
    %swap3A_150 = tpu.vector_load %arg10[%swap3A_149] {strides = array<i32>} : memref<80xi32, #tpu.memory_space<vmem>>, vector<16xi32>,
    %swap3A_151 = vector.shape_cast %swap3A_150 : vector<16xi32> to vector<16xi32>
    %swap3A_152 = vector.shape_cast %shift_right_logical3A_148 : vector<16xi32> to vector<16xi32>
    tpu.vector_store %arg10[%swap3A_149], %swap3A_152 {strides = array<i32>} : memref<80xi32, #tpu.memory_space<vmem>>, vector<16xi32>,
    %get3A_153 = arith.constant 1 : i32
    %get3A_154 = arith.index_cast %get3A_153 : i32 to index
    %get3A_155 = arith.constant 48 : index
    %get3A_156 = tpu.vector_load %arg5[%get3A_154, %get3A_155] {strides = array<i32>} : memref<126x80xi32, #tpu.memory_space<vmem>>, vector<1x16xi32>,
    %get3A_157 = vector.shape_cast %get3A_156 : vector<1x16xi32> to vector<16xi32>
    %and3A_158 = arith.constant 16383 : i32
    %and3A_159 = vector.broadcast %and3A_158 : i32 to vector<16xi32>
    %and3A_160 = arith.andi %get3A_157, %and3A_159 : vector<16xi32>
    %swap3A_161 = arith.constant 48 : index
    %swap3A_162 = tpu.vector_load %arg7[%swap3A_161] {strides = array<i32>} : memref<80xi32, #tpu.memory_space<vmem>>, vector<16xi32>,
    %swap3A_163 = vector.shape_cast %swap3A_162 : vector<16xi32> to vector<16xi32>
    %swap3A_164 = vector.shape_cast %and3A_160 : vector<16xi32> to vector<16xi32>
    tpu.vector_store %arg7[%swap3A_161], %swap3A_164 {strides = array<i32>} : memref<80xi32, #tpu.memory_space<vmem>>, vector<16xi32>,
    %shift_right_logical3A_165 = arith.constant 14 : i32
    %shift_right_logical3A_166 = vector.broadcast %shift_right_logical3A_165 : i32 to vector<16xi32>
    %shift_right_logical3A_167 = arith.shrui %get3A_157, %shift_right_logical3A_166 : vector<16xi32>
    %swap3A_168 = arith.constant 48 : index
    %swap3A_169 = tpu.vector_load %arg10[%swap3A_168] {strides = array<i32>} : memref<80xi32, #tpu.memory_space<vmem>>, vector<16xi32>,
    %swap3A_170 = vector.shape_cast %swap3A_169 : vector<16xi32> to vector<16xi32>
    %swap3A_171 = vector.shape_cast %shift_right_logical3A_167 : vector<16xi32> to vector<16xi32>
    tpu.vector_store %arg10[%swap3A_168], %swap3A_171 {strides = array<i32>} : memref<80xi32, #tpu.memory_space<vmem>>, vector<16xi32>,
    %get3A_172 = arith.constant 1 : i32
    %get3A_173 = arith.index_cast %get3A_172 : i32 to index
    %get3A_174 = arith.constant 64 : index
    %get3A_175 = tpu.vector_load %arg5[%get3A_173, %get3A_174] {strides = array<i32>} : memref<126x80xi32, #tpu.memory_space<vmem>>, vector<1x16xi32>,
    %get3A_176 = vector.shape_cast %get3A_175 : vector<1x16xi32> to vector<16xi32>
    %and3A_177 = arith.constant 16383 : i32
    %and3A_178 = vector.broadcast %and3A_177 : i32 to vector<16xi32>
    %and3A_179 = arith.andi %get3A_176, %and3A_178 : vector<16xi32>
    %swap3A_180 = arith.constant 64 : index
    %swap3A_181 = tpu.vector_load %arg7[%swap3A_180] {strides = array<i32>} : memref<80xi32, #tpu.memory_space<vmem>>, vector<16xi32>,
    %swap3A_182 = vector.shape_cast %swap3A_181 : vector<16xi32> to vector<16xi32>
    %swap3A_183 = vector.shape_cast %and3A_179 : vector<16xi32> to vector<16xi32>
    tpu.vector_store %arg7[%swap3A_180], %swap3A_183 {strides = array<i32>} : memref<80xi32, #tpu.memory_space<vmem>>, vector<16xi32>,
    %shift_right_logical3A_184 = arith.constant 14 : i32
    %shift_right_logical3A_185 = vector.broadcast %shift_right_logical3A_184 : i32 to vector<16xi32>
    %shift_right_logical3A_186 = arith.shrui %get3A_176, %shift_right_logical3A_185 : vector<16xi32>
    %swap3A_187 = arith.constant 64 : index
    %swap3A_188 = tpu.vector_load %arg10[%swap3A_187] {strides = array<i32>} : memref<80xi32, #tpu.memory_space<vmem>>, vector<16xi32>,
    %swap3A_189 = vector.shape_cast %swap3A_188 : vector<16xi32> to vector<16xi32>
    %swap3A_190 = vector.shape_cast %shift_right_logical3A_186 : vector<16xi32> to vector<16xi32>
    tpu.vector_store %arg10[%swap3A_187], %swap3A_190 {strides = array<i32>} : memref<80xi32, #tpu.memory_space<vmem>>, vector<16xi32>,
    %dma_start3A_191 = arith.constant 0 : i32
    %dma_start3A_192 = arith.constant 0 : i32
    %dma_start3A_193 = tpu.memref_slice %arg2[%dma_start3A_191, %dma_start3A_192] : memref<10000x128xf32, #tpu.memory_space<hbm>> -> memref<10000x128xf32, #tpu.memory_space<hbm>>
    tpu.enqueue_indirect_dma source(%dma_start3A_193 : memref<10000x128xf32, #tpu.memory_space<hbm>>) target(%arg13 : memref<80x128xf32, #tpu.memory_space<vmem>>) offsets(%arg7 : memref<80xi32, #tpu.memory_space<vmem>>) semaphore(%arg16 : memref<!tpu.dma_semaphore, #tpu.memory_space<semaphore_mem>>)
    %broadcast_in_dim3A = arith.constant 0.000000e+00 : f32
    %broadcast_in_dim3A_194 = vector.broadcast %broadcast_in_dim3A : f32 to vector<16xf32>
    %scan3A = arith.constant 0 : i32
    %scan3A_195 = arith.constant 80 : i32
    %scan3A_196 = arith.addi %scan3A, %scan3A_195 : i32
    %scan3A_197 = arith.constant 1 : i32
    scf.for %scan3A_220 = %scan3A to %scan3A_196 step %scan3A_197  : i32 {
      %mul3A_221 = arith.constant 1 : i32
      %mul3A_222 = arith.muli %scan3A_220, %mul3A_221 : i32
      %add3A_223 = arith.constant 0 : i32
      %add3A_224 = arith.addi %add3A_223, %mul3A_222 : i32
      %swap3A_225 = arith.index_cast %add3A_224 : i32 to index
      %swap3A_226 = arith.constant 0 : index
      %swap3A_227 = tpu.vector_load %arg14[%swap3A_225, %swap3A_226] {strides = array<i32>} : memref<80x128xf32, #tpu.memory_space<vmem>>, vector<1x16xf32>,
      %swap3A_228 = vector.shape_cast %swap3A_227 : vector<1x16xf32> to vector<16xf32>
      %swap3A_229 = vector.shape_cast %broadcast_in_dim3A_194 : vector<16xf32> to vector<1x16xf32>
      tpu.vector_store %arg14[%swap3A_225, %swap3A_226], %swap3A_229 {strides = array<i32>} : memref<80x128xf32, #tpu.memory_space<vmem>>, vector<1x16xf32>,
      %swap3A_230 = arith.index_cast %add3A_224 : i32 to index
      %swap3A_231 = arith.constant 16 : index
      %swap3A_232 = tpu.vector_load %arg14[%swap3A_230, %swap3A_231] {strides = array<i32>} : memref<80x128xf32, #tpu.memory_space<vmem>>, vector<1x16xf32>,
      %swap3A_233 = vector.shape_cast %swap3A_232 : vector<1x16xf32> to vector<16xf32>
      %swap3A_234 = vector.shape_cast %broadcast_in_dim3A_194 : vector<16xf32> to vector<1x16xf32>
      tpu.vector_store %arg14[%swap3A_230, %swap3A_231], %swap3A_234 {strides = array<i32>} : memref<80x128xf32, #tpu.memory_space<vmem>>, vector<1x16xf32>,
      %swap3A_235 = arith.index_cast %add3A_224 : i32 to index
      %swap3A_236 = arith.constant 32 : index
      %swap3A_237 = tpu.vector_load %arg14[%swap3A_235, %swap3A_236] {strides = array<i32>} : memref<80x128xf32, #tpu.memory_space<vmem>>, vector<1x16xf32>,
      %swap3A_238 = vector.shape_cast %swap3A_237 : vector<1x16xf32> to vector<16xf32>
      %swap3A_239 = vector.shape_cast %broadcast_in_dim3A_194 : vector<16xf32> to vector<1x16xf32>
      tpu.vector_store %arg14[%swap3A_235, %swap3A_236], %swap3A_239 {strides = array<i32>} : memref<80x128xf32, #tpu.memory_space<vmem>>, vector<1x16xf32>,
      %swap3A_240 = arith.index_cast %add3A_224 : i32 to index
      %swap3A_241 = arith.constant 48 : index
      %swap3A_242 = tpu.vector_load %arg14[%swap3A_240, %swap3A_241] {strides = array<i32>} : memref<80x128xf32, #tpu.memory_space<vmem>>, vector<1x16xf32>,
      %swap3A_243 = vector.shape_cast %swap3A_242 : vector<1x16xf32> to vector<16xf32>
      %swap3A_244 = vector.shape_cast %broadcast_in_dim3A_194 : vector<16xf32> to vector<1x16xf32>
      tpu.vector_store %arg14[%swap3A_240, %swap3A_241], %swap3A_244 {strides = array<i32>} : memref<80x128xf32, #tpu.memory_space<vmem>>, vector<1x16xf32>,
      %swap3A_245 = arith.index_cast %add3A_224 : i32 to index
      %swap3A_246 = arith.constant 64 : index
      %swap3A_247 = tpu.vector_load %arg14[%swap3A_245, %swap3A_246] {strides = array<i32>} : memref<80x128xf32, #tpu.memory_space<vmem>>, vector<1x16xf32>,
      %swap3A_248 = vector.shape_cast %swap3A_247 : vector<1x16xf32> to vector<16xf32>
      %swap3A_249 = vector.shape_cast %broadcast_in_dim3A_194 : vector<16xf32> to vector<1x16xf32>
      tpu.vector_store %arg14[%swap3A_245, %swap3A_246], %swap3A_249 {strides = array<i32>} : memref<80x128xf32, #tpu.memory_space<vmem>>, vector<1x16xf32>,
      %swap3A_250 = arith.index_cast %add3A_224 : i32 to index
      %swap3A_251 = arith.constant 80 : index
      %swap3A_252 = tpu.vector_load %arg14[%swap3A_250, %swap3A_251] {strides = array<i32>} : memref<80x128xf32, #tpu.memory_space<vmem>>, vector<1x16xf32>,
      %swap3A_253 = vector.shape_cast %swap3A_252 : vector<1x16xf32> to vector<16xf32>
      %swap3A_254 = vector.shape_cast %broadcast_in_dim3A_194 : vector<16xf32> to vector<1x16xf32>
      tpu.vector_store %arg14[%swap3A_250, %swap3A_251], %swap3A_254 {strides = array<i32>} : memref<80x128xf32, #tpu.memory_space<vmem>>, vector<1x16xf32>,
      %swap3A_255 = arith.index_cast %add3A_224 : i32 to index
      %swap3A_256 = arith.constant 96 : index
      %swap3A_257 = tpu.vector_load %arg14[%swap3A_255, %swap3A_256] {strides = array<i32>} : memref<80x128xf32, #tpu.memory_space<vmem>>, vector<1x16xf32>,
      %swap3A_258 = vector.shape_cast %swap3A_257 : vector<1x16xf32> to vector<16xf32>
      %swap3A_259 = vector.shape_cast %broadcast_in_dim3A_194 : vector<16xf32> to vector<1x16xf32>
      tpu.vector_store %arg14[%swap3A_255, %swap3A_256], %swap3A_259 {strides = array<i32>} : memref<80x128xf32, #tpu.memory_space<vmem>>, vector<1x16xf32>,
      %swap3A_260 = arith.index_cast %add3A_224 : i32 to index
      %swap3A_261 = arith.constant 112 : index
      %swap3A_262 = tpu.vector_load %arg14[%swap3A_260, %swap3A_261] {strides = array<i32>} : memref<80x128xf32, #tpu.memory_space<vmem>>, vector<1x16xf32>,
      %swap3A_263 = vector.shape_cast %swap3A_262 : vector<1x16xf32> to vector<16xf32>
      %swap3A_264 = vector.shape_cast %broadcast_in_dim3A_194 : vector<16xf32> to vector<1x16xf32>
      tpu.vector_store %arg14[%swap3A_260, %swap3A_261], %swap3A_264 {strides = array<i32>} : memref<80x128xf32, #tpu.memory_space<vmem>>, vector<1x16xf32>,
    }
    %scan3A_198 = arith.constant 80 : i32
    %scan3A_199 = arith.constant 0 : i32
    %scan3A_200 = arith.constant 7 : i32
    %scan3A_201 = arith.addi %scan3A_199, %scan3A_200 : i32
    %scan3A_202 = arith.constant 1 : i32
    scf.for %scan3A_220 = %scan3A_199 to %scan3A_201 step %scan3A_202  : i32 {
      %mul3A_221 = arith.constant 1 : i32
      %mul3A_222 = arith.muli %scan3A_220, %mul3A_221 : i32
      %add3A_223 = arith.constant 0 : i32
      %add3A_224 = arith.addi %add3A_223, %mul3A_222 : i32
      %mul3A_225 = arith.constant 80 : i32
      %mul3A_226 = arith.muli %add3A_224, %mul3A_225 : i32
      %add3A_227 = arith.addi %mul3A_2, %mul3A_226 : i32
      "tpu.region"() ({
        %run_scoped3A = tpu.sem_alloc : memref<!tpu.dma_semaphore, #tpu.memory_space<semaphore_mem>>
        %dma_start3A_228 = arith.constant 0 : i32
        %dma_start3A_229 = tpu.memref_slice %arg21[%add3A_227, %dma_start3A_228] : memref<10112x128xf32, #tpu.memory_space<vmem_shared>> -> memref<80x128xf32, #tpu.memory_space<vmem_shared>>
        %dma_start3A_230 = arith.constant 0 : i32
        %dma_start3A_231 = tpu.memref_slice %arg21[%add3A_227, %dma_start3A_230] : memref<10112x128xf32, #tpu.memory_space<vmem_shared>> -> memref<80x128xf32, #tpu.memory_space<vmem_shared>>
        tpu.enqueue_dma source(%arg14 : memref<80x128xf32, #tpu.memory_space<vmem>>) target(%dma_start3A_231 : memref<80x128xf32, #tpu.memory_space<vmem_shared>>) target_semaphore(%run_scoped3A : memref<!tpu.dma_semaphore, #tpu.memory_space<semaphore_mem>>)
        %dma_wait3A_232 = arith.constant 0 : i32
        %dma_wait3A_233 = tpu.memref_slice %arg21[%add3A_227, %dma_wait3A_232] : memref<10112x128xf32, #tpu.memory_space<vmem_shared>> -> memref<80x128xf32, #tpu.memory_space<vmem_shared>>
        %dma_wait3A_234 = arith.constant 0 : i32
        %dma_wait3A_235 = tpu.memref_slice %arg21[%add3A_227, %dma_wait3A_234] : memref<10112x128xf32, #tpu.memory_space<vmem_shared>> -> memref<80x128xf32, #tpu.memory_space<vmem_shared>>
        tpu.wait_dma2 semaphore(%run_scoped3A : memref<!tpu.dma_semaphore, #tpu.memory_space<semaphore_mem>>) src(%arg14 : memref<80x128xf32, #tpu.memory_space<vmem>>) dst(%dma_wait3A_235 : memref<80x128xf32, #tpu.memory_space<vmem_shared>>)
        tpu.yield
      }) : () -> ()
    }
    %scan3A_203 = arith.constant 7 : i32
    %add3A_204 = arith.constant 560 : i32
    %add3A_205 = arith.addi %mul3A_2, %add3A_204 : i32
    "tpu.region"() ({
      %run_scoped3A = tpu.sem_alloc : memref<!tpu.dma_semaphore, #tpu.memory_space<semaphore_mem>>
      %dma_start3A_220 = arith.constant 0 : i32
      %dma_start3A_221 = arith.constant 0 : i32
      %dma_start3A_222 = tpu.memref_slice %arg14[%dma_start3A_220, %dma_start3A_221] : memref<80x128xf32, #tpu.memory_space<vmem>> -> memref<72x128xf32, #tpu.memory_space<vmem>>
      %dma_start3A_223 = arith.constant 0 : i32
      %dma_start3A_224 = tpu.memref_slice %arg21[%add3A_205, %dma_start3A_223] : memref<10112x128xf32, #tpu.memory_space<vmem_shared>> -> memref<72x128xf32, #tpu.memory_space<vmem_shared>>
      %dma_start3A_225 = arith.constant 0 : i32
      %dma_start3A_226 = tpu.memref_slice %arg21[%add3A_205, %dma_start3A_225] : memref<10112x128xf32, #tpu.memory_space<vmem_shared>> -> memref<72x128xf32, #tpu.memory_space<vmem_shared>>
      %dma_start3A_227 = arith.constant 0 : i32
      %dma_start3A_228 = arith.constant 0 : i32
      %dma_start3A_229 = tpu.memref_slice %arg14[%dma_start3A_227, %dma_start3A_228] : memref<80x128xf32, #tpu.memory_space<vmem>> -> memref<72x128xf32, #tpu.memory_space<vmem>>
      tpu.enqueue_dma source(%dma_start3A_229 : memref<72x128xf32, #tpu.memory_space<vmem>>) target(%dma_start3A_226 : memref<72x128xf32, #tpu.memory_space<vmem_shared>>) target_semaphore(%run_scoped3A : memref<!tpu.dma_semaphore, #tpu.memory_space<semaphore_mem>>)
      %dma_wait3A_230 = arith.constant 0 : i32
      %dma_wait3A_231 = arith.constant 0 : i32
      %dma_wait3A_232 = tpu.memref_slice %arg14[%dma_wait3A_230, %dma_wait3A_231] : memref<80x128xf32, #tpu.memory_space<vmem>> -> memref<72x128xf32, #tpu.memory_space<vmem>>
      %dma_wait3A_233 = arith.constant 0 : i32
      %dma_wait3A_234 = tpu.memref_slice %arg21[%add3A_205, %dma_wait3A_233] : memref<10112x128xf32, #tpu.memory_space<vmem_shared>> -> memref<72x128xf32, #tpu.memory_space<vmem_shared>>
      %dma_wait3A_235 = arith.constant 0 : i32
      %dma_wait3A_236 = tpu.memref_slice %arg21[%add3A_205, %dma_wait3A_235] : memref<10112x128xf32, #tpu.memory_space<vmem_shared>> -> memref<72x128xf32, #tpu.memory_space<vmem_shared>>
      %dma_wait3A_237 = arith.constant 0 : i32
      %dma_wait3A_238 = arith.constant 0 : i32
      %dma_wait3A_239 = tpu.memref_slice %arg14[%dma_wait3A_237, %dma_wait3A_238] : memref<80x128xf32, #tpu.memory_space<vmem>> -> memref<72x128xf32, #tpu.memory_space<vmem>>
      tpu.wait_dma2 semaphore(%run_scoped3A : memref<!tpu.dma_semaphore, #tpu.memory_space<semaphore_mem>>) src(%dma_wait3A_239 : memref<72x128xf32, #tpu.memory_space<vmem>>) dst(%dma_wait3A_236 : memref<72x128xf32, #tpu.memory_space<vmem_shared>>)
      tpu.yield
    }) : () -> ()
    %barrier3A = arith.constant 0 : index
    tpu.barrier barrier_id(%barrier3A)
    %scan3A_206 = arith.constant 0 : i32
    %scan3A_207 = arith.constant 42 : i32
    %scan3A_208 = arith.addi %scan3A_206, %scan3A_207 : i32
    %scan3A_209 = arith.constant 1 : i32
    scf.for %scan3A_220 = %scan3A_206 to %scan3A_208 step %scan3A_209  : i32 {
      %mul3A_221 = arith.constant 1 : i32
      %mul3A_222 = arith.muli %scan3A_220, %mul3A_221 : i32
      %add3A_223 = arith.constant 0 : i32
      %add3A_224 = arith.addi %add3A_223, %mul3A_222 : i32
      %mul3A_225 = arith.constant 3 : i32
      %mul3A_226 = arith.muli %add3A_224, %mul3A_225 : i32
      %add3A_227 = arith.constant 0 : i32
      %add3A_228 = arith.addi %mul3A_226, %add3A_227 : i32
      %add3A_229 = arith.constant 3 : i32
      %add3A_230 = arith.addi %add3A_228, %add3A_229 : i32
      %sub3A = arith.constant 1 : i32
      %sub3A_231 = arith.subi %add3A_230, %sub3A : i32
      %lt3A = arith.constant 126 : i32
      %lt3A_232 = arith.cmpi slt, %sub3A_231, %lt3A : i32
      %convert_element_type3A = arith.extui %lt3A_232 : i1 to i32
      %cond3A = arith.constant 0 : i32
      %cond3A_233 = arith.cmpi ne, %convert_element_type3A, %cond3A : i32
      scf.if %cond3A_233 {
        %ge3A = arith.constant 3 : i32
        %ge3A_274 = arith.cmpi sge, %sub3A_231, %ge3A : i32
        %convert_element_type3A_275 = arith.extui %ge3A_274 : i1 to i32
        %cond3A_276 = arith.constant 0 : i32
        %cond3A_277 = arith.cmpi ne, %convert_element_type3A_275, %cond3A_276 : i32
        scf.if %cond3A_277 {
          %dma_wait3A_371 = arith.constant 0 : i32
          %dma_wait3A_372 = arith.constant 0 : i32
          %dma_wait3A_373 = tpu.memref_slice %arg21[%dma_wait3A_371, %dma_wait3A_372] : memref<10112x128xf32, #tpu.memory_space<vmem_shared>> -> memref<10112x128xf32, #tpu.memory_space<vmem_shared>>
          tpu.wait_indirect_dma semaphore(%arg20 : memref<!tpu.dma_semaphore, #tpu.memory_space<semaphore_mem>>) src(%arg14 : memref<80x128xf32, #tpu.memory_space<vmem>>) dst(%dma_wait3A_373 : memref<10112x128xf32, #tpu.memory_space<vmem_shared>>)
        } else {
        }
        %get3A_278 = arith.index_cast %sub3A_231 : i32 to index
        %get3A_279 = arith.constant 0 : index
        %get3A_280 = tpu.vector_load %arg5[%get3A_278, %get3A_279] {strides = array<i32>} : memref<126x80xi32, #tpu.memory_space<vmem>>, vector<1x16xi32>,
        %get3A_281 = vector.shape_cast %get3A_280 : vector<1x16xi32> to vector<16xi32>
        %and3A_282 = arith.constant 16383 : i32
        %and3A_283 = vector.broadcast %and3A_282 : i32 to vector<16xi32>
        %and3A_284 = arith.andi %get3A_281, %and3A_283 : vector<16xi32>
        %swap3A_285 = arith.constant 0 : index
        %swap3A_286 = tpu.vector_load %arg8[%swap3A_285] {strides = array<i32>} : memref<80xi32, #tpu.memory_space<vmem>>, vector<16xi32>,
        %swap3A_287 = vector.shape_cast %swap3A_286 : vector<16xi32> to vector<16xi32>
        %swap3A_288 = vector.shape_cast %and3A_284 : vector<16xi32> to vector<16xi32>
        tpu.vector_store %arg8[%swap3A_285], %swap3A_288 {strides = array<i32>} : memref<80xi32, #tpu.memory_space<vmem>>, vector<16xi32>,
        %shift_right_logical3A_289 = arith.constant 14 : i32
        %shift_right_logical3A_290 = vector.broadcast %shift_right_logical3A_289 : i32 to vector<16xi32>
        %shift_right_logical3A_291 = arith.shrui %get3A_281, %shift_right_logical3A_290 : vector<16xi32>
        %swap3A_292 = arith.constant 0 : index
        %swap3A_293 = tpu.vector_load %arg11[%swap3A_292] {strides = array<i32>} : memref<80xi32, #tpu.memory_space<vmem>>, vector<16xi32>,
        %swap3A_294 = vector.shape_cast %swap3A_293 : vector<16xi32> to vector<16xi32>
        %swap3A_295 = vector.shape_cast %shift_right_logical3A_291 : vector<16xi32> to vector<16xi32>
        tpu.vector_store %arg11[%swap3A_292], %swap3A_295 {strides = array<i32>} : memref<80xi32, #tpu.memory_space<vmem>>, vector<16xi32>,
        %get3A_296 = arith.index_cast %sub3A_231 : i32 to index
        %get3A_297 = arith.constant 16 : index
        %get3A_298 = tpu.vector_load %arg5[%get3A_296, %get3A_297] {strides = array<i32>} : memref<126x80xi32, #tpu.memory_space<vmem>>, vector<1x16xi32>,
        %get3A_299 = vector.shape_cast %get3A_298 : vector<1x16xi32> to vector<16xi32>
        %and3A_300 = arith.constant 16383 : i32
        %and3A_301 = vector.broadcast %and3A_300 : i32 to vector<16xi32>
        %and3A_302 = arith.andi %get3A_299, %and3A_301 : vector<16xi32>
        %swap3A_303 = arith.constant 16 : index
        %swap3A_304 = tpu.vector_load %arg8[%swap3A_303] {strides = array<i32>} : memref<80xi32, #tpu.memory_space<vmem>>, vector<16xi32>,
        %swap3A_305 = vector.shape_cast %swap3A_304 : vector<16xi32> to vector<16xi32>
        %swap3A_306 = vector.shape_cast %and3A_302 : vector<16xi32> to vector<16xi32>
        tpu.vector_store %arg8[%swap3A_303], %swap3A_306 {strides = array<i32>} : memref<80xi32, #tpu.memory_space<vmem>>, vector<16xi32>,
        %shift_right_logical3A_307 = arith.constant 14 : i32
        %shift_right_logical3A_308 = vector.broadcast %shift_right_logical3A_307 : i32 to vector<16xi32>
        %shift_right_logical3A_309 = arith.shrui %get3A_299, %shift_right_logical3A_308 : vector<16xi32>
        %swap3A_310 = arith.constant 16 : index
        %swap3A_311 = tpu.vector_load %arg11[%swap3A_310] {strides = array<i32>} : memref<80xi32, #tpu.memory_space<vmem>>, vector<16xi32>,
        %swap3A_312 = vector.shape_cast %swap3A_311 : vector<16xi32> to vector<16xi32>
        %swap3A_313 = vector.shape_cast %shift_right_logical3A_309 : vector<16xi32> to vector<16xi32>
        tpu.vector_store %arg11[%swap3A_310], %swap3A_313 {strides = array<i32>} : memref<80xi32, #tpu.memory_space<vmem>>, vector<16xi32>,
        %get3A_314 = arith.index_cast %sub3A_231 : i32 to index
        %get3A_315 = arith.constant 32 : index
        %get3A_316 = tpu.vector_load %arg5[%get3A_314, %get3A_315] {strides = array<i32>} : memref<126x80xi32, #tpu.memory_space<vmem>>, vector<1x16xi32>,
        %get3A_317 = vector.shape_cast %get3A_316 : vector<1x16xi32> to vector<16xi32>
        %and3A_318 = arith.constant 16383 : i32
        %and3A_319 = vector.broadcast %and3A_318 : i32 to vector<16xi32>
        %and3A_320 = arith.andi %get3A_317, %and3A_319 : vector<16xi32>
        %swap3A_321 = arith.constant 32 : index
        %swap3A_322 = tpu.vector_load %arg8[%swap3A_321] {strides = array<i32>} : memref<80xi32, #tpu.memory_space<vmem>>, vector<16xi32>,
        %swap3A_323 = vector.shape_cast %swap3A_322 : vector<16xi32> to vector<16xi32>
        %swap3A_324 = vector.shape_cast %and3A_320 : vector<16xi32> to vector<16xi32>
        tpu.vector_store %arg8[%swap3A_321], %swap3A_324 {strides = array<i32>} : memref<80xi32, #tpu.memory_space<vmem>>, vector<16xi32>,
        %shift_right_logical3A_325 = arith.constant 14 : i32
        %shift_right_logical3A_326 = vector.broadcast %shift_right_logical3A_325 : i32 to vector<16xi32>
        %shift_right_logical3A_327 = arith.shrui %get3A_317, %shift_right_logical3A_326 : vector<16xi32>
        %swap3A_328 = arith.constant 32 : index
        %swap3A_329 = tpu.vector_load %arg11[%swap3A_328] {strides = array<i32>} : memref<80xi32, #tpu.memory_space<vmem>>, vector<16xi32>,
        %swap3A_330 = vector.shape_cast %swap3A_329 : vector<16xi32> to vector<16xi32>
        %swap3A_331 = vector.shape_cast %shift_right_logical3A_327 : vector<16xi32> to vector<16xi32>
        tpu.vector_store %arg11[%swap3A_328], %swap3A_331 {strides = array<i32>} : memref<80xi32, #tpu.memory_space<vmem>>, vector<16xi32>,
        %get3A_332 = arith.index_cast %sub3A_231 : i32 to index
        %get3A_333 = arith.constant 48 : index
        %get3A_334 = tpu.vector_load %arg5[%get3A_332, %get3A_333] {strides = array<i32>} : memref<126x80xi32, #tpu.memory_space<vmem>>, vector<1x16xi32>,
        %get3A_335 = vector.shape_cast %get3A_334 : vector<1x16xi32> to vector<16xi32>
        %and3A_336 = arith.constant 16383 : i32
        %and3A_337 = vector.broadcast %and3A_336 : i32 to vector<16xi32>
        %and3A_338 = arith.andi %get3A_335, %and3A_337 : vector<16xi32>
        %swap3A_339 = arith.constant 48 : index
        %swap3A_340 = tpu.vector_load %arg8[%swap3A_339] {strides = array<i32>} : memref<80xi32, #tpu.memory_space<vmem>>, vector<16xi32>,
        %swap3A_341 = vector.shape_cast %swap3A_340 : vector<16xi32> to vector<16xi32>
        %swap3A_342 = vector.shape_cast %and3A_338 : vector<16xi32> to vector<16xi32>
        tpu.vector_store %arg8[%swap3A_339], %swap3A_342 {strides = array<i32>} : memref<80xi32, #tpu.memory_space<vmem>>, vector<16xi32>,
        %shift_right_logical3A_343 = arith.constant 14 : i32
        %shift_right_logical3A_344 = vector.broadcast %shift_right_logical3A_343 : i32 to vector<16xi32>
        %shift_right_logical3A_345 = arith.shrui %get3A_335, %shift_right_logical3A_344 : vector<16xi32>
        %swap3A_346 = arith.constant 48 : index
        %swap3A_347 = tpu.vector_load %arg11[%swap3A_346] {strides = array<i32>} : memref<80xi32, #tpu.memory_space<vmem>>, vector<16xi32>,
        %swap3A_348 = vector.shape_cast %swap3A_347 : vector<16xi32> to vector<16xi32>
        %swap3A_349 = vector.shape_cast %shift_right_logical3A_345 : vector<16xi32> to vector<16xi32>
        tpu.vector_store %arg11[%swap3A_346], %swap3A_349 {strides = array<i32>} : memref<80xi32, #tpu.memory_space<vmem>>, vector<16xi32>,
        %get3A_350 = arith.index_cast %sub3A_231 : i32 to index
        %get3A_351 = arith.constant 64 : index
        %get3A_352 = tpu.vector_load %arg5[%get3A_350, %get3A_351] {strides = array<i32>} : memref<126x80xi32, #tpu.memory_space<vmem>>, vector<1x16xi32>,
        %get3A_353 = vector.shape_cast %get3A_352 : vector<1x16xi32> to vector<16xi32>
        %and3A_354 = arith.constant 16383 : i32
        %and3A_355 = vector.broadcast %and3A_354 : i32 to vector<16xi32>
        %and3A_356 = arith.andi %get3A_353, %and3A_355 : vector<16xi32>
        %swap3A_357 = arith.constant 64 : index
        %swap3A_358 = tpu.vector_load %arg8[%swap3A_357] {strides = array<i32>} : memref<80xi32, #tpu.memory_space<vmem>>, vector<16xi32>,
        %swap3A_359 = vector.shape_cast %swap3A_358 : vector<16xi32> to vector<16xi32>
        %swap3A_360 = vector.shape_cast %and3A_356 : vector<16xi32> to vector<16xi32>
        tpu.vector_store %arg8[%swap3A_357], %swap3A_360 {strides = array<i32>} : memref<80xi32, #tpu.memory_space<vmem>>, vector<16xi32>,
        %shift_right_logical3A_361 = arith.constant 14 : i32
        %shift_right_logical3A_362 = vector.broadcast %shift_right_logical3A_361 : i32 to vector<16xi32>
        %shift_right_logical3A_363 = arith.shrui %get3A_353, %shift_right_logical3A_362 : vector<16xi32>
        %swap3A_364 = arith.constant 64 : index
        %swap3A_365 = tpu.vector_load %arg11[%swap3A_364] {strides = array<i32>} : memref<80xi32, #tpu.memory_space<vmem>>, vector<16xi32>,
        %swap3A_366 = vector.shape_cast %swap3A_365 : vector<16xi32> to vector<16xi32>
        %swap3A_367 = vector.shape_cast %shift_right_logical3A_363 : vector<16xi32> to vector<16xi32>
        tpu.vector_store %arg11[%swap3A_364], %swap3A_367 {strides = array<i32>} : memref<80xi32, #tpu.memory_space<vmem>>, vector<16xi32>,
        %dma_start3A_368 = arith.constant 0 : i32
        %dma_start3A_369 = arith.constant 0 : i32
        %dma_start3A_370 = tpu.memref_slice %arg2[%dma_start3A_368, %dma_start3A_369] : memref<10000x128xf32, #tpu.memory_space<hbm>> -> memref<10000x128xf32, #tpu.memory_space<hbm>>
        tpu.enqueue_indirect_dma source(%dma_start3A_370 : memref<10000x128xf32, #tpu.memory_space<hbm>>) target(%arg14 : memref<80x128xf32, #tpu.memory_space<vmem>>) offsets(%arg8 : memref<80xi32, #tpu.memory_space<vmem>>) semaphore(%arg17 : memref<!tpu.dma_semaphore, #tpu.memory_space<semaphore_mem>>)
      } else {
      }
      %dma_wait3A_234 = arith.constant 0 : i32
      %dma_wait3A_235 = arith.constant 0 : i32
      %dma_wait3A_236 = tpu.memref_slice %arg2[%dma_wait3A_234, %dma_wait3A_235] : memref<10000x128xf32, #tpu.memory_space<hbm>> -> memref<10000x128xf32, #tpu.memory_space<hbm>>
      tpu.wait_indirect_dma semaphore(%arg15 : memref<!tpu.dma_semaphore, #tpu.memory_space<semaphore_mem>>) src(%dma_wait3A_236 : memref<10000x128xf32, #tpu.memory_space<hbm>>) dst(%arg12 : memref<80x128xf32, #tpu.memory_space<vmem>>)
      %dma_start3A_237 = arith.constant 0 : i32
      %dma_start3A_238 = arith.constant 0 : i32
      %dma_start3A_239 = tpu.memref_slice %arg21[%dma_start3A_237, %dma_start3A_238] : memref<10112x128xf32, #tpu.memory_space<vmem_shared>> -> memref<10112x128xf32, #tpu.memory_space<vmem_shared>>
      tpu.enqueue_indirect_dma source(%arg12 : memref<80x128xf32, #tpu.memory_space<vmem>>) target(%dma_start3A_239 : memref<10112x128xf32, #tpu.memory_space<vmem_shared>>) offsets(%arg9 : memref<80xi32, #tpu.memory_space<vmem>>) semaphore(%arg18 : memref<!tpu.dma_semaphore, #tpu.memory_space<semaphore_mem>>) {add = true}
      %add3A_240 = arith.constant 1 : i32
      %add3A_241 = arith.addi %mul3A_226, %add3A_240 : i32
      %add3A_242 = arith.constant 3 : i32
      %add3A_243 = arith.addi %add3A_241, %add3A_242 : i32
      %sub3A_244 = arith.constant 1 : i32
      %sub3A_245 = arith.subi %add3A_243, %sub3A_244 : i32
      %lt3A_246 = arith.constant 126 : i32
      %lt3A_247 = arith.cmpi slt, %sub3A_245, %lt3A_246 : i32
      %convert_element_type3A_248 = arith.extui %lt3A_247 : i1 to i32
      %cond3A_249 = arith.constant 0 : i32
      %cond3A_250 = arith.cmpi ne, %convert_element_type3A_248, %cond3A_249 : i32
      scf.if %cond3A_250 {
        %ge3A = arith.constant 3 : i32
        %ge3A_274 = arith.cmpi sge, %sub3A_245, %ge3A : i32
        %convert_element_type3A_275 = arith.extui %ge3A_274 : i1 to i32
        %cond3A_276 = arith.constant 0 : i32
        %cond3A_277 = arith.cmpi ne, %convert_element_type3A_275, %cond3A_276 : i32
        scf.if %cond3A_277 {
          %dma_wait3A_371 = arith.constant 0 : i32
          %dma_wait3A_372 = arith.constant 0 : i32
          %dma_wait3A_373 = tpu.memref_slice %arg21[%dma_wait3A_371, %dma_wait3A_372] : memref<10112x128xf32, #tpu.memory_space<vmem_shared>> -> memref<10112x128xf32, #tpu.memory_space<vmem_shared>>
          tpu.wait_indirect_dma semaphore(%arg18 : memref<!tpu.dma_semaphore, #tpu.memory_space<semaphore_mem>>) src(%arg12 : memref<80x128xf32, #tpu.memory_space<vmem>>) dst(%dma_wait3A_373 : memref<10112x128xf32, #tpu.memory_space<vmem_shared>>)
        } else {
        }
        %get3A_278 = arith.index_cast %sub3A_245 : i32 to index
        %get3A_279 = arith.constant 0 : index
        %get3A_280 = tpu.vector_load %arg5[%get3A_278, %get3A_279] {strides = array<i32>} : memref<126x80xi32, #tpu.memory_space<vmem>>, vector<1x16xi32>,
        %get3A_281 = vector.shape_cast %get3A_280 : vector<1x16xi32> to vector<16xi32>
        %and3A_282 = arith.constant 16383 : i32
        %and3A_283 = vector.broadcast %and3A_282 : i32 to vector<16xi32>
        %and3A_284 = arith.andi %get3A_281, %and3A_283 : vector<16xi32>
        %swap3A_285 = arith.constant 0 : index
        %swap3A_286 = tpu.vector_load %arg6[%swap3A_285] {strides = array<i32>} : memref<80xi32, #tpu.memory_space<vmem>>, vector<16xi32>,
        %swap3A_287 = vector.shape_cast %swap3A_286 : vector<16xi32> to vector<16xi32>
        %swap3A_288 = vector.shape_cast %and3A_284 : vector<16xi32> to vector<16xi32>
        tpu.vector_store %arg6[%swap3A_285], %swap3A_288 {strides = array<i32>} : memref<80xi32, #tpu.memory_space<vmem>>, vector<16xi32>,
        %shift_right_logical3A_289 = arith.constant 14 : i32
        %shift_right_logical3A_290 = vector.broadcast %shift_right_logical3A_289 : i32 to vector<16xi32>
        %shift_right_logical3A_291 = arith.shrui %get3A_281, %shift_right_logical3A_290 : vector<16xi32>
        %swap3A_292 = arith.constant 0 : index
        %swap3A_293 = tpu.vector_load %arg9[%swap3A_292] {strides = array<i32>} : memref<80xi32, #tpu.memory_space<vmem>>, vector<16xi32>,
        %swap3A_294 = vector.shape_cast %swap3A_293 : vector<16xi32> to vector<16xi32>
        %swap3A_295 = vector.shape_cast %shift_right_logical3A_291 : vector<16xi32> to vector<16xi32>
        tpu.vector_store %arg9[%swap3A_292], %swap3A_295 {strides = array<i32>} : memref<80xi32, #tpu.memory_space<vmem>>, vector<16xi32>,
        %get3A_296 = arith.index_cast %sub3A_245 : i32 to index
        %get3A_297 = arith.constant 16 : index
        %get3A_298 = tpu.vector_load %arg5[%get3A_296, %get3A_297] {strides = array<i32>} : memref<126x80xi32, #tpu.memory_space<vmem>>, vector<1x16xi32>,
        %get3A_299 = vector.shape_cast %get3A_298 : vector<1x16xi32> to vector<16xi32>
        %and3A_300 = arith.constant 16383 : i32
        %and3A_301 = vector.broadcast %and3A_300 : i32 to vector<16xi32>
        %and3A_302 = arith.andi %get3A_299, %and3A_301 : vector<16xi32>
        %swap3A_303 = arith.constant 16 : index
        %swap3A_304 = tpu.vector_load %arg6[%swap3A_303] {strides = array<i32>} : memref<80xi32, #tpu.memory_space<vmem>>, vector<16xi32>,
        %swap3A_305 = vector.shape_cast %swap3A_304 : vector<16xi32> to vector<16xi32>
        %swap3A_306 = vector.shape_cast %and3A_302 : vector<16xi32> to vector<16xi32>
        tpu.vector_store %arg6[%swap3A_303], %swap3A_306 {strides = array<i32>} : memref<80xi32, #tpu.memory_space<vmem>>, vector<16xi32>,
        %shift_right_logical3A_307 = arith.constant 14 : i32
        %shift_right_logical3A_308 = vector.broadcast %shift_right_logical3A_307 : i32 to vector<16xi32>
        %shift_right_logical3A_309 = arith.shrui %get3A_299, %shift_right_logical3A_308 : vector<16xi32>
        %swap3A_310 = arith.constant 16 : index
        %swap3A_311 = tpu.vector_load %arg9[%swap3A_310] {strides = array<i32>} : memref<80xi32, #tpu.memory_space<vmem>>, vector<16xi32>,
        %swap3A_312 = vector.shape_cast %swap3A_311 : vector<16xi32> to vector<16xi32>
        %swap3A_313 = vector.shape_cast %shift_right_logical3A_309 : vector<16xi32> to vector<16xi32>
        tpu.vector_store %arg9[%swap3A_310], %swap3A_313 {strides = array<i32>} : memref<80xi32, #tpu.memory_space<vmem>>, vector<16xi32>,
        %get3A_314 = arith.index_cast %sub3A_245 : i32 to index
        %get3A_315 = arith.constant 32 : index
        %get3A_316 = tpu.vector_load %arg5[%get3A_314, %get3A_315] {strides = array<i32>} : memref<126x80xi32, #tpu.memory_space<vmem>>, vector<1x16xi32>,
        %get3A_317 = vector.shape_cast %get3A_316 : vector<1x16xi32> to vector<16xi32>
        %and3A_318 = arith.constant 16383 : i32
        %and3A_319 = vector.broadcast %and3A_318 : i32 to vector<16xi32>
        %and3A_320 = arith.andi %get3A_317, %and3A_319 : vector<16xi32>
        %swap3A_321 = arith.constant 32 : index
        %swap3A_322 = tpu.vector_load %arg6[%swap3A_321] {strides = array<i32>} : memref<80xi32, #tpu.memory_space<vmem>>, vector<16xi32>,
        %swap3A_323 = vector.shape_cast %swap3A_322 : vector<16xi32> to vector<16xi32>
        %swap3A_324 = vector.shape_cast %and3A_320 : vector<16xi32> to vector<16xi32>
        tpu.vector_store %arg6[%swap3A_321], %swap3A_324 {strides = array<i32>} : memref<80xi32, #tpu.memory_space<vmem>>, vector<16xi32>,
        %shift_right_logical3A_325 = arith.constant 14 : i32
        %shift_right_logical3A_326 = vector.broadcast %shift_right_logical3A_325 : i32 to vector<16xi32>
        %shift_right_logical3A_327 = arith.shrui %get3A_317, %shift_right_logical3A_326 : vector<16xi32>
        %swap3A_328 = arith.constant 32 : index
        %swap3A_329 = tpu.vector_load %arg9[%swap3A_328] {strides = array<i32>} : memref<80xi32, #tpu.memory_space<vmem>>, vector<16xi32>,
        %swap3A_330 = vector.shape_cast %swap3A_329 : vector<16xi32> to vector<16xi32>
        %swap3A_331 = vector.shape_cast %shift_right_logical3A_327 : vector<16xi32> to vector<16xi32>
        tpu.vector_store %arg9[%swap3A_328], %swap3A_331 {strides = array<i32>} : memref<80xi32, #tpu.memory_space<vmem>>, vector<16xi32>,
        %get3A_332 = arith.index_cast %sub3A_245 : i32 to index
        %get3A_333 = arith.constant 48 : index
        %get3A_334 = tpu.vector_load %arg5[%get3A_332, %get3A_333] {strides = array<i32>} : memref<126x80xi32, #tpu.memory_space<vmem>>, vector<1x16xi32>,
        %get3A_335 = vector.shape_cast %get3A_334 : vector<1x16xi32> to vector<16xi32>
        %and3A_336 = arith.constant 16383 : i32
        %and3A_337 = vector.broadcast %and3A_336 : i32 to vector<16xi32>
        %and3A_338 = arith.andi %get3A_335, %and3A_337 : vector<16xi32>
        %swap3A_339 = arith.constant 48 : index
        %swap3A_340 = tpu.vector_load %arg6[%swap3A_339] {strides = array<i32>} : memref<80xi32, #tpu.memory_space<vmem>>, vector<16xi32>,
        %swap3A_341 = vector.shape_cast %swap3A_340 : vector<16xi32> to vector<16xi32>
        %swap3A_342 = vector.shape_cast %and3A_338 : vector<16xi32> to vector<16xi32>
        tpu.vector_store %arg6[%swap3A_339], %swap3A_342 {strides = array<i32>} : memref<80xi32, #tpu.memory_space<vmem>>, vector<16xi32>,
        %shift_right_logical3A_343 = arith.constant 14 : i32
        %shift_right_logical3A_344 = vector.broadcast %shift_right_logical3A_343 : i32 to vector<16xi32>
        %shift_right_logical3A_345 = arith.shrui %get3A_335, %shift_right_logical3A_344 : vector<16xi32>
        %swap3A_346 = arith.constant 48 : index
        %swap3A_347 = tpu.vector_load %arg9[%swap3A_346] {strides = array<i32>} : memref<80xi32, #tpu.memory_space<vmem>>, vector<16xi32>,
        %swap3A_348 = vector.shape_cast %swap3A_347 : vector<16xi32> to vector<16xi32>
        %swap3A_349 = vector.shape_cast %shift_right_logical3A_345 : vector<16xi32> to vector<16xi32>
        tpu.vector_store %arg9[%swap3A_346], %swap3A_349 {strides = array<i32>} : memref<80xi32, #tpu.memory_space<vmem>>, vector<16xi32>,
        %get3A_350 = arith.index_cast %sub3A_245 : i32 to index
        %get3A_351 = arith.constant 64 : index
        %get3A_352 = tpu.vector_load %arg5[%get3A_350, %get3A_351] {strides = array<i32>} : memref<126x80xi32, #tpu.memory_space<vmem>>, vector<1x16xi32>,
        %get3A_353 = vector.shape_cast %get3A_352 : vector<1x16xi32> to vector<16xi32>
        %and3A_354 = arith.constant 16383 : i32
        %and3A_355 = vector.broadcast %and3A_354 : i32 to vector<16xi32>
        %and3A_356 = arith.andi %get3A_353, %and3A_355 : vector<16xi32>
        %swap3A_357 = arith.constant 64 : index
        %swap3A_358 = tpu.vector_load %arg6[%swap3A_357] {strides = array<i32>} : memref<80xi32, #tpu.memory_space<vmem>>, vector<16xi32>,
        %swap3A_359 = vector.shape_cast %swap3A_358 : vector<16xi32> to vector<16xi32>
        %swap3A_360 = vector.shape_cast %and3A_356 : vector<16xi32> to vector<16xi32>
        tpu.vector_store %arg6[%swap3A_357], %swap3A_360 {strides = array<i32>} : memref<80xi32, #tpu.memory_space<vmem>>, vector<16xi32>,
        %shift_right_logical3A_361 = arith.constant 14 : i32
        %shift_right_logical3A_362 = vector.broadcast %shift_right_logical3A_361 : i32 to vector<16xi32>
        %shift_right_logical3A_363 = arith.shrui %get3A_353, %shift_right_logical3A_362 : vector<16xi32>
        %swap3A_364 = arith.constant 64 : index
        %swap3A_365 = tpu.vector_load %arg9[%swap3A_364] {strides = array<i32>} : memref<80xi32, #tpu.memory_space<vmem>>, vector<16xi32>,
        %swap3A_366 = vector.shape_cast %swap3A_365 : vector<16xi32> to vector<16xi32>
        %swap3A_367 = vector.shape_cast %shift_right_logical3A_363 : vector<16xi32> to vector<16xi32>
        tpu.vector_store %arg9[%swap3A_364], %swap3A_367 {strides = array<i32>} : memref<80xi32, #tpu.memory_space<vmem>>, vector<16xi32>,
        %dma_start3A_368 = arith.constant 0 : i32
        %dma_start3A_369 = arith.constant 0 : i32
        %dma_start3A_370 = tpu.memref_slice %arg2[%dma_start3A_368, %dma_start3A_369] : memref<10000x128xf32, #tpu.memory_space<hbm>> -> memref<10000x128xf32, #tpu.memory_space<hbm>>
        tpu.enqueue_indirect_dma source(%dma_start3A_370 : memref<10000x128xf32, #tpu.memory_space<hbm>>) target(%arg12 : memref<80x128xf32, #tpu.memory_space<vmem>>) offsets(%arg6 : memref<80xi32, #tpu.memory_space<vmem>>) semaphore(%arg15 : memref<!tpu.dma_semaphore, #tpu.memory_space<semaphore_mem>>)
      } else {
      }
      %dma_wait3A_251 = arith.constant 0 : i32
      %dma_wait3A_252 = arith.constant 0 : i32
      %dma_wait3A_253 = tpu.memref_slice %arg2[%dma_wait3A_251, %dma_wait3A_252] : memref<10000x128xf32, #tpu.memory_space<hbm>> -> memref<10000x128xf32, #tpu.memory_space<hbm>>
      tpu.wait_indirect_dma semaphore(%arg16 : memref<!tpu.dma_semaphore, #tpu.memory_space<semaphore_mem>>) src(%dma_wait3A_253 : memref<10000x128xf32, #tpu.memory_space<hbm>>) dst(%arg13 : memref<80x128xf32, #tpu.memory_space<vmem>>)
      %dma_start3A_254 = arith.constant 0 : i32
      %dma_start3A_255 = arith.constant 0 : i32
      %dma_start3A_256 = tpu.memref_slice %arg21[%dma_start3A_254, %dma_start3A_255] : memref<10112x128xf32, #tpu.memory_space<vmem_shared>> -> memref<10112x128xf32, #tpu.memory_space<vmem_shared>>
      tpu.enqueue_indirect_dma source(%arg13 : memref<80x128xf32, #tpu.memory_space<vmem>>) target(%dma_start3A_256 : memref<10112x128xf32, #tpu.memory_space<vmem_shared>>) offsets(%arg10 : memref<80xi32, #tpu.memory_space<vmem>>) semaphore(%arg19 : memref<!tpu.dma_semaphore, #tpu.memory_space<semaphore_mem>>) {add = true}
      %add3A_257 = arith.constant 2 : i32
      %add3A_258 = arith.addi %mul3A_226, %add3A_257 : i32
      %add3A_259 = arith.constant 3 : i32
      %add3A_260 = arith.addi %add3A_258, %add3A_259 : i32
      %sub3A_261 = arith.constant 1 : i32
      %sub3A_262 = arith.subi %add3A_260, %sub3A_261 : i32
      %lt3A_263 = arith.constant 126 : i32
      %lt3A_264 = arith.cmpi slt, %sub3A_262, %lt3A_263 : i32
      %convert_element_type3A_265 = arith.extui %lt3A_264 : i1 to i32
      %cond3A_266 = arith.constant 0 : i32
      %cond3A_267 = arith.cmpi ne, %convert_element_type3A_265, %cond3A_266 : i32
      scf.if %cond3A_267 {
        %ge3A = arith.constant 3 : i32
        %ge3A_274 = arith.cmpi sge, %sub3A_262, %ge3A : i32
        %convert_element_type3A_275 = arith.extui %ge3A_274 : i1 to i32
        %cond3A_276 = arith.constant 0 : i32
        %cond3A_277 = arith.cmpi ne, %convert_element_type3A_275, %cond3A_276 : i32
        scf.if %cond3A_277 {
          %dma_wait3A_371 = arith.constant 0 : i32
          %dma_wait3A_372 = arith.constant 0 : i32
          %dma_wait3A_373 = tpu.memref_slice %arg21[%dma_wait3A_371, %dma_wait3A_372] : memref<10112x128xf32, #tpu.memory_space<vmem_shared>> -> memref<10112x128xf32, #tpu.memory_space<vmem_shared>>
          tpu.wait_indirect_dma semaphore(%arg19 : memref<!tpu.dma_semaphore, #tpu.memory_space<semaphore_mem>>) src(%arg13 : memref<80x128xf32, #tpu.memory_space<vmem>>) dst(%dma_wait3A_373 : memref<10112x128xf32, #tpu.memory_space<vmem_shared>>)
        } else {
        }
        %get3A_278 = arith.index_cast %sub3A_262 : i32 to index
        %get3A_279 = arith.constant 0 : index
        %get3A_280 = tpu.vector_load %arg5[%get3A_278, %get3A_279] {strides = array<i32>} : memref<126x80xi32, #tpu.memory_space<vmem>>, vector<1x16xi32>,
        %get3A_281 = vector.shape_cast %get3A_280 : vector<1x16xi32> to vector<16xi32>
        %and3A_282 = arith.constant 16383 : i32
        %and3A_283 = vector.broadcast %and3A_282 : i32 to vector<16xi32>
        %and3A_284 = arith.andi %get3A_281, %and3A_283 : vector<16xi32>
        %swap3A_285 = arith.constant 0 : index
        %swap3A_286 = tpu.vector_load %arg7[%swap3A_285] {strides = array<i32>} : memref<80xi32, #tpu.memory_space<vmem>>, vector<16xi32>,
        %swap3A_287 = vector.shape_cast %swap3A_286 : vector<16xi32> to vector<16xi32>
        %swap3A_288 = vector.shape_cast %and3A_284 : vector<16xi32> to vector<16xi32>
        tpu.vector_store %arg7[%swap3A_285], %swap3A_288 {strides = array<i32>} : memref<80xi32, #tpu.memory_space<vmem>>, vector<16xi32>,
        %shift_right_logical3A_289 = arith.constant 14 : i32
        %shift_right_logical3A_290 = vector.broadcast %shift_right_logical3A_289 : i32 to vector<16xi32>
        %shift_right_logical3A_291 = arith.shrui %get3A_281, %shift_right_logical3A_290 : vector<16xi32>
        %swap3A_292 = arith.constant 0 : index
        %swap3A_293 = tpu.vector_load %arg10[%swap3A_292] {strides = array<i32>} : memref<80xi32, #tpu.memory_space<vmem>>, vector<16xi32>,
        %swap3A_294 = vector.shape_cast %swap3A_293 : vector<16xi32> to vector<16xi32>
        %swap3A_295 = vector.shape_cast %shift_right_logical3A_291 : vector<16xi32> to vector<16xi32>
        tpu.vector_store %arg10[%swap3A_292], %swap3A_295 {strides = array<i32>} : memref<80xi32, #tpu.memory_space<vmem>>, vector<16xi32>,
        %get3A_296 = arith.index_cast %sub3A_262 : i32 to index
        %get3A_297 = arith.constant 16 : index
        %get3A_298 = tpu.vector_load %arg5[%get3A_296, %get3A_297] {strides = array<i32>} : memref<126x80xi32, #tpu.memory_space<vmem>>, vector<1x16xi32>,
        %get3A_299 = vector.shape_cast %get3A_298 : vector<1x16xi32> to vector<16xi32>
        %and3A_300 = arith.constant 16383 : i32
        %and3A_301 = vector.broadcast %and3A_300 : i32 to vector<16xi32>
        %and3A_302 = arith.andi %get3A_299, %and3A_301 : vector<16xi32>
        %swap3A_303 = arith.constant 16 : index
        %swap3A_304 = tpu.vector_load %arg7[%swap3A_303] {strides = array<i32>} : memref<80xi32, #tpu.memory_space<vmem>>, vector<16xi32>,
        %swap3A_305 = vector.shape_cast %swap3A_304 : vector<16xi32> to vector<16xi32>
        %swap3A_306 = vector.shape_cast %and3A_302 : vector<16xi32> to vector<16xi32>
        tpu.vector_store %arg7[%swap3A_303], %swap3A_306 {strides = array<i32>} : memref<80xi32, #tpu.memory_space<vmem>>, vector<16xi32>,
        %shift_right_logical3A_307 = arith.constant 14 : i32
        %shift_right_logical3A_308 = vector.broadcast %shift_right_logical3A_307 : i32 to vector<16xi32>
        %shift_right_logical3A_309 = arith.shrui %get3A_299, %shift_right_logical3A_308 : vector<16xi32>
        %swap3A_310 = arith.constant 16 : index
        %swap3A_311 = tpu.vector_load %arg10[%swap3A_310] {strides = array<i32>} : memref<80xi32, #tpu.memory_space<vmem>>, vector<16xi32>,
        %swap3A_312 = vector.shape_cast %swap3A_311 : vector<16xi32> to vector<16xi32>
        %swap3A_313 = vector.shape_cast %shift_right_logical3A_309 : vector<16xi32> to vector<16xi32>
        tpu.vector_store %arg10[%swap3A_310], %swap3A_313 {strides = array<i32>} : memref<80xi32, #tpu.memory_space<vmem>>, vector<16xi32>,
        %get3A_314 = arith.index_cast %sub3A_262 : i32 to index
        %get3A_315 = arith.constant 32 : index
        %get3A_316 = tpu.vector_load %arg5[%get3A_314, %get3A_315] {strides = array<i32>} : memref<126x80xi32, #tpu.memory_space<vmem>>, vector<1x16xi32>,
        %get3A_317 = vector.shape_cast %get3A_316 : vector<1x16xi32> to vector<16xi32>
        %and3A_318 = arith.constant 16383 : i32
        %and3A_319 = vector.broadcast %and3A_318 : i32 to vector<16xi32>
        %and3A_320 = arith.andi %get3A_317, %and3A_319 : vector<16xi32>
        %swap3A_321 = arith.constant 32 : index
        %swap3A_322 = tpu.vector_load %arg7[%swap3A_321] {strides = array<i32>} : memref<80xi32, #tpu.memory_space<vmem>>, vector<16xi32>,
        %swap3A_323 = vector.shape_cast %swap3A_322 : vector<16xi32> to vector<16xi32>
        %swap3A_324 = vector.shape_cast %and3A_320 : vector<16xi32> to vector<16xi32>
        tpu.vector_store %arg7[%swap3A_321], %swap3A_324 {strides = array<i32>} : memref<80xi32, #tpu.memory_space<vmem>>, vector<16xi32>,
        %shift_right_logical3A_325 = arith.constant 14 : i32
        %shift_right_logical3A_326 = vector.broadcast %shift_right_logical3A_325 : i32 to vector<16xi32>
        %shift_right_logical3A_327 = arith.shrui %get3A_317, %shift_right_logical3A_326 : vector<16xi32>
        %swap3A_328 = arith.constant 32 : index
        %swap3A_329 = tpu.vector_load %arg10[%swap3A_328] {strides = array<i32>} : memref<80xi32, #tpu.memory_space<vmem>>, vector<16xi32>,
        %swap3A_330 = vector.shape_cast %swap3A_329 : vector<16xi32> to vector<16xi32>
        %swap3A_331 = vector.shape_cast %shift_right_logical3A_327 : vector<16xi32> to vector<16xi32>
        tpu.vector_store %arg10[%swap3A_328], %swap3A_331 {strides = array<i32>} : memref<80xi32, #tpu.memory_space<vmem>>, vector<16xi32>,
        %get3A_332 = arith.index_cast %sub3A_262 : i32 to index
        %get3A_333 = arith.constant 48 : index
        %get3A_334 = tpu.vector_load %arg5[%get3A_332, %get3A_333] {strides = array<i32>} : memref<126x80xi32, #tpu.memory_space<vmem>>, vector<1x16xi32>,
        %get3A_335 = vector.shape_cast %get3A_334 : vector<1x16xi32> to vector<16xi32>
        %and3A_336 = arith.constant 16383 : i32
        %and3A_337 = vector.broadcast %and3A_336 : i32 to vector<16xi32>
        %and3A_338 = arith.andi %get3A_335, %and3A_337 : vector<16xi32>
        %swap3A_339 = arith.constant 48 : index
        %swap3A_340 = tpu.vector_load %arg7[%swap3A_339] {strides = array<i32>} : memref<80xi32, #tpu.memory_space<vmem>>, vector<16xi32>,
        %swap3A_341 = vector.shape_cast %swap3A_340 : vector<16xi32> to vector<16xi32>
        %swap3A_342 = vector.shape_cast %and3A_338 : vector<16xi32> to vector<16xi32>
        tpu.vector_store %arg7[%swap3A_339], %swap3A_342 {strides = array<i32>} : memref<80xi32, #tpu.memory_space<vmem>>, vector<16xi32>,
        %shift_right_logical3A_343 = arith.constant 14 : i32
        %shift_right_logical3A_344 = vector.broadcast %shift_right_logical3A_343 : i32 to vector<16xi32>
        %shift_right_logical3A_345 = arith.shrui %get3A_335, %shift_right_logical3A_344 : vector<16xi32>
        %swap3A_346 = arith.constant 48 : index
        %swap3A_347 = tpu.vector_load %arg10[%swap3A_346] {strides = array<i32>} : memref<80xi32, #tpu.memory_space<vmem>>, vector<16xi32>,
        %swap3A_348 = vector.shape_cast %swap3A_347 : vector<16xi32> to vector<16xi32>
        %swap3A_349 = vector.shape_cast %shift_right_logical3A_345 : vector<16xi32> to vector<16xi32>
        tpu.vector_store %arg10[%swap3A_346], %swap3A_349 {strides = array<i32>} : memref<80xi32, #tpu.memory_space<vmem>>, vector<16xi32>,
        %get3A_350 = arith.index_cast %sub3A_262 : i32 to index
        %get3A_351 = arith.constant 64 : index
        %get3A_352 = tpu.vector_load %arg5[%get3A_350, %get3A_351] {strides = array<i32>} : memref<126x80xi32, #tpu.memory_space<vmem>>, vector<1x16xi32>,
        %get3A_353 = vector.shape_cast %get3A_352 : vector<1x16xi32> to vector<16xi32>
        %and3A_354 = arith.constant 16383 : i32
        %and3A_355 = vector.broadcast %and3A_354 : i32 to vector<16xi32>
        %and3A_356 = arith.andi %get3A_353, %and3A_355 : vector<16xi32>
        %swap3A_357 = arith.constant 64 : index
        %swap3A_358 = tpu.vector_load %arg7[%swap3A_357] {strides = array<i32>} : memref<80xi32, #tpu.memory_space<vmem>>, vector<16xi32>,
        %swap3A_359 = vector.shape_cast %swap3A_358 : vector<16xi32> to vector<16xi32>
        %swap3A_360 = vector.shape_cast %and3A_356 : vector<16xi32> to vector<16xi32>
        tpu.vector_store %arg7[%swap3A_357], %swap3A_360 {strides = array<i32>} : memref<80xi32, #tpu.memory_space<vmem>>, vector<16xi32>,
        %shift_right_logical3A_361 = arith.constant 14 : i32
        %shift_right_logical3A_362 = vector.broadcast %shift_right_logical3A_361 : i32 to vector<16xi32>
        %shift_right_logical3A_363 = arith.shrui %get3A_353, %shift_right_logical3A_362 : vector<16xi32>
        %swap3A_364 = arith.constant 64 : index
        %swap3A_365 = tpu.vector_load %arg10[%swap3A_364] {strides = array<i32>} : memref<80xi32, #tpu.memory_space<vmem>>, vector<16xi32>,
        %swap3A_366 = vector.shape_cast %swap3A_365 : vector<16xi32> to vector<16xi32>
        %swap3A_367 = vector.shape_cast %shift_right_logical3A_363 : vector<16xi32> to vector<16xi32>
        tpu.vector_store %arg10[%swap3A_364], %swap3A_367 {strides = array<i32>} : memref<80xi32, #tpu.memory_space<vmem>>, vector<16xi32>,
        %dma_start3A_368 = arith.constant 0 : i32
        %dma_start3A_369 = arith.constant 0 : i32
        %dma_start3A_370 = tpu.memref_slice %arg2[%dma_start3A_368, %dma_start3A_369] : memref<10000x128xf32, #tpu.memory_space<hbm>> -> memref<10000x128xf32, #tpu.memory_space<hbm>>
        tpu.enqueue_indirect_dma source(%dma_start3A_370 : memref<10000x128xf32, #tpu.memory_space<hbm>>) target(%arg13 : memref<80x128xf32, #tpu.memory_space<vmem>>) offsets(%arg7 : memref<80xi32, #tpu.memory_space<vmem>>) semaphore(%arg16 : memref<!tpu.dma_semaphore, #tpu.memory_space<semaphore_mem>>)
      } else {
      }
      %dma_wait3A_268 = arith.constant 0 : i32
      %dma_wait3A_269 = arith.constant 0 : i32
      %dma_wait3A_270 = tpu.memref_slice %arg2[%dma_wait3A_268, %dma_wait3A_269] : memref<10000x128xf32, #tpu.memory_space<hbm>> -> memref<10000x128xf32, #tpu.memory_space<hbm>>
      tpu.wait_indirect_dma semaphore(%arg17 : memref<!tpu.dma_semaphore, #tpu.memory_space<semaphore_mem>>) src(%dma_wait3A_270 : memref<10000x128xf32, #tpu.memory_space<hbm>>) dst(%arg14 : memref<80x128xf32, #tpu.memory_space<vmem>>)
      %dma_start3A_271 = arith.constant 0 : i32
      %dma_start3A_272 = arith.constant 0 : i32
      %dma_start3A_273 = tpu.memref_slice %arg21[%dma_start3A_271, %dma_start3A_272] : memref<10112x128xf32, #tpu.memory_space<vmem_shared>> -> memref<10112x128xf32, #tpu.memory_space<vmem_shared>>
      tpu.enqueue_indirect_dma source(%arg14 : memref<80x128xf32, #tpu.memory_space<vmem>>) target(%dma_start3A_273 : memref<10112x128xf32, #tpu.memory_space<vmem_shared>>) offsets(%arg11 : memref<80xi32, #tpu.memory_space<vmem>>) semaphore(%arg20 : memref<!tpu.dma_semaphore, #tpu.memory_space<semaphore_mem>>) {add = true}
    }
    %scan3A_210 = arith.constant 42 : i32
    %dma_wait3A = arith.constant 0 : i32
    %dma_wait3A_211 = arith.constant 0 : i32
    %dma_wait3A_212 = tpu.memref_slice %arg21[%dma_wait3A, %dma_wait3A_211] : memref<10112x128xf32, #tpu.memory_space<vmem_shared>> -> memref<10112x128xf32, #tpu.memory_space<vmem_shared>>
    tpu.wait_indirect_dma semaphore(%arg18 : memref<!tpu.dma_semaphore, #tpu.memory_space<semaphore_mem>>) src(%arg12 : memref<80x128xf32, #tpu.memory_space<vmem>>) dst(%dma_wait3A_212 : memref<10112x128xf32, #tpu.memory_space<vmem_shared>>)
    %dma_wait3A_213 = arith.constant 0 : i32
    %dma_wait3A_214 = arith.constant 0 : i32
    %dma_wait3A_215 = tpu.memref_slice %arg21[%dma_wait3A_213, %dma_wait3A_214] : memref<10112x128xf32, #tpu.memory_space<vmem_shared>> -> memref<10112x128xf32, #tpu.memory_space<vmem_shared>>
    tpu.wait_indirect_dma semaphore(%arg19 : memref<!tpu.dma_semaphore, #tpu.memory_space<semaphore_mem>>) src(%arg13 : memref<80x128xf32, #tpu.memory_space<vmem>>) dst(%dma_wait3A_215 : memref<10112x128xf32, #tpu.memory_space<vmem_shared>>)
    %dma_wait3A_216 = arith.constant 0 : i32
    %dma_wait3A_217 = arith.constant 0 : i32
    %dma_wait3A_218 = tpu.memref_slice %arg21[%dma_wait3A_216, %dma_wait3A_217] : memref<10112x128xf32, #tpu.memory_space<vmem_shared>> -> memref<10112x128xf32, #tpu.memory_space<vmem_shared>>
    tpu.wait_indirect_dma semaphore(%arg20 : memref<!tpu.dma_semaphore, #tpu.memory_space<semaphore_mem>>) src(%arg14 : memref<80x128xf32, #tpu.memory_space<vmem>>) dst(%dma_wait3A_218 : memref<10112x128xf32, #tpu.memory_space<vmem_shared>>)
    %barrier3A_219 = arith.constant 0 : index
    tpu.barrier barrier_id(%barrier3A_219)
    "tpu.region"() ({
      %run_scoped3A = tpu.sem_alloc : memref<!tpu.dma_semaphore, #tpu.memory_space<semaphore_mem>>
      %dma_start3A_220 = arith.constant 0 : i32
      %dma_start3A_221 = tpu.memref_slice %arg4[%arg0, %mul3A_2, %dma_start3A_220] : memref<2x10112x128xf32, #tpu.memory_space<hbm>> -> memref<1x632x128xf32, #tpu.memory_space<hbm>>
      %dma_start3A_222 = tpu.memref_squeeze %dma_start3A_221 : memref<1x632x128xf32, #tpu.memory_space<hbm>> -> memref<632x128xf32, #tpu.memory_space<hbm>>
      %dma_start3A_223 = arith.constant 0 : i32
      %dma_start3A_224 = tpu.memref_slice %arg21[%mul3A_2, %dma_start3A_223] : memref<10112x128xf32, #tpu.memory_space<vmem_shared>> -> memref<632x128xf32, #tpu.memory_space<vmem_shared>>
      tpu.enqueue_dma source(%dma_start3A_224 : memref<632x128xf32, #tpu.memory_space<vmem_shared>>) target(%dma_start3A_222 : memref<632x128xf32, #tpu.memory_space<hbm>>) target_semaphore(%run_scoped3A : memref<!tpu.dma_semaphore, #tpu.memory_space<semaphore_mem>>)
      %dma_wait3A_225 = arith.constant 0 : i32
      %dma_wait3A_226 = tpu.memref_slice %arg4[%arg0, %mul3A_2, %dma_wait3A_225] : memref<2x10112x128xf32, #tpu.memory_space<hbm>> -> memref<1x632x128xf32, #tpu.memory_space<hbm>>
      %dma_wait3A_227 = tpu.memref_squeeze %dma_wait3A_226 : memref<1x632x128xf32, #tpu.memory_space<hbm>> -> memref<632x128xf32, #tpu.memory_space<hbm>>
      %dma_wait3A_228 = arith.constant 0 : i32
      %dma_wait3A_229 = tpu.memref_slice %arg21[%mul3A_2, %dma_wait3A_228] : memref<10112x128xf32, #tpu.memory_space<vmem_shared>> -> memref<632x128xf32, #tpu.memory_space<vmem_shared>>
      tpu.wait_dma2 semaphore(%run_scoped3A : memref<!tpu.dma_semaphore, #tpu.memory_space<semaphore_mem>>) src(%dma_wait3A_229 : memref<632x128xf32, #tpu.memory_space<vmem_shared>>) dst(%dma_wait3A_227 : memref<632x128xf32, #tpu.memory_space<hbm>>)
      tpu.yield
    }) : () -> ()
    return
  }
}

#map = affine_map<(d0, d1) -> (0, 0)>
#map1 = affine_map<(d0, d1) -> (0, 0, 0)>
module attributes {stable_mosaic.version = 14 : i64} {
  func.func @sc_agg(%arg0: i32, %arg1: i32, %arg2: memref<10000x128xf32, #tpu.memory_space<hbm>>, %arg3: memref<32x126x80xi32, #tpu.memory_space<hbm>>, %arg4: memref<2x10112x128xf32, #tpu.memory_space<hbm>>, %arg5: memref<126x80xi32, #tpu.memory_space<vmem>>, %arg6: memref<80xi32, #tpu.memory_space<vmem>>, %arg7: memref<80xi32, #tpu.memory_space<vmem>>, %arg8: memref<80xi32, #tpu.memory_space<vmem>>, %arg9: memref<80xi32, #tpu.memory_space<vmem>>, %arg10: memref<80xi32, #tpu.memory_space<vmem>>, %arg11: memref<80xi32, #tpu.memory_space<vmem>>, %arg12: memref<80x128xf32, #tpu.memory_space<vmem>>, %arg13: memref<80x128xf32, #tpu.memory_space<vmem>>, %arg14: memref<80x128xf32, #tpu.memory_space<vmem>>, %arg15: memref<!tpu.dma_semaphore, #tpu.memory_space<semaphore_mem>>, %arg16: memref<!tpu.dma_semaphore, #tpu.memory_space<semaphore_mem>>, %arg17: memref<!tpu.dma_semaphore, #tpu.memory_space<semaphore_mem>>, %arg18: memref<!tpu.dma_semaphore, #tpu.memory_space<semaphore_mem>>, %arg19: memref<!tpu.dma_semaphore, #tpu.memory_space<semaphore_mem>>, %arg20: memref<!tpu.dma_semaphore, #tpu.memory_space<semaphore_mem>>, %arg21: memref<10112x128xf32, #tpu.memory_space<vmem_shared>>) attributes {dimension_semantics = [#tpu.dimension_semantics<core_parallel>, #tpu.dimension_semantics<subcore_parallel>], iteration_bounds = array<i64: 2, 16>, scalar_prefetch = 0 : i64, scratch_operands = 17 : i64, tpu.core_type = #tpu.core_type<sc_vector_subcore>, window_params = [{transform_indices = #map}, {transform_indices = #map1}, {transform_indices = #map1}]} {
    %mul3A = arith.constant 16 : i32
    %mul3A_0 = arith.muli %arg0, %mul3A : i32
    %add3A = arith.addi %mul3A_0, %arg1 : i32
    %mul3A_1 = arith.constant 632 : i32
    %mul3A_2 = arith.muli %arg1, %mul3A_1 : i32
    "tpu.region"() ({
      %run_scoped3A = tpu.sem_alloc : memref<!tpu.dma_semaphore, #tpu.memory_space<semaphore_mem>>
      %dma_start3A_220 = arith.constant 0 : i32
      %dma_start3A_221 = arith.constant 0 : i32
      %dma_start3A_222 = tpu.memref_slice %arg3[%add3A, %dma_start3A_220, %dma_start3A_221] : memref<32x126x80xi32, #tpu.memory_space<hbm>> -> memref<1x126x80xi32, #tpu.memory_space<hbm>>
      %dma_start3A_223 = tpu.memref_squeeze %dma_start3A_222 : memref<1x126x80xi32, #tpu.memory_space<hbm>> -> memref<126x80xi32, #tpu.memory_space<hbm>>
      %dma_start3A_224 = arith.constant 0 : i32
      %dma_start3A_225 = arith.constant 0 : i32
      %dma_start3A_226 = tpu.memref_slice %arg3[%add3A, %dma_start3A_224, %dma_start3A_225] : memref<32x126x80xi32, #tpu.memory_space<hbm>> -> memref<1x126x80xi32, #tpu.memory_space<hbm>>
      %dma_start3A_227 = tpu.memref_squeeze %dma_start3A_226 : memref<1x126x80xi32, #tpu.memory_space<hbm>> -> memref<126x80xi32, #tpu.memory_space<hbm>>
      tpu.enqueue_dma source(%dma_start3A_227 : memref<126x80xi32, #tpu.memory_space<hbm>>) target(%arg5 : memref<126x80xi32, #tpu.memory_space<vmem>>) target_semaphore(%run_scoped3A : memref<!tpu.dma_semaphore, #tpu.memory_space<semaphore_mem>>)
      %dma_wait3A_228 = arith.constant 0 : i32
      %dma_wait3A_229 = arith.constant 0 : i32
      %dma_wait3A_230 = tpu.memref_slice %arg3[%add3A, %dma_wait3A_228, %dma_wait3A_229] : memref<32x126x80xi32, #tpu.memory_space<hbm>> -> memref<1x126x80xi32, #tpu.memory_space<hbm>>
      %dma_wait3A_231 = tpu.memref_squeeze %dma_wait3A_230 : memref<1x126x80xi32, #tpu.memory_space<hbm>> -> memref<126x80xi32, #tpu.memory_space<hbm>>
      %dma_wait3A_232 = arith.constant 0 : i32
      %dma_wait3A_233 = arith.constant 0 : i32
      %dma_wait3A_234 = tpu.memref_slice %arg3[%add3A, %dma_wait3A_232, %dma_wait3A_233] : memref<32x126x80xi32, #tpu.memory_space<hbm>> -> memref<1x126x80xi32, #tpu.memory_space<hbm>>
      %dma_wait3A_235 = tpu.memref_squeeze %dma_wait3A_234 : memref<1x126x80xi32, #tpu.memory_space<hbm>> -> memref<126x80xi32, #tpu.memory_space<hbm>>
      tpu.wait_dma2 semaphore(%run_scoped3A : memref<!tpu.dma_semaphore, #tpu.memory_space<semaphore_mem>>) src(%dma_wait3A_235 : memref<126x80xi32, #tpu.memory_space<hbm>>) dst(%arg5 : memref<126x80xi32, #tpu.memory_space<vmem>>)
      tpu.yield
    }) : () -> ()
    %get3A = arith.constant 0 : i32
    %get3A_3 = arith.index_cast %get3A : i32 to index
    %get3A_4 = arith.constant 0 : index
    %get3A_5 = tpu.vector_load %arg5[%get3A_3, %get3A_4] {strides = array<i32>} : memref<126x80xi32, #tpu.memory_space<vmem>>, vector<1x16xi32>,
    %get3A_6 = vector.shape_cast %get3A_5 : vector<1x16xi32> to vector<16xi32>
    %and3A = arith.constant 16383 : i32
    %and3A_7 = vector.broadcast %and3A : i32 to vector<16xi32>
    %and3A_8 = arith.andi %get3A_6, %and3A_7 : vector<16xi32>
    %swap3A = arith.constant 0 : index
    %swap3A_9 = tpu.vector_load %arg6[%swap3A] {strides = array<i32>} : memref<80xi32, #tpu.memory_space<vmem>>, vector<16xi32>,
    %swap3A_10 = vector.shape_cast %swap3A_9 : vector<16xi32> to vector<16xi32>
    %swap3A_11 = vector.shape_cast %and3A_8 : vector<16xi32> to vector<16xi32>
    tpu.vector_store %arg6[%swap3A], %swap3A_11 {strides = array<i32>} : memref<80xi32, #tpu.memory_space<vmem>>, vector<16xi32>,
    %shift_right_logical3A = arith.constant 14 : i32
    %shift_right_logical3A_12 = vector.broadcast %shift_right_logical3A : i32 to vector<16xi32>
    %shift_right_logical3A_13 = arith.shrui %get3A_6, %shift_right_logical3A_12 : vector<16xi32>
    %swap3A_14 = arith.constant 0 : index
    %swap3A_15 = tpu.vector_load %arg9[%swap3A_14] {strides = array<i32>} : memref<80xi32, #tpu.memory_space<vmem>>, vector<16xi32>,
    %swap3A_16 = vector.shape_cast %swap3A_15 : vector<16xi32> to vector<16xi32>
    %swap3A_17 = vector.shape_cast %shift_right_logical3A_13 : vector<16xi32> to vector<16xi32>
    tpu.vector_store %arg9[%swap3A_14], %swap3A_17 {strides = array<i32>} : memref<80xi32, #tpu.memory_space<vmem>>, vector<16xi32>,
    %get3A_18 = arith.constant 0 : i32
    %get3A_19 = arith.index_cast %get3A_18 : i32 to index
    %get3A_20 = arith.constant 16 : index
    %get3A_21 = tpu.vector_load %arg5[%get3A_19, %get3A_20] {strides = array<i32>} : memref<126x80xi32, #tpu.memory_space<vmem>>, vector<1x16xi32>,
    %get3A_22 = vector.shape_cast %get3A_21 : vector<1x16xi32> to vector<16xi32>
    %and3A_23 = arith.constant 16383 : i32
    %and3A_24 = vector.broadcast %and3A_23 : i32 to vector<16xi32>
    %and3A_25 = arith.andi %get3A_22, %and3A_24 : vector<16xi32>
    %swap3A_26 = arith.constant 16 : index
    %swap3A_27 = tpu.vector_load %arg6[%swap3A_26] {strides = array<i32>} : memref<80xi32, #tpu.memory_space<vmem>>, vector<16xi32>,
    %swap3A_28 = vector.shape_cast %swap3A_27 : vector<16xi32> to vector<16xi32>
    %swap3A_29 = vector.shape_cast %and3A_25 : vector<16xi32> to vector<16xi32>
    tpu.vector_store %arg6[%swap3A_26], %swap3A_29 {strides = array<i32>} : memref<80xi32, #tpu.memory_space<vmem>>, vector<16xi32>,
    %shift_right_logical3A_30 = arith.constant 14 : i32
    %shift_right_logical3A_31 = vector.broadcast %shift_right_logical3A_30 : i32 to vector<16xi32>
    %shift_right_logical3A_32 = arith.shrui %get3A_22, %shift_right_logical3A_31 : vector<16xi32>
    %swap3A_33 = arith.constant 16 : index
    %swap3A_34 = tpu.vector_load %arg9[%swap3A_33] {strides = array<i32>} : memref<80xi32, #tpu.memory_space<vmem>>, vector<16xi32>,
    %swap3A_35 = vector.shape_cast %swap3A_34 : vector<16xi32> to vector<16xi32>
    %swap3A_36 = vector.shape_cast %shift_right_logical3A_32 : vector<16xi32> to vector<16xi32>
    tpu.vector_store %arg9[%swap3A_33], %swap3A_36 {strides = array<i32>} : memref<80xi32, #tpu.memory_space<vmem>>, vector<16xi32>,
    %get3A_37 = arith.constant 0 : i32
    %get3A_38 = arith.index_cast %get3A_37 : i32 to index
    %get3A_39 = arith.constant 32 : index
    %get3A_40 = tpu.vector_load %arg5[%get3A_38, %get3A_39] {strides = array<i32>} : memref<126x80xi32, #tpu.memory_space<vmem>>, vector<1x16xi32>,
    %get3A_41 = vector.shape_cast %get3A_40 : vector<1x16xi32> to vector<16xi32>
    %and3A_42 = arith.constant 16383 : i32
    %and3A_43 = vector.broadcast %and3A_42 : i32 to vector<16xi32>
    %and3A_44 = arith.andi %get3A_41, %and3A_43 : vector<16xi32>
    %swap3A_45 = arith.constant 32 : index
    %swap3A_46 = tpu.vector_load %arg6[%swap3A_45] {strides = array<i32>} : memref<80xi32, #tpu.memory_space<vmem>>, vector<16xi32>,
    %swap3A_47 = vector.shape_cast %swap3A_46 : vector<16xi32> to vector<16xi32>
    %swap3A_48 = vector.shape_cast %and3A_44 : vector<16xi32> to vector<16xi32>
    tpu.vector_store %arg6[%swap3A_45], %swap3A_48 {strides = array<i32>} : memref<80xi32, #tpu.memory_space<vmem>>, vector<16xi32>,
    %shift_right_logical3A_49 = arith.constant 14 : i32
    %shift_right_logical3A_50 = vector.broadcast %shift_right_logical3A_49 : i32 to vector<16xi32>
    %shift_right_logical3A_51 = arith.shrui %get3A_41, %shift_right_logical3A_50 : vector<16xi32>
    %swap3A_52 = arith.constant 32 : index
    %swap3A_53 = tpu.vector_load %arg9[%swap3A_52] {strides = array<i32>} : memref<80xi32, #tpu.memory_space<vmem>>, vector<16xi32>,
    %swap3A_54 = vector.shape_cast %swap3A_53 : vector<16xi32> to vector<16xi32>
    %swap3A_55 = vector.shape_cast %shift_right_logical3A_51 : vector<16xi32> to vector<16xi32>
    tpu.vector_store %arg9[%swap3A_52], %swap3A_55 {strides = array<i32>} : memref<80xi32, #tpu.memory_space<vmem>>, vector<16xi32>,
    %get3A_56 = arith.constant 0 : i32
    %get3A_57 = arith.index_cast %get3A_56 : i32 to index
    %get3A_58 = arith.constant 48 : index
    %get3A_59 = tpu.vector_load %arg5[%get3A_57, %get3A_58] {strides = array<i32>} : memref<126x80xi32, #tpu.memory_space<vmem>>, vector<1x16xi32>,
    %get3A_60 = vector.shape_cast %get3A_59 : vector<1x16xi32> to vector<16xi32>
    %and3A_61 = arith.constant 16383 : i32
    %and3A_62 = vector.broadcast %and3A_61 : i32 to vector<16xi32>
    %and3A_63 = arith.andi %get3A_60, %and3A_62 : vector<16xi32>
    %swap3A_64 = arith.constant 48 : index
    %swap3A_65 = tpu.vector_load %arg6[%swap3A_64] {strides = array<i32>} : memref<80xi32, #tpu.memory_space<vmem>>, vector<16xi32>,
    %swap3A_66 = vector.shape_cast %swap3A_65 : vector<16xi32> to vector<16xi32>
    %swap3A_67 = vector.shape_cast %and3A_63 : vector<16xi32> to vector<16xi32>
    tpu.vector_store %arg6[%swap3A_64], %swap3A_67 {strides = array<i32>} : memref<80xi32, #tpu.memory_space<vmem>>, vector<16xi32>,
    %shift_right_logical3A_68 = arith.constant 14 : i32
    %shift_right_logical3A_69 = vector.broadcast %shift_right_logical3A_68 : i32 to vector<16xi32>
    %shift_right_logical3A_70 = arith.shrui %get3A_60, %shift_right_logical3A_69 : vector<16xi32>
    %swap3A_71 = arith.constant 48 : index
    %swap3A_72 = tpu.vector_load %arg9[%swap3A_71] {strides = array<i32>} : memref<80xi32, #tpu.memory_space<vmem>>, vector<16xi32>,
    %swap3A_73 = vector.shape_cast %swap3A_72 : vector<16xi32> to vector<16xi32>
    %swap3A_74 = vector.shape_cast %shift_right_logical3A_70 : vector<16xi32> to vector<16xi32>
    tpu.vector_store %arg9[%swap3A_71], %swap3A_74 {strides = array<i32>} : memref<80xi32, #tpu.memory_space<vmem>>, vector<16xi32>,
    %get3A_75 = arith.constant 0 : i32
    %get3A_76 = arith.index_cast %get3A_75 : i32 to index
    %get3A_77 = arith.constant 64 : index
    %get3A_78 = tpu.vector_load %arg5[%get3A_76, %get3A_77] {strides = array<i32>} : memref<126x80xi32, #tpu.memory_space<vmem>>, vector<1x16xi32>,
    %get3A_79 = vector.shape_cast %get3A_78 : vector<1x16xi32> to vector<16xi32>
    %and3A_80 = arith.constant 16383 : i32
    %and3A_81 = vector.broadcast %and3A_80 : i32 to vector<16xi32>
    %and3A_82 = arith.andi %get3A_79, %and3A_81 : vector<16xi32>
    %swap3A_83 = arith.constant 64 : index
    %swap3A_84 = tpu.vector_load %arg6[%swap3A_83] {strides = array<i32>} : memref<80xi32, #tpu.memory_space<vmem>>, vector<16xi32>,
    %swap3A_85 = vector.shape_cast %swap3A_84 : vector<16xi32> to vector<16xi32>
    %swap3A_86 = vector.shape_cast %and3A_82 : vector<16xi32> to vector<16xi32>
    tpu.vector_store %arg6[%swap3A_83], %swap3A_86 {strides = array<i32>} : memref<80xi32, #tpu.memory_space<vmem>>, vector<16xi32>,
    %shift_right_logical3A_87 = arith.constant 14 : i32
    %shift_right_logical3A_88 = vector.broadcast %shift_right_logical3A_87 : i32 to vector<16xi32>
    %shift_right_logical3A_89 = arith.shrui %get3A_79, %shift_right_logical3A_88 : vector<16xi32>
    %swap3A_90 = arith.constant 64 : index
    %swap3A_91 = tpu.vector_load %arg9[%swap3A_90] {strides = array<i32>} : memref<80xi32, #tpu.memory_space<vmem>>, vector<16xi32>,
    %swap3A_92 = vector.shape_cast %swap3A_91 : vector<16xi32> to vector<16xi32>
    %swap3A_93 = vector.shape_cast %shift_right_logical3A_89 : vector<16xi32> to vector<16xi32>
    tpu.vector_store %arg9[%swap3A_90], %swap3A_93 {strides = array<i32>} : memref<80xi32, #tpu.memory_space<vmem>>, vector<16xi32>,
    %dma_start3A = arith.constant 0 : i32
    %dma_start3A_94 = arith.constant 0 : i32
    %dma_start3A_95 = tpu.memref_slice %arg2[%dma_start3A, %dma_start3A_94] : memref<10000x128xf32, #tpu.memory_space<hbm>> -> memref<10000x128xf32, #tpu.memory_space<hbm>>
    tpu.enqueue_indirect_dma source(%dma_start3A_95 : memref<10000x128xf32, #tpu.memory_space<hbm>>) target(%arg12 : memref<80x128xf32, #tpu.memory_space<vmem>>) offsets(%arg6 : memref<80xi32, #tpu.memory_space<vmem>>) semaphore(%arg15 : memref<!tpu.dma_semaphore, #tpu.memory_space<semaphore_mem>>)
    %get3A_96 = arith.constant 1 : i32
    %get3A_97 = arith.index_cast %get3A_96 : i32 to index
    %get3A_98 = arith.constant 0 : index
    %get3A_99 = tpu.vector_load %arg5[%get3A_97, %get3A_98] {strides = array<i32>} : memref<126x80xi32, #tpu.memory_space<vmem>>, vector<1x16xi32>,
    %get3A_100 = vector.shape_cast %get3A_99 : vector<1x16xi32> to vector<16xi32>
    %and3A_101 = arith.constant 16383 : i32
    %and3A_102 = vector.broadcast %and3A_101 : i32 to vector<16xi32>
    %and3A_103 = arith.andi %get3A_100, %and3A_102 : vector<16xi32>
    %swap3A_104 = arith.constant 0 : index
    %swap3A_105 = tpu.vector_load %arg7[%swap3A_104] {strides = array<i32>} : memref<80xi32, #tpu.memory_space<vmem>>, vector<16xi32>,
    %swap3A_106 = vector.shape_cast %swap3A_105 : vector<16xi32> to vector<16xi32>
    %swap3A_107 = vector.shape_cast %and3A_103 : vector<16xi32> to vector<16xi32>
    tpu.vector_store %arg7[%swap3A_104], %swap3A_107 {strides = array<i32>} : memref<80xi32, #tpu.memory_space<vmem>>, vector<16xi32>,
    %shift_right_logical3A_108 = arith.constant 14 : i32
    %shift_right_logical3A_109 = vector.broadcast %shift_right_logical3A_108 : i32 to vector<16xi32>
    %shift_right_logical3A_110 = arith.shrui %get3A_100, %shift_right_logical3A_109 : vector<16xi32>
    %swap3A_111 = arith.constant 0 : index
    %swap3A_112 = tpu.vector_load %arg10[%swap3A_111] {strides = array<i32>} : memref<80xi32, #tpu.memory_space<vmem>>, vector<16xi32>,
    %swap3A_113 = vector.shape_cast %swap3A_112 : vector<16xi32> to vector<16xi32>
    %swap3A_114 = vector.shape_cast %shift_right_logical3A_110 : vector<16xi32> to vector<16xi32>
    tpu.vector_store %arg10[%swap3A_111], %swap3A_114 {strides = array<i32>} : memref<80xi32, #tpu.memory_space<vmem>>, vector<16xi32>,
    %get3A_115 = arith.constant 1 : i32
    %get3A_116 = arith.index_cast %get3A_115 : i32 to index
    %get3A_117 = arith.constant 16 : index
    %get3A_118 = tpu.vector_load %arg5[%get3A_116, %get3A_117] {strides = array<i32>} : memref<126x80xi32, #tpu.memory_space<vmem>>, vector<1x16xi32>,
    %get3A_119 = vector.shape_cast %get3A_118 : vector<1x16xi32> to vector<16xi32>
    %and3A_120 = arith.constant 16383 : i32
    %and3A_121 = vector.broadcast %and3A_120 : i32 to vector<16xi32>
    %and3A_122 = arith.andi %get3A_119, %and3A_121 : vector<16xi32>
    %swap3A_123 = arith.constant 16 : index
    %swap3A_124 = tpu.vector_load %arg7[%swap3A_123] {strides = array<i32>} : memref<80xi32, #tpu.memory_space<vmem>>, vector<16xi32>,
    %swap3A_125 = vector.shape_cast %swap3A_124 : vector<16xi32> to vector<16xi32>
    %swap3A_126 = vector.shape_cast %and3A_122 : vector<16xi32> to vector<16xi32>
    tpu.vector_store %arg7[%swap3A_123], %swap3A_126 {strides = array<i32>} : memref<80xi32, #tpu.memory_space<vmem>>, vector<16xi32>,
    %shift_right_logical3A_127 = arith.constant 14 : i32
    %shift_right_logical3A_128 = vector.broadcast %shift_right_logical3A_127 : i32 to vector<16xi32>
    %shift_right_logical3A_129 = arith.shrui %get3A_119, %shift_right_logical3A_128 : vector<16xi32>
    %swap3A_130 = arith.constant 16 : index
    %swap3A_131 = tpu.vector_load %arg10[%swap3A_130] {strides = array<i32>} : memref<80xi32, #tpu.memory_space<vmem>>, vector<16xi32>,
    %swap3A_132 = vector.shape_cast %swap3A_131 : vector<16xi32> to vector<16xi32>
    %swap3A_133 = vector.shape_cast %shift_right_logical3A_129 : vector<16xi32> to vector<16xi32>
    tpu.vector_store %arg10[%swap3A_130], %swap3A_133 {strides = array<i32>} : memref<80xi32, #tpu.memory_space<vmem>>, vector<16xi32>,
    %get3A_134 = arith.constant 1 : i32
    %get3A_135 = arith.index_cast %get3A_134 : i32 to index
    %get3A_136 = arith.constant 32 : index
    %get3A_137 = tpu.vector_load %arg5[%get3A_135, %get3A_136] {strides = array<i32>} : memref<126x80xi32, #tpu.memory_space<vmem>>, vector<1x16xi32>,
    %get3A_138 = vector.shape_cast %get3A_137 : vector<1x16xi32> to vector<16xi32>
    %and3A_139 = arith.constant 16383 : i32
    %and3A_140 = vector.broadcast %and3A_139 : i32 to vector<16xi32>
    %and3A_141 = arith.andi %get3A_138, %and3A_140 : vector<16xi32>
    %swap3A_142 = arith.constant 32 : index
    %swap3A_143 = tpu.vector_load %arg7[%swap3A_142] {strides = array<i32>} : memref<80xi32, #tpu.memory_space<vmem>>, vector<16xi32>,
    %swap3A_144 = vector.shape_cast %swap3A_143 : vector<16xi32> to vector<16xi32>
    %swap3A_145 = vector.shape_cast %and3A_141 : vector<16xi32> to vector<16xi32>
    tpu.vector_store %arg7[%swap3A_142], %swap3A_145 {strides = array<i32>} : memref<80xi32, #tpu.memory_space<vmem>>, vector<16xi32>,
    %shift_right_logical3A_146 = arith.constant 14 : i32
    %shift_right_logical3A_147 = vector.broadcast %shift_right_logical3A_146 : i32 to vector<16xi32>
    %shift_right_logical3A_148 = arith.shrui %get3A_138, %shift_right_logical3A_147 : vector<16xi32>
    %swap3A_149 = arith.constant 32 : index
    %swap3A_150 = tpu.vector_load %arg10[%swap3A_149] {strides = array<i32>} : memref<80xi32, #tpu.memory_space<vmem>>, vector<16xi32>,
    %swap3A_151 = vector.shape_cast %swap3A_150 : vector<16xi32> to vector<16xi32>
    %swap3A_152 = vector.shape_cast %shift_right_logical3A_148 : vector<16xi32> to vector<16xi32>
    tpu.vector_store %arg10[%swap3A_149], %swap3A_152 {strides = array<i32>} : memref<80xi32, #tpu.memory_space<vmem>>, vector<16xi32>,
    %get3A_153 = arith.constant 1 : i32
    %get3A_154 = arith.index_cast %get3A_153 : i32 to index
    %get3A_155 = arith.constant 48 : index
    %get3A_156 = tpu.vector_load %arg5[%get3A_154, %get3A_155] {strides = array<i32>} : memref<126x80xi32, #tpu.memory_space<vmem>>, vector<1x16xi32>,
    %get3A_157 = vector.shape_cast %get3A_156 : vector<1x16xi32> to vector<16xi32>
    %and3A_158 = arith.constant 16383 : i32
    %and3A_159 = vector.broadcast %and3A_158 : i32 to vector<16xi32>
    %and3A_160 = arith.andi %get3A_157, %and3A_159 : vector<16xi32>
    %swap3A_161 = arith.constant 48 : index
    %swap3A_162 = tpu.vector_load %arg7[%swap3A_161] {strides = array<i32>} : memref<80xi32, #tpu.memory_space<vmem>>, vector<16xi32>,
    %swap3A_163 = vector.shape_cast %swap3A_162 : vector<16xi32> to vector<16xi32>
    %swap3A_164 = vector.shape_cast %and3A_160 : vector<16xi32> to vector<16xi32>
    tpu.vector_store %arg7[%swap3A_161], %swap3A_164 {strides = array<i32>} : memref<80xi32, #tpu.memory_space<vmem>>, vector<16xi32>,
    %shift_right_logical3A_165 = arith.constant 14 : i32
    %shift_right_logical3A_166 = vector.broadcast %shift_right_logical3A_165 : i32 to vector<16xi32>
    %shift_right_logical3A_167 = arith.shrui %get3A_157, %shift_right_logical3A_166 : vector<16xi32>
    %swap3A_168 = arith.constant 48 : index
    %swap3A_169 = tpu.vector_load %arg10[%swap3A_168] {strides = array<i32>} : memref<80xi32, #tpu.memory_space<vmem>>, vector<16xi32>,
    %swap3A_170 = vector.shape_cast %swap3A_169 : vector<16xi32> to vector<16xi32>
    %swap3A_171 = vector.shape_cast %shift_right_logical3A_167 : vector<16xi32> to vector<16xi32>
    tpu.vector_store %arg10[%swap3A_168], %swap3A_171 {strides = array<i32>} : memref<80xi32, #tpu.memory_space<vmem>>, vector<16xi32>,
    %get3A_172 = arith.constant 1 : i32
    %get3A_173 = arith.index_cast %get3A_172 : i32 to index
    %get3A_174 = arith.constant 64 : index
    %get3A_175 = tpu.vector_load %arg5[%get3A_173, %get3A_174] {strides = array<i32>} : memref<126x80xi32, #tpu.memory_space<vmem>>, vector<1x16xi32>,
    %get3A_176 = vector.shape_cast %get3A_175 : vector<1x16xi32> to vector<16xi32>
    %and3A_177 = arith.constant 16383 : i32
    %and3A_178 = vector.broadcast %and3A_177 : i32 to vector<16xi32>
    %and3A_179 = arith.andi %get3A_176, %and3A_178 : vector<16xi32>
    %swap3A_180 = arith.constant 64 : index
    %swap3A_181 = tpu.vector_load %arg7[%swap3A_180] {strides = array<i32>} : memref<80xi32, #tpu.memory_space<vmem>>, vector<16xi32>,
    %swap3A_182 = vector.shape_cast %swap3A_181 : vector<16xi32> to vector<16xi32>
    %swap3A_183 = vector.shape_cast %and3A_179 : vector<16xi32> to vector<16xi32>
    tpu.vector_store %arg7[%swap3A_180], %swap3A_183 {strides = array<i32>} : memref<80xi32, #tpu.memory_space<vmem>>, vector<16xi32>,
    %shift_right_logical3A_184 = arith.constant 14 : i32
    %shift_right_logical3A_185 = vector.broadcast %shift_right_logical3A_184 : i32 to vector<16xi32>
    %shift_right_logical3A_186 = arith.shrui %get3A_176, %shift_right_logical3A_185 : vector<16xi32>
    %swap3A_187 = arith.constant 64 : index
    %swap3A_188 = tpu.vector_load %arg10[%swap3A_187] {strides = array<i32>} : memref<80xi32, #tpu.memory_space<vmem>>, vector<16xi32>,
    %swap3A_189 = vector.shape_cast %swap3A_188 : vector<16xi32> to vector<16xi32>
    %swap3A_190 = vector.shape_cast %shift_right_logical3A_186 : vector<16xi32> to vector<16xi32>
    tpu.vector_store %arg10[%swap3A_187], %swap3A_190 {strides = array<i32>} : memref<80xi32, #tpu.memory_space<vmem>>, vector<16xi32>,
    %dma_start3A_191 = arith.constant 0 : i32
    %dma_start3A_192 = arith.constant 0 : i32
    %dma_start3A_193 = tpu.memref_slice %arg2[%dma_start3A_191, %dma_start3A_192] : memref<10000x128xf32, #tpu.memory_space<hbm>> -> memref<10000x128xf32, #tpu.memory_space<hbm>>
    tpu.enqueue_indirect_dma source(%dma_start3A_193 : memref<10000x128xf32, #tpu.memory_space<hbm>>) target(%arg13 : memref<80x128xf32, #tpu.memory_space<vmem>>) offsets(%arg7 : memref<80xi32, #tpu.memory_space<vmem>>) semaphore(%arg16 : memref<!tpu.dma_semaphore, #tpu.memory_space<semaphore_mem>>)
    %broadcast_in_dim3A = arith.constant 0.000000e+00 : f32
    %broadcast_in_dim3A_194 = vector.broadcast %broadcast_in_dim3A : f32 to vector<16xf32>
    %scan3A = arith.constant 0 : i32
    %scan3A_195 = arith.constant 80 : i32
    %scan3A_196 = arith.addi %scan3A, %scan3A_195 : i32
    %scan3A_197 = arith.constant 1 : i32
    scf.for %scan3A_220 = %scan3A to %scan3A_196 step %scan3A_197  : i32 {
      %mul3A_221 = arith.constant 1 : i32
      %mul3A_222 = arith.muli %scan3A_220, %mul3A_221 : i32
      %add3A_223 = arith.constant 0 : i32
      %add3A_224 = arith.addi %add3A_223, %mul3A_222 : i32
      %swap3A_225 = arith.index_cast %add3A_224 : i32 to index
      %swap3A_226 = arith.constant 0 : index
      %swap3A_227 = tpu.vector_load %arg14[%swap3A_225, %swap3A_226] {strides = array<i32>} : memref<80x128xf32, #tpu.memory_space<vmem>>, vector<1x16xf32>,
      %swap3A_228 = vector.shape_cast %swap3A_227 : vector<1x16xf32> to vector<16xf32>
      %swap3A_229 = vector.shape_cast %broadcast_in_dim3A_194 : vector<16xf32> to vector<1x16xf32>
      tpu.vector_store %arg14[%swap3A_225, %swap3A_226], %swap3A_229 {strides = array<i32>} : memref<80x128xf32, #tpu.memory_space<vmem>>, vector<1x16xf32>,
      %swap3A_230 = arith.index_cast %add3A_224 : i32 to index
      %swap3A_231 = arith.constant 16 : index
      %swap3A_232 = tpu.vector_load %arg14[%swap3A_230, %swap3A_231] {strides = array<i32>} : memref<80x128xf32, #tpu.memory_space<vmem>>, vector<1x16xf32>,
      %swap3A_233 = vector.shape_cast %swap3A_232 : vector<1x16xf32> to vector<16xf32>
      %swap3A_234 = vector.shape_cast %broadcast_in_dim3A_194 : vector<16xf32> to vector<1x16xf32>
      tpu.vector_store %arg14[%swap3A_230, %swap3A_231], %swap3A_234 {strides = array<i32>} : memref<80x128xf32, #tpu.memory_space<vmem>>, vector<1x16xf32>,
      %swap3A_235 = arith.index_cast %add3A_224 : i32 to index
      %swap3A_236 = arith.constant 32 : index
      %swap3A_237 = tpu.vector_load %arg14[%swap3A_235, %swap3A_236] {strides = array<i32>} : memref<80x128xf32, #tpu.memory_space<vmem>>, vector<1x16xf32>,
      %swap3A_238 = vector.shape_cast %swap3A_237 : vector<1x16xf32> to vector<16xf32>
      %swap3A_239 = vector.shape_cast %broadcast_in_dim3A_194 : vector<16xf32> to vector<1x16xf32>
      tpu.vector_store %arg14[%swap3A_235, %swap3A_236], %swap3A_239 {strides = array<i32>} : memref<80x128xf32, #tpu.memory_space<vmem>>, vector<1x16xf32>,
      %swap3A_240 = arith.index_cast %add3A_224 : i32 to index
      %swap3A_241 = arith.constant 48 : index
      %swap3A_242 = tpu.vector_load %arg14[%swap3A_240, %swap3A_241] {strides = array<i32>} : memref<80x128xf32, #tpu.memory_space<vmem>>, vector<1x16xf32>,
      %swap3A_243 = vector.shape_cast %swap3A_242 : vector<1x16xf32> to vector<16xf32>
      %swap3A_244 = vector.shape_cast %broadcast_in_dim3A_194 : vector<16xf32> to vector<1x16xf32>
      tpu.vector_store %arg14[%swap3A_240, %swap3A_241], %swap3A_244 {strides = array<i32>} : memref<80x128xf32, #tpu.memory_space<vmem>>, vector<1x16xf32>,
      %swap3A_245 = arith.index_cast %add3A_224 : i32 to index
      %swap3A_246 = arith.constant 64 : index
      %swap3A_247 = tpu.vector_load %arg14[%swap3A_245, %swap3A_246] {strides = array<i32>} : memref<80x128xf32, #tpu.memory_space<vmem>>, vector<1x16xf32>,
      %swap3A_248 = vector.shape_cast %swap3A_247 : vector<1x16xf32> to vector<16xf32>
      %swap3A_249 = vector.shape_cast %broadcast_in_dim3A_194 : vector<16xf32> to vector<1x16xf32>
      tpu.vector_store %arg14[%swap3A_245, %swap3A_246], %swap3A_249 {strides = array<i32>} : memref<80x128xf32, #tpu.memory_space<vmem>>, vector<1x16xf32>,
      %swap3A_250 = arith.index_cast %add3A_224 : i32 to index
      %swap3A_251 = arith.constant 80 : index
      %swap3A_252 = tpu.vector_load %arg14[%swap3A_250, %swap3A_251] {strides = array<i32>} : memref<80x128xf32, #tpu.memory_space<vmem>>, vector<1x16xf32>,
      %swap3A_253 = vector.shape_cast %swap3A_252 : vector<1x16xf32> to vector<16xf32>
      %swap3A_254 = vector.shape_cast %broadcast_in_dim3A_194 : vector<16xf32> to vector<1x16xf32>
      tpu.vector_store %arg14[%swap3A_250, %swap3A_251], %swap3A_254 {strides = array<i32>} : memref<80x128xf32, #tpu.memory_space<vmem>>, vector<1x16xf32>,
      %swap3A_255 = arith.index_cast %add3A_224 : i32 to index
      %swap3A_256 = arith.constant 96 : index
      %swap3A_257 = tpu.vector_load %arg14[%swap3A_255, %swap3A_256] {strides = array<i32>} : memref<80x128xf32, #tpu.memory_space<vmem>>, vector<1x16xf32>,
      %swap3A_258 = vector.shape_cast %swap3A_257 : vector<1x16xf32> to vector<16xf32>
      %swap3A_259 = vector.shape_cast %broadcast_in_dim3A_194 : vector<16xf32> to vector<1x16xf32>
      tpu.vector_store %arg14[%swap3A_255, %swap3A_256], %swap3A_259 {strides = array<i32>} : memref<80x128xf32, #tpu.memory_space<vmem>>, vector<1x16xf32>,
      %swap3A_260 = arith.index_cast %add3A_224 : i32 to index
      %swap3A_261 = arith.constant 112 : index
      %swap3A_262 = tpu.vector_load %arg14[%swap3A_260, %swap3A_261] {strides = array<i32>} : memref<80x128xf32, #tpu.memory_space<vmem>>, vector<1x16xf32>,
      %swap3A_263 = vector.shape_cast %swap3A_262 : vector<1x16xf32> to vector<16xf32>
      %swap3A_264 = vector.shape_cast %broadcast_in_dim3A_194 : vector<16xf32> to vector<1x16xf32>
      tpu.vector_store %arg14[%swap3A_260, %swap3A_261], %swap3A_264 {strides = array<i32>} : memref<80x128xf32, #tpu.memory_space<vmem>>, vector<1x16xf32>,
    }
    %scan3A_198 = arith.constant 80 : i32
    %scan3A_199 = arith.constant 0 : i32
    %scan3A_200 = arith.constant 7 : i32
    %scan3A_201 = arith.addi %scan3A_199, %scan3A_200 : i32
    %scan3A_202 = arith.constant 1 : i32
    scf.for %scan3A_220 = %scan3A_199 to %scan3A_201 step %scan3A_202  : i32 {
      %mul3A_221 = arith.constant 1 : i32
      %mul3A_222 = arith.muli %scan3A_220, %mul3A_221 : i32
      %add3A_223 = arith.constant 0 : i32
      %add3A_224 = arith.addi %add3A_223, %mul3A_222 : i32
      %mul3A_225 = arith.constant 80 : i32
      %mul3A_226 = arith.muli %add3A_224, %mul3A_225 : i32
      %add3A_227 = arith.addi %mul3A_2, %mul3A_226 : i32
      "tpu.region"() ({
        %run_scoped3A = tpu.sem_alloc : memref<!tpu.dma_semaphore, #tpu.memory_space<semaphore_mem>>
        %dma_start3A_228 = arith.constant 0 : i32
        %dma_start3A_229 = tpu.memref_slice %arg21[%add3A_227, %dma_start3A_228] : memref<10112x128xf32, #tpu.memory_space<vmem_shared>> -> memref<80x128xf32, #tpu.memory_space<vmem_shared>>
        %dma_start3A_230 = arith.constant 0 : i32
        %dma_start3A_231 = tpu.memref_slice %arg21[%add3A_227, %dma_start3A_230] : memref<10112x128xf32, #tpu.memory_space<vmem_shared>> -> memref<80x128xf32, #tpu.memory_space<vmem_shared>>
        tpu.enqueue_dma source(%arg14 : memref<80x128xf32, #tpu.memory_space<vmem>>) target(%dma_start3A_231 : memref<80x128xf32, #tpu.memory_space<vmem_shared>>) target_semaphore(%run_scoped3A : memref<!tpu.dma_semaphore, #tpu.memory_space<semaphore_mem>>)
        %dma_wait3A_232 = arith.constant 0 : i32
        %dma_wait3A_233 = tpu.memref_slice %arg21[%add3A_227, %dma_wait3A_232] : memref<10112x128xf32, #tpu.memory_space<vmem_shared>> -> memref<80x128xf32, #tpu.memory_space<vmem_shared>>
        %dma_wait3A_234 = arith.constant 0 : i32
        %dma_wait3A_235 = tpu.memref_slice %arg21[%add3A_227, %dma_wait3A_234] : memref<10112x128xf32, #tpu.memory_space<vmem_shared>> -> memref<80x128xf32, #tpu.memory_space<vmem_shared>>
        tpu.wait_dma2 semaphore(%run_scoped3A : memref<!tpu.dma_semaphore, #tpu.memory_space<semaphore_mem>>) src(%arg14 : memref<80x128xf32, #tpu.memory_space<vmem>>) dst(%dma_wait3A_235 : memref<80x128xf32, #tpu.memory_space<vmem_shared>>)
        tpu.yield
      }) : () -> ()
    }
    %scan3A_203 = arith.constant 7 : i32
    %add3A_204 = arith.constant 560 : i32
    %add3A_205 = arith.addi %mul3A_2, %add3A_204 : i32
    "tpu.region"() ({
      %run_scoped3A = tpu.sem_alloc : memref<!tpu.dma_semaphore, #tpu.memory_space<semaphore_mem>>
      %dma_start3A_220 = arith.constant 0 : i32
      %dma_start3A_221 = arith.constant 0 : i32
      %dma_start3A_222 = tpu.memref_slice %arg14[%dma_start3A_220, %dma_start3A_221] : memref<80x128xf32, #tpu.memory_space<vmem>> -> memref<72x128xf32, #tpu.memory_space<vmem>>
      %dma_start3A_223 = arith.constant 0 : i32
      %dma_start3A_224 = tpu.memref_slice %arg21[%add3A_205, %dma_start3A_223] : memref<10112x128xf32, #tpu.memory_space<vmem_shared>> -> memref<72x128xf32, #tpu.memory_space<vmem_shared>>
      %dma_start3A_225 = arith.constant 0 : i32
      %dma_start3A_226 = tpu.memref_slice %arg21[%add3A_205, %dma_start3A_225] : memref<10112x128xf32, #tpu.memory_space<vmem_shared>> -> memref<72x128xf32, #tpu.memory_space<vmem_shared>>
      %dma_start3A_227 = arith.constant 0 : i32
      %dma_start3A_228 = arith.constant 0 : i32
      %dma_start3A_229 = tpu.memref_slice %arg14[%dma_start3A_227, %dma_start3A_228] : memref<80x128xf32, #tpu.memory_space<vmem>> -> memref<72x128xf32, #tpu.memory_space<vmem>>
      tpu.enqueue_dma source(%dma_start3A_229 : memref<72x128xf32, #tpu.memory_space<vmem>>) target(%dma_start3A_226 : memref<72x128xf32, #tpu.memory_space<vmem_shared>>) target_semaphore(%run_scoped3A : memref<!tpu.dma_semaphore, #tpu.memory_space<semaphore_mem>>)
      %dma_wait3A_230 = arith.constant 0 : i32
      %dma_wait3A_231 = arith.constant 0 : i32
      %dma_wait3A_232 = tpu.memref_slice %arg14[%dma_wait3A_230, %dma_wait3A_231] : memref<80x128xf32, #tpu.memory_space<vmem>> -> memref<72x128xf32, #tpu.memory_space<vmem>>
      %dma_wait3A_233 = arith.constant 0 : i32
      %dma_wait3A_234 = tpu.memref_slice %arg21[%add3A_205, %dma_wait3A_233] : memref<10112x128xf32, #tpu.memory_space<vmem_shared>> -> memref<72x128xf32, #tpu.memory_space<vmem_shared>>
      %dma_wait3A_235 = arith.constant 0 : i32
      %dma_wait3A_236 = tpu.memref_slice %arg21[%add3A_205, %dma_wait3A_235] : memref<10112x128xf32, #tpu.memory_space<vmem_shared>> -> memref<72x128xf32, #tpu.memory_space<vmem_shared>>
      %dma_wait3A_237 = arith.constant 0 : i32
      %dma_wait3A_238 = arith.constant 0 : i32
      %dma_wait3A_239 = tpu.memref_slice %arg14[%dma_wait3A_237, %dma_wait3A_238] : memref<80x128xf32, #tpu.memory_space<vmem>> -> memref<72x128xf32, #tpu.memory_space<vmem>>
      tpu.wait_dma2 semaphore(%run_scoped3A : memref<!tpu.dma_semaphore, #tpu.memory_space<semaphore_mem>>) src(%dma_wait3A_239 : memref<72x128xf32, #tpu.memory_space<vmem>>) dst(%dma_wait3A_236 : memref<72x128xf32, #tpu.memory_space<vmem_shared>>)
      tpu.yield
    }) : () -> ()
    %barrier3A = arith.constant 0 : index
    tpu.barrier barrier_id(%barrier3A)
    %scan3A_206 = arith.constant 0 : i32
    %scan3A_207 = arith.constant 42 : i32
    %scan3A_208 = arith.addi %scan3A_206, %scan3A_207 : i32
    %scan3A_209 = arith.constant 1 : i32
    scf.for %scan3A_220 = %scan3A_206 to %scan3A_208 step %scan3A_209  : i32 {
      %mul3A_221 = arith.constant 1 : i32
      %mul3A_222 = arith.muli %scan3A_220, %mul3A_221 : i32
      %add3A_223 = arith.constant 0 : i32
      %add3A_224 = arith.addi %add3A_223, %mul3A_222 : i32
      %mul3A_225 = arith.constant 3 : i32
      %mul3A_226 = arith.muli %add3A_224, %mul3A_225 : i32
      %add3A_227 = arith.constant 0 : i32
      %add3A_228 = arith.addi %mul3A_226, %add3A_227 : i32
      %add3A_229 = arith.constant 3 : i32
      %add3A_230 = arith.addi %add3A_228, %add3A_229 : i32
      %sub3A = arith.constant 1 : i32
      %sub3A_231 = arith.subi %add3A_230, %sub3A : i32
      %lt3A = arith.constant 126 : i32
      %lt3A_232 = arith.cmpi slt, %sub3A_231, %lt3A : i32
      %convert_element_type3A = arith.extui %lt3A_232 : i1 to i32
      %cond3A = arith.constant 0 : i32
      %cond3A_233 = arith.cmpi ne, %convert_element_type3A, %cond3A : i32
      scf.if %cond3A_233 {
        %ge3A = arith.constant 3 : i32
        %ge3A_274 = arith.cmpi sge, %sub3A_231, %ge3A : i32
        %convert_element_type3A_275 = arith.extui %ge3A_274 : i1 to i32
        %cond3A_276 = arith.constant 0 : i32
        %cond3A_277 = arith.cmpi ne, %convert_element_type3A_275, %cond3A_276 : i32
        scf.if %cond3A_277 {
          %dma_wait3A_371 = arith.constant 0 : i32
          %dma_wait3A_372 = arith.constant 0 : i32
          %dma_wait3A_373 = tpu.memref_slice %arg21[%dma_wait3A_371, %dma_wait3A_372] : memref<10112x128xf32, #tpu.memory_space<vmem_shared>> -> memref<10112x128xf32, #tpu.memory_space<vmem_shared>>
          tpu.wait_indirect_dma semaphore(%arg20 : memref<!tpu.dma_semaphore, #tpu.memory_space<semaphore_mem>>) src(%arg14 : memref<80x128xf32, #tpu.memory_space<vmem>>) dst(%dma_wait3A_373 : memref<10112x128xf32, #tpu.memory_space<vmem_shared>>)
        } else {
        }
        %get3A_278 = arith.index_cast %sub3A_231 : i32 to index
        %get3A_279 = arith.constant 0 : index
        %get3A_280 = tpu.vector_load %arg5[%get3A_278, %get3A_279] {strides = array<i32>} : memref<126x80xi32, #tpu.memory_space<vmem>>, vector<1x16xi32>,
        %get3A_281 = vector.shape_cast %get3A_280 : vector<1x16xi32> to vector<16xi32>
        %and3A_282 = arith.constant 16383 : i32
        %and3A_283 = vector.broadcast %and3A_282 : i32 to vector<16xi32>
        %and3A_284 = arith.andi %get3A_281, %and3A_283 : vector<16xi32>
        %swap3A_285 = arith.constant 0 : index
        %swap3A_286 = tpu.vector_load %arg8[%swap3A_285] {strides = array<i32>} : memref<80xi32, #tpu.memory_space<vmem>>, vector<16xi32>,
        %swap3A_287 = vector.shape_cast %swap3A_286 : vector<16xi32> to vector<16xi32>
        %swap3A_288 = vector.shape_cast %and3A_284 : vector<16xi32> to vector<16xi32>
        tpu.vector_store %arg8[%swap3A_285], %swap3A_288 {strides = array<i32>} : memref<80xi32, #tpu.memory_space<vmem>>, vector<16xi32>,
        %shift_right_logical3A_289 = arith.constant 14 : i32
        %shift_right_logical3A_290 = vector.broadcast %shift_right_logical3A_289 : i32 to vector<16xi32>
        %shift_right_logical3A_291 = arith.shrui %get3A_281, %shift_right_logical3A_290 : vector<16xi32>
        %swap3A_292 = arith.constant 0 : index
        %swap3A_293 = tpu.vector_load %arg11[%swap3A_292] {strides = array<i32>} : memref<80xi32, #tpu.memory_space<vmem>>, vector<16xi32>,
        %swap3A_294 = vector.shape_cast %swap3A_293 : vector<16xi32> to vector<16xi32>
        %swap3A_295 = vector.shape_cast %shift_right_logical3A_291 : vector<16xi32> to vector<16xi32>
        tpu.vector_store %arg11[%swap3A_292], %swap3A_295 {strides = array<i32>} : memref<80xi32, #tpu.memory_space<vmem>>, vector<16xi32>,
        %get3A_296 = arith.index_cast %sub3A_231 : i32 to index
        %get3A_297 = arith.constant 16 : index
        %get3A_298 = tpu.vector_load %arg5[%get3A_296, %get3A_297] {strides = array<i32>} : memref<126x80xi32, #tpu.memory_space<vmem>>, vector<1x16xi32>,
        %get3A_299 = vector.shape_cast %get3A_298 : vector<1x16xi32> to vector<16xi32>
        %and3A_300 = arith.constant 16383 : i32
        %and3A_301 = vector.broadcast %and3A_300 : i32 to vector<16xi32>
        %and3A_302 = arith.andi %get3A_299, %and3A_301 : vector<16xi32>
        %swap3A_303 = arith.constant 16 : index
        %swap3A_304 = tpu.vector_load %arg8[%swap3A_303] {strides = array<i32>} : memref<80xi32, #tpu.memory_space<vmem>>, vector<16xi32>,
        %swap3A_305 = vector.shape_cast %swap3A_304 : vector<16xi32> to vector<16xi32>
        %swap3A_306 = vector.shape_cast %and3A_302 : vector<16xi32> to vector<16xi32>
        tpu.vector_store %arg8[%swap3A_303], %swap3A_306 {strides = array<i32>} : memref<80xi32, #tpu.memory_space<vmem>>, vector<16xi32>,
        %shift_right_logical3A_307 = arith.constant 14 : i32
        %shift_right_logical3A_308 = vector.broadcast %shift_right_logical3A_307 : i32 to vector<16xi32>
        %shift_right_logical3A_309 = arith.shrui %get3A_299, %shift_right_logical3A_308 : vector<16xi32>
        %swap3A_310 = arith.constant 16 : index
        %swap3A_311 = tpu.vector_load %arg11[%swap3A_310] {strides = array<i32>} : memref<80xi32, #tpu.memory_space<vmem>>, vector<16xi32>,
        %swap3A_312 = vector.shape_cast %swap3A_311 : vector<16xi32> to vector<16xi32>
        %swap3A_313 = vector.shape_cast %shift_right_logical3A_309 : vector<16xi32> to vector<16xi32>
        tpu.vector_store %arg11[%swap3A_310], %swap3A_313 {strides = array<i32>} : memref<80xi32, #tpu.memory_space<vmem>>, vector<16xi32>,
        %get3A_314 = arith.index_cast %sub3A_231 : i32 to index
        %get3A_315 = arith.constant 32 : index
        %get3A_316 = tpu.vector_load %arg5[%get3A_314, %get3A_315] {strides = array<i32>} : memref<126x80xi32, #tpu.memory_space<vmem>>, vector<1x16xi32>,
        %get3A_317 = vector.shape_cast %get3A_316 : vector<1x16xi32> to vector<16xi32>
        %and3A_318 = arith.constant 16383 : i32
        %and3A_319 = vector.broadcast %and3A_318 : i32 to vector<16xi32>
        %and3A_320 = arith.andi %get3A_317, %and3A_319 : vector<16xi32>
        %swap3A_321 = arith.constant 32 : index
        %swap3A_322 = tpu.vector_load %arg8[%swap3A_321] {strides = array<i32>} : memref<80xi32, #tpu.memory_space<vmem>>, vector<16xi32>,
        %swap3A_323 = vector.shape_cast %swap3A_322 : vector<16xi32> to vector<16xi32>
        %swap3A_324 = vector.shape_cast %and3A_320 : vector<16xi32> to vector<16xi32>
        tpu.vector_store %arg8[%swap3A_321], %swap3A_324 {strides = array<i32>} : memref<80xi32, #tpu.memory_space<vmem>>, vector<16xi32>,
        %shift_right_logical3A_325 = arith.constant 14 : i32
        %shift_right_logical3A_326 = vector.broadcast %shift_right_logical3A_325 : i32 to vector<16xi32>
        %shift_right_logical3A_327 = arith.shrui %get3A_317, %shift_right_logical3A_326 : vector<16xi32>
        %swap3A_328 = arith.constant 32 : index
        %swap3A_329 = tpu.vector_load %arg11[%swap3A_328] {strides = array<i32>} : memref<80xi32, #tpu.memory_space<vmem>>, vector<16xi32>,
        %swap3A_330 = vector.shape_cast %swap3A_329 : vector<16xi32> to vector<16xi32>
        %swap3A_331 = vector.shape_cast %shift_right_logical3A_327 : vector<16xi32> to vector<16xi32>
        tpu.vector_store %arg11[%swap3A_328], %swap3A_331 {strides = array<i32>} : memref<80xi32, #tpu.memory_space<vmem>>, vector<16xi32>,
        %get3A_332 = arith.index_cast %sub3A_231 : i32 to index
        %get3A_333 = arith.constant 48 : index
        %get3A_334 = tpu.vector_load %arg5[%get3A_332, %get3A_333] {strides = array<i32>} : memref<126x80xi32, #tpu.memory_space<vmem>>, vector<1x16xi32>,
        %get3A_335 = vector.shape_cast %get3A_334 : vector<1x16xi32> to vector<16xi32>
        %and3A_336 = arith.constant 16383 : i32
        %and3A_337 = vector.broadcast %and3A_336 : i32 to vector<16xi32>
        %and3A_338 = arith.andi %get3A_335, %and3A_337 : vector<16xi32>
        %swap3A_339 = arith.constant 48 : index
        %swap3A_340 = tpu.vector_load %arg8[%swap3A_339] {strides = array<i32>} : memref<80xi32, #tpu.memory_space<vmem>>, vector<16xi32>,
        %swap3A_341 = vector.shape_cast %swap3A_340 : vector<16xi32> to vector<16xi32>
        %swap3A_342 = vector.shape_cast %and3A_338 : vector<16xi32> to vector<16xi32>
        tpu.vector_store %arg8[%swap3A_339], %swap3A_342 {strides = array<i32>} : memref<80xi32, #tpu.memory_space<vmem>>, vector<16xi32>,
        %shift_right_logical3A_343 = arith.constant 14 : i32
        %shift_right_logical3A_344 = vector.broadcast %shift_right_logical3A_343 : i32 to vector<16xi32>
        %shift_right_logical3A_345 = arith.shrui %get3A_335, %shift_right_logical3A_344 : vector<16xi32>
        %swap3A_346 = arith.constant 48 : index
        %swap3A_347 = tpu.vector_load %arg11[%swap3A_346] {strides = array<i32>} : memref<80xi32, #tpu.memory_space<vmem>>, vector<16xi32>,
        %swap3A_348 = vector.shape_cast %swap3A_347 : vector<16xi32> to vector<16xi32>
        %swap3A_349 = vector.shape_cast %shift_right_logical3A_345 : vector<16xi32> to vector<16xi32>
        tpu.vector_store %arg11[%swap3A_346], %swap3A_349 {strides = array<i32>} : memref<80xi32, #tpu.memory_space<vmem>>, vector<16xi32>,
        %get3A_350 = arith.index_cast %sub3A_231 : i32 to index
        %get3A_351 = arith.constant 64 : index
        %get3A_352 = tpu.vector_load %arg5[%get3A_350, %get3A_351] {strides = array<i32>} : memref<126x80xi32, #tpu.memory_space<vmem>>, vector<1x16xi32>,
        %get3A_353 = vector.shape_cast %get3A_352 : vector<1x16xi32> to vector<16xi32>
        %and3A_354 = arith.constant 16383 : i32
        %and3A_355 = vector.broadcast %and3A_354 : i32 to vector<16xi32>
        %and3A_356 = arith.andi %get3A_353, %and3A_355 : vector<16xi32>
        %swap3A_357 = arith.constant 64 : index
        %swap3A_358 = tpu.vector_load %arg8[%swap3A_357] {strides = array<i32>} : memref<80xi32, #tpu.memory_space<vmem>>, vector<16xi32>,
        %swap3A_359 = vector.shape_cast %swap3A_358 : vector<16xi32> to vector<16xi32>
        %swap3A_360 = vector.shape_cast %and3A_356 : vector<16xi32> to vector<16xi32>
        tpu.vector_store %arg8[%swap3A_357], %swap3A_360 {strides = array<i32>} : memref<80xi32, #tpu.memory_space<vmem>>, vector<16xi32>,
        %shift_right_logical3A_361 = arith.constant 14 : i32
        %shift_right_logical3A_362 = vector.broadcast %shift_right_logical3A_361 : i32 to vector<16xi32>
        %shift_right_logical3A_363 = arith.shrui %get3A_353, %shift_right_logical3A_362 : vector<16xi32>
        %swap3A_364 = arith.constant 64 : index
        %swap3A_365 = tpu.vector_load %arg11[%swap3A_364] {strides = array<i32>} : memref<80xi32, #tpu.memory_space<vmem>>, vector<16xi32>,
        %swap3A_366 = vector.shape_cast %swap3A_365 : vector<16xi32> to vector<16xi32>
        %swap3A_367 = vector.shape_cast %shift_right_logical3A_363 : vector<16xi32> to vector<16xi32>
        tpu.vector_store %arg11[%swap3A_364], %swap3A_367 {strides = array<i32>} : memref<80xi32, #tpu.memory_space<vmem>>, vector<16xi32>,
        %dma_start3A_368 = arith.constant 0 : i32
        %dma_start3A_369 = arith.constant 0 : i32
        %dma_start3A_370 = tpu.memref_slice %arg2[%dma_start3A_368, %dma_start3A_369] : memref<10000x128xf32, #tpu.memory_space<hbm>> -> memref<10000x128xf32, #tpu.memory_space<hbm>>
        tpu.enqueue_indirect_dma source(%dma_start3A_370 : memref<10000x128xf32, #tpu.memory_space<hbm>>) target(%arg14 : memref<80x128xf32, #tpu.memory_space<vmem>>) offsets(%arg8 : memref<80xi32, #tpu.memory_space<vmem>>) semaphore(%arg17 : memref<!tpu.dma_semaphore, #tpu.memory_space<semaphore_mem>>)
      } else {
      }
      %dma_wait3A_234 = arith.constant 0 : i32
      %dma_wait3A_235 = arith.constant 0 : i32
      %dma_wait3A_236 = tpu.memref_slice %arg2[%dma_wait3A_234, %dma_wait3A_235] : memref<10000x128xf32, #tpu.memory_space<hbm>> -> memref<10000x128xf32, #tpu.memory_space<hbm>>
      tpu.wait_indirect_dma semaphore(%arg15 : memref<!tpu.dma_semaphore, #tpu.memory_space<semaphore_mem>>) src(%dma_wait3A_236 : memref<10000x128xf32, #tpu.memory_space<hbm>>) dst(%arg12 : memref<80x128xf32, #tpu.memory_space<vmem>>)
      %dma_start3A_237 = arith.constant 0 : i32
      %dma_start3A_238 = arith.constant 0 : i32
      %dma_start3A_239 = tpu.memref_slice %arg21[%dma_start3A_237, %dma_start3A_238] : memref<10112x128xf32, #tpu.memory_space<vmem_shared>> -> memref<10112x128xf32, #tpu.memory_space<vmem_shared>>
      tpu.enqueue_indirect_dma source(%arg12 : memref<80x128xf32, #tpu.memory_space<vmem>>) target(%dma_start3A_239 : memref<10112x128xf32, #tpu.memory_space<vmem_shared>>) offsets(%arg9 : memref<80xi32, #tpu.memory_space<vmem>>) semaphore(%arg18 : memref<!tpu.dma_semaphore, #tpu.memory_space<semaphore_mem>>) {add = true}
      %add3A_240 = arith.constant 1 : i32
      %add3A_241 = arith.addi %mul3A_226, %add3A_240 : i32
      %add3A_242 = arith.constant 3 : i32
      %add3A_243 = arith.addi %add3A_241, %add3A_242 : i32
      %sub3A_244 = arith.constant 1 : i32
      %sub3A_245 = arith.subi %add3A_243, %sub3A_244 : i32
      %lt3A_246 = arith.constant 126 : i32
      %lt3A_247 = arith.cmpi slt, %sub3A_245, %lt3A_246 : i32
      %convert_element_type3A_248 = arith.extui %lt3A_247 : i1 to i32
      %cond3A_249 = arith.constant 0 : i32
      %cond3A_250 = arith.cmpi ne, %convert_element_type3A_248, %cond3A_249 : i32
      scf.if %cond3A_250 {
        %ge3A = arith.constant 3 : i32
        %ge3A_274 = arith.cmpi sge, %sub3A_245, %ge3A : i32
        %convert_element_type3A_275 = arith.extui %ge3A_274 : i1 to i32
        %cond3A_276 = arith.constant 0 : i32
        %cond3A_277 = arith.cmpi ne, %convert_element_type3A_275, %cond3A_276 : i32
        scf.if %cond3A_277 {
          %dma_wait3A_371 = arith.constant 0 : i32
          %dma_wait3A_372 = arith.constant 0 : i32
          %dma_wait3A_373 = tpu.memref_slice %arg21[%dma_wait3A_371, %dma_wait3A_372] : memref<10112x128xf32, #tpu.memory_space<vmem_shared>> -> memref<10112x128xf32, #tpu.memory_space<vmem_shared>>
          tpu.wait_indirect_dma semaphore(%arg18 : memref<!tpu.dma_semaphore, #tpu.memory_space<semaphore_mem>>) src(%arg12 : memref<80x128xf32, #tpu.memory_space<vmem>>) dst(%dma_wait3A_373 : memref<10112x128xf32, #tpu.memory_space<vmem_shared>>)
        } else {
        }
        %get3A_278 = arith.index_cast %sub3A_245 : i32 to index
        %get3A_279 = arith.constant 0 : index
        %get3A_280 = tpu.vector_load %arg5[%get3A_278, %get3A_279] {strides = array<i32>} : memref<126x80xi32, #tpu.memory_space<vmem>>, vector<1x16xi32>,
        %get3A_281 = vector.shape_cast %get3A_280 : vector<1x16xi32> to vector<16xi32>
        %and3A_282 = arith.constant 16383 : i32
        %and3A_283 = vector.broadcast %and3A_282 : i32 to vector<16xi32>
        %and3A_284 = arith.andi %get3A_281, %and3A_283 : vector<16xi32>
        %swap3A_285 = arith.constant 0 : index
        %swap3A_286 = tpu.vector_load %arg6[%swap3A_285] {strides = array<i32>} : memref<80xi32, #tpu.memory_space<vmem>>, vector<16xi32>,
        %swap3A_287 = vector.shape_cast %swap3A_286 : vector<16xi32> to vector<16xi32>
        %swap3A_288 = vector.shape_cast %and3A_284 : vector<16xi32> to vector<16xi32>
        tpu.vector_store %arg6[%swap3A_285], %swap3A_288 {strides = array<i32>} : memref<80xi32, #tpu.memory_space<vmem>>, vector<16xi32>,
        %shift_right_logical3A_289 = arith.constant 14 : i32
        %shift_right_logical3A_290 = vector.broadcast %shift_right_logical3A_289 : i32 to vector<16xi32>
        %shift_right_logical3A_291 = arith.shrui %get3A_281, %shift_right_logical3A_290 : vector<16xi32>
        %swap3A_292 = arith.constant 0 : index
        %swap3A_293 = tpu.vector_load %arg9[%swap3A_292] {strides = array<i32>} : memref<80xi32, #tpu.memory_space<vmem>>, vector<16xi32>,
        %swap3A_294 = vector.shape_cast %swap3A_293 : vector<16xi32> to vector<16xi32>
        %swap3A_295 = vector.shape_cast %shift_right_logical3A_291 : vector<16xi32> to vector<16xi32>
        tpu.vector_store %arg9[%swap3A_292], %swap3A_295 {strides = array<i32>} : memref<80xi32, #tpu.memory_space<vmem>>, vector<16xi32>,
        %get3A_296 = arith.index_cast %sub3A_245 : i32 to index
        %get3A_297 = arith.constant 16 : index
        %get3A_298 = tpu.vector_load %arg5[%get3A_296, %get3A_297] {strides = array<i32>} : memref<126x80xi32, #tpu.memory_space<vmem>>, vector<1x16xi32>,
        %get3A_299 = vector.shape_cast %get3A_298 : vector<1x16xi32> to vector<16xi32>
        %and3A_300 = arith.constant 16383 : i32
        %and3A_301 = vector.broadcast %and3A_300 : i32 to vector<16xi32>
        %and3A_302 = arith.andi %get3A_299, %and3A_301 : vector<16xi32>
        %swap3A_303 = arith.constant 16 : index
        %swap3A_304 = tpu.vector_load %arg6[%swap3A_303] {strides = array<i32>} : memref<80xi32, #tpu.memory_space<vmem>>, vector<16xi32>,
        %swap3A_305 = vector.shape_cast %swap3A_304 : vector<16xi32> to vector<16xi32>
        %swap3A_306 = vector.shape_cast %and3A_302 : vector<16xi32> to vector<16xi32>
        tpu.vector_store %arg6[%swap3A_303], %swap3A_306 {strides = array<i32>} : memref<80xi32, #tpu.memory_space<vmem>>, vector<16xi32>,
        %shift_right_logical3A_307 = arith.constant 14 : i32
        %shift_right_logical3A_308 = vector.broadcast %shift_right_logical3A_307 : i32 to vector<16xi32>
        %shift_right_logical3A_309 = arith.shrui %get3A_299, %shift_right_logical3A_308 : vector<16xi32>
        %swap3A_310 = arith.constant 16 : index
        %swap3A_311 = tpu.vector_load %arg9[%swap3A_310] {strides = array<i32>} : memref<80xi32, #tpu.memory_space<vmem>>, vector<16xi32>,
        %swap3A_312 = vector.shape_cast %swap3A_311 : vector<16xi32> to vector<16xi32>
        %swap3A_313 = vector.shape_cast %shift_right_logical3A_309 : vector<16xi32> to vector<16xi32>
        tpu.vector_store %arg9[%swap3A_310], %swap3A_313 {strides = array<i32>} : memref<80xi32, #tpu.memory_space<vmem>>, vector<16xi32>,
        %get3A_314 = arith.index_cast %sub3A_245 : i32 to index
        %get3A_315 = arith.constant 32 : index
        %get3A_316 = tpu.vector_load %arg5[%get3A_314, %get3A_315] {strides = array<i32>} : memref<126x80xi32, #tpu.memory_space<vmem>>, vector<1x16xi32>,
        %get3A_317 = vector.shape_cast %get3A_316 : vector<1x16xi32> to vector<16xi32>
        %and3A_318 = arith.constant 16383 : i32
        %and3A_319 = vector.broadcast %and3A_318 : i32 to vector<16xi32>
        %and3A_320 = arith.andi %get3A_317, %and3A_319 : vector<16xi32>
        %swap3A_321 = arith.constant 32 : index
        %swap3A_322 = tpu.vector_load %arg6[%swap3A_321] {strides = array<i32>} : memref<80xi32, #tpu.memory_space<vmem>>, vector<16xi32>,
        %swap3A_323 = vector.shape_cast %swap3A_322 : vector<16xi32> to vector<16xi32>
        %swap3A_324 = vector.shape_cast %and3A_320 : vector<16xi32> to vector<16xi32>
        tpu.vector_store %arg6[%swap3A_321], %swap3A_324 {strides = array<i32>} : memref<80xi32, #tpu.memory_space<vmem>>, vector<16xi32>,
        %shift_right_logical3A_325 = arith.constant 14 : i32
        %shift_right_logical3A_326 = vector.broadcast %shift_right_logical3A_325 : i32 to vector<16xi32>
        %shift_right_logical3A_327 = arith.shrui %get3A_317, %shift_right_logical3A_326 : vector<16xi32>
        %swap3A_328 = arith.constant 32 : index
        %swap3A_329 = tpu.vector_load %arg9[%swap3A_328] {strides = array<i32>} : memref<80xi32, #tpu.memory_space<vmem>>, vector<16xi32>,
        %swap3A_330 = vector.shape_cast %swap3A_329 : vector<16xi32> to vector<16xi32>
        %swap3A_331 = vector.shape_cast %shift_right_logical3A_327 : vector<16xi32> to vector<16xi32>
        tpu.vector_store %arg9[%swap3A_328], %swap3A_331 {strides = array<i32>} : memref<80xi32, #tpu.memory_space<vmem>>, vector<16xi32>,
        %get3A_332 = arith.index_cast %sub3A_245 : i32 to index
        %get3A_333 = arith.constant 48 : index
        %get3A_334 = tpu.vector_load %arg5[%get3A_332, %get3A_333] {strides = array<i32>} : memref<126x80xi32, #tpu.memory_space<vmem>>, vector<1x16xi32>,
        %get3A_335 = vector.shape_cast %get3A_334 : vector<1x16xi32> to vector<16xi32>
        %and3A_336 = arith.constant 16383 : i32
        %and3A_337 = vector.broadcast %and3A_336 : i32 to vector<16xi32>
        %and3A_338 = arith.andi %get3A_335, %and3A_337 : vector<16xi32>
        %swap3A_339 = arith.constant 48 : index
        %swap3A_340 = tpu.vector_load %arg6[%swap3A_339] {strides = array<i32>} : memref<80xi32, #tpu.memory_space<vmem>>, vector<16xi32>,
        %swap3A_341 = vector.shape_cast %swap3A_340 : vector<16xi32> to vector<16xi32>
        %swap3A_342 = vector.shape_cast %and3A_338 : vector<16xi32> to vector<16xi32>
        tpu.vector_store %arg6[%swap3A_339], %swap3A_342 {strides = array<i32>} : memref<80xi32, #tpu.memory_space<vmem>>, vector<16xi32>,
        %shift_right_logical3A_343 = arith.constant 14 : i32
        %shift_right_logical3A_344 = vector.broadcast %shift_right_logical3A_343 : i32 to vector<16xi32>
        %shift_right_logical3A_345 = arith.shrui %get3A_335, %shift_right_logical3A_344 : vector<16xi32>
        %swap3A_346 = arith.constant 48 : index
        %swap3A_347 = tpu.vector_load %arg9[%swap3A_346] {strides = array<i32>} : memref<80xi32, #tpu.memory_space<vmem>>, vector<16xi32>,
        %swap3A_348 = vector.shape_cast %swap3A_347 : vector<16xi32> to vector<16xi32>
        %swap3A_349 = vector.shape_cast %shift_right_logical3A_345 : vector<16xi32> to vector<16xi32>
        tpu.vector_store %arg9[%swap3A_346], %swap3A_349 {strides = array<i32>} : memref<80xi32, #tpu.memory_space<vmem>>, vector<16xi32>,
        %get3A_350 = arith.index_cast %sub3A_245 : i32 to index
        %get3A_351 = arith.constant 64 : index
        %get3A_352 = tpu.vector_load %arg5[%get3A_350, %get3A_351] {strides = array<i32>} : memref<126x80xi32, #tpu.memory_space<vmem>>, vector<1x16xi32>,
        %get3A_353 = vector.shape_cast %get3A_352 : vector<1x16xi32> to vector<16xi32>
        %and3A_354 = arith.constant 16383 : i32
        %and3A_355 = vector.broadcast %and3A_354 : i32 to vector<16xi32>
        %and3A_356 = arith.andi %get3A_353, %and3A_355 : vector<16xi32>
        %swap3A_357 = arith.constant 64 : index
        %swap3A_358 = tpu.vector_load %arg6[%swap3A_357] {strides = array<i32>} : memref<80xi32, #tpu.memory_space<vmem>>, vector<16xi32>,
        %swap3A_359 = vector.shape_cast %swap3A_358 : vector<16xi32> to vector<16xi32>
        %swap3A_360 = vector.shape_cast %and3A_356 : vector<16xi32> to vector<16xi32>
        tpu.vector_store %arg6[%swap3A_357], %swap3A_360 {strides = array<i32>} : memref<80xi32, #tpu.memory_space<vmem>>, vector<16xi32>,
        %shift_right_logical3A_361 = arith.constant 14 : i32
        %shift_right_logical3A_362 = vector.broadcast %shift_right_logical3A_361 : i32 to vector<16xi32>
        %shift_right_logical3A_363 = arith.shrui %get3A_353, %shift_right_logical3A_362 : vector<16xi32>
        %swap3A_364 = arith.constant 64 : index
        %swap3A_365 = tpu.vector_load %arg9[%swap3A_364] {strides = array<i32>} : memref<80xi32, #tpu.memory_space<vmem>>, vector<16xi32>,
        %swap3A_366 = vector.shape_cast %swap3A_365 : vector<16xi32> to vector<16xi32>
        %swap3A_367 = vector.shape_cast %shift_right_logical3A_363 : vector<16xi32> to vector<16xi32>
        tpu.vector_store %arg9[%swap3A_364], %swap3A_367 {strides = array<i32>} : memref<80xi32, #tpu.memory_space<vmem>>, vector<16xi32>,
        %dma_start3A_368 = arith.constant 0 : i32
        %dma_start3A_369 = arith.constant 0 : i32
        %dma_start3A_370 = tpu.memref_slice %arg2[%dma_start3A_368, %dma_start3A_369] : memref<10000x128xf32, #tpu.memory_space<hbm>> -> memref<10000x128xf32, #tpu.memory_space<hbm>>
        tpu.enqueue_indirect_dma source(%dma_start3A_370 : memref<10000x128xf32, #tpu.memory_space<hbm>>) target(%arg12 : memref<80x128xf32, #tpu.memory_space<vmem>>) offsets(%arg6 : memref<80xi32, #tpu.memory_space<vmem>>) semaphore(%arg15 : memref<!tpu.dma_semaphore, #tpu.memory_space<semaphore_mem>>)
      } else {
      }
      %dma_wait3A_251 = arith.constant 0 : i32
      %dma_wait3A_252 = arith.constant 0 : i32
      %dma_wait3A_253 = tpu.memref_slice %arg2[%dma_wait3A_251, %dma_wait3A_252] : memref<10000x128xf32, #tpu.memory_space<hbm>> -> memref<10000x128xf32, #tpu.memory_space<hbm>>
      tpu.wait_indirect_dma semaphore(%arg16 : memref<!tpu.dma_semaphore, #tpu.memory_space<semaphore_mem>>) src(%dma_wait3A_253 : memref<10000x128xf32, #tpu.memory_space<hbm>>) dst(%arg13 : memref<80x128xf32, #tpu.memory_space<vmem>>)
      %dma_start3A_254 = arith.constant 0 : i32
      %dma_start3A_255 = arith.constant 0 : i32
      %dma_start3A_256 = tpu.memref_slice %arg21[%dma_start3A_254, %dma_start3A_255] : memref<10112x128xf32, #tpu.memory_space<vmem_shared>> -> memref<10112x128xf32, #tpu.memory_space<vmem_shared>>
      tpu.enqueue_indirect_dma source(%arg13 : memref<80x128xf32, #tpu.memory_space<vmem>>) target(%dma_start3A_256 : memref<10112x128xf32, #tpu.memory_space<vmem_shared>>) offsets(%arg10 : memref<80xi32, #tpu.memory_space<vmem>>) semaphore(%arg19 : memref<!tpu.dma_semaphore, #tpu.memory_space<semaphore_mem>>) {add = true}
      %add3A_257 = arith.constant 2 : i32
      %add3A_258 = arith.addi %mul3A_226, %add3A_257 : i32
      %add3A_259 = arith.constant 3 : i32
      %add3A_260 = arith.addi %add3A_258, %add3A_259 : i32
      %sub3A_261 = arith.constant 1 : i32
      %sub3A_262 = arith.subi %add3A_260, %sub3A_261 : i32
      %lt3A_263 = arith.constant 126 : i32
      %lt3A_264 = arith.cmpi slt, %sub3A_262, %lt3A_263 : i32
      %convert_element_type3A_265 = arith.extui %lt3A_264 : i1 to i32
      %cond3A_266 = arith.constant 0 : i32
      %cond3A_267 = arith.cmpi ne, %convert_element_type3A_265, %cond3A_266 : i32
      scf.if %cond3A_267 {
        %ge3A = arith.constant 3 : i32
        %ge3A_274 = arith.cmpi sge, %sub3A_262, %ge3A : i32
        %convert_element_type3A_275 = arith.extui %ge3A_274 : i1 to i32
        %cond3A_276 = arith.constant 0 : i32
        %cond3A_277 = arith.cmpi ne, %convert_element_type3A_275, %cond3A_276 : i32
        scf.if %cond3A_277 {
          %dma_wait3A_371 = arith.constant 0 : i32
          %dma_wait3A_372 = arith.constant 0 : i32
          %dma_wait3A_373 = tpu.memref_slice %arg21[%dma_wait3A_371, %dma_wait3A_372] : memref<10112x128xf32, #tpu.memory_space<vmem_shared>> -> memref<10112x128xf32, #tpu.memory_space<vmem_shared>>
          tpu.wait_indirect_dma semaphore(%arg19 : memref<!tpu.dma_semaphore, #tpu.memory_space<semaphore_mem>>) src(%arg13 : memref<80x128xf32, #tpu.memory_space<vmem>>) dst(%dma_wait3A_373 : memref<10112x128xf32, #tpu.memory_space<vmem_shared>>)
        } else {
        }
        %get3A_278 = arith.index_cast %sub3A_262 : i32 to index
        %get3A_279 = arith.constant 0 : index
        %get3A_280 = tpu.vector_load %arg5[%get3A_278, %get3A_279] {strides = array<i32>} : memref<126x80xi32, #tpu.memory_space<vmem>>, vector<1x16xi32>,
        %get3A_281 = vector.shape_cast %get3A_280 : vector<1x16xi32> to vector<16xi32>
        %and3A_282 = arith.constant 16383 : i32
        %and3A_283 = vector.broadcast %and3A_282 : i32 to vector<16xi32>
        %and3A_284 = arith.andi %get3A_281, %and3A_283 : vector<16xi32>
        %swap3A_285 = arith.constant 0 : index
        %swap3A_286 = tpu.vector_load %arg7[%swap3A_285] {strides = array<i32>} : memref<80xi32, #tpu.memory_space<vmem>>, vector<16xi32>,
        %swap3A_287 = vector.shape_cast %swap3A_286 : vector<16xi32> to vector<16xi32>
        %swap3A_288 = vector.shape_cast %and3A_284 : vector<16xi32> to vector<16xi32>
        tpu.vector_store %arg7[%swap3A_285], %swap3A_288 {strides = array<i32>} : memref<80xi32, #tpu.memory_space<vmem>>, vector<16xi32>,
        %shift_right_logical3A_289 = arith.constant 14 : i32
        %shift_right_logical3A_290 = vector.broadcast %shift_right_logical3A_289 : i32 to vector<16xi32>
        %shift_right_logical3A_291 = arith.shrui %get3A_281, %shift_right_logical3A_290 : vector<16xi32>
        %swap3A_292 = arith.constant 0 : index
        %swap3A_293 = tpu.vector_load %arg10[%swap3A_292] {strides = array<i32>} : memref<80xi32, #tpu.memory_space<vmem>>, vector<16xi32>,
        %swap3A_294 = vector.shape_cast %swap3A_293 : vector<16xi32> to vector<16xi32>
        %swap3A_295 = vector.shape_cast %shift_right_logical3A_291 : vector<16xi32> to vector<16xi32>
        tpu.vector_store %arg10[%swap3A_292], %swap3A_295 {strides = array<i32>} : memref<80xi32, #tpu.memory_space<vmem>>, vector<16xi32>,
        %get3A_296 = arith.index_cast %sub3A_262 : i32 to index
        %get3A_297 = arith.constant 16 : index
        %get3A_298 = tpu.vector_load %arg5[%get3A_296, %get3A_297] {strides = array<i32>} : memref<126x80xi32, #tpu.memory_space<vmem>>, vector<1x16xi32>,
        %get3A_299 = vector.shape_cast %get3A_298 : vector<1x16xi32> to vector<16xi32>
        %and3A_300 = arith.constant 16383 : i32
        %and3A_301 = vector.broadcast %and3A_300 : i32 to vector<16xi32>
        %and3A_302 = arith.andi %get3A_299, %and3A_301 : vector<16xi32>
        %swap3A_303 = arith.constant 16 : index
        %swap3A_304 = tpu.vector_load %arg7[%swap3A_303] {strides = array<i32>} : memref<80xi32, #tpu.memory_space<vmem>>, vector<16xi32>,
        %swap3A_305 = vector.shape_cast %swap3A_304 : vector<16xi32> to vector<16xi32>
        %swap3A_306 = vector.shape_cast %and3A_302 : vector<16xi32> to vector<16xi32>
        tpu.vector_store %arg7[%swap3A_303], %swap3A_306 {strides = array<i32>} : memref<80xi32, #tpu.memory_space<vmem>>, vector<16xi32>,
        %shift_right_logical3A_307 = arith.constant 14 : i32
        %shift_right_logical3A_308 = vector.broadcast %shift_right_logical3A_307 : i32 to vector<16xi32>
        %shift_right_logical3A_309 = arith.shrui %get3A_299, %shift_right_logical3A_308 : vector<16xi32>
        %swap3A_310 = arith.constant 16 : index
        %swap3A_311 = tpu.vector_load %arg10[%swap3A_310] {strides = array<i32>} : memref<80xi32, #tpu.memory_space<vmem>>, vector<16xi32>,
        %swap3A_312 = vector.shape_cast %swap3A_311 : vector<16xi32> to vector<16xi32>
        %swap3A_313 = vector.shape_cast %shift_right_logical3A_309 : vector<16xi32> to vector<16xi32>
        tpu.vector_store %arg10[%swap3A_310], %swap3A_313 {strides = array<i32>} : memref<80xi32, #tpu.memory_space<vmem>>, vector<16xi32>,
        %get3A_314 = arith.index_cast %sub3A_262 : i32 to index
        %get3A_315 = arith.constant 32 : index
        %get3A_316 = tpu.vector_load %arg5[%get3A_314, %get3A_315] {strides = array<i32>} : memref<126x80xi32, #tpu.memory_space<vmem>>, vector<1x16xi32>,
        %get3A_317 = vector.shape_cast %get3A_316 : vector<1x16xi32> to vector<16xi32>
        %and3A_318 = arith.constant 16383 : i32
        %and3A_319 = vector.broadcast %and3A_318 : i32 to vector<16xi32>
        %and3A_320 = arith.andi %get3A_317, %and3A_319 : vector<16xi32>
        %swap3A_321 = arith.constant 32 : index
        %swap3A_322 = tpu.vector_load %arg7[%swap3A_321] {strides = array<i32>} : memref<80xi32, #tpu.memory_space<vmem>>, vector<16xi32>,
        %swap3A_323 = vector.shape_cast %swap3A_322 : vector<16xi32> to vector<16xi32>
        %swap3A_324 = vector.shape_cast %and3A_320 : vector<16xi32> to vector<16xi32>
        tpu.vector_store %arg7[%swap3A_321], %swap3A_324 {strides = array<i32>} : memref<80xi32, #tpu.memory_space<vmem>>, vector<16xi32>,
        %shift_right_logical3A_325 = arith.constant 14 : i32
        %shift_right_logical3A_326 = vector.broadcast %shift_right_logical3A_325 : i32 to vector<16xi32>
        %shift_right_logical3A_327 = arith.shrui %get3A_317, %shift_right_logical3A_326 : vector<16xi32>
        %swap3A_328 = arith.constant 32 : index
        %swap3A_329 = tpu.vector_load %arg10[%swap3A_328] {strides = array<i32>} : memref<80xi32, #tpu.memory_space<vmem>>, vector<16xi32>,
        %swap3A_330 = vector.shape_cast %swap3A_329 : vector<16xi32> to vector<16xi32>
        %swap3A_331 = vector.shape_cast %shift_right_logical3A_327 : vector<16xi32> to vector<16xi32>
        tpu.vector_store %arg10[%swap3A_328], %swap3A_331 {strides = array<i32>} : memref<80xi32, #tpu.memory_space<vmem>>, vector<16xi32>,
        %get3A_332 = arith.index_cast %sub3A_262 : i32 to index
        %get3A_333 = arith.constant 48 : index
        %get3A_334 = tpu.vector_load %arg5[%get3A_332, %get3A_333] {strides = array<i32>} : memref<126x80xi32, #tpu.memory_space<vmem>>, vector<1x16xi32>,
        %get3A_335 = vector.shape_cast %get3A_334 : vector<1x16xi32> to vector<16xi32>
        %and3A_336 = arith.constant 16383 : i32
        %and3A_337 = vector.broadcast %and3A_336 : i32 to vector<16xi32>
        %and3A_338 = arith.andi %get3A_335, %and3A_337 : vector<16xi32>
        %swap3A_339 = arith.constant 48 : index
        %swap3A_340 = tpu.vector_load %arg7[%swap3A_339] {strides = array<i32>} : memref<80xi32, #tpu.memory_space<vmem>>, vector<16xi32>,
        %swap3A_341 = vector.shape_cast %swap3A_340 : vector<16xi32> to vector<16xi32>
        %swap3A_342 = vector.shape_cast %and3A_338 : vector<16xi32> to vector<16xi32>
        tpu.vector_store %arg7[%swap3A_339], %swap3A_342 {strides = array<i32>} : memref<80xi32, #tpu.memory_space<vmem>>, vector<16xi32>,
        %shift_right_logical3A_343 = arith.constant 14 : i32
        %shift_right_logical3A_344 = vector.broadcast %shift_right_logical3A_343 : i32 to vector<16xi32>
        %shift_right_logical3A_345 = arith.shrui %get3A_335, %shift_right_logical3A_344 : vector<16xi32>
        %swap3A_346 = arith.constant 48 : index
        %swap3A_347 = tpu.vector_load %arg10[%swap3A_346] {strides = array<i32>} : memref<80xi32, #tpu.memory_space<vmem>>, vector<16xi32>,
        %swap3A_348 = vector.shape_cast %swap3A_347 : vector<16xi32> to vector<16xi32>
        %swap3A_349 = vector.shape_cast %shift_right_logical3A_345 : vector<16xi32> to vector<16xi32>
        tpu.vector_store %arg10[%swap3A_346], %swap3A_349 {strides = array<i32>} : memref<80xi32, #tpu.memory_space<vmem>>, vector<16xi32>,
        %get3A_350 = arith.index_cast %sub3A_262 : i32 to index
        %get3A_351 = arith.constant 64 : index
        %get3A_352 = tpu.vector_load %arg5[%get3A_350, %get3A_351] {strides = array<i32>} : memref<126x80xi32, #tpu.memory_space<vmem>>, vector<1x16xi32>,
        %get3A_353 = vector.shape_cast %get3A_352 : vector<1x16xi32> to vector<16xi32>
        %and3A_354 = arith.constant 16383 : i32
        %and3A_355 = vector.broadcast %and3A_354 : i32 to vector<16xi32>
        %and3A_356 = arith.andi %get3A_353, %and3A_355 : vector<16xi32>
        %swap3A_357 = arith.constant 64 : index
        %swap3A_358 = tpu.vector_load %arg7[%swap3A_357] {strides = array<i32>} : memref<80xi32, #tpu.memory_space<vmem>>, vector<16xi32>,
        %swap3A_359 = vector.shape_cast %swap3A_358 : vector<16xi32> to vector<16xi32>
        %swap3A_360 = vector.shape_cast %and3A_356 : vector<16xi32> to vector<16xi32>
        tpu.vector_store %arg7[%swap3A_357], %swap3A_360 {strides = array<i32>} : memref<80xi32, #tpu.memory_space<vmem>>, vector<16xi32>,
        %shift_right_logical3A_361 = arith.constant 14 : i32
        %shift_right_logical3A_362 = vector.broadcast %shift_right_logical3A_361 : i32 to vector<16xi32>
        %shift_right_logical3A_363 = arith.shrui %get3A_353, %shift_right_logical3A_362 : vector<16xi32>
        %swap3A_364 = arith.constant 64 : index
        %swap3A_365 = tpu.vector_load %arg10[%swap3A_364] {strides = array<i32>} : memref<80xi32, #tpu.memory_space<vmem>>, vector<16xi32>,
        %swap3A_366 = vector.shape_cast %swap3A_365 : vector<16xi32> to vector<16xi32>
        %swap3A_367 = vector.shape_cast %shift_right_logical3A_363 : vector<16xi32> to vector<16xi32>
        tpu.vector_store %arg10[%swap3A_364], %swap3A_367 {strides = array<i32>} : memref<80xi32, #tpu.memory_space<vmem>>, vector<16xi32>,
        %dma_start3A_368 = arith.constant 0 : i32
        %dma_start3A_369 = arith.constant 0 : i32
        %dma_start3A_370 = tpu.memref_slice %arg2[%dma_start3A_368, %dma_start3A_369] : memref<10000x128xf32, #tpu.memory_space<hbm>> -> memref<10000x128xf32, #tpu.memory_space<hbm>>
        tpu.enqueue_indirect_dma source(%dma_start3A_370 : memref<10000x128xf32, #tpu.memory_space<hbm>>) target(%arg13 : memref<80x128xf32, #tpu.memory_space<vmem>>) offsets(%arg7 : memref<80xi32, #tpu.memory_space<vmem>>) semaphore(%arg16 : memref<!tpu.dma_semaphore, #tpu.memory_space<semaphore_mem>>)
      } else {
      }
      %dma_wait3A_268 = arith.constant 0 : i32
      %dma_wait3A_269 = arith.constant 0 : i32
      %dma_wait3A_270 = tpu.memref_slice %arg2[%dma_wait3A_268, %dma_wait3A_269] : memref<10000x128xf32, #tpu.memory_space<hbm>> -> memref<10000x128xf32, #tpu.memory_space<hbm>>
      tpu.wait_indirect_dma semaphore(%arg17 : memref<!tpu.dma_semaphore, #tpu.memory_space<semaphore_mem>>) src(%dma_wait3A_270 : memref<10000x128xf32, #tpu.memory_space<hbm>>) dst(%arg14 : memref<80x128xf32, #tpu.memory_space<vmem>>)
      %dma_start3A_271 = arith.constant 0 : i32
      %dma_start3A_272 = arith.constant 0 : i32
      %dma_start3A_273 = tpu.memref_slice %arg21[%dma_start3A_271, %dma_start3A_272] : memref<10112x128xf32, #tpu.memory_space<vmem_shared>> -> memref<10112x128xf32, #tpu.memory_space<vmem_shared>>
      tpu.enqueue_indirect_dma source(%arg14 : memref<80x128xf32, #tpu.memory_space<vmem>>) target(%dma_start3A_273 : memref<10112x128xf32, #tpu.memory_space<vmem_shared>>) offsets(%arg11 : memref<80xi32, #tpu.memory_space<vmem>>) semaphore(%arg20 : memref<!tpu.dma_semaphore, #tpu.memory_space<semaphore_mem>>) {add = true}
    }
    %scan3A_210 = arith.constant 42 : i32
    %dma_wait3A = arith.constant 0 : i32
    %dma_wait3A_211 = arith.constant 0 : i32
    %dma_wait3A_212 = tpu.memref_slice %arg21[%dma_wait3A, %dma_wait3A_211] : memref<10112x128xf32, #tpu.memory_space<vmem_shared>> -> memref<10112x128xf32, #tpu.memory_space<vmem_shared>>
    tpu.wait_indirect_dma semaphore(%arg18 : memref<!tpu.dma_semaphore, #tpu.memory_space<semaphore_mem>>) src(%arg12 : memref<80x128xf32, #tpu.memory_space<vmem>>) dst(%dma_wait3A_212 : memref<10112x128xf32, #tpu.memory_space<vmem_shared>>)
    %dma_wait3A_213 = arith.constant 0 : i32
    %dma_wait3A_214 = arith.constant 0 : i32
    %dma_wait3A_215 = tpu.memref_slice %arg21[%dma_wait3A_213, %dma_wait3A_214] : memref<10112x128xf32, #tpu.memory_space<vmem_shared>> -> memref<10112x128xf32, #tpu.memory_space<vmem_shared>>
    tpu.wait_indirect_dma semaphore(%arg19 : memref<!tpu.dma_semaphore, #tpu.memory_space<semaphore_mem>>) src(%arg13 : memref<80x128xf32, #tpu.memory_space<vmem>>) dst(%dma_wait3A_215 : memref<10112x128xf32, #tpu.memory_space<vmem_shared>>)
    %dma_wait3A_216 = arith.constant 0 : i32
    %dma_wait3A_217 = arith.constant 0 : i32
    %dma_wait3A_218 = tpu.memref_slice %arg21[%dma_wait3A_216, %dma_wait3A_217] : memref<10112x128xf32, #tpu.memory_space<vmem_shared>> -> memref<10112x128xf32, #tpu.memory_space<vmem_shared>>
    tpu.wait_indirect_dma semaphore(%arg20 : memref<!tpu.dma_semaphore, #tpu.memory_space<semaphore_mem>>) src(%arg14 : memref<80x128xf32, #tpu.memory_space<vmem>>) dst(%dma_wait3A_218 : memref<10112x128xf32, #tpu.memory_space<vmem_shared>>)
    %barrier3A_219 = arith.constant 0 : index
    tpu.barrier barrier_id(%barrier3A_219)
    "tpu.region"() ({
      %run_scoped3A = tpu.sem_alloc : memref<!tpu.dma_semaphore, #tpu.memory_space<semaphore_mem>>
      %dma_start3A_220 = arith.constant 0 : i32
      %dma_start3A_221 = tpu.memref_slice %arg4[%arg0, %mul3A_2, %dma_start3A_220] : memref<2x10112x128xf32, #tpu.memory_space<hbm>> -> memref<1x632x128xf32, #tpu.memory_space<hbm>>
      %dma_start3A_222 = tpu.memref_squeeze %dma_start3A_221 : memref<1x632x128xf32, #tpu.memory_space<hbm>> -> memref<632x128xf32, #tpu.memory_space<hbm>>
      %dma_start3A_223 = arith.constant 0 : i32
      %dma_start3A_224 = tpu.memref_slice %arg21[%mul3A_2, %dma_start3A_223] : memref<10112x128xf32, #tpu.memory_space<vmem_shared>> -> memref<632x128xf32, #tpu.memory_space<vmem_shared>>
      tpu.enqueue_dma source(%dma_start3A_224 : memref<632x128xf32, #tpu.memory_space<vmem_shared>>) target(%dma_start3A_222 : memref<632x128xf32, #tpu.memory_space<hbm>>) target_semaphore(%run_scoped3A : memref<!tpu.dma_semaphore, #tpu.memory_space<semaphore_mem>>)
      %dma_wait3A_225 = arith.constant 0 : i32
      %dma_wait3A_226 = tpu.memref_slice %arg4[%arg0, %mul3A_2, %dma_wait3A_225] : memref<2x10112x128xf32, #tpu.memory_space<hbm>> -> memref<1x632x128xf32, #tpu.memory_space<hbm>>
      %dma_wait3A_227 = tpu.memref_squeeze %dma_wait3A_226 : memref<1x632x128xf32, #tpu.memory_space<hbm>> -> memref<632x128xf32, #tpu.memory_space<hbm>>
      %dma_wait3A_228 = arith.constant 0 : i32
      %dma_wait3A_229 = tpu.memref_slice %arg21[%mul3A_2, %dma_wait3A_228] : memref<10112x128xf32, #tpu.memory_space<vmem_shared>> -> memref<632x128xf32, #tpu.memory_space<vmem_shared>>
      tpu.wait_dma2 semaphore(%run_scoped3A : memref<!tpu.dma_semaphore, #tpu.memory_space<semaphore_mem>>) src(%dma_wait3A_229 : memref<632x128xf32, #tpu.memory_space<vmem_shared>>) dst(%dma_wait3A_227 : memref<632x128xf32, #tpu.memory_space<hbm>>)
      tpu.yield
    }) : () -> ()
    return
  }
}

module attributes {stable_mosaic.version = 14 : i64} {
  func.func @body(%arg0: i32, %arg1: memref<2048x128xf32, #tpu.memory_space<vmem>>, %arg2: memref<2x2048x128xf32, #tpu.memory_space<vmem>>, %arg3: memref<128x128xf32, #tpu.memory_space<vmem>>, %arg4: memref<1x128xf32, #tpu.memory_space<vmem>>, %arg5: memref<128x128xf32, #tpu.memory_space<vmem>>, %arg6: memref<1x128xf32, #tpu.memory_space<vmem>>, %arg7: memref<1xf32, #tpu.memory_space<smem>>, %arg8: memref<2048x128xf32, #tpu.memory_space<vmem>>) attributes {dimension_semantics = [#tpu.dimension_semantics<arbitrary>], iteration_bounds = array<i64: 5>, scalar_prefetch = 0 : i64, scratch_operands = 0 : i64, tpu.core_type = #tpu.core_type<tc>, window_params = [{transform_indices = @transform_0, window_bounds = array<i64: 2048, 128>}, {transform_indices = @transform_1, window_bounds = array<i64: 2, 2048, 128>}, {pipeline_mode = #tpu.pipeline_mode<synchronous>, transform_indices = @transform_2, window_bounds = array<i64: 128, 128>}, {pipeline_mode = #tpu.pipeline_mode<synchronous>, transform_indices = @transform_3, window_bounds = array<i64: 1, 128>}, {pipeline_mode = #tpu.pipeline_mode<synchronous>, transform_indices = @transform_4, window_bounds = array<i64: 128, 128>}, {pipeline_mode = #tpu.pipeline_mode<synchronous>, transform_indices = @transform_5, window_bounds = array<i64: 1, 128>}, {transform_indices = @transform_6, window_bounds = array<i64: 1>}, {transform_indices = @transform_7, window_bounds = array<i64: 2048, 128>}]} {
    %get3A = arith.constant 0 : index
    %get3A_0 = memref.load %arg7[%get3A] : memref<1xf32, #tpu.memory_space<smem>>
    %add3A = arith.constant 1.000000e+00 : f32
    %add3A_1 = arith.addf %add3A, %get3A_0 : f32
    %get3A_2 = arith.constant 0 : index
    %get3A_3 = arith.constant 0 : index
    %get3A_4 = vector.load %arg1[%get3A_2, %get3A_3] : memref<2048x128xf32, #tpu.memory_space<vmem>>, vector<2048x128xf32>
    %mul3A = vector.broadcast %add3A_1 : f32 to vector<2048x128xf32>
    %mul3A_5 = arith.mulf %mul3A, %get3A_4 : vector<2048x128xf32>
    %get3A_6 = arith.constant 0 : index
    %get3A_7 = arith.constant 0 : index
    %get3A_8 = arith.constant 0 : index
    %get3A_9 = vector.load %arg2[%get3A_6, %get3A_7, %get3A_8] : memref<2x2048x128xf32, #tpu.memory_space<vmem>>, vector<1x2048x128xf32>
    %get3A_10 = vector.shape_cast %get3A_9 : vector<1x2048x128xf32> to vector<2048x128xf32>
    %add3A_11 = arith.addf %mul3A_5, %get3A_10 : vector<2048x128xf32>
    %get3A_12 = arith.constant 1 : index
    %get3A_13 = arith.constant 0 : index
    %get3A_14 = arith.constant 0 : index
    %get3A_15 = vector.load %arg2[%get3A_12, %get3A_13, %get3A_14] : memref<2x2048x128xf32, #tpu.memory_space<vmem>>, vector<1x2048x128xf32>
    %get3A_16 = vector.shape_cast %get3A_15 : vector<1x2048x128xf32> to vector<2048x128xf32>
    %add3A_17 = arith.addf %add3A_11, %get3A_16 : vector<2048x128xf32>
    %get3A_18 = arith.constant 0 : index
    %get3A_19 = arith.constant 0 : index
    %get3A_20 = vector.load %arg3[%get3A_18, %get3A_19] : memref<128x128xf32, #tpu.memory_space<vmem>>, vector<128x128xf32>
    %dot_general3A = arith.constant dense<0.000000e+00> : vector<2048x128xf32>
    %dot_general3A_21 = tpu.matmul %add3A_17, %get3A_20, %dot_general3A {dimension_numbers = #tpu.dot_dimension_numbers<[1], [0], [0], [1], [0, 0, 1, 1], [], []>, transpose_lhs_hint = false} : vector<2048x128xf32>, vector<128x128xf32>, vector<2048x128xf32> -> vector<2048x128xf32>
    %get3A_22 = arith.constant 0 : index
    %get3A_23 = arith.constant 0 : index
    %get3A_24 = vector.load %arg4[%get3A_22, %get3A_23] : memref<1x128xf32, #tpu.memory_space<vmem>>, vector<1x128xf32>
    %add3A_25 = vector.broadcast %get3A_24 : vector<1x128xf32> to vector<2048x128xf32>
    %add3A_26 = arith.addf %dot_general3A_21, %add3A_25 : vector<2048x128xf32>
    %max3A = arith.constant 0.000000e+00 : f32
    %max3A_27 = vector.broadcast %max3A : f32 to vector<2048x128xf32>
    %max3A_28 = arith.maximumf %add3A_26, %max3A_27 : vector<2048x128xf32>
    %get3A_29 = arith.constant 0 : index
    %get3A_30 = arith.constant 0 : index
    %get3A_31 = vector.load %arg5[%get3A_29, %get3A_30] : memref<128x128xf32, #tpu.memory_space<vmem>>, vector<128x128xf32>
    %dot_general3A_32 = arith.constant dense<0.000000e+00> : vector<2048x128xf32>
    %dot_general3A_33 = tpu.matmul %max3A_28, %get3A_31, %dot_general3A_32 {dimension_numbers = #tpu.dot_dimension_numbers<[1], [0], [0], [1], [0, 0, 1, 1], [], []>, transpose_lhs_hint = false} : vector<2048x128xf32>, vector<128x128xf32>, vector<2048x128xf32> -> vector<2048x128xf32>
    %get3A_34 = arith.constant 0 : index
    %get3A_35 = arith.constant 0 : index
    %get3A_36 = vector.load %arg6[%get3A_34, %get3A_35] : memref<1x128xf32, #tpu.memory_space<vmem>>, vector<1x128xf32>
    %add3A_37 = vector.broadcast %get3A_36 : vector<1x128xf32> to vector<2048x128xf32>
    %add3A_38 = arith.addf %dot_general3A_33, %add3A_37 : vector<2048x128xf32>
    %max3A_39 = arith.constant 0.000000e+00 : f32
    %max3A_40 = vector.broadcast %max3A_39 : f32 to vector<2048x128xf32>
    %max3A_41 = arith.maximumf %add3A_38, %max3A_40 : vector<2048x128xf32>
    %swap3A = arith.constant 0 : index
    %swap3A_42 = arith.constant 0 : index
    %swap3A_43 = vector.load %arg8[%swap3A, %swap3A_42] : memref<2048x128xf32, #tpu.memory_space<vmem>>, vector<2048x128xf32>
    tpu.vector_store %arg8[%swap3A, %swap3A_42], %max3A_41 {strides = array<i32>} : memref<2048x128xf32, #tpu.memory_space<vmem>>, vector<2048x128xf32>,
    return
  }
  func.func @transform_0(%arg0: i32) -> (i32, i32) {
    %c0_i32 = arith.constant 0 : i32
    %c0_i32_0 = arith.constant 0 : i32
    return %arg0, %c0_i32 : i32, i32
  }
  func.func @transform_1(%arg0: i32) -> (i32, i32, i32) {
    %c0_i32 = arith.constant 0 : i32
    %c0_i32_0 = arith.constant 0 : i32
    %c0_i32_1 = arith.constant 0 : i32
    return %c0_i32, %arg0, %c0_i32_0 : i32, i32, i32
  }
  func.func @transform_2(%arg0: i32) -> (i32, i32) {
    %c0_i32 = arith.constant 0 : i32
    %c0_i32_0 = arith.constant 0 : i32
    %c0_i32_1 = arith.constant 0 : i32
    return %c0_i32, %c0_i32_0 : i32, i32
  }
  func.func @transform_3(%arg0: i32) -> (i32, i32) {
    %c0_i32 = arith.constant 0 : i32
    %c0_i32_0 = arith.constant 0 : i32
    %c0_i32_1 = arith.constant 0 : i32
    return %c0_i32, %c0_i32_0 : i32, i32
  }
  func.func @transform_4(%arg0: i32) -> (i32, i32) {
    %c0_i32 = arith.constant 0 : i32
    %c0_i32_0 = arith.constant 0 : i32
    %c0_i32_1 = arith.constant 0 : i32
    return %c0_i32, %c0_i32_0 : i32, i32
  }
  func.func @transform_5(%arg0: i32) -> (i32, i32) {
    %c0_i32 = arith.constant 0 : i32
    %c0_i32_0 = arith.constant 0 : i32
    %c0_i32_1 = arith.constant 0 : i32
    return %c0_i32, %c0_i32_0 : i32, i32
  }
  func.func @transform_6(%arg0: i32) -> i32 {
    %c0_i32 = arith.constant 0 : i32
    %c0_i32_0 = arith.constant 0 : i32
    return %c0_i32 : i32
  }
  func.func @transform_7(%arg0: i32) -> (i32, i32) {
    %c0_i32 = arith.constant 0 : i32
    %c0_i32_0 = arith.constant 0 : i32
    return %arg0, %c0_i32 : i32, i32
  }
}

module attributes {stable_mosaic.version = 14 : i64} {
  func.func @body(%arg0: i32, %arg1: memref<2048x128xf32, #tpu.memory_space<vmem>>, %arg2: memref<2x2048x128xf32, #tpu.memory_space<vmem>>, %arg3: memref<128x128xf32, #tpu.memory_space<vmem>>, %arg4: memref<1x128xf32, #tpu.memory_space<vmem>>, %arg5: memref<128x128xf32, #tpu.memory_space<vmem>>, %arg6: memref<1x128xf32, #tpu.memory_space<vmem>>, %arg7: memref<1xf32, #tpu.memory_space<smem>>, %arg8: memref<2048x128xf32, #tpu.memory_space<vmem>>) attributes {dimension_semantics = [#tpu.dimension_semantics<arbitrary>], iteration_bounds = array<i64: 5>, scalar_prefetch = 0 : i64, scratch_operands = 0 : i64, tpu.core_type = #tpu.core_type<tc>, window_params = [{transform_indices = @transform_0, window_bounds = array<i64: 2048, 128>}, {transform_indices = @transform_1, window_bounds = array<i64: 2, 2048, 128>}, {pipeline_mode = #tpu.pipeline_mode<synchronous>, transform_indices = @transform_2, window_bounds = array<i64: 128, 128>}, {pipeline_mode = #tpu.pipeline_mode<synchronous>, transform_indices = @transform_3, window_bounds = array<i64: 1, 128>}, {pipeline_mode = #tpu.pipeline_mode<synchronous>, transform_indices = @transform_4, window_bounds = array<i64: 128, 128>}, {pipeline_mode = #tpu.pipeline_mode<synchronous>, transform_indices = @transform_5, window_bounds = array<i64: 1, 128>}, {transform_indices = @transform_6, window_bounds = array<i64: 1>}, {transform_indices = @transform_7, window_bounds = array<i64: 2048, 128>}]} {
    %get3A = arith.constant 0 : index
    %get3A_0 = memref.load %arg7[%get3A] : memref<1xf32, #tpu.memory_space<smem>>
    %add3A = arith.constant 1.000000e+00 : f32
    %add3A_1 = arith.addf %add3A, %get3A_0 : f32
    %get3A_2 = arith.constant 0 : index
    %get3A_3 = arith.constant 0 : index
    %get3A_4 = vector.load %arg1[%get3A_2, %get3A_3] : memref<2048x128xf32, #tpu.memory_space<vmem>>, vector<2048x128xf32>
    %mul3A = vector.broadcast %add3A_1 : f32 to vector<2048x128xf32>
    %mul3A_5 = arith.mulf %mul3A, %get3A_4 : vector<2048x128xf32>
    %get3A_6 = arith.constant 0 : index
    %get3A_7 = arith.constant 0 : index
    %get3A_8 = arith.constant 0 : index
    %get3A_9 = vector.load %arg2[%get3A_6, %get3A_7, %get3A_8] : memref<2x2048x128xf32, #tpu.memory_space<vmem>>, vector<1x2048x128xf32>
    %get3A_10 = vector.shape_cast %get3A_9 : vector<1x2048x128xf32> to vector<2048x128xf32>
    %add3A_11 = arith.addf %mul3A_5, %get3A_10 : vector<2048x128xf32>
    %get3A_12 = arith.constant 1 : index
    %get3A_13 = arith.constant 0 : index
    %get3A_14 = arith.constant 0 : index
    %get3A_15 = vector.load %arg2[%get3A_12, %get3A_13, %get3A_14] : memref<2x2048x128xf32, #tpu.memory_space<vmem>>, vector<1x2048x128xf32>
    %get3A_16 = vector.shape_cast %get3A_15 : vector<1x2048x128xf32> to vector<2048x128xf32>
    %add3A_17 = arith.addf %add3A_11, %get3A_16 : vector<2048x128xf32>
    %get3A_18 = arith.constant 0 : index
    %get3A_19 = arith.constant 0 : index
    %get3A_20 = vector.load %arg3[%get3A_18, %get3A_19] : memref<128x128xf32, #tpu.memory_space<vmem>>, vector<128x128xf32>
    %dot_general3A = arith.constant dense<0.000000e+00> : vector<2048x128xf32>
    %dot_general3A_21 = tpu.matmul %add3A_17, %get3A_20, %dot_general3A {dimension_numbers = #tpu.dot_dimension_numbers<[1], [0], [0], [1], [0, 0, 1, 1], [], []>, transpose_lhs_hint = false} : vector<2048x128xf32>, vector<128x128xf32>, vector<2048x128xf32> -> vector<2048x128xf32>
    %get3A_22 = arith.constant 0 : index
    %get3A_23 = arith.constant 0 : index
    %get3A_24 = vector.load %arg4[%get3A_22, %get3A_23] : memref<1x128xf32, #tpu.memory_space<vmem>>, vector<1x128xf32>
    %add3A_25 = vector.broadcast %get3A_24 : vector<1x128xf32> to vector<2048x128xf32>
    %add3A_26 = arith.addf %dot_general3A_21, %add3A_25 : vector<2048x128xf32>
    %max3A = arith.constant 0.000000e+00 : f32
    %max3A_27 = vector.broadcast %max3A : f32 to vector<2048x128xf32>
    %max3A_28 = arith.maximumf %add3A_26, %max3A_27 : vector<2048x128xf32>
    %get3A_29 = arith.constant 0 : index
    %get3A_30 = arith.constant 0 : index
    %get3A_31 = vector.load %arg5[%get3A_29, %get3A_30] : memref<128x128xf32, #tpu.memory_space<vmem>>, vector<128x128xf32>
    %dot_general3A_32 = arith.constant dense<0.000000e+00> : vector<2048x128xf32>
    %dot_general3A_33 = tpu.matmul %max3A_28, %get3A_31, %dot_general3A_32 {dimension_numbers = #tpu.dot_dimension_numbers<[1], [0], [0], [1], [0, 0, 1, 1], [], []>, transpose_lhs_hint = false} : vector<2048x128xf32>, vector<128x128xf32>, vector<2048x128xf32> -> vector<2048x128xf32>
    %get3A_34 = arith.constant 0 : index
    %get3A_35 = arith.constant 0 : index
    %get3A_36 = vector.load %arg6[%get3A_34, %get3A_35] : memref<1x128xf32, #tpu.memory_space<vmem>>, vector<1x128xf32>
    %add3A_37 = vector.broadcast %get3A_36 : vector<1x128xf32> to vector<2048x128xf32>
    %add3A_38 = arith.addf %dot_general3A_33, %add3A_37 : vector<2048x128xf32>
    %max3A_39 = arith.constant 0.000000e+00 : f32
    %max3A_40 = vector.broadcast %max3A_39 : f32 to vector<2048x128xf32>
    %max3A_41 = arith.maximumf %add3A_38, %max3A_40 : vector<2048x128xf32>
    %get3A_42 = arith.constant 0 : index
    %get3A_43 = arith.constant 0 : index
    %get3A_44 = vector.load %arg1[%get3A_42, %get3A_43] : memref<2048x128xf32, #tpu.memory_space<vmem>>, vector<2048x128xf32>
    %add3A_45 = arith.addf %get3A_44, %max3A_41 : vector<2048x128xf32>
    %swap3A = arith.constant 0 : index
    %swap3A_46 = arith.constant 0 : index
    %swap3A_47 = vector.load %arg8[%swap3A, %swap3A_46] : memref<2048x128xf32, #tpu.memory_space<vmem>>, vector<2048x128xf32>
    tpu.vector_store %arg8[%swap3A, %swap3A_46], %add3A_45 {strides = array<i32>} : memref<2048x128xf32, #tpu.memory_space<vmem>>, vector<2048x128xf32>,
    return
  }
  func.func @transform_0(%arg0: i32) -> (i32, i32) {
    %c0_i32 = arith.constant 0 : i32
    %c0_i32_0 = arith.constant 0 : i32
    return %arg0, %c0_i32 : i32, i32
  }
  func.func @transform_1(%arg0: i32) -> (i32, i32, i32) {
    %c0_i32 = arith.constant 0 : i32
    %c0_i32_0 = arith.constant 0 : i32
    %c0_i32_1 = arith.constant 0 : i32
    return %c0_i32, %arg0, %c0_i32_0 : i32, i32, i32
  }
  func.func @transform_2(%arg0: i32) -> (i32, i32) {
    %c0_i32 = arith.constant 0 : i32
    %c0_i32_0 = arith.constant 0 : i32
    %c0_i32_1 = arith.constant 0 : i32
    return %c0_i32, %c0_i32_0 : i32, i32
  }
  func.func @transform_3(%arg0: i32) -> (i32, i32) {
    %c0_i32 = arith.constant 0 : i32
    %c0_i32_0 = arith.constant 0 : i32
    %c0_i32_1 = arith.constant 0 : i32
    return %c0_i32, %c0_i32_0 : i32, i32
  }
  func.func @transform_4(%arg0: i32) -> (i32, i32) {
    %c0_i32 = arith.constant 0 : i32
    %c0_i32_0 = arith.constant 0 : i32
    %c0_i32_1 = arith.constant 0 : i32
    return %c0_i32, %c0_i32_0 : i32, i32
  }
  func.func @transform_5(%arg0: i32) -> (i32, i32) {
    %c0_i32 = arith.constant 0 : i32
    %c0_i32_0 = arith.constant 0 : i32
    %c0_i32_1 = arith.constant 0 : i32
    return %c0_i32, %c0_i32_0 : i32, i32
  }
  func.func @transform_6(%arg0: i32) -> i32 {
    %c0_i32 = arith.constant 0 : i32
    %c0_i32_0 = arith.constant 0 : i32
    return %c0_i32 : i32
  }
  func.func @transform_7(%arg0: i32) -> (i32, i32) {
    %c0_i32 = arith.constant 0 : i32
    %c0_i32_0 = arith.constant 0 : i32
    return %arg0, %c0_i32 : i32, i32
  }
}

module attributes {stable_mosaic.version = 14 : i64} {
  func.func @body(%arg0: i32, %arg1: memref<2048x128xf32, #tpu.memory_space<vmem>>, %arg2: memref<2x2048x128xf32, #tpu.memory_space<vmem>>, %arg3: memref<128x128xf32, #tpu.memory_space<vmem>>, %arg4: memref<1x128xf32, #tpu.memory_space<vmem>>, %arg5: memref<128x128xf32, #tpu.memory_space<vmem>>, %arg6: memref<1x128xf32, #tpu.memory_space<vmem>>, %arg7: memref<1xf32, #tpu.memory_space<smem>>, %arg8: memref<128x128xf32, #tpu.memory_space<vmem>>, %arg9: memref<1x128xf32, #tpu.memory_space<vmem>>, %arg10: memref<128x256xf32, #tpu.memory_space<vmem>>, %arg11: memref<1x256xf32, #tpu.memory_space<vmem>>, %arg12: memref<1x256xf32, #tpu.memory_space<vmem>>, %arg13: memref<1x256xf32, #tpu.memory_space<vmem>>, %arg14: memref<256x128xf32, #tpu.memory_space<vmem>>, %arg15: memref<1x128xf32, #tpu.memory_space<vmem>>, %arg16: memref<1x128xf32, #tpu.memory_space<vmem>>, %arg17: memref<1x128xf32, #tpu.memory_space<vmem>>, %arg18: memref<128x128xf32, #tpu.memory_space<vmem>>, %arg19: memref<1x128xf32, #tpu.memory_space<vmem>>, %arg20: memref<128x128xf32, #tpu.memory_space<vmem>>, %arg21: memref<1x128xf32, #tpu.memory_space<vmem>>, %arg22: memref<1x128xf32, #tpu.memory_space<vmem>>, %arg23: memref<1x128xf32, #tpu.memory_space<vmem>>, %arg24: memref<128x128xf32, #tpu.memory_space<vmem>>, %arg25: memref<1x128xf32, #tpu.memory_space<vmem>>, %arg26: memref<2048x128xf32, #tpu.memory_space<vmem>>) attributes {dimension_semantics = [#tpu.dimension_semantics<arbitrary>], iteration_bounds = array<i64: 5>, scalar_prefetch = 0 : i64, scratch_operands = 0 : i64, tpu.core_type = #tpu.core_type<tc>, window_params = [{transform_indices = @transform_0, window_bounds = array<i64: 2048, 128>}, {transform_indices = @transform_1, window_bounds = array<i64: 2, 2048, 128>}, {pipeline_mode = #tpu.pipeline_mode<synchronous>, transform_indices = @transform_2, window_bounds = array<i64: 128, 128>}, {pipeline_mode = #tpu.pipeline_mode<synchronous>, transform_indices = @transform_3, window_bounds = array<i64: 1, 128>}, {pipeline_mode = #tpu.pipeline_mode<synchronous>, transform_indices = @transform_4, window_bounds = array<i64: 128, 128>}, {pipeline_mode = #tpu.pipeline_mode<synchronous>, transform_indices = @transform_5, window_bounds = array<i64: 1, 128>}, {transform_indices = @transform_6, window_bounds = array<i64: 1>}, {pipeline_mode = #tpu.pipeline_mode<synchronous>, transform_indices = @transform_7, window_bounds = array<i64: 128, 128>}, {pipeline_mode = #tpu.pipeline_mode<synchronous>, transform_indices = @transform_8, window_bounds = array<i64: 1, 128>}, {pipeline_mode = #tpu.pipeline_mode<synchronous>, transform_indices = @transform_9, window_bounds = array<i64: 128, 256>}, {pipeline_mode = #tpu.pipeline_mode<synchronous>, transform_indices = @transform_10, window_bounds = array<i64: 1, 256>}, {pipeline_mode = #tpu.pipeline_mode<synchronous>, transform_indices = @transform_11, window_bounds = array<i64: 1, 256>}, {pipeline_mode = #tpu.pipeline_mode<synchronous>, transform_indices = @transform_12, window_bounds = array<i64: 1, 256>}, {pipeline_mode = #tpu.pipeline_mode<synchronous>, transform_indices = @transform_13, window_bounds = array<i64: 256, 128>}, {pipeline_mode = #tpu.pipeline_mode<synchronous>, transform_indices = @transform_14, window_bounds = array<i64: 1, 128>}, {pipeline_mode = #tpu.pipeline_mode<synchronous>, transform_indices = @transform_15, window_bounds = array<i64: 1, 128>}, {pipeline_mode = #tpu.pipeline_mode<synchronous>, transform_indices = @transform_16, window_bounds = array<i64: 1, 128>}, {pipeline_mode = #tpu.pipeline_mode<synchronous>, transform_indices = @transform_17, window_bounds = array<i64: 128, 128>}, {pipeline_mode = #tpu.pipeline_mode<synchronous>, transform_indices = @transform_18, window_bounds = array<i64: 1, 128>}, {pipeline_mode = #tpu.pipeline_mode<synchronous>, transform_indices = @transform_19, window_bounds = array<i64: 128, 128>}, {pipeline_mode = #tpu.pipeline_mode<synchronous>, transform_indices = @transform_20, window_bounds = array<i64: 1, 128>}, {pipeline_mode = #tpu.pipeline_mode<synchronous>, transform_indices = @transform_21, window_bounds = array<i64: 1, 128>}, {pipeline_mode = #tpu.pipeline_mode<synchronous>, transform_indices = @transform_22, window_bounds = array<i64: 1, 128>}, {pipeline_mode = #tpu.pipeline_mode<synchronous>, transform_indices = @transform_23, window_bounds = array<i64: 128, 128>}, {pipeline_mode = #tpu.pipeline_mode<synchronous>, transform_indices = @transform_24, window_bounds = array<i64: 1, 128>}, {transform_indices = @transform_25, window_bounds = array<i64: 2048, 128>}]} {
    %get3A = arith.constant 0 : index
    %get3A_0 = memref.load %arg7[%get3A] : memref<1xf32, #tpu.memory_space<smem>>
    %add3A = arith.constant 1.000000e+00 : f32
    %add3A_1 = arith.addf %add3A, %get3A_0 : f32
    %get3A_2 = arith.constant 0 : index
    %get3A_3 = arith.constant 0 : index
    %get3A_4 = vector.load %arg1[%get3A_2, %get3A_3] : memref<2048x128xf32, #tpu.memory_space<vmem>>, vector<2048x128xf32>
    %mul3A = vector.broadcast %add3A_1 : f32 to vector<2048x128xf32>
    %mul3A_5 = arith.mulf %mul3A, %get3A_4 : vector<2048x128xf32>
    %get3A_6 = arith.constant 0 : index
    %get3A_7 = arith.constant 0 : index
    %get3A_8 = arith.constant 0 : index
    %get3A_9 = vector.load %arg2[%get3A_6, %get3A_7, %get3A_8] : memref<2x2048x128xf32, #tpu.memory_space<vmem>>, vector<1x2048x128xf32>
    %get3A_10 = vector.shape_cast %get3A_9 : vector<1x2048x128xf32> to vector<2048x128xf32>
    %add3A_11 = arith.addf %mul3A_5, %get3A_10 : vector<2048x128xf32>
    %get3A_12 = arith.constant 1 : index
    %get3A_13 = arith.constant 0 : index
    %get3A_14 = arith.constant 0 : index
    %get3A_15 = vector.load %arg2[%get3A_12, %get3A_13, %get3A_14] : memref<2x2048x128xf32, #tpu.memory_space<vmem>>, vector<1x2048x128xf32>
    %get3A_16 = vector.shape_cast %get3A_15 : vector<1x2048x128xf32> to vector<2048x128xf32>
    %add3A_17 = arith.addf %add3A_11, %get3A_16 : vector<2048x128xf32>
    %get3A_18 = arith.constant 0 : index
    %get3A_19 = arith.constant 0 : index
    %get3A_20 = vector.load %arg3[%get3A_18, %get3A_19] : memref<128x128xf32, #tpu.memory_space<vmem>>, vector<128x128xf32>
    %dot_general3A = arith.constant dense<0.000000e+00> : vector<2048x128xf32>
    %dot_general3A_21 = tpu.matmul %add3A_17, %get3A_20, %dot_general3A {dimension_numbers = #tpu.dot_dimension_numbers<[1], [0], [0], [1], [0, 0, 1, 1], [], []>, transpose_lhs_hint = false} : vector<2048x128xf32>, vector<128x128xf32>, vector<2048x128xf32> -> vector<2048x128xf32>
    %get3A_22 = arith.constant 0 : index
    %get3A_23 = arith.constant 0 : index
    %get3A_24 = vector.load %arg4[%get3A_22, %get3A_23] : memref<1x128xf32, #tpu.memory_space<vmem>>, vector<1x128xf32>
    %add3A_25 = vector.broadcast %get3A_24 : vector<1x128xf32> to vector<2048x128xf32>
    %add3A_26 = arith.addf %dot_general3A_21, %add3A_25 : vector<2048x128xf32>
    %max3A = arith.constant 0.000000e+00 : f32
    %max3A_27 = vector.broadcast %max3A : f32 to vector<2048x128xf32>
    %max3A_28 = arith.maximumf %add3A_26, %max3A_27 : vector<2048x128xf32>
    %get3A_29 = arith.constant 0 : index
    %get3A_30 = arith.constant 0 : index
    %get3A_31 = vector.load %arg5[%get3A_29, %get3A_30] : memref<128x128xf32, #tpu.memory_space<vmem>>, vector<128x128xf32>
    %dot_general3A_32 = arith.constant dense<0.000000e+00> : vector<2048x128xf32>
    %dot_general3A_33 = tpu.matmul %max3A_28, %get3A_31, %dot_general3A_32 {dimension_numbers = #tpu.dot_dimension_numbers<[1], [0], [0], [1], [0, 0, 1, 1], [], []>, transpose_lhs_hint = false} : vector<2048x128xf32>, vector<128x128xf32>, vector<2048x128xf32> -> vector<2048x128xf32>
    %get3A_34 = arith.constant 0 : index
    %get3A_35 = arith.constant 0 : index
    %get3A_36 = vector.load %arg1[%get3A_34, %get3A_35] : memref<2048x128xf32, #tpu.memory_space<vmem>>, vector<2048x128xf32>
    %get3A_37 = arith.constant 0 : index
    %get3A_38 = arith.constant 0 : index
    %get3A_39 = vector.load %arg6[%get3A_37, %get3A_38] : memref<1x128xf32, #tpu.memory_space<vmem>>, vector<1x128xf32>
    %add3A_40 = vector.broadcast %get3A_39 : vector<1x128xf32> to vector<2048x128xf32>
    %add3A_41 = arith.addf %dot_general3A_33, %add3A_40 : vector<2048x128xf32>
    %max3A_42 = arith.constant 0.000000e+00 : f32
    %max3A_43 = vector.broadcast %max3A_42 : f32 to vector<2048x128xf32>
    %max3A_44 = arith.maximumf %add3A_41, %max3A_43 : vector<2048x128xf32>
    %add3A_45 = arith.addf %get3A_36, %max3A_44 : vector<2048x128xf32>
    %get3A_46 = arith.constant 0 : index
    %get3A_47 = arith.constant 0 : index
    %get3A_48 = vector.load %arg8[%get3A_46, %get3A_47] : memref<128x128xf32, #tpu.memory_space<vmem>>, vector<128x128xf32>
    %dot_general3A_49 = arith.constant dense<0.000000e+00> : vector<2048x128xf32>
    %dot_general3A_50 = tpu.matmul %add3A_45, %get3A_48, %dot_general3A_49 {dimension_numbers = #tpu.dot_dimension_numbers<[1], [0], [0], [1], [0, 0, 1, 1], [], []>, transpose_lhs_hint = false} : vector<2048x128xf32>, vector<128x128xf32>, vector<2048x128xf32> -> vector<2048x128xf32>
    %get3A_51 = arith.constant 0 : index
    %get3A_52 = arith.constant 0 : index
    %get3A_53 = vector.load %arg9[%get3A_51, %get3A_52] : memref<1x128xf32, #tpu.memory_space<vmem>>, vector<1x128xf32>
    %add3A_54 = vector.broadcast %get3A_53 : vector<1x128xf32> to vector<2048x128xf32>
    %add3A_55 = arith.addf %dot_general3A_50, %add3A_54 : vector<2048x128xf32>
    %neg3A = arith.constant 0.000000e+00 : f32
    %neg3A_56 = vector.broadcast %neg3A : f32 to vector<2048x128xf32>
    %neg3A_57 = arith.subf %neg3A_56, %add3A_55 : vector<2048x128xf32>
    %exp3A = math.exp %neg3A_57 : vector<2048x128xf32>
    %add3A_58 = arith.constant 1.000000e+00 : f32
    %add3A_59 = vector.broadcast %add3A_58 : f32 to vector<2048x128xf32>
    %add3A_60 = arith.addf %add3A_59, %exp3A : vector<2048x128xf32>
    %div3A = arith.constant 1.000000e+00 : f32
    %div3A_61 = vector.broadcast %div3A : f32 to vector<2048x128xf32>
    %div3A_62 = arith.divf %div3A_61, %add3A_60 : vector<2048x128xf32>
    %slice3A = vector.extract_strided_slice %div3A_62 {offsets = [0, 0], sizes = [2048, 1], strides = [1, 1]} : vector<2048x128xf32> to vector<2048x1xf32>
    %mul3A_63 = vector.broadcast %slice3A : vector<2048x1xf32> to vector<2048x128xf32>
    %mul3A_64 = arith.mulf %add3A_45, %mul3A_63 : vector<2048x128xf32>
    %get3A_65 = arith.constant 0 : index
    %get3A_66 = arith.constant 0 : index
    %get3A_67 = vector.load %arg10[%get3A_65, %get3A_66] : memref<128x256xf32, #tpu.memory_space<vmem>>, vector<128x256xf32>
    %dot_general3A_68 = arith.constant dense<0.000000e+00> : vector<2048x256xf32>
    %dot_general3A_69 = tpu.matmul %mul3A_64, %get3A_67, %dot_general3A_68 {dimension_numbers = #tpu.dot_dimension_numbers<[1], [0], [0], [1], [0, 0, 1, 1], [], []>, transpose_lhs_hint = false} : vector<2048x128xf32>, vector<128x256xf32>, vector<2048x256xf32> -> vector<2048x256xf32>
    %get3A_70 = arith.constant 0 : index
    %get3A_71 = arith.constant 0 : index
    %get3A_72 = vector.load %arg11[%get3A_70, %get3A_71] : memref<1x256xf32, #tpu.memory_space<vmem>>, vector<1x256xf32>
    %add3A_73 = vector.broadcast %get3A_72 : vector<1x256xf32> to vector<2048x256xf32>
    %add3A_74 = arith.addf %dot_general3A_69, %add3A_73 : vector<2048x256xf32>
    %get3A_75 = arith.constant 0 : index
    %get3A_76 = arith.constant 0 : index
    %get3A_77 = vector.load %arg12[%get3A_75, %get3A_76] : memref<1x256xf32, #tpu.memory_space<vmem>>, vector<1x256xf32>
    %get3A_78 = arith.constant 0 : index
    %get3A_79 = arith.constant 0 : index
    %get3A_80 = vector.load %arg13[%get3A_78, %get3A_79] : memref<1x256xf32, #tpu.memory_space<vmem>>, vector<1x256xf32>
    %reduce_sum3A = arith.constant dense<0.000000e+00> : vector<2048xf32>
    %reduce_sum3A_81 = vector.multi_reduction <add>, %add3A_74, %reduce_sum3A [1] : vector<2048x256xf32> to vector<2048xf32>
    %broadcast_in_dim3A = vector.shape_cast %reduce_sum3A_81 : vector<2048xf32> to vector<2048x1xf32>
    %div3A_82 = arith.constant 2.560000e+02 : f32
    %div3A_83 = vector.broadcast %div3A_82 : f32 to vector<2048x1xf32>
    %div3A_84 = arith.divf %broadcast_in_dim3A, %div3A_83 : vector<2048x1xf32>
    %sub3A = vector.broadcast %div3A_84 : vector<2048x1xf32> to vector<2048x256xf32>
    %sub3A_85 = arith.subf %add3A_74, %sub3A : vector<2048x256xf32>
    %sub3A_86 = vector.broadcast %div3A_84 : vector<2048x1xf32> to vector<2048x256xf32>
    %sub3A_87 = arith.subf %add3A_74, %sub3A_86 : vector<2048x256xf32>
    %mul3A_88 = arith.mulf %sub3A_85, %sub3A_87 : vector<2048x256xf32>
    %reduce_sum3A_89 = arith.constant dense<0.000000e+00> : vector<2048xf32>
    %reduce_sum3A_90 = vector.multi_reduction <add>, %mul3A_88, %reduce_sum3A_89 [1] : vector<2048x256xf32> to vector<2048xf32>
    %broadcast_in_dim3A_91 = vector.shape_cast %reduce_sum3A_90 : vector<2048xf32> to vector<2048x1xf32>
    %div3A_92 = arith.constant 2.560000e+02 : f32
    %div3A_93 = vector.broadcast %div3A_92 : f32 to vector<2048x1xf32>
    %div3A_94 = arith.divf %broadcast_in_dim3A_91, %div3A_93 : vector<2048x1xf32>
    %sub3A_95 = vector.broadcast %div3A_84 : vector<2048x1xf32> to vector<2048x256xf32>
    %sub3A_96 = arith.subf %add3A_74, %sub3A_95 : vector<2048x256xf32>
    %add3A_97 = arith.constant 9.99999974E-6 : f32
    %add3A_98 = vector.broadcast %add3A_97 : f32 to vector<2048x1xf32>
    %add3A_99 = arith.addf %div3A_94, %add3A_98 : vector<2048x1xf32>
    %sqrt3A = math.sqrt %add3A_99 : vector<2048x1xf32>
    %div3A_100 = vector.broadcast %sqrt3A : vector<2048x1xf32> to vector<2048x256xf32>
    %div3A_101 = arith.divf %sub3A_96, %div3A_100 : vector<2048x256xf32>
    %mul3A_102 = vector.broadcast %get3A_77 : vector<1x256xf32> to vector<2048x256xf32>
    %mul3A_103 = arith.mulf %div3A_101, %mul3A_102 : vector<2048x256xf32>
    %add3A_104 = vector.broadcast %get3A_80 : vector<1x256xf32> to vector<2048x256xf32>
    %add3A_105 = arith.addf %mul3A_103, %add3A_104 : vector<2048x256xf32>
    %max3A_106 = arith.constant 0.000000e+00 : f32
    %max3A_107 = vector.broadcast %max3A_106 : f32 to vector<2048x256xf32>
    %max3A_108 = arith.maximumf %add3A_105, %max3A_107 : vector<2048x256xf32>
    %get3A_109 = arith.constant 0 : index
    %get3A_110 = arith.constant 0 : index
    %get3A_111 = vector.load %arg14[%get3A_109, %get3A_110] : memref<256x128xf32, #tpu.memory_space<vmem>>, vector<256x128xf32>
    %dot_general3A_112 = arith.constant dense<0.000000e+00> : vector<2048x128xf32>
    %dot_general3A_113 = tpu.matmul %max3A_108, %get3A_111, %dot_general3A_112 {dimension_numbers = #tpu.dot_dimension_numbers<[1], [0], [0], [1], [0, 0, 1, 1], [], []>, transpose_lhs_hint = false} : vector<2048x256xf32>, vector<256x128xf32>, vector<2048x128xf32> -> vector<2048x128xf32>
    %get3A_114 = arith.constant 0 : index
    %get3A_115 = arith.constant 0 : index
    %get3A_116 = vector.load %arg15[%get3A_114, %get3A_115] : memref<1x128xf32, #tpu.memory_space<vmem>>, vector<1x128xf32>
    %add3A_117 = vector.broadcast %get3A_116 : vector<1x128xf32> to vector<2048x128xf32>
    %add3A_118 = arith.addf %dot_general3A_113, %add3A_117 : vector<2048x128xf32>
    %get3A_119 = arith.constant 0 : index
    %get3A_120 = arith.constant 0 : index
    %get3A_121 = vector.load %arg16[%get3A_119, %get3A_120] : memref<1x128xf32, #tpu.memory_space<vmem>>, vector<1x128xf32>
    %get3A_122 = arith.constant 0 : index
    %get3A_123 = arith.constant 0 : index
    %get3A_124 = vector.load %arg17[%get3A_122, %get3A_123] : memref<1x128xf32, #tpu.memory_space<vmem>>, vector<1x128xf32>
    %reduce_sum3A_125 = arith.constant dense<0.000000e+00> : vector<2048xf32>
    %reduce_sum3A_126 = vector.multi_reduction <add>, %add3A_118, %reduce_sum3A_125 [1] : vector<2048x128xf32> to vector<2048xf32>
    %broadcast_in_dim3A_127 = vector.shape_cast %reduce_sum3A_126 : vector<2048xf32> to vector<2048x1xf32>
    %div3A_128 = arith.constant 1.280000e+02 : f32
    %div3A_129 = vector.broadcast %div3A_128 : f32 to vector<2048x1xf32>
    %div3A_130 = arith.divf %broadcast_in_dim3A_127, %div3A_129 : vector<2048x1xf32>
    %sub3A_131 = vector.broadcast %div3A_130 : vector<2048x1xf32> to vector<2048x128xf32>
    %sub3A_132 = arith.subf %add3A_118, %sub3A_131 : vector<2048x128xf32>
    %sub3A_133 = vector.broadcast %div3A_130 : vector<2048x1xf32> to vector<2048x128xf32>
    %sub3A_134 = arith.subf %add3A_118, %sub3A_133 : vector<2048x128xf32>
    %mul3A_135 = arith.mulf %sub3A_132, %sub3A_134 : vector<2048x128xf32>
    %reduce_sum3A_136 = arith.constant dense<0.000000e+00> : vector<2048xf32>
    %reduce_sum3A_137 = vector.multi_reduction <add>, %mul3A_135, %reduce_sum3A_136 [1] : vector<2048x128xf32> to vector<2048xf32>
    %broadcast_in_dim3A_138 = vector.shape_cast %reduce_sum3A_137 : vector<2048xf32> to vector<2048x1xf32>
    %div3A_139 = arith.constant 1.280000e+02 : f32
    %div3A_140 = vector.broadcast %div3A_139 : f32 to vector<2048x1xf32>
    %div3A_141 = arith.divf %broadcast_in_dim3A_138, %div3A_140 : vector<2048x1xf32>
    %sub3A_142 = vector.broadcast %div3A_130 : vector<2048x1xf32> to vector<2048x128xf32>
    %sub3A_143 = arith.subf %add3A_118, %sub3A_142 : vector<2048x128xf32>
    %add3A_144 = arith.constant 9.99999974E-6 : f32
    %add3A_145 = vector.broadcast %add3A_144 : f32 to vector<2048x1xf32>
    %add3A_146 = arith.addf %div3A_141, %add3A_145 : vector<2048x1xf32>
    %sqrt3A_147 = math.sqrt %add3A_146 : vector<2048x1xf32>
    %div3A_148 = vector.broadcast %sqrt3A_147 : vector<2048x1xf32> to vector<2048x128xf32>
    %div3A_149 = arith.divf %sub3A_143, %div3A_148 : vector<2048x128xf32>
    %mul3A_150 = vector.broadcast %get3A_121 : vector<1x128xf32> to vector<2048x128xf32>
    %mul3A_151 = arith.mulf %div3A_149, %mul3A_150 : vector<2048x128xf32>
    %add3A_152 = vector.broadcast %get3A_124 : vector<1x128xf32> to vector<2048x128xf32>
    %add3A_153 = arith.addf %mul3A_151, %add3A_152 : vector<2048x128xf32>
    %max3A_154 = arith.constant 0.000000e+00 : f32
    %max3A_155 = vector.broadcast %max3A_154 : f32 to vector<2048x128xf32>
    %max3A_156 = arith.maximumf %add3A_153, %max3A_155 : vector<2048x128xf32>
    %get3A_157 = arith.constant 0 : index
    %get3A_158 = arith.constant 0 : index
    %get3A_159 = vector.load %arg18[%get3A_157, %get3A_158] : memref<128x128xf32, #tpu.memory_space<vmem>>, vector<128x128xf32>
    %dot_general3A_160 = arith.constant dense<0.000000e+00> : vector<2048x128xf32>
    %dot_general3A_161 = tpu.matmul %max3A_156, %get3A_159, %dot_general3A_160 {dimension_numbers = #tpu.dot_dimension_numbers<[1], [0], [0], [1], [0, 0, 1, 1], [], []>, transpose_lhs_hint = false} : vector<2048x128xf32>, vector<128x128xf32>, vector<2048x128xf32> -> vector<2048x128xf32>
    %get3A_162 = arith.constant 0 : index
    %get3A_163 = arith.constant 0 : index
    %get3A_164 = vector.load %arg19[%get3A_162, %get3A_163] : memref<1x128xf32, #tpu.memory_space<vmem>>, vector<1x128xf32>
    %add3A_165 = vector.broadcast %get3A_164 : vector<1x128xf32> to vector<2048x128xf32>
    %add3A_166 = arith.addf %dot_general3A_161, %add3A_165 : vector<2048x128xf32>
    %slice3A_167 = vector.extract_strided_slice %add3A_166 {offsets = [0, 0], sizes = [2048, 1], strides = [1, 1]} : vector<2048x128xf32> to vector<2048x1xf32>
    %slice3A_168 = vector.extract_strided_slice %add3A_166 {offsets = [0, 1], sizes = [2048, 1], strides = [1, 1]} : vector<2048x128xf32> to vector<2048x1xf32>
    %get3A_169 = arith.constant 0 : index
    %get3A_170 = arith.constant 0 : index
    %get3A_171 = vector.load %arg20[%get3A_169, %get3A_170] : memref<128x128xf32, #tpu.memory_space<vmem>>, vector<128x128xf32>
    %dot_general3A_172 = arith.constant dense<0.000000e+00> : vector<2048x128xf32>
    %dot_general3A_173 = tpu.matmul %mul3A_64, %get3A_171, %dot_general3A_172 {dimension_numbers = #tpu.dot_dimension_numbers<[1], [0], [0], [1], [0, 0, 1, 1], [], []>, transpose_lhs_hint = false} : vector<2048x128xf32>, vector<128x128xf32>, vector<2048x128xf32> -> vector<2048x128xf32>
    %get3A_174 = arith.constant 0 : index
    %get3A_175 = arith.constant 0 : index
    %get3A_176 = vector.load %arg21[%get3A_174, %get3A_175] : memref<1x128xf32, #tpu.memory_space<vmem>>, vector<1x128xf32>
    %add3A_177 = vector.broadcast %get3A_176 : vector<1x128xf32> to vector<2048x128xf32>
    %add3A_178 = arith.addf %dot_general3A_173, %add3A_177 : vector<2048x128xf32>
    %get3A_179 = arith.constant 0 : index
    %get3A_180 = arith.constant 0 : index
    %get3A_181 = vector.load %arg22[%get3A_179, %get3A_180] : memref<1x128xf32, #tpu.memory_space<vmem>>, vector<1x128xf32>
    %get3A_182 = arith.constant 0 : index
    %get3A_183 = arith.constant 0 : index
    %get3A_184 = vector.load %arg23[%get3A_182, %get3A_183] : memref<1x128xf32, #tpu.memory_space<vmem>>, vector<1x128xf32>
    %reduce_sum3A_185 = arith.constant dense<0.000000e+00> : vector<2048xf32>
    %reduce_sum3A_186 = vector.multi_reduction <add>, %add3A_178, %reduce_sum3A_185 [1] : vector<2048x128xf32> to vector<2048xf32>
    %broadcast_in_dim3A_187 = vector.shape_cast %reduce_sum3A_186 : vector<2048xf32> to vector<2048x1xf32>
    %div3A_188 = arith.constant 1.280000e+02 : f32
    %div3A_189 = vector.broadcast %div3A_188 : f32 to vector<2048x1xf32>
    %div3A_190 = arith.divf %broadcast_in_dim3A_187, %div3A_189 : vector<2048x1xf32>
    %sub3A_191 = vector.broadcast %div3A_190 : vector<2048x1xf32> to vector<2048x128xf32>
    %sub3A_192 = arith.subf %add3A_178, %sub3A_191 : vector<2048x128xf32>
    %sub3A_193 = vector.broadcast %div3A_190 : vector<2048x1xf32> to vector<2048x128xf32>
    %sub3A_194 = arith.subf %add3A_178, %sub3A_193 : vector<2048x128xf32>
    %mul3A_195 = arith.mulf %sub3A_192, %sub3A_194 : vector<2048x128xf32>
    %reduce_sum3A_196 = arith.constant dense<0.000000e+00> : vector<2048xf32>
    %reduce_sum3A_197 = vector.multi_reduction <add>, %mul3A_195, %reduce_sum3A_196 [1] : vector<2048x128xf32> to vector<2048xf32>
    %broadcast_in_dim3A_198 = vector.shape_cast %reduce_sum3A_197 : vector<2048xf32> to vector<2048x1xf32>
    %div3A_199 = arith.constant 1.280000e+02 : f32
    %div3A_200 = vector.broadcast %div3A_199 : f32 to vector<2048x1xf32>
    %div3A_201 = arith.divf %broadcast_in_dim3A_198, %div3A_200 : vector<2048x1xf32>
    %sub3A_202 = vector.broadcast %div3A_190 : vector<2048x1xf32> to vector<2048x128xf32>
    %sub3A_203 = arith.subf %add3A_178, %sub3A_202 : vector<2048x128xf32>
    %add3A_204 = arith.constant 9.99999974E-6 : f32
    %add3A_205 = vector.broadcast %add3A_204 : f32 to vector<2048x1xf32>
    %add3A_206 = arith.addf %div3A_201, %add3A_205 : vector<2048x1xf32>
    %sqrt3A_207 = math.sqrt %add3A_206 : vector<2048x1xf32>
    %div3A_208 = vector.broadcast %sqrt3A_207 : vector<2048x1xf32> to vector<2048x128xf32>
    %div3A_209 = arith.divf %sub3A_203, %div3A_208 : vector<2048x128xf32>
    %mul3A_210 = vector.broadcast %get3A_181 : vector<1x128xf32> to vector<2048x128xf32>
    %mul3A_211 = arith.mulf %div3A_209, %mul3A_210 : vector<2048x128xf32>
    %add3A_212 = vector.broadcast %get3A_184 : vector<1x128xf32> to vector<2048x128xf32>
    %add3A_213 = arith.addf %mul3A_211, %add3A_212 : vector<2048x128xf32>
    %max3A_214 = arith.constant 0.000000e+00 : f32
    %max3A_215 = vector.broadcast %max3A_214 : f32 to vector<2048x128xf32>
    %max3A_216 = arith.maximumf %add3A_213, %max3A_215 : vector<2048x128xf32>
    %get3A_217 = arith.constant 0 : index
    %get3A_218 = arith.constant 0 : index
    %get3A_219 = vector.load %arg24[%get3A_217, %get3A_218] : memref<128x128xf32, #tpu.memory_space<vmem>>, vector<128x128xf32>
    %dot_general3A_220 = arith.constant dense<0.000000e+00> : vector<2048x128xf32>
    %dot_general3A_221 = tpu.matmul %max3A_216, %get3A_219, %dot_general3A_220 {dimension_numbers = #tpu.dot_dimension_numbers<[1], [0], [0], [1], [0, 0, 1, 1], [], []>, transpose_lhs_hint = false} : vector<2048x128xf32>, vector<128x128xf32>, vector<2048x128xf32> -> vector<2048x128xf32>
    %get3A_222 = arith.constant 0 : index
    %get3A_223 = arith.constant 0 : index
    %get3A_224 = vector.load %arg25[%get3A_222, %get3A_223] : memref<1x128xf32, #tpu.memory_space<vmem>>, vector<1x128xf32>
    %add3A_225 = vector.broadcast %get3A_224 : vector<1x128xf32> to vector<2048x128xf32>
    %add3A_226 = arith.addf %dot_general3A_221, %add3A_225 : vector<2048x128xf32>
    %neg3A_227 = arith.constant 0.000000e+00 : f32
    %neg3A_228 = vector.broadcast %neg3A_227 : f32 to vector<2048x128xf32>
    %neg3A_229 = arith.subf %neg3A_228, %add3A_226 : vector<2048x128xf32>
    %exp3A_230 = math.exp %neg3A_229 : vector<2048x128xf32>
    %add3A_231 = arith.constant 1.000000e+00 : f32
    %add3A_232 = vector.broadcast %add3A_231 : f32 to vector<2048x128xf32>
    %add3A_233 = arith.addf %add3A_232, %exp3A_230 : vector<2048x128xf32>
    %div3A_234 = arith.constant 1.000000e+00 : f32
    %div3A_235 = vector.broadcast %div3A_234 : f32 to vector<2048x128xf32>
    %div3A_236 = arith.divf %div3A_235, %add3A_233 : vector<2048x128xf32>
    %slice3A_237 = vector.extract_strided_slice %div3A_236 {offsets = [0, 0], sizes = [2048, 1], strides = [1, 1]} : vector<2048x128xf32> to vector<2048x1xf32>
    %mul3A_238 = arith.constant 2.000000e-01 : f32
    %mul3A_239 = vector.broadcast %mul3A_238 : f32 to vector<2048x1xf32>
    %mul3A_240 = arith.mulf %mul3A_239, %slice3A_237 : vector<2048x1xf32>
    %add3A_241 = arith.constant 0.899999976 : f32
    %add3A_242 = vector.broadcast %add3A_241 : f32 to vector<2048x1xf32>
    %add3A_243 = arith.addf %add3A_242, %mul3A_240 : vector<2048x1xf32>
    %sin3A = math.sin %slice3A_167 : vector<2048x1xf32>
    %mul3A_244 = arith.mulf %add3A_243, %sin3A : vector<2048x1xf32>
    %cos3A = math.cos %slice3A_168 : vector<2048x1xf32>
    %mul3A_245 = arith.mulf %mul3A_244, %cos3A : vector<2048x1xf32>
    %mul3A_246 = arith.mulf %add3A_243, %sin3A : vector<2048x1xf32>
    %sin3A_247 = math.sin %slice3A_168 : vector<2048x1xf32>
    %mul3A_248 = arith.mulf %mul3A_246, %sin3A_247 : vector<2048x1xf32>
    %cos3A_249 = math.cos %slice3A_167 : vector<2048x1xf32>
    %mul3A_250 = arith.mulf %add3A_243, %cos3A_249 : vector<2048x1xf32>
    %mul3A_251 = arith.mulf %mul3A_245, %mul3A_245 : vector<2048x1xf32>
    %mul3A_252 = arith.mulf %mul3A_248, %mul3A_248 : vector<2048x1xf32>
    %add3A_253 = arith.addf %mul3A_251, %mul3A_252 : vector<2048x1xf32>
    %mul3A_254 = arith.mulf %mul3A_250, %mul3A_250 : vector<2048x1xf32>
    %add3A_255 = arith.addf %add3A_253, %mul3A_254 : vector<2048x1xf32>
    %sqrt3A_256 = math.sqrt %add3A_255 : vector<2048x1xf32>
    %add3A_257 = arith.constant 9.99999993E-9 : f32
    %add3A_258 = vector.broadcast %add3A_257 : f32 to vector<2048x1xf32>
    %add3A_259 = arith.addf %sqrt3A_256, %add3A_258 : vector<2048x1xf32>
    %div3A_260 = arith.divf %mul3A_245, %add3A_259 : vector<2048x1xf32>
    %swap3A = arith.constant 0 : index
    %swap3A_261 = arith.constant 0 : index
    %swap3A_262 = vector.load %arg26[%swap3A, %swap3A_261] : memref<2048x128xf32, #tpu.memory_space<vmem>>, vector<2048x1xf32>
    tpu.vector_store %arg26[%swap3A, %swap3A_261], %div3A_260 {strides = array<i32>} : memref<2048x128xf32, #tpu.memory_space<vmem>>, vector<2048x1xf32>,
    %div3A_263 = arith.divf %mul3A_248, %add3A_259 : vector<2048x1xf32>
    %swap3A_264 = arith.constant 0 : index
    %swap3A_265 = arith.constant 1 : index
    %swap3A_266 = vector.load %arg26[%swap3A_264, %swap3A_265] : memref<2048x128xf32, #tpu.memory_space<vmem>>, vector<2048x1xf32>
    tpu.vector_store %arg26[%swap3A_264, %swap3A_265], %div3A_263 {strides = array<i32>} : memref<2048x128xf32, #tpu.memory_space<vmem>>, vector<2048x1xf32>,
    %div3A_267 = arith.divf %mul3A_250, %add3A_259 : vector<2048x1xf32>
    %swap3A_268 = arith.constant 0 : index
    %swap3A_269 = arith.constant 2 : index
    %swap3A_270 = vector.load %arg26[%swap3A_268, %swap3A_269] : memref<2048x128xf32, #tpu.memory_space<vmem>>, vector<2048x1xf32>
    tpu.vector_store %arg26[%swap3A_268, %swap3A_269], %div3A_267 {strides = array<i32>} : memref<2048x128xf32, #tpu.memory_space<vmem>>, vector<2048x1xf32>,
    return
  }
  func.func @transform_0(%arg0: i32) -> (i32, i32) {
    %c0_i32 = arith.constant 0 : i32
    %c0_i32_0 = arith.constant 0 : i32
    return %arg0, %c0_i32 : i32, i32
  }
  func.func @transform_1(%arg0: i32) -> (i32, i32, i32) {
    %c0_i32 = arith.constant 0 : i32
    %c0_i32_0 = arith.constant 0 : i32
    %c0_i32_1 = arith.constant 0 : i32
    return %c0_i32, %arg0, %c0_i32_0 : i32, i32, i32
  }
  func.func @transform_2(%arg0: i32) -> (i32, i32) {
    %c0_i32 = arith.constant 0 : i32
    %c0_i32_0 = arith.constant 0 : i32
    %c0_i32_1 = arith.constant 0 : i32
    return %c0_i32, %c0_i32_0 : i32, i32
  }
  func.func @transform_3(%arg0: i32) -> (i32, i32) {
    %c0_i32 = arith.constant 0 : i32
    %c0_i32_0 = arith.constant 0 : i32
    %c0_i32_1 = arith.constant 0 : i32
    return %c0_i32, %c0_i32_0 : i32, i32
  }
  func.func @transform_4(%arg0: i32) -> (i32, i32) {
    %c0_i32 = arith.constant 0 : i32
    %c0_i32_0 = arith.constant 0 : i32
    %c0_i32_1 = arith.constant 0 : i32
    return %c0_i32, %c0_i32_0 : i32, i32
  }
  func.func @transform_5(%arg0: i32) -> (i32, i32) {
    %c0_i32 = arith.constant 0 : i32
    %c0_i32_0 = arith.constant 0 : i32
    %c0_i32_1 = arith.constant 0 : i32
    return %c0_i32, %c0_i32_0 : i32, i32
  }
  func.func @transform_6(%arg0: i32) -> i32 {
    %c0_i32 = arith.constant 0 : i32
    %c0_i32_0 = arith.constant 0 : i32
    return %c0_i32 : i32
  }
  func.func @transform_7(%arg0: i32) -> (i32, i32) {
    %c0_i32 = arith.constant 0 : i32
    %c0_i32_0 = arith.constant 0 : i32
    %c0_i32_1 = arith.constant 0 : i32
    return %c0_i32, %c0_i32_0 : i32, i32
  }
  func.func @transform_8(%arg0: i32) -> (i32, i32) {
    %c0_i32 = arith.constant 0 : i32
    %c0_i32_0 = arith.constant 0 : i32
    %c0_i32_1 = arith.constant 0 : i32
    return %c0_i32, %c0_i32_0 : i32, i32
  }
  func.func @transform_9(%arg0: i32) -> (i32, i32) {
    %c0_i32 = arith.constant 0 : i32
    %c0_i32_0 = arith.constant 0 : i32
    %c0_i32_1 = arith.constant 0 : i32
    return %c0_i32, %c0_i32_0 : i32, i32
  }
  func.func @transform_10(%arg0: i32) -> (i32, i32) {
    %c0_i32 = arith.constant 0 : i32
    %c0_i32_0 = arith.constant 0 : i32
    %c0_i32_1 = arith.constant 0 : i32
    return %c0_i32, %c0_i32_0 : i32, i32
  }
  func.func @transform_11(%arg0: i32) -> (i32, i32) {
    %c0_i32 = arith.constant 0 : i32
    %c0_i32_0 = arith.constant 0 : i32
    %c0_i32_1 = arith.constant 0 : i32
    return %c0_i32, %c0_i32_0 : i32, i32
  }
  func.func @transform_12(%arg0: i32) -> (i32, i32) {
    %c0_i32 = arith.constant 0 : i32
    %c0_i32_0 = arith.constant 0 : i32
    %c0_i32_1 = arith.constant 0 : i32
    return %c0_i32, %c0_i32_0 : i32, i32
  }
  func.func @transform_13(%arg0: i32) -> (i32, i32) {
    %c0_i32 = arith.constant 0 : i32
    %c0_i32_0 = arith.constant 0 : i32
    %c0_i32_1 = arith.constant 0 : i32
    return %c0_i32, %c0_i32_0 : i32, i32
  }
  func.func @transform_14(%arg0: i32) -> (i32, i32) {
    %c0_i32 = arith.constant 0 : i32
    %c0_i32_0 = arith.constant 0 : i32
    %c0_i32_1 = arith.constant 0 : i32
    return %c0_i32, %c0_i32_0 : i32, i32
  }
  func.func @transform_15(%arg0: i32) -> (i32, i32) {
    %c0_i32 = arith.constant 0 : i32
    %c0_i32_0 = arith.constant 0 : i32
    %c0_i32_1 = arith.constant 0 : i32
    return %c0_i32, %c0_i32_0 : i32, i32
  }
  func.func @transform_16(%arg0: i32) -> (i32, i32) {
    %c0_i32 = arith.constant 0 : i32
    %c0_i32_0 = arith.constant 0 : i32
    %c0_i32_1 = arith.constant 0 : i32
    return %c0_i32, %c0_i32_0 : i32, i32
  }
  func.func @transform_17(%arg0: i32) -> (i32, i32) {
    %c0_i32 = arith.constant 0 : i32
    %c0_i32_0 = arith.constant 0 : i32
    %c0_i32_1 = arith.constant 0 : i32
    return %c0_i32, %c0_i32_0 : i32, i32
  }
  func.func @transform_18(%arg0: i32) -> (i32, i32) {
    %c0_i32 = arith.constant 0 : i32
    %c0_i32_0 = arith.constant 0 : i32
    %c0_i32_1 = arith.constant 0 : i32
    return %c0_i32, %c0_i32_0 : i32, i32
  }
  func.func @transform_19(%arg0: i32) -> (i32, i32) {
    %c0_i32 = arith.constant 0 : i32
    %c0_i32_0 = arith.constant 0 : i32
    %c0_i32_1 = arith.constant 0 : i32
    return %c0_i32, %c0_i32_0 : i32, i32
  }
  func.func @transform_20(%arg0: i32) -> (i32, i32) {
    %c0_i32 = arith.constant 0 : i32
    %c0_i32_0 = arith.constant 0 : i32
    %c0_i32_1 = arith.constant 0 : i32
    return %c0_i32, %c0_i32_0 : i32, i32
  }
  func.func @transform_21(%arg0: i32) -> (i32, i32) {
    %c0_i32 = arith.constant 0 : i32
    %c0_i32_0 = arith.constant 0 : i32
    %c0_i32_1 = arith.constant 0 : i32
    return %c0_i32, %c0_i32_0 : i32, i32
  }
  func.func @transform_22(%arg0: i32) -> (i32, i32) {
    %c0_i32 = arith.constant 0 : i32
    %c0_i32_0 = arith.constant 0 : i32
    %c0_i32_1 = arith.constant 0 : i32
    return %c0_i32, %c0_i32_0 : i32, i32
  }
  func.func @transform_23(%arg0: i32) -> (i32, i32) {
    %c0_i32 = arith.constant 0 : i32
    %c0_i32_0 = arith.constant 0 : i32
    %c0_i32_1 = arith.constant 0 : i32
    return %c0_i32, %c0_i32_0 : i32, i32
  }
  func.func @transform_24(%arg0: i32) -> (i32, i32) {
    %c0_i32 = arith.constant 0 : i32
    %c0_i32_0 = arith.constant 0 : i32
    %c0_i32_1 = arith.constant 0 : i32
    return %c0_i32, %c0_i32_0 : i32, i32
  }
  func.func @transform_25(%arg0: i32) -> (i32, i32) {
    %c0_i32 = arith.constant 0 : i32
    %c0_i32_0 = arith.constant 0 : i32
    return %arg0, %c0_i32 : i32, i32
  }
}

</mosaic_0001>

<sc_bundles>
// kernel: kernel.10.cloned.1.call-start
scs
__scs_entry_jumppad:
0x0: {  	(pc) =	sbr.rel $0x88, $3  }
0x1: {  	(tag) =	ssettag $0x0;
	lr =	simm.s32 $0x1  }
0x2: {  	[smem:$0x3F79] =	sst lr;
	_ =	strace $0xD0000000  }
0x3: {  	_ = 	snop  }
0x4: {  	_ = 	snop  }
0x5: {  	_ = 	snop  }
0x6: {  	_ = 	snop  }
0x7: {  	_ = 	snop  }
__scs_overlays_trampoline_lowered:
0x8: {  	[smem:$0x3F88] =	sst s0  }
0x9: {  	[smem:$0x3F89] =	sst s1  }
0xa: {  	[smem:$0x3F8A] =	sst s2  }
0xb: {  	[smem:$0x3F8B] =	sst s3  }
0xc: {  	[smem:$0x3F8C] =	sst s4  }
0xd: {  	[smem:$0x3F8D] =	sst s5  }
0xe: {  	[smem:$0x3F8E] =	sst s6  }
0xf: {  	[smem:$0x3F8F] =	sst s7  }
0x10: {  	[smem:$0x3F90] =	sst s8  }
0x11: {  	[smem:$0x3F91] =	sst s9;
	s0 =	simm.s32 @!p0 $0x0  }
0x12: {  	s1 =	sld [smem:$0x3F77];
	s0 =	simm.s32 @p0 $0x1  }
0x13: {  	[smem:$0x3F92] =	sst s0;
	s0 =	simm.s32 @!p1 $0x0  }
0x14: {  	s2 =	sld [smem:$0x3F76];
	s0 =	simm.s32 @p1 $0x1  }
0x15: {  	[smem:$0x3F93] =	sst s0;
	s0 =	simm.s32 @!p2 $0x0  }
0x16: {  	s3 =	sld [smem:$0x3FDB];
	s0 =	simm.s32 @p2 $0x1  }
0x17: {  	s4 =	simm.s32 $0x1BF5;
	[smem:$0x3F95] =	sst s0  }
0x18: {  	s0 =	sld [smem:$0x3F78];
	_ =	swait.ge [sflag:s4], $0x0  }
0x19: {  	s7 =	sld [smem:$0x3F79]  }
0x1a: {  	s8 =	sadd.s32 $0xFFFFE003, lr  }
0x1b: {  	s9 =	sadd.s32 $0xFFFFFEF7, lr;
	s5 =	simm.s32 $0xFFFFFFFF;
	p2 =	slt.u32 s8, $0xFFFFF086  }
0x1c: {  	p1 =	slt.u32 s9, $0xF7A;
	s5 =	simm.s32 @!p2 $0x0  }
0x1d: {  	s5 =	simm.s32 @p1 $0x1;
	p0 =	seq.s32 s7, s2  }
0x1e: {  	s7 =	smul.u32 @!p0 $0xF7A, s2;
	p2 =	seq.s32 @!p0 s5, $0x0  }
0x1f: {  	s9 =	smul.u32 $0xF7A, s1;
	s8 =	simm.s32 @!p0 $0x1BF5;
	p2 =	por !p2, p0  }
0x20: {  	[sflag:s8] =	ssyncset.s32 @!p0 $0xFFFFF086;
	s6 =	sadd.s32 @!p0 s3, s7;
	s7 =	simm.s32 @!p0 $0x108  }
0x21: {  	s3 =	sadd.s32 s3, s9;
	s6 =	sadd.s32 @!p0 $0x88, s6;
	s7 =	simm.s32 @p2 $0x1082  }
0x22: {  	[simem:s7], [sflag:s8] =	dma.local @!p0 [hbm:s6], $0xF7A  }
0x23: {  	s9 =	sor.u32 $0xD0000000, s2;
	s6 =	simm.s32 $0x108;
	_ =	swait.ge @!p0 [sflag:s8], $0x0  }
0x24: {  	s3 =	sadd.s32 $0x88, s3;
	s6 =	simm.s32 @!p1 $0x1082;
	[sflag:s4] =	ssyncset.s32 $0xFFFFF086  }
0x25: {  	[simem:s6], [sflag:s4] =	dma.local [hbm:s3], $0xF7A  }
0x26: {  	[smem:$0x3F79] =	sst s1;
	(tag) =	ssettag s2;
	_ =	strace s9  }
0x27: {  	s1 =	sld [smem:$0x3F89]  }
0x28: {  	s2 =	sld [smem:$0x3F8A]  }
0x29: {  	s4 =	sld [smem:$0x3F8C]  }
0x2a: {  	p0 =	seq.s32 s5, $0x0;
	s5 =	sld [smem:$0x3F8D]  }
0x2b: {  	s6 =	sld [smem:$0x3F8E]  }
0x2c: {  	s7 =	sld [smem:$0x3F8F]  }
0x2d: {  	s3 =	simm.s32 $0x108;
	s8 =	sld [smem:$0x3F90]  }
0x2e: {  	s3 =	simm.s32 @!p0 $0x1082;
	s9 =	sld [smem:$0x3F91]  }
0x2f: {  	lr =	sadd.s32 s0, s3;
	s0 =	sld [smem:$0x3F88]  }
0x30: {  	s3 =	sld [smem:$0x3F8B]  }
0x31: {  	[smem:$0x3F94] =	sst s10  }
0x32: {  	s10 =	sld [smem:$0x3F92];
	_ =	sdelay $0x3  }
0x33: {  	p0 =	seq.s32 s10, $0x1;
	s10 =	sld [smem:$0x3F94];
	_ =	sdelay $0x3  }
0x34: {  	[smem:$0x3F94] =	sst s10  }
0x35: {  	s10 =	sld [smem:$0x3F93];
	_ =	sdelay $0x3  }
0x36: {  	p1 =	seq.s32 s10, $0x1;
	s10 =	sld [smem:$0x3F94];
	_ =	sdelay $0x3  }
0x37: {  	[smem:$0x3F94] =	sst s10  }
0x38: {  	s10 =	sld [smem:$0x3F95]  }
0x39: {  	_ = 	snop;
	(pc) =	sbr.ind lr, $3  }
0x3a: {  	_ = 	snop  }
0x3b: {  	_ = 	snop  }
0x3c: {  	p2 =	seq.s32 s10, $0x1;
	s10 =	sld [smem:$0x3F94]  }
0x3d: {  	_ =	shalt  }
0x3e: {  	_ =	shalt  }
0x3f: {  	_ =	shalt  }
0x40: {  	_ =	shalt  }
0x41: {  	_ =	shalt  }
0x42: {  	_ =	shalt  }
0x43: {  	_ =	shalt  }
0x44: {  	_ =	shalt  }
0x45: {  	_ =	shalt  }
0x46: {  	_ =	shalt  }
0x47: {  	_ =	shalt  }
0x48: {  	_ =	shalt  }
0x49: {  	_ =	shalt  }
0x4a: {  	_ =	shalt  }
0x4b: {  	_ =	shalt  }
0x4c: {  	_ =	shalt  }
0x4d: {  	_ =	shalt  }
0x4e: {  	_ =	shalt  }
0x4f: {  	_ =	shalt  }
0x50: {  	_ =	shalt  }
0x51: {  	_ =	shalt  }
0x52: {  	_ =	shalt  }
0x53: {  	_ =	shalt  }
0x54: {  	_ =	shalt  }
0x55: {  	_ =	shalt  }
0x56: {  	_ =	shalt  }
0x57: {  	_ =	shalt  }
0x58: {  	_ =	shalt  }
0x59: {  	_ =	shalt  }
0x5a: {  	_ =	shalt  }
0x5b: {  	_ =	shalt  }
0x5c: {  	_ =	shalt  }
0x5d: {  	_ =	shalt  }
0x5e: {  	_ =	shalt  }
0x5f: {  	_ =	shalt  }
0x60: {  	_ =	shalt  }
0x61: {  	_ =	shalt  }
0x62: {  	_ =	shalt  }
0x63: {  	_ =	shalt  }
0x64: {  	_ =	shalt  }
0x65: {  	_ =	shalt  }
0x66: {  	_ =	shalt  }
0x67: {  	_ =	shalt  }
0x68: {  	_ =	shalt  }
0x69: {  	_ =	shalt  }
0x6a: {  	_ =	shalt  }
0x6b: {  	_ =	shalt  }
0x6c: {  	_ =	shalt  }
0x6d: {  	_ =	shalt  }
0x6e: {  	_ =	shalt  }
0x6f: {  	_ =	shalt  }
0x70: {  	_ =	shalt  }
0x71: {  	_ =	shalt  }
0x72: {  	_ =	shalt  }
0x73: {  	_ =	shalt  }
0x74: {  	_ =	shalt  }
0x75: {  	_ =	shalt  }
0x76: {  	_ =	shalt  }
0x77: {  	_ =	shalt  }
0x78: {  	_ =	shalt  }
0x79: {  	_ =	shalt  }
0x7a: {  	_ =	shalt  }
0x7b: {  	_ =	shalt  }
0x7c: {  	_ =	shalt  }
0x7d: {  	_ =	shalt  }
0x7e: {  	_ =	shalt  }
0x7f: {  	_ =	shalt  }
0x80: {  	_ =	shalt  }
0x81: {  	_ =	shalt  }
0x82: {  	_ =	shalt  }
0x83: {  	_ =	shalt  }
0x84: {  	_ =	shalt  }
0x85: {  	_ =	shalt  }
0x86: {  	_ =	shalt  }
0x87: {  	_ =	shalt  }
.Lfunc_end0:
.L_simem_size_0:
called_computation_lowered:
.L_overlay_start_0:
0x88: {  	s2 =	sld [smem:$0x3FD9]  }
0x89: {  	s3 =	sld [smem:$0x3FFE];
	_ =	sdelay $0x1  }
0x8a: {  	s1 =	srdreg.scid  }
0x8b: {  	s0 =	sand.u32 $0x1, s1  }
0x8c: {  	s17 =	sshll.u32 s0, $0xA;
	s2 =	sadd.s32 s3, s2  }
0x8d: {  	s2 =	sadd.s32 s2, s17  }
0x8e: {  	[smem:$0x3FA0] =	sst s2  }
0x8f: {  	_ = 	snop  }
0x90: {  	s2 =	sld [smem:$0x3FC9];
	(tm) =	ssettm $0x1  }
0x91: {  	s18 =	sld [smem:$0x3FFB];
	_ =	sdelay $0x3  }
0x92: {  	_ =	strace s18  }
0x93: {  	s3 =	sld [smem:$0x3FFC];
	_ =	sdelay $0x3  }
0x94: {  	_ =	strace s3  }
0x95: {  	s3 =	sld [smem:$0x3FFD];
	_ =	sdelay $0x3  }
0x96: {  	_ =	strace s3  }
0x97: {  	_ =	strace $0x8FFFFFFF  }
0x98: {  	s19 =	sld [smem:$0x3FDB];
	_ =	sdelay $0x1  }
0x99: {  	s4 =	simm.s32 $_scs_section_size  }
0x9a: {  	s5 =	simm.s32 $_size__tile_overlayer_lowered;
	s6 =	simm.s32 $_tile_overlayer_lowered  }
0x9b: {  	s22 =	simm.s32 $0x1BFF;
	s21 =	sshll.u32 s6, $0x1;
	s3 =	sadd.s32 s4, s19  }
0x9c: {  	s7 =	simm.s32 $0x0;
	s20 =	sshll.u32 s5, $0x1;
	s5 =	sadd.s32 s21, s3  }
0x9d: {  	[timem:s7], [sflag:s22] =	dma.local [hbm:s5], s20  }
0x9e: {  	_ =	swait.ge [sflag:s22], s20  }
0x9f: {  	s4 =	ssub.s32 $0x0, s20;
	[sflag:s22] =	ssyncset.done $0x0  }
0xa0: {  	[sflag:s22] =	ssyncadd.s32 s4;
	_ =	sdelay $0x1  }
0xa1: {  	s23 =	simm.s32 $0x1B8B  }
0xa2: {  	_ =	swait.ge [sflag:s23], $0x1  }
0xa3: {  	[sflag:s23] =	ssyncset.done $0x0  }
0xa4: {  	s25 =	simm.s32 $0x1B8E;
	s24 =	sld [smem:$0x3FFE];
	[sflag:s23] =	ssyncadd.s32 $0xFFFFFFFF  }
0xa5: {  	s26 =	simm.s32 $execute0_lowered;
	[smem:$0x3FD2] =	sst s25  }
0xa6: {  	s5 =	sshll.u32 s26, $0x1;
	_ =	strace $0x80000046;
	[dreg:$0x1] =	wrdreg $0xFFFFFFFF  }
0xa7: {  	s28 =	simm.s32 $_size_execute0_lowered;
	s3 =	sadd.s32 s3, s5;
	[dreg:$0x0] =	wrdreg $0x0  }
0xa8: {  	s5 =	sshll.u32 s28, $0x1;
	[dreg:$0x2] =	wrdreg s3  }
0xa9: {  	[dreg:$0x3] =	wrdreg s5  }
0xaa: {  	[dreg:$0x4] =	wrdreg $0xC0  }
0xab: {  	_ =	task [dreg:s7], $0x5FFFF  }
0xac: {  	[dreg:$0x1] =	wrdreg $0xFFFFFFFF  }
0xad: {  	[dreg:$0x0] =	wrdreg $0x60  }
0xae: {  	[dreg:$0x2] =	wrdreg s2  }
0xaf: {  	[dreg:$0x3] =	wrdreg s24  }
0xb0: {  	[dreg:$0x4] =	wrdreg $0xBB000  }
0xb1: {  	[dreg:$0x5] =	wrdreg $0x9  }
0xb2: {  	_ =	task.clear_ibuf [dreg:s7], $0x6FFFF;
	_ =	strace $0x90000046  }
0xb3: {  	s29 =	simm.s32 $0x9;
	_ =	strace $0x80000048  }
0xb4: {  	_ =	swait.ge [sflag:s29], $0x1  }
0xb5: {  	[sflag:s29] =	ssyncadd.s32 $0xFFFFFFFF  }
0xb6: {  	_ =	strace $0x90000048  }
0xb7: {  	_ =	sfence  }
0xb8: {  	s30 =	sld [smem:$0x0];
	_ =	sdelay $0x2  }
0xb9: {  	s31 =	sshll.u32 s1, $0xD;
	s1 =	sshrl.u32 s1, $0x2  }
0xba: {  	s3 =	sand.u32 $0x4000, s31;
	s1 =	sadd.s32 s1, s30  }
0xbb: {  	s0 =	sor.u32 s3, s0;
	s1 =	sshll.u32 s1, $0x11  }
0xbc: {  	s0 =	sor.u32 s1, s0  }
0xbd: {  	s0 =	sadd.s32 $0x8F2B, s0  }
0xbe: {  	[sflag:s0] =	ssyncadd.remote.s32 $0x1  }
0xbf: {  	_ =	sfence.sel $0xFFFF  }
0xc0: {  	[dreg:$0x0] =	wrdreg $0xFFFFFFFF;
	(pc) =	sbr.abs _section_cstart, $3  }
0xc1: {  	[dreg:$0x1] =	wrdreg $0xFFFFFFFF  }
0xc2: {  	_ =	task.clear_ibuf [dreg:s7], $0x2FFFF;
	_ =	strace $0x9FFFFFFF  }
0xc3: {  	(tm) =	ssettm $0x7FFFFFFF  }
tec
execute0_lowered:
.L_overlay_start_1:
0x0: {  	(tag) =	ssettag $0x1  }
0x1: {  	s0 =	rddreg [dreg:$0x0]  }
0x2: {  	s1 =	rddreg [dreg:$0x1]  }
0x3: {  	s2 =	srdreg.scid;
	s3 =	rddreg [dreg:$0x2]  }
0x4: {  	s7 =	stileid.u32;
	s6 =	simm.s32 $0x0;
	s16 =	simm.s32 $0x7  }
0x5: {  	s17 =	simm.s32 $0x50;
	s18 =	simm.s32 $0x4000;
	s19 =	simm.s32 $0x4300  }
0x6: {  	s28 =	simm.s32 $0x4200;
	s29 =	simm.s32 $0x3;
	s30 =	simm.s32 $0x4280  }
0x7: {  	s31 =	simm.s32 $0x4;
	s2 =	sand.u32 $0x1, s2;
	s5 =	smul.u32 $0x13C00, s7  }
0x8: {  	[smem:$0x7FF] =	sst s6;
	s20 =	sshll.u32 s7, $0xB;
	s22 =	smul.u32 $0x4F000, s7  }
0x9: {  	s4 =	smul.u32 $0x13C000, s2;
	_ =	strace $0x80000047;
	s21 =	sadd.s32 s20, s1  }
0xa: {  	s23 =	ssub.s32 $0x2, s2;
	s2 =	sshll.u32 s2, $0xF;
	s20 =	simm.s32 $0x4080  }
0xb: {  	s24 =	sshrl.u32 s23, $0x1;
	s2 =	sadd.s32 s2, s21;
	s25 =	sshrl.u32 s22, $0x2  }
0xc: {  	s21 =	simm.s32 $0x6B00;
	s22 =	simm.s32 $0x9300;
	s4 =	sadd.s32 s5, s4  }
0xd: {  	s2 =	sadd.s32 $0x6800, s2;
	s6 =	sadd.s32 s25, s3;
	s25 =	simm.s32 $0x4180  }
0xe: {  	s4 =	sshrl.u32 s4, $0x3;
	[dreg:$0x4] =	wrdreg s2;
	s26 =	sadd.s32 $0x11800, s6  }
0xf: {  	s10 =	sadd.s32 $0x2800, s6;
	s11 =	sadd.s32 $0x5000, s6;
	s12 =	sadd.s32 $0x7800, s6  }
.Ltmp0:
0x10: {  	s13 =	sadd.s32 $0xA000, s6;
	s14 =	sadd.s32 $0xC800, s6;
	(pc) =	sbr.rel .LBB2_1-.Ltmp0, $4  }
0x11: {  	s15 =	sadd.s32 $0xF000, s6;
	s2 =	simm.s32 $0x0;
	s1 =	sadd.s32 s4, s1  }
0x12: {  	s4 =	ssub.s32 s23, s24;
	[dreg:$0x5] =	wrdreg s26;
	s23 =	simm.s32 $0x4100  }
0x13: {  	s24 =	simm.s32 $0x1;
	s26 =	simm.s32 $0x2;
	s8 =	sadd.s32 $0x16800, s1  }
0x14: {  	v0 =	vimm.f32 $0.0e+00;
	s9 =	smax.u32 s4, $0x1;
	s1 =	simm.s32 $0x5;
	s4 =	simm.s32 $0x6  }
.LBB2_8:
0x15: {  	_ =	swait.ge [sflag:s31], $0x2800  }
0x16: {  	[sflag:s31] =	ssyncset.done $0x0  }
0x17: {  	[sflag:s31] =	ssyncadd.s32 $0xFFFFD800  }
0x18: {  	_ =	swait.ge [sflag:s1], $0x2800  }
0x19: {  	[sflag:s1] =	ssyncset.done $0x0  }
0x1a: {  	[sflag:s1] =	ssyncadd.s32 $0xFFFFD800  }
0x1b: {  	s5 =	stileid.u32;
	_ =	swait.ge [sflag:s4], $0x2800  }
0x1c: {  	s7 =	sshrl.u32 s6, $0x3;
	s2 =	sadd.s32 $0x1, s2;
	[sflag:s4] =	ssyncset.done $0x0  }
0x1d: {  	s5 =	sshll.u32 s5, $0x6;
	p0 =	sne.s32 s2, s9;
	[sflag:s4] =	ssyncadd.s32 $0xFFFFD800  }
.Ltmp1:
0x1e: {  	s5 =	sor.u32 $0x1C07, s5;
	[bflag:$0x0] =	sbarrier.arrive $0xFFFF;
	(pc) =	sbr.rel @!p0 .LBB2_9-.Ltmp1, $4  }
0x1f: {  	[hbm:s8], [sflag:s5] =	dma.local [spmem:s7], $0x2780  }
0x20: {  	_ =	swait.ge [sflag:s16], $0x2780  }
0x21: {  	[sflag:s16] =	ssyncset.done $0x0  }
0x22: {  	[sflag:s16] =	ssyncadd.s32 $0xFFFFD880  }
.LBB2_1:
0x23: {  	s5 =	simm.s32 $0x0;
	s7 =	rddreg [dreg:$0x4]  }
0x24: {  	[tilespmem:s5], [sflag:$0x7] =	stream.linear.gather [hbm4b:s7+s5], $0x3F00, $0x38;
	[tilespmem:$0x1F700] =	vst v63  }
0x25: {  	_ =	swait.ge [sflag:s16], $0x3F00  }
0x26: {  	[sflag:s16] =	ssyncset.done $0x0  }
0x27: {  	[sflag:s16] =	ssyncadd.s32 $0xFFFFC100  }
0x28: {  	v1 =	vld [tilespmem:$0x0];
	_ =	sdelay $0x1  }
0x29: {  	v2 =	vld [tilespmem:$0x10];
	_ =	sdelay $0x1  }
0x2a: {  	v3 =	vld [tilespmem:$0x20]  }
0x2b: {  	v4 =	vand.u32 $0x3FFF, v1  }
0x2c: {  	v61 =	vld [tilespmem:$0x30];
	v1 =	vshrl.u32 v1, $0xE;
	[tilespmem:$0x4000] =	vst v4  }
0x2d: {  	[tilespmem:$0x4180] =	vst v1;
	v1 =	vand.u32 $0x3FFF, v2  }
0x2e: {  	[tilespmem:$0x4010] =	vst v1;
	v1 =	vshrl.u32 v2, $0xE;
	v2 =	vld [tilespmem:$0x40]  }
0x2f: {  	[tilespmem:$0x4190] =	vst v1;
	v1 =	vand.u32 $0x3FFF, v3  }
0x30: {  	[tilespmem:$0x4020] =	vst v1;
	v1 =	vshrl.u32 v3, $0xE  }
0x31: {  	[tilespmem:$0x41A0] =	vst v1;
	v1 =	vand.u32 $0x3FFF, v61  }
0x32: {  	[tilespmem:$0x4030] =	vst v1;
	v1 =	vshrl.u32 v61, $0xE  }
0x33: {  	[tilespmem:$0x41B0] =	vst v1;
	v1 =	vand.u32 $0x3FFF, v2  }
0x34: {  	[tilespmem:$0x4040] =	vst v1;
	v1 =	vshrl.u32 v2, $0xE  }
0x35: {  	[tilespmem:$0x41C0] =	vst v1  }
0x36: {  	[tilespmem:s19], [sflag:$0x1] =	stream.indirect.gather [hbm4b:s0+s17], $0x80, s18, s17, $0xb8;
	[tilespmem:$0x1F700] =	vst v63  }
0x37: {  	v1 =	vld [tilespmem:$0x80];
	_ =	sdelay $0x1  }
0x38: {  	v2 =	vld [tilespmem:$0x90];
	_ =	sdelay $0x1  }
0x39: {  	v3 =	vld [tilespmem:$0xA0]  }
0x3a: {  	v62 =	vand.u32 $0x3FFF, v1  }
0x3b: {  	v63 =	vld [tilespmem:$0xB0];
	v1 =	vshrl.u32 v1, $0xE;
	[tilespmem:$0x4080] =	vst v62  }
0x3c: {  	[tilespmem:$0x4200] =	vst v1;
	v1 =	vand.u32 $0x3FFF, v2  }
0x3d: {  	[tilespmem:$0x4090] =	vst v1;
	v1 =	vshrl.u32 v2, $0xE;
	v2 =	vld [tilespmem:$0xC0]  }
0x3e: {  	[tilespmem:$0x4210] =	vst v1;
	v1 =	vand.u32 $0x3FFF, v3  }
0x3f: {  	[tilespmem:$0x40A0] =	vst v1;
	v1 =	vshrl.u32 v3, $0xE  }
0x40: {  	[tilespmem:$0x4220] =	vst v1;
	v1 =	vand.u32 $0x3FFF, v63  }
0x41: {  	[tilespmem:$0x40B0] =	vst v1;
	v1 =	vshrl.u32 v63, $0xE  }
0x42: {  	[tilespmem:$0x4230] =	vst v1;
	v1 =	vand.u32 $0x3FFF, v2  }
0x43: {  	[tilespmem:$0x40C0] =	vst v1;
	v1 =	vshrl.u32 v2, $0xE  }
0x44: {  	s5 =	simm.s32 $0x0;
	s7 =	simm.s32 $0x200;
	[tilespmem:$0x4240] =	vst v1  }
0x45: {  	[tilespmem:s21], [sflag:$0x2] =	stream.indirect.gather [hbm4b:s0+s17], $0x80, s20, s17, $0xb8;
	[tilespmem:$0x1F700] =	vst v63  }
.LBB2_2:
0x46: {  	p0 =	sne.s32 s7, $0x9E00;
	[tilespmem:s5+$0x9370] =	vst v0  }
0x47: {  	[tilespmem:s5+$0x9300] =	vst v0  }
0x48: {  	[tilespmem:s5+$0x9310] =	vst v0  }
.Ltmp2:
0x49: {  	[tilespmem:s5+$0x9320] =	vst v0;
	(pc) =	sbr.rel @p0 .LBB2_2-.Ltmp2, $4  }
0x4a: {  	[tilespmem:s5+$0x9330] =	vst v0  }
0x4b: {  	[tilespmem:s5+$0x9340] =	vst v0  }
0x4c: {  	[tilespmem:s5+$0x9350] =	vst v0  }
0x4d: {  	[tilespmem:s5+$0x9360] =	vst v0;
	s5 =	sshra.s32 s7, $0x2;
	s7 =	sadd.s32 $0x200, s7  }
0x4e: {  	[tilespmem:s5+$0x9370] =	vst v0  }
0x4f: {  	[tilespmem:s5+$0x9300] =	vst v0  }
0x50: {  	[tilespmem:s5+$0x9310] =	vst v0  }
0x51: {  	[tilespmem:s5+$0x9320] =	vst v0  }
0x52: {  	[tilespmem:s5+$0x9330] =	vst v0  }
0x53: {  	[tilespmem:s5+$0x9340] =	vst v0  }
0x54: {  	[tilespmem:s5+$0x9350] =	vst v0  }
0x55: {  	[tilespmem:s5+$0x9360] =	vst v0  }
0x56: {  	[spmem:s6] =	stream.linear.scatter [tilespmem:s22], [sflag:$0x7], $0x2800, $0x38;
	[tilespmem:$0x1F700] =	vst v63  }
0x57: {  	_ =	swait.ge [sflag:s16], $0x2800  }
0x58: {  	[sflag:s16] =	ssyncset.done $0x0  }
0x59: {  	[sflag:s16] =	ssyncadd.s32 $0xFFFFD800  }
0x5a: {  	[spmem:s10] =	stream.linear.scatter [tilespmem:s22], [sflag:$0x7], $0x2800, $0x38;
	[tilespmem:$0x1F700] =	vst v63  }
0x5b: {  	_ =	swait.ge [sflag:s16], $0x2800  }
0x5c: {  	[sflag:s16] =	ssyncset.done $0x0  }
0x5d: {  	[sflag:s16] =	ssyncadd.s32 $0xFFFFD800  }
0x5e: {  	[spmem:s11] =	stream.linear.scatter [tilespmem:s22], [sflag:$0x7], $0x2800, $0x38;
	[tilespmem:$0x1F700] =	vst v63  }
0x5f: {  	_ =	swait.ge [sflag:s16], $0x2800  }
0x60: {  	[sflag:s16] =	ssyncset.done $0x0  }
0x61: {  	[sflag:s16] =	ssyncadd.s32 $0xFFFFD800  }
0x62: {  	[spmem:s12] =	stream.linear.scatter [tilespmem:s22], [sflag:$0x7], $0x2800, $0x38;
	[tilespmem:$0x1F700] =	vst v63  }
0x63: {  	_ =	swait.ge [sflag:s16], $0x2800  }
0x64: {  	[sflag:s16] =	ssyncset.done $0x0  }
0x65: {  	[sflag:s16] =	ssyncadd.s32 $0xFFFFD800  }
0x66: {  	[spmem:s13] =	stream.linear.scatter [tilespmem:s22], [sflag:$0x7], $0x2800, $0x38;
	[tilespmem:$0x1F700] =	vst v63  }
0x67: {  	_ =	swait.ge [sflag:s16], $0x2800  }
0x68: {  	[sflag:s16] =	ssyncset.done $0x0  }
0x69: {  	[sflag:s16] =	ssyncadd.s32 $0xFFFFD800  }
0x6a: {  	[spmem:s14] =	stream.linear.scatter [tilespmem:s22], [sflag:$0x7], $0x2800, $0x38;
	[tilespmem:$0x1F700] =	vst v63  }
0x6b: {  	_ =	swait.ge [sflag:s16], $0x2800  }
0x6c: {  	[sflag:s16] =	ssyncset.done $0x0  }
0x6d: {  	[sflag:s16] =	ssyncadd.s32 $0xFFFFD800  }
0x6e: {  	[spmem:s15] =	stream.linear.scatter [tilespmem:s22], [sflag:$0x7], $0x2800, $0x38;
	[tilespmem:$0x1F700] =	vst v63  }
0x6f: {  	_ =	swait.ge [sflag:s16], $0x2800  }
0x70: {  	[sflag:s16] =	ssyncset.done $0x0  }
0x71: {  	s7 =	rddreg [dreg:$0x5];
	[sflag:s16] =	ssyncadd.s32 $0xFFFFD800  }
0x72: {  	[spmem:s7] =	stream.linear.scatter [tilespmem:s22], [sflag:$0x7], $0x2400, $0x38;
	[tilespmem:$0x1F700] =	vst v63  }
.Ltmp3:
0x73: {  	_ =	swait.ge [sflag:s16], $0x2400;
	(pc) =	sbr.rel .LBB2_4-.Ltmp3, $4  }
0x74: {  	[sflag:s16] =	ssyncset.done $0x0  }
0x75: {  	[sflag:s16] =	ssyncadd.s32 $0xFFFFDC00  }
0x76: {  	[bflag:$0x0] =	sbarrier.arrive $0xFFFF  }
0x77: {  	s5 =	simm.s32 $0x0  }
.LBB2_6:
0x78: {  	_ =	swait.ge [sflag:s26], $0x2800  }
0x79: {  	[sflag:s26] =	ssyncset.done $0x0  }
0x7a: {  	[sflag:s26] =	ssyncadd.s32 $0xFFFFD800  }
0x7b: {  	[spmem:s3] =	stream.indirect.scatter.add.f32 [tilespmem:s21], [sflag:$0x5], $0x80, s28, s17, $0xb8;
	[tilespmem:$0x1F700] =	vst v63  }
.LBB2_7:
0x7c: {  	s5 =	sadd.s32 $0x600, s5  }
0x7d: {  	p0 =	sne.s32 s5, $0xFC00  }
.Ltmp4:
0x7e: {  	_ = 	snop;
	(pc) =	sbr.rel @!p0 .LBB2_8-.Ltmp4, $4  }
0x7f: {  	_ =	swait.ge [sflag:s29], $0x2800  }
0x80: {  	[sflag:s29] =	ssyncset.done $0x0  }
0x81: {  	[sflag:s29] =	ssyncadd.s32 $0xFFFFD800  }
0x82: {  	[spmem:s3] =	stream.indirect.scatter.add.f32 [tilespmem:s22], [sflag:$0x6], $0x80, s30, s17, $0xb8;
	[tilespmem:$0x1F700] =	vst v63  }
.LBB2_4:
0x83: {  	p0 =	seq.s32 s5, $0x0  }
0x84: {  	s7 =	simm.s32 @!p0 $0x6  }
0x85: {  	_ =	swait.ge @!p0 [sflag:s7], $0x2800  }
0x86: {  	[sflag:s7] =	ssyncset.done @!p0 $0x0  }
0x87: {  	[sflag:s7] =	ssyncadd.s32 @!p0 $0xFFFFD800;
	s7 =	sshra.s32 s5, $0x2  }
0x88: {  	v1 =	vld [tilespmem:s7+$0x100];
	_ =	sdelay $0x4  }
0x89: {  	v2 =	vand.u32 $0x3FFF, v1  }
0x8a: {  	v1 =	vshrl.u32 v1, $0xE;
	[tilespmem:$0x4100] =	vst v2  }
0x8b: {  	[tilespmem:$0x4280] =	vst v1  }
0x8c: {  	v1 =	vld [tilespmem:s7+$0x110];
	_ =	sdelay $0x4  }
0x8d: {  	v2 =	vand.u32 $0x3FFF, v1  }
0x8e: {  	v1 =	vshrl.u32 v1, $0xE;
	[tilespmem:$0x4110] =	vst v2  }
0x8f: {  	[tilespmem:$0x4290] =	vst v1  }
0x90: {  	v1 =	vld [tilespmem:s7+$0x120];
	_ =	sdelay $0x4  }
0x91: {  	v2 =	vand.u32 $0x3FFF, v1  }
0x92: {  	v1 =	vshrl.u32 v1, $0xE;
	[tilespmem:$0x4120] =	vst v2  }
0x93: {  	[tilespmem:$0x42A0] =	vst v1  }
0x94: {  	v1 =	vld [tilespmem:s7+$0x130];
	_ =	sdelay $0x4  }
0x95: {  	v2 =	vand.u32 $0x3FFF, v1  }
0x96: {  	v1 =	vshrl.u32 v1, $0xE;
	[tilespmem:$0x4130] =	vst v2  }
0x97: {  	[tilespmem:$0x42B0] =	vst v1  }
0x98: {  	v1 =	vld [tilespmem:s7+$0x140];
	_ =	sdelay $0x4  }
0x99: {  	v2 =	vand.u32 $0x3FFF, v1  }
0x9a: {  	v1 =	vshrl.u32 v1, $0xE;
	[tilespmem:$0x4140] =	vst v2  }
0x9b: {  	p0 =	seq.s32 s5, $0xF600;
	[tilespmem:$0x42C0] =	vst v1  }
0x9c: {  	[tilespmem:s22], [sflag:$0x3] =	stream.indirect.gather [hbm4b:s0+s17], $0x80, s23, s17, $0xb8;
	[tilespmem:$0x1F700] =	vst v63  }
.Ltmp5:
0x9d: {  	_ = 	snop;
	(pc) =	sbr.rel @p0 .LBB2_6-.Ltmp5, $4  }
0x9e: {  	_ =	swait.ge [sflag:s24], $0x2800  }
0x9f: {  	[sflag:s24] =	ssyncset.done $0x0  }
0xa0: {  	[sflag:s24] =	ssyncadd.s32 $0xFFFFD800  }
0xa1: {  	[spmem:s3] =	stream.indirect.scatter.add.f32 [tilespmem:s19], [sflag:$0x4], $0x80, s25, s17, $0xb8;
	[tilespmem:$0x1F700] =	vst v63  }
0xa2: {  	_ =	swait.ge [sflag:s31], $0x2800  }
0xa3: {  	[sflag:s31] =	ssyncset.done $0x0  }
0xa4: {  	[sflag:s31] =	ssyncadd.s32 $0xFFFFD800  }
0xa5: {  	v1 =	vld [tilespmem:s7+$0x180];
	_ =	sdelay $0x4  }
0xa6: {  	v2 =	vand.u32 $0x3FFF, v1  }
0xa7: {  	v1 =	vshrl.u32 v1, $0xE;
	[tilespmem:$0x4000] =	vst v2  }
0xa8: {  	[tilespmem:$0x4180] =	vst v1  }
0xa9: {  	v1 =	vld [tilespmem:s7+$0x190];
	_ =	sdelay $0x4  }
0xaa: {  	v2 =	vand.u32 $0x3FFF, v1  }
0xab: {  	v1 =	vshrl.u32 v1, $0xE;
	[tilespmem:$0x4010] =	vst v2  }
0xac: {  	[tilespmem:$0x4190] =	vst v1  }
0xad: {  	v1 =	vld [tilespmem:s7+$0x1A0];
	_ =	sdelay $0x4  }
0xae: {  	v2 =	vand.u32 $0x3FFF, v1  }
0xaf: {  	v1 =	vshrl.u32 v1, $0xE;
	[tilespmem:$0x4020] =	vst v2  }
0xb0: {  	[tilespmem:$0x41A0] =	vst v1  }
0xb1: {  	v1 =	vld [tilespmem:s7+$0x1B0];
	_ =	sdelay $0x4  }
0xb2: {  	v2 =	vand.u32 $0x3FFF, v1  }
0xb3: {  	v1 =	vshrl.u32 v1, $0xE;
	[tilespmem:$0x4030] =	vst v2  }
0xb4: {  	[tilespmem:$0x41B0] =	vst v1  }
0xb5: {  	v1 =	vld [tilespmem:s7+$0x1C0];
	_ =	sdelay $0x4  }
0xb6: {  	v2 =	vand.u32 $0x3FFF, v1  }
0xb7: {  	v1 =	vshrl.u32 v1, $0xE;
	[tilespmem:$0x4040] =	vst v2  }
0xb8: {  	[tilespmem:$0x41C0] =	vst v1  }
0xb9: {  	[tilespmem:s19], [sflag:$0x1] =	stream.indirect.gather [hbm4b:s0+s17], $0x80, s18, s17, $0xb8;
	[tilespmem:$0x1F700] =	vst v63  }
0xba: {  	_ =	swait.ge [sflag:s26], $0x2800  }
0xbb: {  	[sflag:s26] =	ssyncset.done $0x0  }
0xbc: {  	[sflag:s26] =	ssyncadd.s32 $0xFFFFD800  }
0xbd: {  	[spmem:s3] =	stream.indirect.scatter.add.f32 [tilespmem:s21], [sflag:$0x5], $0x80, s28, s17, $0xb8;
	[tilespmem:$0x1F700] =	vst v63  }
0xbe: {  	_ =	swait.ge [sflag:s1], $0x2800  }
0xbf: {  	[sflag:s1] =	ssyncset.done $0x0  }
0xc0: {  	[sflag:s1] =	ssyncadd.s32 $0xFFFFD800  }
0xc1: {  	v1 =	vld [tilespmem:s7+$0x200];
	_ =	sdelay $0x4  }
0xc2: {  	v2 =	vand.u32 $0x3FFF, v1  }
0xc3: {  	v1 =	vshrl.u32 v1, $0xE;
	[tilespmem:$0x4080] =	vst v2  }
0xc4: {  	[tilespmem:$0x4200] =	vst v1  }
0xc5: {  	v1 =	vld [tilespmem:s7+$0x210];
	_ =	sdelay $0x4  }
0xc6: {  	v2 =	vand.u32 $0x3FFF, v1  }
0xc7: {  	v1 =	vshrl.u32 v1, $0xE;
	[tilespmem:$0x4090] =	vst v2  }
0xc8: {  	[tilespmem:$0x4210] =	vst v1  }
0xc9: {  	v1 =	vld [tilespmem:s7+$0x220];
	_ =	sdelay $0x4  }
0xca: {  	v2 =	vand.u32 $0x3FFF, v1  }
0xcb: {  	v1 =	vshrl.u32 v1, $0xE;
	[tilespmem:$0x40A0] =	vst v2  }
0xcc: {  	[tilespmem:$0x4220] =	vst v1  }
0xcd: {  	v1 =	vld [tilespmem:s7+$0x230];
	_ =	sdelay $0x4  }
0xce: {  	v2 =	vand.u32 $0x3FFF, v1  }
0xcf: {  	v1 =	vshrl.u32 v1, $0xE;
	[tilespmem:$0x40B0] =	vst v2  }
0xd0: {  	[tilespmem:$0x4230] =	vst v1  }
0xd1: {  	v1 =	vld [tilespmem:s7+$0x240];
	_ =	sdelay $0x3  }
.Ltmp6:
0xd2: {  	_ = 	snop;
	(pc) =	sbr.rel .LBB2_7-.Ltmp6, $4  }
0xd3: {  	v2 =	vand.u32 $0x3FFF, v1  }
0xd4: {  	v1 =	vshrl.u32 v1, $0xE;
	[tilespmem:$0x40C0] =	vst v2  }
0xd5: {  	[tilespmem:$0x4240] =	vst v1  }
0xd6: {  	[tilespmem:s21], [sflag:$0x2] =	stream.indirect.gather [hbm4b:s0+s17], $0x80, s20, s17, $0xb8;
	[tilespmem:$0x1F700] =	vst v63  }
.LBB2_9:
0xd7: {  	_ =	sfence.sel $0x180000  }
0xd8: {  	[bflag:$0x0] =	sbarrier.arrive $0xFFFF  }
0xd9: {  	_ =	strace $0x90000047  }
0xda: {  	s0 =	stileid.u32;
	[bflag:$0x2] =	sbarrier.arrive $0xFFFF  }
0xdb: {  	p0 =	sne.s32 s0, $0x0;
	s0 =	rddreg [dreg:$0x3]  }
0xdc: {  	s0 =	sadd.s32 @!p0 $0x100000, s0  }
0xdd: {  	[sflag:s0] =	ssyncadd.tile.s32 @!p0 $0x1;
	_ =	shalt  }
.Lfunc_end2:
_tile_overlayer_lowered:
.L_overlay_start_2:
0xde: {  	(tag) =	ssettag $0x2  }
0xdf: {  	s0 =	rddreg [dreg:$0x0];
	s2 =	stileid.u32  }
0xe0: {  	s1 =	rddreg [dreg:$0x1];
	p0 =	sne.s32 s2, $0x0  }
0xe1: {  	s3 =	rddreg [dreg:$0x2];
	[bflag:$0x3] =	sbarrier.arrive $0xFFFF;
	s2 =	simm.s32 @!p0 $0x1C07  }
0xe2: {  	[timem:s3], [sflag:s2] =	dma.local @!p0 [hbm:s0], s1  }
0xe3: {  	s0 =	simm.s32 @!p0 $0x7  }
0xe4: {  	_ =	swait.ge @!p0 [sflag:s0], s1  }
0xe5: {  	s1 =	ssub.s32 @!p0 $0x0, s1;
	[sflag:s0] =	ssyncset.done @!p0 $0x0  }
0xe6: {  	[sflag:s0] =	ssyncadd.s32 @!p0 s1  }
0xe7: {  	[bflag:$0x3] =	sbarrier.arrive $0xFFFF  }
0xe8: {  	_ =	shalt  }

// kernel: kernel.13.cloned.1.call-start
scs
__scs_entry_jumppad:
0x0: {  	(pc) =	sbr.rel $0x88, $3  }
0x1: {  	(tag) =	ssettag $0x0;
	lr =	simm.s32 $0x1  }
0x2: {  	[smem:$0x3F79] =	sst lr;
	_ =	strace $0xD0000000  }
0x3: {  	_ = 	snop  }
0x4: {  	_ = 	snop  }
0x5: {  	_ = 	snop  }
0x6: {  	_ = 	snop  }
0x7: {  	_ = 	snop  }
__scs_overlays_trampoline_lowered:
0x8: {  	[smem:$0x3F88] =	sst s0  }
0x9: {  	[smem:$0x3F89] =	sst s1  }
0xa: {  	[smem:$0x3F8A] =	sst s2  }
0xb: {  	[smem:$0x3F8B] =	sst s3  }
0xc: {  	[smem:$0x3F8C] =	sst s4  }
0xd: {  	[smem:$0x3F8D] =	sst s5  }
0xe: {  	[smem:$0x3F8E] =	sst s6  }
0xf: {  	[smem:$0x3F8F] =	sst s7  }
0x10: {  	[smem:$0x3F90] =	sst s8  }
0x11: {  	[smem:$0x3F91] =	sst s9;
	s0 =	simm.s32 @!p0 $0x0  }
0x12: {  	s1 =	sld [smem:$0x3F77];
	s0 =	simm.s32 @p0 $0x1  }
0x13: {  	[smem:$0x3F92] =	sst s0;
	s0 =	simm.s32 @!p1 $0x0  }
0x14: {  	s2 =	sld [smem:$0x3F76];
	s0 =	simm.s32 @p1 $0x1  }
0x15: {  	[smem:$0x3F93] =	sst s0;
	s0 =	simm.s32 @!p2 $0x0  }
0x16: {  	s3 =	sld [smem:$0x3FDB];
	s0 =	simm.s32 @p2 $0x1  }
0x17: {  	s4 =	simm.s32 $0x1BF5;
	[smem:$0x3F95] =	sst s0  }
0x18: {  	s0 =	sld [smem:$0x3F78];
	_ =	swait.ge [sflag:s4], $0x0  }
0x19: {  	s7 =	sld [smem:$0x3F79]  }
0x1a: {  	s8 =	sadd.s32 $0xFFFFE003, lr  }
0x1b: {  	s9 =	sadd.s32 $0xFFFFFEF7, lr;
	s5 =	simm.s32 $0xFFFFFFFF;
	p2 =	slt.u32 s8, $0xFFFFF086  }
0x1c: {  	p1 =	slt.u32 s9, $0xF7A;
	s5 =	simm.s32 @!p2 $0x0  }
0x1d: {  	s5 =	simm.s32 @p1 $0x1;
	p0 =	seq.s32 s7, s2  }
0x1e: {  	s7 =	smul.u32 @!p0 $0xF7A, s2;
	p2 =	seq.s32 @!p0 s5, $0x0  }
0x1f: {  	s9 =	smul.u32 $0xF7A, s1;
	s8 =	simm.s32 @!p0 $0x1BF5;
	p2 =	por !p2, p0  }
0x20: {  	[sflag:s8] =	ssyncset.s32 @!p0 $0xFFFFF086;
	s6 =	sadd.s32 @!p0 s3, s7;
	s7 =	simm.s32 @!p0 $0x108  }
0x21: {  	s3 =	sadd.s32 s3, s9;
	s6 =	sadd.s32 @!p0 $0x88, s6;
	s7 =	simm.s32 @p2 $0x1082  }
0x22: {  	[simem:s7], [sflag:s8] =	dma.local @!p0 [hbm:s6], $0xF7A  }
0x23: {  	s9 =	sor.u32 $0xD0000000, s2;
	s6 =	simm.s32 $0x108;
	_ =	swait.ge @!p0 [sflag:s8], $0x0  }
0x24: {  	s3 =	sadd.s32 $0x88, s3;
	s6 =	simm.s32 @!p1 $0x1082;
	[sflag:s4] =	ssyncset.s32 $0xFFFFF086  }
0x25: {  	[simem:s6], [sflag:s4] =	dma.local [hbm:s3], $0xF7A  }
0x26: {  	[smem:$0x3F79] =	sst s1;
	(tag) =	ssettag s2;
	_ =	strace s9  }
0x27: {  	s1 =	sld [smem:$0x3F89]  }
0x28: {  	s2 =	sld [smem:$0x3F8A]  }
0x29: {  	s4 =	sld [smem:$0x3F8C]  }
0x2a: {  	p0 =	seq.s32 s5, $0x0;
	s5 =	sld [smem:$0x3F8D]  }
0x2b: {  	s6 =	sld [smem:$0x3F8E]  }
0x2c: {  	s7 =	sld [smem:$0x3F8F]  }
0x2d: {  	s3 =	simm.s32 $0x108;
	s8 =	sld [smem:$0x3F90]  }
0x2e: {  	s3 =	simm.s32 @!p0 $0x1082;
	s9 =	sld [smem:$0x3F91]  }
0x2f: {  	lr =	sadd.s32 s0, s3;
	s0 =	sld [smem:$0x3F88]  }
0x30: {  	s3 =	sld [smem:$0x3F8B]  }
0x31: {  	[smem:$0x3F94] =	sst s10  }
0x32: {  	s10 =	sld [smem:$0x3F92];
	_ =	sdelay $0x3  }
0x33: {  	p0 =	seq.s32 s10, $0x1;
	s10 =	sld [smem:$0x3F94];
	_ =	sdelay $0x3  }
0x34: {  	[smem:$0x3F94] =	sst s10  }
0x35: {  	s10 =	sld [smem:$0x3F93];
	_ =	sdelay $0x3  }
0x36: {  	p1 =	seq.s32 s10, $0x1;
	s10 =	sld [smem:$0x3F94];
	_ =	sdelay $0x3  }
0x37: {  	[smem:$0x3F94] =	sst s10  }
0x38: {  	s10 =	sld [smem:$0x3F95]  }
0x39: {  	_ = 	snop;
	(pc) =	sbr.ind lr, $3  }
0x3a: {  	_ = 	snop  }
0x3b: {  	_ = 	snop  }
0x3c: {  	p2 =	seq.s32 s10, $0x1;
	s10 =	sld [smem:$0x3F94]  }
0x3d: {  	_ =	shalt  }
0x3e: {  	_ =	shalt  }
0x3f: {  	_ =	shalt  }
0x40: {  	_ =	shalt  }
0x41: {  	_ =	shalt  }
0x42: {  	_ =	shalt  }
0x43: {  	_ =	shalt  }
0x44: {  	_ =	shalt  }
0x45: {  	_ =	shalt  }
0x46: {  	_ =	shalt  }
0x47: {  	_ =	shalt  }
0x48: {  	_ =	shalt  }
0x49: {  	_ =	shalt  }
0x4a: {  	_ =	shalt  }
0x4b: {  	_ =	shalt  }
0x4c: {  	_ =	shalt  }
0x4d: {  	_ =	shalt  }
0x4e: {  	_ =	shalt  }
0x4f: {  	_ =	shalt  }
0x50: {  	_ =	shalt  }
0x51: {  	_ =	shalt  }
0x52: {  	_ =	shalt  }
0x53: {  	_ =	shalt  }
0x54: {  	_ =	shalt  }
0x55: {  	_ =	shalt  }
0x56: {  	_ =	shalt  }
0x57: {  	_ =	shalt  }
0x58: {  	_ =	shalt  }
0x59: {  	_ =	shalt  }
0x5a: {  	_ =	shalt  }
0x5b: {  	_ =	shalt  }
0x5c: {  	_ =	shalt  }
0x5d: {  	_ =	shalt  }
0x5e: {  	_ =	shalt  }
0x5f: {  	_ =	shalt  }
0x60: {  	_ =	shalt  }
0x61: {  	_ =	shalt  }
0x62: {  	_ =	shalt  }
0x63: {  	_ =	shalt  }
0x64: {  	_ =	shalt  }
0x65: {  	_ =	shalt  }
0x66: {  	_ =	shalt  }
0x67: {  	_ =	shalt  }
0x68: {  	_ =	shalt  }
0x69: {  	_ =	shalt  }
0x6a: {  	_ =	shalt  }
0x6b: {  	_ =	shalt  }
0x6c: {  	_ =	shalt  }
0x6d: {  	_ =	shalt  }
0x6e: {  	_ =	shalt  }
0x6f: {  	_ =	shalt  }
0x70: {  	_ =	shalt  }
0x71: {  	_ =	shalt  }
0x72: {  	_ =	shalt  }
0x73: {  	_ =	shalt  }
0x74: {  	_ =	shalt  }
0x75: {  	_ =	shalt  }
0x76: {  	_ =	shalt  }
0x77: {  	_ =	shalt  }
0x78: {  	_ =	shalt  }
0x79: {  	_ =	shalt  }
0x7a: {  	_ =	shalt  }
0x7b: {  	_ =	shalt  }
0x7c: {  	_ =	shalt  }
0x7d: {  	_ =	shalt  }
0x7e: {  	_ =	shalt  }
0x7f: {  	_ =	shalt  }
0x80: {  	_ =	shalt  }
0x81: {  	_ =	shalt  }
0x82: {  	_ =	shalt  }
0x83: {  	_ =	shalt  }
0x84: {  	_ =	shalt  }
0x85: {  	_ =	shalt  }
0x86: {  	_ =	shalt  }
0x87: {  	_ =	shalt  }
.Lfunc_end0:
.L_simem_size_0:
called_computation.1_lowered:
.L_overlay_start_0:
0x88: {  	s2 =	sld [smem:$0x3FD9]  }
0x89: {  	s3 =	sld [smem:$0x3FFE];
	_ =	sdelay $0x1  }
0x8a: {  	s1 =	srdreg.scid  }
0x8b: {  	s0 =	sand.u32 $0x1, s1  }
0x8c: {  	s16 =	sshll.u32 s0, $0xA;
	s2 =	sadd.s32 s3, s2  }
0x8d: {  	s2 =	sadd.s32 s2, s16  }
0x8e: {  	[smem:$0x3FA0] =	sst s2  }
0x8f: {  	_ = 	snop  }
0x90: {  	(tm) =	ssettm $0x1  }
0x91: {  	s17 =	sld [smem:$0x3FFB];
	_ =	sdelay $0x3  }
0x92: {  	_ =	strace s17  }
0x93: {  	s2 =	sld [smem:$0x3FFC];
	_ =	sdelay $0x3  }
0x94: {  	_ =	strace s2  }
0x95: {  	s2 =	sld [smem:$0x3FFD];
	_ =	sdelay $0x3  }
0x96: {  	_ =	strace s2  }
0x97: {  	_ =	strace $0x8FFFFFFF  }
0x98: {  	s18 =	sld [smem:$0x3FDB];
	_ =	sdelay $0x1  }
0x99: {  	s19 =	simm.s32 $_scs_section_size  }
0x9a: {  	s4 =	simm.s32 $_size__tile_overlayer_lowered;
	s5 =	simm.s32 $_tile_overlayer_lowered  }
0x9b: {  	s22 =	simm.s32 $0x1BFF;
	s21 =	sshll.u32 s5, $0x1;
	s2 =	sadd.s32 s19, s18  }
0x9c: {  	s6 =	simm.s32 $0x0;
	s20 =	sshll.u32 s4, $0x1;
	s4 =	sadd.s32 s21, s2  }
0x9d: {  	[timem:s6], [sflag:s22] =	dma.local [hbm:s4], s20  }
0x9e: {  	_ =	swait.ge [sflag:s22], s20  }
0x9f: {  	s3 =	ssub.s32 $0x0, s20;
	[sflag:s22] =	ssyncset.done $0x0  }
0xa0: {  	[sflag:s22] =	ssyncadd.s32 s3;
	_ =	sdelay $0x1  }
0xa1: {  	s23 =	simm.s32 $0x1B8B  }
0xa2: {  	_ =	swait.ge [sflag:s23], $0x1  }
0xa3: {  	[sflag:s23] =	ssyncset.done $0x0  }
0xa4: {  	s25 =	simm.s32 $0x1B8E;
	s24 =	sld [smem:$0x3FFE];
	[sflag:s23] =	ssyncadd.s32 $0xFFFFFFFF  }
0xa5: {  	s26 =	simm.s32 $execute0_lowered;
	[smem:$0x3FD2] =	sst s25  }
0xa6: {  	s4 =	sshll.u32 s26, $0x1;
	_ =	strace $0x80000049;
	[dreg:$0x1] =	wrdreg $0xFFFFFFFF  }
0xa7: {  	s28 =	simm.s32 $_size_execute0_lowered;
	s2 =	sadd.s32 s2, s4;
	[dreg:$0x0] =	wrdreg $0x0  }
0xa8: {  	s4 =	sshll.u32 s28, $0x1;
	[dreg:$0x2] =	wrdreg s2  }
0xa9: {  	[dreg:$0x3] =	wrdreg s4  }
0xaa: {  	[dreg:$0x4] =	wrdreg $0xC0  }
0xab: {  	_ =	task [dreg:s6], $0x5FFFF  }
0xac: {  	[dreg:$0x1] =	wrdreg $0xFFFFFFFF  }
0xad: {  	[dreg:$0x0] =	wrdreg $0x60  }
0xae: {  	[dreg:$0x2] =	wrdreg s24  }
0xaf: {  	[dreg:$0x3] =	wrdreg $0xBB000  }
0xb0: {  	[dreg:$0x4] =	wrdreg $0x9  }
0xb1: {  	_ =	task.clear_ibuf [dreg:s6], $0x5FFFF;
	_ =	strace $0x90000049  }
0xb2: {  	s29 =	simm.s32 $0x9;
	_ =	strace $0x8000004B  }
0xb3: {  	_ =	swait.ge [sflag:s29], $0x1  }
0xb4: {  	[sflag:s29] =	ssyncadd.s32 $0xFFFFFFFF  }
0xb5: {  	_ =	strace $0x9000004B  }
0xb6: {  	_ =	sfence  }
0xb7: {  	s30 =	sld [smem:$0x0];
	_ =	sdelay $0x2  }
0xb8: {  	s31 =	sshll.u32 s1, $0xD;
	s1 =	sshrl.u32 s1, $0x2  }
0xb9: {  	s3 =	sand.u32 $0x4000, s31;
	s1 =	sadd.s32 s1, s30  }
0xba: {  	s0 =	sor.u32 s3, s0;
	s1 =	sshll.u32 s1, $0x11  }
0xbb: {  	s0 =	sor.u32 s1, s0  }
0xbc: {  	s0 =	sadd.s32 $0x8F2B, s0  }
0xbd: {  	[sflag:s0] =	ssyncadd.remote.s32 $0x1  }
0xbe: {  	_ =	sfence.sel $0xFFFF  }
0xbf: {  	[dreg:$0x0] =	wrdreg $0xFFFFFFFF;
	(pc) =	sbr.abs _section_cstart, $3  }
0xc0: {  	[dreg:$0x1] =	wrdreg $0xFFFFFFFF  }
0xc1: {  	_ =	task.clear_ibuf [dreg:s6], $0x2FFFF;
	_ =	strace $0x9FFFFFFF  }
0xc2: {  	(tm) =	ssettm $0x7FFFFFFF  }
0xc3: {  	_ =	shalt  }
tec
execute0_lowered:
.L_overlay_start_1:
0x0: {  	(tag) =	ssettag $0x1  }
0x1: {  	s0 =	rddreg [dreg:$0x0]  }
0x2: {  	s1 =	rddreg [dreg:$0x1];
	s2 =	srdreg.scid;
	s4 =	simm.s32 $0x0  }
0x3: {  	s7 =	stileid.u32;
	s16 =	simm.s32 $0x7;
	s17 =	simm.s32 $0x50  }
0x4: {  	s18 =	simm.s32 $0x4000;
	s19 =	simm.s32 $0x4300;
	s20 =	simm.s32 $0x4080  }
0x5: {  	s28 =	simm.s32 $0x4200;
	s29 =	simm.s32 $0x3;
	s30 =	simm.s32 $0x4280  }
0x6: {  	s31 =	simm.s32 $0x4;
	s2 =	sand.u32 $0x1, s2;
	s5 =	smul.u32 $0x13C00, s7  }
0x7: {  	[smem:$0x7FF] =	sst s4;
	s4 =	sadd.s32 $0x16800, s0;
	s22 =	smul.u32 $0x4F000, s7  }
0x8: {  	s6 =	sshll.u32 s7, $0xB;
	s3 =	smul.u32 $0x13C000, s2;
	_ =	strace $0x8000004A  }
0x9: {  	s21 =	sadd.s32 s6, s0;
	s23 =	ssub.s32 $0x2, s2;
	s2 =	sshll.u32 s2, $0xF  }
0xa: {  	s24 =	sshrl.u32 s23, $0x1;
	s2 =	sadd.s32 s2, s21;
	s25 =	sshrl.u32 s22, $0x2  }
0xb: {  	s21 =	simm.s32 $0x6B00;
	s22 =	simm.s32 $0x9300;
	s3 =	sadd.s32 s5, s3  }
0xc: {  	s2 =	sadd.s32 $0x6800, s2;
	s6 =	sadd.s32 s25, s1;
	s25 =	simm.s32 $0x4180  }
0xd: {  	s3 =	sshrl.u32 s3, $0x3;
	[dreg:$0x3] =	wrdreg s2;
	s26 =	sadd.s32 $0x11800, s6  }
0xe: {  	s10 =	sadd.s32 $0x2800, s6;
	s11 =	sadd.s32 $0x5000, s6;
	s12 =	sadd.s32 $0x7800, s6  }
.Ltmp0:
0xf: {  	s13 =	sadd.s32 $0xA000, s6;
	s14 =	sadd.s32 $0xC800, s6;
	(pc) =	sbr.rel .LBB2_1-.Ltmp0, $4  }
0x10: {  	s15 =	sadd.s32 $0xF000, s6;
	s2 =	simm.s32 $0x0;
	s0 =	sadd.s32 s3, s0  }
0x11: {  	s3 =	ssub.s32 s23, s24;
	[dreg:$0x4] =	wrdreg s26;
	s23 =	simm.s32 $0x4100  }
0x12: {  	s24 =	simm.s32 $0x1;
	s26 =	simm.s32 $0x2;
	s8 =	sadd.s32 $0x3DA00, s0  }
0x13: {  	v0 =	vimm.f32 $0.0e+00;
	s9 =	smax.u32 s3, $0x1;
	s0 =	simm.s32 $0x5;
	s3 =	simm.s32 $0x6  }
.LBB2_8:
0x14: {  	_ =	swait.ge [sflag:s31], $0x2800  }
0x15: {  	[sflag:s31] =	ssyncset.done $0x0  }
0x16: {  	[sflag:s31] =	ssyncadd.s32 $0xFFFFD800  }
0x17: {  	_ =	swait.ge [sflag:s0], $0x2800  }
0x18: {  	[sflag:s0] =	ssyncset.done $0x0  }
0x19: {  	[sflag:s0] =	ssyncadd.s32 $0xFFFFD800  }
0x1a: {  	s5 =	stileid.u32;
	_ =	swait.ge [sflag:s3], $0x2800  }
0x1b: {  	s7 =	sshrl.u32 s6, $0x3;
	s2 =	sadd.s32 $0x1, s2;
	[sflag:s3] =	ssyncset.done $0x0  }
0x1c: {  	s5 =	sshll.u32 s5, $0x6;
	p0 =	sne.s32 s2, s9;
	[sflag:s3] =	ssyncadd.s32 $0xFFFFD800  }
.Ltmp1:
0x1d: {  	s5 =	sor.u32 $0x1C07, s5;
	[bflag:$0x0] =	sbarrier.arrive $0xFFFF;
	(pc) =	sbr.rel @!p0 .LBB2_9-.Ltmp1, $4  }
0x1e: {  	[hbm:s8], [sflag:s5] =	dma.local [spmem:s7], $0x2780  }
0x1f: {  	_ =	swait.ge [sflag:s16], $0x2780  }
0x20: {  	[sflag:s16] =	ssyncset.done $0x0  }
0x21: {  	[sflag:s16] =	ssyncadd.s32 $0xFFFFD880  }
.LBB2_1:
0x22: {  	s5 =	simm.s32 $0x0;
	s7 =	rddreg [dreg:$0x3]  }
0x23: {  	[tilespmem:s5], [sflag:$0x7] =	stream.linear.gather [hbm4b:s7+s5], $0x3F00, $0x38;
	[tilespmem:$0x1F700] =	vst v63  }
0x24: {  	_ =	swait.ge [sflag:s16], $0x3F00  }
0x25: {  	[sflag:s16] =	ssyncset.done $0x0  }
0x26: {  	[sflag:s16] =	ssyncadd.s32 $0xFFFFC100  }
0x27: {  	v1 =	vld [tilespmem:$0x0];
	_ =	sdelay $0x1  }
0x28: {  	v2 =	vld [tilespmem:$0x10];
	_ =	sdelay $0x1  }
0x29: {  	v3 =	vld [tilespmem:$0x20]  }
0x2a: {  	v4 =	vand.u32 $0x3FFF, v1  }
0x2b: {  	v61 =	vld [tilespmem:$0x30];
	v1 =	vshrl.u32 v1, $0xE;
	[tilespmem:$0x4000] =	vst v4  }
0x2c: {  	[tilespmem:$0x4180] =	vst v1;
	v1 =	vand.u32 $0x3FFF, v2  }
0x2d: {  	[tilespmem:$0x4010] =	vst v1;
	v1 =	vshrl.u32 v2, $0xE;
	v2 =	vld [tilespmem:$0x40]  }
0x2e: {  	[tilespmem:$0x4190] =	vst v1;
	v1 =	vand.u32 $0x3FFF, v3  }
0x2f: {  	[tilespmem:$0x4020] =	vst v1;
	v1 =	vshrl.u32 v3, $0xE  }
0x30: {  	[tilespmem:$0x41A0] =	vst v1;
	v1 =	vand.u32 $0x3FFF, v61  }
0x31: {  	[tilespmem:$0x4030] =	vst v1;
	v1 =	vshrl.u32 v61, $0xE  }
0x32: {  	[tilespmem:$0x41B0] =	vst v1;
	v1 =	vand.u32 $0x3FFF, v2  }
0x33: {  	[tilespmem:$0x4040] =	vst v1;
	v1 =	vshrl.u32 v2, $0xE  }
0x34: {  	[tilespmem:$0x41C0] =	vst v1  }
0x35: {  	[tilespmem:s19], [sflag:$0x1] =	stream.indirect.gather [hbm4b:s4+s17], $0x80, s18, s17, $0xb8;
	[tilespmem:$0x1F700] =	vst v63  }
0x36: {  	v1 =	vld [tilespmem:$0x80];
	_ =	sdelay $0x1  }
0x37: {  	v2 =	vld [tilespmem:$0x90];
	_ =	sdelay $0x1  }
0x38: {  	v3 =	vld [tilespmem:$0xA0]  }
0x39: {  	v62 =	vand.u32 $0x3FFF, v1  }
0x3a: {  	v63 =	vld [tilespmem:$0xB0];
	v1 =	vshrl.u32 v1, $0xE;
	[tilespmem:$0x4080] =	vst v62  }
0x3b: {  	[tilespmem:$0x4200] =	vst v1;
	v1 =	vand.u32 $0x3FFF, v2  }
0x3c: {  	[tilespmem:$0x4090] =	vst v1;
	v1 =	vshrl.u32 v2, $0xE;
	v2 =	vld [tilespmem:$0xC0]  }
0x3d: {  	[tilespmem:$0x4210] =	vst v1;
	v1 =	vand.u32 $0x3FFF, v3  }
0x3e: {  	[tilespmem:$0x40A0] =	vst v1;
	v1 =	vshrl.u32 v3, $0xE  }
0x3f: {  	[tilespmem:$0x4220] =	vst v1;
	v1 =	vand.u32 $0x3FFF, v63  }
0x40: {  	[tilespmem:$0x40B0] =	vst v1;
	v1 =	vshrl.u32 v63, $0xE  }
0x41: {  	[tilespmem:$0x4230] =	vst v1;
	v1 =	vand.u32 $0x3FFF, v2  }
0x42: {  	[tilespmem:$0x40C0] =	vst v1;
	v1 =	vshrl.u32 v2, $0xE  }
0x43: {  	s5 =	simm.s32 $0x0;
	s7 =	simm.s32 $0x200;
	[tilespmem:$0x4240] =	vst v1  }
0x44: {  	[tilespmem:s21], [sflag:$0x2] =	stream.indirect.gather [hbm4b:s4+s17], $0x80, s20, s17, $0xb8;
	[tilespmem:$0x1F700] =	vst v63  }
.LBB2_2:
0x45: {  	p0 =	sne.s32 s7, $0x9E00;
	[tilespmem:s5+$0x9370] =	vst v0  }
0x46: {  	[tilespmem:s5+$0x9300] =	vst v0  }
0x47: {  	[tilespmem:s5+$0x9310] =	vst v0  }
.Ltmp2:
0x48: {  	[tilespmem:s5+$0x9320] =	vst v0;
	(pc) =	sbr.rel @p0 .LBB2_2-.Ltmp2, $4  }
0x49: {  	[tilespmem:s5+$0x9330] =	vst v0  }
0x4a: {  	[tilespmem:s5+$0x9340] =	vst v0  }
0x4b: {  	[tilespmem:s5+$0x9350] =	vst v0  }
0x4c: {  	[tilespmem:s5+$0x9360] =	vst v0;
	s5 =	sshra.s32 s7, $0x2;
	s7 =	sadd.s32 $0x200, s7  }
0x4d: {  	[tilespmem:s5+$0x9370] =	vst v0  }
0x4e: {  	[tilespmem:s5+$0x9300] =	vst v0  }
0x4f: {  	[tilespmem:s5+$0x9310] =	vst v0  }
0x50: {  	[tilespmem:s5+$0x9320] =	vst v0  }
0x51: {  	[tilespmem:s5+$0x9330] =	vst v0  }
0x52: {  	[tilespmem:s5+$0x9340] =	vst v0  }
0x53: {  	[tilespmem:s5+$0x9350] =	vst v0  }
0x54: {  	[tilespmem:s5+$0x9360] =	vst v0  }
0x55: {  	[spmem:s6] =	stream.linear.scatter [tilespmem:s22], [sflag:$0x7], $0x2800, $0x38;
	[tilespmem:$0x1F700] =	vst v63  }
0x56: {  	_ =	swait.ge [sflag:s16], $0x2800  }
0x57: {  	[sflag:s16] =	ssyncset.done $0x0  }
0x58: {  	[sflag:s16] =	ssyncadd.s32 $0xFFFFD800  }
0x59: {  	[spmem:s10] =	stream.linear.scatter [tilespmem:s22], [sflag:$0x7], $0x2800, $0x38;
	[tilespmem:$0x1F700] =	vst v63  }
0x5a: {  	_ =	swait.ge [sflag:s16], $0x2800  }
0x5b: {  	[sflag:s16] =	ssyncset.done $0x0  }
0x5c: {  	[sflag:s16] =	ssyncadd.s32 $0xFFFFD800  }
0x5d: {  	[spmem:s11] =	stream.linear.scatter [tilespmem:s22], [sflag:$0x7], $0x2800, $0x38;
	[tilespmem:$0x1F700] =	vst v63  }
0x5e: {  	_ =	swait.ge [sflag:s16], $0x2800  }
0x5f: {  	[sflag:s16] =	ssyncset.done $0x0  }
0x60: {  	[sflag:s16] =	ssyncadd.s32 $0xFFFFD800  }
0x61: {  	[spmem:s12] =	stream.linear.scatter [tilespmem:s22], [sflag:$0x7], $0x2800, $0x38;
	[tilespmem:$0x1F700] =	vst v63  }
0x62: {  	_ =	swait.ge [sflag:s16], $0x2800  }
0x63: {  	[sflag:s16] =	ssyncset.done $0x0  }
0x64: {  	[sflag:s16] =	ssyncadd.s32 $0xFFFFD800  }
0x65: {  	[spmem:s13] =	stream.linear.scatter [tilespmem:s22], [sflag:$0x7], $0x2800, $0x38;
	[tilespmem:$0x1F700] =	vst v63  }
0x66: {  	_ =	swait.ge [sflag:s16], $0x2800  }
0x67: {  	[sflag:s16] =	ssyncset.done $0x0  }
0x68: {  	[sflag:s16] =	ssyncadd.s32 $0xFFFFD800  }
0x69: {  	[spmem:s14] =	stream.linear.scatter [tilespmem:s22], [sflag:$0x7], $0x2800, $0x38;
	[tilespmem:$0x1F700] =	vst v63  }
0x6a: {  	_ =	swait.ge [sflag:s16], $0x2800  }
0x6b: {  	[sflag:s16] =	ssyncset.done $0x0  }
0x6c: {  	[sflag:s16] =	ssyncadd.s32 $0xFFFFD800  }
0x6d: {  	[spmem:s15] =	stream.linear.scatter [tilespmem:s22], [sflag:$0x7], $0x2800, $0x38;
	[tilespmem:$0x1F700] =	vst v63  }
0x6e: {  	_ =	swait.ge [sflag:s16], $0x2800  }
0x6f: {  	[sflag:s16] =	ssyncset.done $0x0  }
0x70: {  	s7 =	rddreg [dreg:$0x4];
	[sflag:s16] =	ssyncadd.s32 $0xFFFFD800  }
0x71: {  	[spmem:s7] =	stream.linear.scatter [tilespmem:s22], [sflag:$0x7], $0x2400, $0x38;
	[tilespmem:$0x1F700] =	vst v63  }
.Ltmp3:
0x72: {  	_ =	swait.ge [sflag:s16], $0x2400;
	(pc) =	sbr.rel .LBB2_4-.Ltmp3, $4  }
0x73: {  	[sflag:s16] =	ssyncset.done $0x0  }
0x74: {  	[sflag:s16] =	ssyncadd.s32 $0xFFFFDC00  }
0x75: {  	[bflag:$0x0] =	sbarrier.arrive $0xFFFF  }
0x76: {  	s5 =	simm.s32 $0x0  }
.LBB2_6:
0x77: {  	_ =	swait.ge [sflag:s26], $0x2800  }
0x78: {  	[sflag:s26] =	ssyncset.done $0x0  }
0x79: {  	[sflag:s26] =	ssyncadd.s32 $0xFFFFD800  }
0x7a: {  	[spmem:s1] =	stream.indirect.scatter.add.f32 [tilespmem:s21], [sflag:$0x5], $0x80, s28, s17, $0xb8;
	[tilespmem:$0x1F700] =	vst v63  }
.LBB2_7:
0x7b: {  	s5 =	sadd.s32 $0x600, s5  }
0x7c: {  	p0 =	sne.s32 s5, $0xFC00  }
.Ltmp4:
0x7d: {  	_ = 	snop;
	(pc) =	sbr.rel @!p0 .LBB2_8-.Ltmp4, $4  }
0x7e: {  	_ =	swait.ge [sflag:s29], $0x2800  }
0x7f: {  	[sflag:s29] =	ssyncset.done $0x0  }
0x80: {  	[sflag:s29] =	ssyncadd.s32 $0xFFFFD800  }
0x81: {  	[spmem:s1] =	stream.indirect.scatter.add.f32 [tilespmem:s22], [sflag:$0x6], $0x80, s30, s17, $0xb8;
	[tilespmem:$0x1F700] =	vst v63  }
.LBB2_4:
0x82: {  	p0 =	seq.s32 s5, $0x0  }
0x83: {  	s7 =	simm.s32 @!p0 $0x6  }
0x84: {  	_ =	swait.ge @!p0 [sflag:s7], $0x2800  }
0x85: {  	[sflag:s7] =	ssyncset.done @!p0 $0x0  }
0x86: {  	[sflag:s7] =	ssyncadd.s32 @!p0 $0xFFFFD800;
	s7 =	sshra.s32 s5, $0x2  }
0x87: {  	v1 =	vld [tilespmem:s7+$0x100];
	_ =	sdelay $0x4  }
0x88: {  	v2 =	vand.u32 $0x3FFF, v1  }
0x89: {  	v1 =	vshrl.u32 v1, $0xE;
	[tilespmem:$0x4100] =	vst v2  }
0x8a: {  	[tilespmem:$0x4280] =	vst v1  }
0x8b: {  	v1 =	vld [tilespmem:s7+$0x110];
	_ =	sdelay $0x4  }
0x8c: {  	v2 =	vand.u32 $0x3FFF, v1  }
0x8d: {  	v1 =	vshrl.u32 v1, $0xE;
	[tilespmem:$0x4110] =	vst v2  }
0x8e: {  	[tilespmem:$0x4290] =	vst v1  }
0x8f: {  	v1 =	vld [tilespmem:s7+$0x120];
	_ =	sdelay $0x4  }
0x90: {  	v2 =	vand.u32 $0x3FFF, v1  }
0x91: {  	v1 =	vshrl.u32 v1, $0xE;
	[tilespmem:$0x4120] =	vst v2  }
0x92: {  	[tilespmem:$0x42A0] =	vst v1  }
0x93: {  	v1 =	vld [tilespmem:s7+$0x130];
	_ =	sdelay $0x4  }
0x94: {  	v2 =	vand.u32 $0x3FFF, v1  }
0x95: {  	v1 =	vshrl.u32 v1, $0xE;
	[tilespmem:$0x4130] =	vst v2  }
0x96: {  	[tilespmem:$0x42B0] =	vst v1  }
0x97: {  	v1 =	vld [tilespmem:s7+$0x140];
	_ =	sdelay $0x4  }
0x98: {  	v2 =	vand.u32 $0x3FFF, v1  }
0x99: {  	v1 =	vshrl.u32 v1, $0xE;
	[tilespmem:$0x4140] =	vst v2  }
0x9a: {  	p0 =	seq.s32 s5, $0xF600;
	[tilespmem:$0x42C0] =	vst v1  }
0x9b: {  	[tilespmem:s22], [sflag:$0x3] =	stream.indirect.gather [hbm4b:s4+s17], $0x80, s23, s17, $0xb8;
	[tilespmem:$0x1F700] =	vst v63  }
.Ltmp5:
0x9c: {  	_ = 	snop;
	(pc) =	sbr.rel @p0 .LBB2_6-.Ltmp5, $4  }
0x9d: {  	_ =	swait.ge [sflag:s24], $0x2800  }
0x9e: {  	[sflag:s24] =	ssyncset.done $0x0  }
0x9f: {  	[sflag:s24] =	ssyncadd.s32 $0xFFFFD800  }
0xa0: {  	[spmem:s1] =	stream.indirect.scatter.add.f32 [tilespmem:s19], [sflag:$0x4], $0x80, s25, s17, $0xb8;
	[tilespmem:$0x1F700] =	vst v63  }
0xa1: {  	_ =	swait.ge [sflag:s31], $0x2800  }
0xa2: {  	[sflag:s31] =	ssyncset.done $0x0  }
0xa3: {  	[sflag:s31] =	ssyncadd.s32 $0xFFFFD800  }
0xa4: {  	v1 =	vld [tilespmem:s7+$0x180];
	_ =	sdelay $0x4  }
0xa5: {  	v2 =	vand.u32 $0x3FFF, v1  }
0xa6: {  	v1 =	vshrl.u32 v1, $0xE;
	[tilespmem:$0x4000] =	vst v2  }
0xa7: {  	[tilespmem:$0x4180] =	vst v1  }
0xa8: {  	v1 =	vld [tilespmem:s7+$0x190];
	_ =	sdelay $0x4  }
0xa9: {  	v2 =	vand.u32 $0x3FFF, v1  }
0xaa: {  	v1 =	vshrl.u32 v1, $0xE;
	[tilespmem:$0x4010] =	vst v2  }
0xab: {  	[tilespmem:$0x4190] =	vst v1  }
0xac: {  	v1 =	vld [tilespmem:s7+$0x1A0];
	_ =	sdelay $0x4  }
0xad: {  	v2 =	vand.u32 $0x3FFF, v1  }
0xae: {  	v1 =	vshrl.u32 v1, $0xE;
	[tilespmem:$0x4020] =	vst v2  }
0xaf: {  	[tilespmem:$0x41A0] =	vst v1  }
0xb0: {  	v1 =	vld [tilespmem:s7+$0x1B0];
	_ =	sdelay $0x4  }
0xb1: {  	v2 =	vand.u32 $0x3FFF, v1  }
0xb2: {  	v1 =	vshrl.u32 v1, $0xE;
	[tilespmem:$0x4030] =	vst v2  }
0xb3: {  	[tilespmem:$0x41B0] =	vst v1  }
0xb4: {  	v1 =	vld [tilespmem:s7+$0x1C0];
	_ =	sdelay $0x4  }
0xb5: {  	v2 =	vand.u32 $0x3FFF, v1  }
0xb6: {  	v1 =	vshrl.u32 v1, $0xE;
	[tilespmem:$0x4040] =	vst v2  }
0xb7: {  	[tilespmem:$0x41C0] =	vst v1  }
0xb8: {  	[tilespmem:s19], [sflag:$0x1] =	stream.indirect.gather [hbm4b:s4+s17], $0x80, s18, s17, $0xb8;
	[tilespmem:$0x1F700] =	vst v63  }
0xb9: {  	_ =	swait.ge [sflag:s26], $0x2800  }
0xba: {  	[sflag:s26] =	ssyncset.done $0x0  }
0xbb: {  	[sflag:s26] =	ssyncadd.s32 $0xFFFFD800  }
0xbc: {  	[spmem:s1] =	stream.indirect.scatter.add.f32 [tilespmem:s21], [sflag:$0x5], $0x80, s28, s17, $0xb8;
	[tilespmem:$0x1F700] =	vst v63  }
0xbd: {  	_ =	swait.ge [sflag:s0], $0x2800  }
0xbe: {  	[sflag:s0] =	ssyncset.done $0x0  }
0xbf: {  	[sflag:s0] =	ssyncadd.s32 $0xFFFFD800  }
0xc0: {  	v1 =	vld [tilespmem:s7+$0x200];
	_ =	sdelay $0x4  }
0xc1: {  	v2 =	vand.u32 $0x3FFF, v1  }
0xc2: {  	v1 =	vshrl.u32 v1, $0xE;
	[tilespmem:$0x4080] =	vst v2  }
0xc3: {  	[tilespmem:$0x4200] =	vst v1  }
0xc4: {  	v1 =	vld [tilespmem:s7+$0x210];
	_ =	sdelay $0x4  }
0xc5: {  	v2 =	vand.u32 $0x3FFF, v1  }
0xc6: {  	v1 =	vshrl.u32 v1, $0xE;
	[tilespmem:$0x4090] =	vst v2  }
0xc7: {  	[tilespmem:$0x4210] =	vst v1  }
0xc8: {  	v1 =	vld [tilespmem:s7+$0x220];
	_ =	sdelay $0x4  }
0xc9: {  	v2 =	vand.u32 $0x3FFF, v1  }
0xca: {  	v1 =	vshrl.u32 v1, $0xE;
	[tilespmem:$0x40A0] =	vst v2  }
0xcb: {  	[tilespmem:$0x4220] =	vst v1  }
0xcc: {  	v1 =	vld [tilespmem:s7+$0x230];
	_ =	sdelay $0x4  }
0xcd: {  	v2 =	vand.u32 $0x3FFF, v1  }
0xce: {  	v1 =	vshrl.u32 v1, $0xE;
	[tilespmem:$0x40B0] =	vst v2  }
0xcf: {  	[tilespmem:$0x4230] =	vst v1  }
0xd0: {  	v1 =	vld [tilespmem:s7+$0x240];
	_ =	sdelay $0x3  }
.Ltmp6:
0xd1: {  	_ = 	snop;
	(pc) =	sbr.rel .LBB2_7-.Ltmp6, $4  }
0xd2: {  	v2 =	vand.u32 $0x3FFF, v1  }
0xd3: {  	v1 =	vshrl.u32 v1, $0xE;
	[tilespmem:$0x40C0] =	vst v2  }
0xd4: {  	[tilespmem:$0x4240] =	vst v1  }
0xd5: {  	[tilespmem:s21], [sflag:$0x2] =	stream.indirect.gather [hbm4b:s4+s17], $0x80, s20, s17, $0xb8;
	[tilespmem:$0x1F700] =	vst v63  }
.LBB2_9:
0xd6: {  	_ =	sfence.sel $0x180000  }
0xd7: {  	[bflag:$0x0] =	sbarrier.arrive $0xFFFF  }
0xd8: {  	_ =	strace $0x9000004A  }
0xd9: {  	s0 =	stileid.u32;
	[bflag:$0x2] =	sbarrier.arrive $0xFFFF  }
0xda: {  	p0 =	sne.s32 s0, $0x0;
	s0 =	rddreg [dreg:$0x2]  }
0xdb: {  	s0 =	sadd.s32 @!p0 $0x100000, s0  }
0xdc: {  	[sflag:s0] =	ssyncadd.tile.s32 @!p0 $0x1;
	_ =	shalt  }
.Lfunc_end2:
_tile_overlayer_lowered:
.L_overlay_start_2:
0xdd: {  	(tag) =	ssettag $0x2  }
0xde: {  	s0 =	rddreg [dreg:$0x0];
	s2 =	stileid.u32  }
0xdf: {  	s1 =	rddreg [dreg:$0x1];
	p0 =	sne.s32 s2, $0x0  }
0xe0: {  	s3 =	rddreg [dreg:$0x2];
	[bflag:$0x3] =	sbarrier.arrive $0xFFFF;
	s2 =	simm.s32 @!p0 $0x1C07  }
0xe1: {  	[timem:s3], [sflag:s2] =	dma.local @!p0 [hbm:s0], s1  }
0xe2: {  	s0 =	simm.s32 @!p0 $0x7  }
0xe3: {  	_ =	swait.ge @!p0 [sflag:s0], s1  }
0xe4: {  	s1 =	ssub.s32 @!p0 $0x0, s1;
	[sflag:s0] =	ssyncset.done @!p0 $0x0  }
0xe5: {  	[sflag:s0] =	ssyncadd.s32 @!p0 s1  }
0xe6: {  	[bflag:$0x3] =	sbarrier.arrive $0xFFFF  }
0xe7: {  	_ =	shalt  }

// kernel: kernel.16.cloned.1.call-start
scs
__scs_entry_jumppad:
0x0: {  	(pc) =	sbr.rel $0x88, $3  }
0x1: {  	(tag) =	ssettag $0x0;
	lr =	simm.s32 $0x1  }
0x2: {  	[smem:$0x3F79] =	sst lr;
	_ =	strace $0xD0000000  }
0x3: {  	_ = 	snop  }
0x4: {  	_ = 	snop  }
0x5: {  	_ = 	snop  }
0x6: {  	_ = 	snop  }
0x7: {  	_ = 	snop  }
__scs_overlays_trampoline_lowered:
0x8: {  	[smem:$0x3F88] =	sst s0  }
0x9: {  	[smem:$0x3F89] =	sst s1  }
0xa: {  	[smem:$0x3F8A] =	sst s2  }
0xb: {  	[smem:$0x3F8B] =	sst s3  }
0xc: {  	[smem:$0x3F8C] =	sst s4  }
0xd: {  	[smem:$0x3F8D] =	sst s5  }
0xe: {  	[smem:$0x3F8E] =	sst s6  }
0xf: {  	[smem:$0x3F8F] =	sst s7  }
0x10: {  	[smem:$0x3F90] =	sst s8  }
0x11: {  	[smem:$0x3F91] =	sst s9;
	s0 =	simm.s32 @!p0 $0x0  }
0x12: {  	s1 =	sld [smem:$0x3F77];
	s0 =	simm.s32 @p0 $0x1  }
0x13: {  	[smem:$0x3F92] =	sst s0;
	s0 =	simm.s32 @!p1 $0x0  }
0x14: {  	s2 =	sld [smem:$0x3F76];
	s0 =	simm.s32 @p1 $0x1  }
0x15: {  	[smem:$0x3F93] =	sst s0;
	s0 =	simm.s32 @!p2 $0x0  }
0x16: {  	s3 =	sld [smem:$0x3FDB];
	s0 =	simm.s32 @p2 $0x1  }
0x17: {  	s4 =	simm.s32 $0x1BF5;
	[smem:$0x3F95] =	sst s0  }
0x18: {  	s0 =	sld [smem:$0x3F78];
	_ =	swait.ge [sflag:s4], $0x0  }
0x19: {  	s7 =	sld [smem:$0x3F79]  }
0x1a: {  	s8 =	sadd.s32 $0xFFFFE003, lr  }
0x1b: {  	s9 =	sadd.s32 $0xFFFFFEF7, lr;
	s5 =	simm.s32 $0xFFFFFFFF;
	p2 =	slt.u32 s8, $0xFFFFF086  }
0x1c: {  	p1 =	slt.u32 s9, $0xF7A;
	s5 =	simm.s32 @!p2 $0x0  }
0x1d: {  	s5 =	simm.s32 @p1 $0x1;
	p0 =	seq.s32 s7, s2  }
0x1e: {  	s7 =	smul.u32 @!p0 $0xF7A, s2;
	p2 =	seq.s32 @!p0 s5, $0x0  }
0x1f: {  	s9 =	smul.u32 $0xF7A, s1;
	s8 =	simm.s32 @!p0 $0x1BF5;
	p2 =	por !p2, p0  }
0x20: {  	[sflag:s8] =	ssyncset.s32 @!p0 $0xFFFFF086;
	s6 =	sadd.s32 @!p0 s3, s7;
	s7 =	simm.s32 @!p0 $0x108  }
0x21: {  	s3 =	sadd.s32 s3, s9;
	s6 =	sadd.s32 @!p0 $0x88, s6;
	s7 =	simm.s32 @p2 $0x1082  }
0x22: {  	[simem:s7], [sflag:s8] =	dma.local @!p0 [hbm:s6], $0xF7A  }
0x23: {  	s9 =	sor.u32 $0xD0000000, s2;
	s6 =	simm.s32 $0x108;
	_ =	swait.ge @!p0 [sflag:s8], $0x0  }
0x24: {  	s3 =	sadd.s32 $0x88, s3;
	s6 =	simm.s32 @!p1 $0x1082;
	[sflag:s4] =	ssyncset.s32 $0xFFFFF086  }
0x25: {  	[simem:s6], [sflag:s4] =	dma.local [hbm:s3], $0xF7A  }
0x26: {  	[smem:$0x3F79] =	sst s1;
	(tag) =	ssettag s2;
	_ =	strace s9  }
0x27: {  	s1 =	sld [smem:$0x3F89]  }
0x28: {  	s2 =	sld [smem:$0x3F8A]  }
0x29: {  	s4 =	sld [smem:$0x3F8C]  }
0x2a: {  	p0 =	seq.s32 s5, $0x0;
	s5 =	sld [smem:$0x3F8D]  }
0x2b: {  	s6 =	sld [smem:$0x3F8E]  }
0x2c: {  	s7 =	sld [smem:$0x3F8F]  }
0x2d: {  	s3 =	simm.s32 $0x108;
	s8 =	sld [smem:$0x3F90]  }
0x2e: {  	s3 =	simm.s32 @!p0 $0x1082;
	s9 =	sld [smem:$0x3F91]  }
0x2f: {  	lr =	sadd.s32 s0, s3;
	s0 =	sld [smem:$0x3F88]  }
0x30: {  	s3 =	sld [smem:$0x3F8B]  }
0x31: {  	[smem:$0x3F94] =	sst s10  }
0x32: {  	s10 =	sld [smem:$0x3F92];
	_ =	sdelay $0x3  }
0x33: {  	p0 =	seq.s32 s10, $0x1;
	s10 =	sld [smem:$0x3F94];
	_ =	sdelay $0x3  }
0x34: {  	[smem:$0x3F94] =	sst s10  }
0x35: {  	s10 =	sld [smem:$0x3F93];
	_ =	sdelay $0x3  }
0x36: {  	p1 =	seq.s32 s10, $0x1;
	s10 =	sld [smem:$0x3F94];
	_ =	sdelay $0x3  }
0x37: {  	[smem:$0x3F94] =	sst s10  }
0x38: {  	s10 =	sld [smem:$0x3F95]  }
0x39: {  	_ = 	snop;
	(pc) =	sbr.ind lr, $3  }
0x3a: {  	_ = 	snop  }
0x3b: {  	_ = 	snop  }
0x3c: {  	p2 =	seq.s32 s10, $0x1;
	s10 =	sld [smem:$0x3F94]  }
0x3d: {  	_ =	shalt  }
0x3e: {  	_ =	shalt  }
0x3f: {  	_ =	shalt  }
0x40: {  	_ =	shalt  }
0x41: {  	_ =	shalt  }
0x42: {  	_ =	shalt  }
0x43: {  	_ =	shalt  }
0x44: {  	_ =	shalt  }
0x45: {  	_ =	shalt  }
0x46: {  	_ =	shalt  }
0x47: {  	_ =	shalt  }
0x48: {  	_ =	shalt  }
0x49: {  	_ =	shalt  }
0x4a: {  	_ =	shalt  }
0x4b: {  	_ =	shalt  }
0x4c: {  	_ =	shalt  }
0x4d: {  	_ =	shalt  }
0x4e: {  	_ =	shalt  }
0x4f: {  	_ =	shalt  }
0x50: {  	_ =	shalt  }
0x51: {  	_ =	shalt  }
0x52: {  	_ =	shalt  }
0x53: {  	_ =	shalt  }
0x54: {  	_ =	shalt  }
0x55: {  	_ =	shalt  }
0x56: {  	_ =	shalt  }
0x57: {  	_ =	shalt  }
0x58: {  	_ =	shalt  }
0x59: {  	_ =	shalt  }
0x5a: {  	_ =	shalt  }
0x5b: {  	_ =	shalt  }
0x5c: {  	_ =	shalt  }
0x5d: {  	_ =	shalt  }
0x5e: {  	_ =	shalt  }
0x5f: {  	_ =	shalt  }
0x60: {  	_ =	shalt  }
0x61: {  	_ =	shalt  }
0x62: {  	_ =	shalt  }
0x63: {  	_ =	shalt  }
0x64: {  	_ =	shalt  }
0x65: {  	_ =	shalt  }
0x66: {  	_ =	shalt  }
0x67: {  	_ =	shalt  }
0x68: {  	_ =	shalt  }
0x69: {  	_ =	shalt  }
0x6a: {  	_ =	shalt  }
0x6b: {  	_ =	shalt  }
0x6c: {  	_ =	shalt  }
0x6d: {  	_ =	shalt  }
0x6e: {  	_ =	shalt  }
0x6f: {  	_ =	shalt  }
0x70: {  	_ =	shalt  }
0x71: {  	_ =	shalt  }
0x72: {  	_ =	shalt  }
0x73: {  	_ =	shalt  }
0x74: {  	_ =	shalt  }
0x75: {  	_ =	shalt  }
0x76: {  	_ =	shalt  }
0x77: {  	_ =	shalt  }
0x78: {  	_ =	shalt  }
0x79: {  	_ =	shalt  }
0x7a: {  	_ =	shalt  }
0x7b: {  	_ =	shalt  }
0x7c: {  	_ =	shalt  }
0x7d: {  	_ =	shalt  }
0x7e: {  	_ =	shalt  }
0x7f: {  	_ =	shalt  }
0x80: {  	_ =	shalt  }
0x81: {  	_ =	shalt  }
0x82: {  	_ =	shalt  }
0x83: {  	_ =	shalt  }
0x84: {  	_ =	shalt  }
0x85: {  	_ =	shalt  }
0x86: {  	_ =	shalt  }
0x87: {  	_ =	shalt  }
.Lfunc_end0:
.L_simem_size_0:
called_computation.2_lowered:
.L_overlay_start_0:
0x88: {  	s2 =	sld [smem:$0x3FD9]  }
0x89: {  	s3 =	sld [smem:$0x3FFE];
	_ =	sdelay $0x1  }
0x8a: {  	s1 =	srdreg.scid  }
0x8b: {  	s0 =	sand.u32 $0x1, s1  }
0x8c: {  	s16 =	sshll.u32 s0, $0xA;
	s2 =	sadd.s32 s3, s2  }
0x8d: {  	s2 =	sadd.s32 s2, s16  }
0x8e: {  	[smem:$0x3FA0] =	sst s2  }
0x8f: {  	_ = 	snop  }
0x90: {  	(tm) =	ssettm $0x1  }
0x91: {  	s17 =	sld [smem:$0x3FFB];
	_ =	sdelay $0x3  }
0x92: {  	_ =	strace s17  }
0x93: {  	s2 =	sld [smem:$0x3FFC];
	_ =	sdelay $0x3  }
0x94: {  	_ =	strace s2  }
0x95: {  	s2 =	sld [smem:$0x3FFD];
	_ =	sdelay $0x3  }
0x96: {  	_ =	strace s2  }
0x97: {  	_ =	strace $0x8FFFFFFF  }
0x98: {  	s18 =	sld [smem:$0x3FDB];
	_ =	sdelay $0x1  }
0x99: {  	s19 =	simm.s32 $_scs_section_size  }
0x9a: {  	s4 =	simm.s32 $_size__tile_overlayer_lowered;
	s5 =	simm.s32 $_tile_overlayer_lowered  }
0x9b: {  	s22 =	simm.s32 $0x1BFF;
	s21 =	sshll.u32 s5, $0x1;
	s2 =	sadd.s32 s19, s18  }
0x9c: {  	s6 =	simm.s32 $0x0;
	s20 =	sshll.u32 s4, $0x1;
	s4 =	sadd.s32 s21, s2  }
0x9d: {  	[timem:s6], [sflag:s22] =	dma.local [hbm:s4], s20  }
0x9e: {  	_ =	swait.ge [sflag:s22], s20  }
0x9f: {  	s3 =	ssub.s32 $0x0, s20;
	[sflag:s22] =	ssyncset.done $0x0  }
0xa0: {  	[sflag:s22] =	ssyncadd.s32 s3;
	_ =	sdelay $0x1  }
0xa1: {  	s23 =	simm.s32 $0x1B8B  }
0xa2: {  	_ =	swait.ge [sflag:s23], $0x1  }
0xa3: {  	[sflag:s23] =	ssyncset.done $0x0  }
0xa4: {  	s25 =	simm.s32 $0x1B8E;
	s24 =	sld [smem:$0x3FFE];
	[sflag:s23] =	ssyncadd.s32 $0xFFFFFFFF  }
0xa5: {  	s26 =	simm.s32 $execute0_lowered;
	[smem:$0x3FD2] =	sst s25  }
0xa6: {  	s4 =	sshll.u32 s26, $0x1;
	_ =	strace $0x8000004C;
	[dreg:$0x1] =	wrdreg $0xFFFFFFFF  }
0xa7: {  	s28 =	simm.s32 $_size_execute0_lowered;
	s2 =	sadd.s32 s2, s4;
	[dreg:$0x0] =	wrdreg $0x0  }
0xa8: {  	s4 =	sshll.u32 s28, $0x1;
	[dreg:$0x2] =	wrdreg s2  }
0xa9: {  	[dreg:$0x3] =	wrdreg s4  }
0xaa: {  	[dreg:$0x4] =	wrdreg $0xC0  }
0xab: {  	_ =	task [dreg:s6], $0x5FFFF  }
0xac: {  	[dreg:$0x1] =	wrdreg $0xFFFFFFFF  }
0xad: {  	[dreg:$0x0] =	wrdreg $0x60  }
0xae: {  	[dreg:$0x2] =	wrdreg s24  }
0xaf: {  	[dreg:$0x3] =	wrdreg $0xBB000  }
0xb0: {  	[dreg:$0x4] =	wrdreg $0x9  }
0xb1: {  	_ =	task.clear_ibuf [dreg:s6], $0x5FFFF;
	_ =	strace $0x9000004C  }
0xb2: {  	s29 =	simm.s32 $0x9;
	_ =	strace $0x8000004E  }
0xb3: {  	_ =	swait.ge [sflag:s29], $0x1  }
0xb4: {  	[sflag:s29] =	ssyncadd.s32 $0xFFFFFFFF  }
0xb5: {  	_ =	strace $0x9000004E  }
0xb6: {  	_ =	sfence  }
0xb7: {  	s30 =	sld [smem:$0x0];
	_ =	sdelay $0x2  }
0xb8: {  	s31 =	sshll.u32 s1, $0xD;
	s1 =	sshrl.u32 s1, $0x2  }
0xb9: {  	s3 =	sand.u32 $0x4000, s31;
	s1 =	sadd.s32 s1, s30  }
0xba: {  	s0 =	sor.u32 s3, s0;
	s1 =	sshll.u32 s1, $0x11  }
0xbb: {  	s0 =	sor.u32 s1, s0  }
0xbc: {  	s0 =	sadd.s32 $0x8F2B, s0  }
0xbd: {  	[sflag:s0] =	ssyncadd.remote.s32 $0x1  }
0xbe: {  	_ =	sfence.sel $0xFFFF  }
0xbf: {  	[dreg:$0x0] =	wrdreg $0xFFFFFFFF;
	(pc) =	sbr.abs _section_cstart, $3  }
0xc0: {  	[dreg:$0x1] =	wrdreg $0xFFFFFFFF  }
0xc1: {  	_ =	task.clear_ibuf [dreg:s6], $0x2FFFF;
	_ =	strace $0x9FFFFFFF  }
0xc2: {  	(tm) =	ssettm $0x7FFFFFFF  }
0xc3: {  	_ =	shalt  }
tec
execute0_lowered:
.L_overlay_start_1:
0x0: {  	(tag) =	ssettag $0x1  }
0x1: {  	s0 =	rddreg [dreg:$0x0]  }
0x2: {  	s1 =	rddreg [dreg:$0x1];
	s2 =	srdreg.scid;
	s4 =	simm.s32 $0x0  }
0x3: {  	s7 =	stileid.u32;
	s16 =	simm.s32 $0x7;
	s17 =	simm.s32 $0x50  }
0x4: {  	s18 =	simm.s32 $0x4000;
	s19 =	simm.s32 $0x4300;
	s20 =	simm.s32 $0x4080  }
0x5: {  	s28 =	simm.s32 $0x4200;
	s29 =	simm.s32 $0x3;
	s30 =	simm.s32 $0x4280  }
0x6: {  	s31 =	simm.s32 $0x4;
	s2 =	sand.u32 $0x1, s2;
	s5 =	smul.u32 $0x13C00, s7  }
0x7: {  	[smem:$0x7FF] =	sst s4;
	s4 =	sadd.s32 $0x16800, s0;
	s22 =	smul.u32 $0x4F000, s7  }
0x8: {  	s6 =	sshll.u32 s7, $0xB;
	s3 =	smul.u32 $0x13C000, s2;
	_ =	strace $0x8000004D  }
0x9: {  	s21 =	sadd.s32 s6, s0;
	s23 =	ssub.s32 $0x2, s2;
	s2 =	sshll.u32 s2, $0xF  }
0xa: {  	s24 =	sshrl.u32 s23, $0x1;
	s2 =	sadd.s32 s2, s21;
	s25 =	sshrl.u32 s22, $0x2  }
0xb: {  	s21 =	simm.s32 $0x6B00;
	s22 =	simm.s32 $0x9300;
	s3 =	sadd.s32 s5, s3  }
0xc: {  	s2 =	sadd.s32 $0x6800, s2;
	s6 =	sadd.s32 s25, s1;
	s25 =	simm.s32 $0x4180  }
0xd: {  	s3 =	sshrl.u32 s3, $0x3;
	[dreg:$0x3] =	wrdreg s2;
	s26 =	sadd.s32 $0x11800, s6  }
0xe: {  	s10 =	sadd.s32 $0x2800, s6;
	s11 =	sadd.s32 $0x5000, s6;
	s12 =	sadd.s32 $0x7800, s6  }
.Ltmp0:
0xf: {  	s13 =	sadd.s32 $0xA000, s6;
	s14 =	sadd.s32 $0xC800, s6;
	(pc) =	sbr.rel .LBB2_1-.Ltmp0, $4  }
0x10: {  	s15 =	sadd.s32 $0xF000, s6;
	s2 =	simm.s32 $0x0;
	s0 =	sadd.s32 s3, s0  }
0x11: {  	s3 =	ssub.s32 s23, s24;
	[dreg:$0x4] =	wrdreg s26;
	s23 =	simm.s32 $0x4100  }
0x12: {  	s24 =	simm.s32 $0x1;
	s26 =	simm.s32 $0x2;
	s8 =	sadd.s32 $0x3DA00, s0  }
0x13: {  	v0 =	vimm.f32 $0.0e+00;
	s9 =	smax.u32 s3, $0x1;
	s0 =	simm.s32 $0x5;
	s3 =	simm.s32 $0x6  }
.LBB2_8:
0x14: {  	_ =	swait.ge [sflag:s31], $0x2800  }
0x15: {  	[sflag:s31] =	ssyncset.done $0x0  }
0x16: {  	[sflag:s31] =	ssyncadd.s32 $0xFFFFD800  }
0x17: {  	_ =	swait.ge [sflag:s0], $0x2800  }
0x18: {  	[sflag:s0] =	ssyncset.done $0x0  }
0x19: {  	[sflag:s0] =	ssyncadd.s32 $0xFFFFD800  }
0x1a: {  	s5 =	stileid.u32;
	_ =	swait.ge [sflag:s3], $0x2800  }
0x1b: {  	s7 =	sshrl.u32 s6, $0x3;
	s2 =	sadd.s32 $0x1, s2;
	[sflag:s3] =	ssyncset.done $0x0  }
0x1c: {  	s5 =	sshll.u32 s5, $0x6;
	p0 =	sne.s32 s2, s9;
	[sflag:s3] =	ssyncadd.s32 $0xFFFFD800  }
.Ltmp1:
0x1d: {  	s5 =	sor.u32 $0x1C07, s5;
	[bflag:$0x0] =	sbarrier.arrive $0xFFFF;
	(pc) =	sbr.rel @!p0 .LBB2_9-.Ltmp1, $4  }
0x1e: {  	[hbm:s8], [sflag:s5] =	dma.local [spmem:s7], $0x2780  }
0x1f: {  	_ =	swait.ge [sflag:s16], $0x2780  }
0x20: {  	[sflag:s16] =	ssyncset.done $0x0  }
0x21: {  	[sflag:s16] =	ssyncadd.s32 $0xFFFFD880  }
.LBB2_1:
0x22: {  	s5 =	simm.s32 $0x0;
	s7 =	rddreg [dreg:$0x3]  }
0x23: {  	[tilespmem:s5], [sflag:$0x7] =	stream.linear.gather [hbm4b:s7+s5], $0x3F00, $0x38;
	[tilespmem:$0x1F700] =	vst v63  }
0x24: {  	_ =	swait.ge [sflag:s16], $0x3F00  }
0x25: {  	[sflag:s16] =	ssyncset.done $0x0  }
0x26: {  	[sflag:s16] =	ssyncadd.s32 $0xFFFFC100  }
0x27: {  	v1 =	vld [tilespmem:$0x0];
	_ =	sdelay $0x1  }
0x28: {  	v2 =	vld [tilespmem:$0x10];
	_ =	sdelay $0x1  }
0x29: {  	v3 =	vld [tilespmem:$0x20]  }
0x2a: {  	v4 =	vand.u32 $0x3FFF, v1  }
0x2b: {  	v61 =	vld [tilespmem:$0x30];
	v1 =	vshrl.u32 v1, $0xE;
	[tilespmem:$0x4000] =	vst v4  }
0x2c: {  	[tilespmem:$0x4180] =	vst v1;
	v1 =	vand.u32 $0x3FFF, v2  }
0x2d: {  	[tilespmem:$0x4010] =	vst v1;
	v1 =	vshrl.u32 v2, $0xE;
	v2 =	vld [tilespmem:$0x40]  }
0x2e: {  	[tilespmem:$0x4190] =	vst v1;
	v1 =	vand.u32 $0x3FFF, v3  }
0x2f: {  	[tilespmem:$0x4020] =	vst v1;
	v1 =	vshrl.u32 v3, $0xE  }
0x30: {  	[tilespmem:$0x41A0] =	vst v1;
	v1 =	vand.u32 $0x3FFF, v61  }
0x31: {  	[tilespmem:$0x4030] =	vst v1;
	v1 =	vshrl.u32 v61, $0xE  }
0x32: {  	[tilespmem:$0x41B0] =	vst v1;
	v1 =	vand.u32 $0x3FFF, v2  }
0x33: {  	[tilespmem:$0x4040] =	vst v1;
	v1 =	vshrl.u32 v2, $0xE  }
0x34: {  	[tilespmem:$0x41C0] =	vst v1  }
0x35: {  	[tilespmem:s19], [sflag:$0x1] =	stream.indirect.gather [hbm4b:s4+s17], $0x80, s18, s17, $0xb8;
	[tilespmem:$0x1F700] =	vst v63  }
0x36: {  	v1 =	vld [tilespmem:$0x80];
	_ =	sdelay $0x1  }
0x37: {  	v2 =	vld [tilespmem:$0x90];
	_ =	sdelay $0x1  }
0x38: {  	v3 =	vld [tilespmem:$0xA0]  }
0x39: {  	v62 =	vand.u32 $0x3FFF, v1  }
0x3a: {  	v63 =	vld [tilespmem:$0xB0];
	v1 =	vshrl.u32 v1, $0xE;
	[tilespmem:$0x4080] =	vst v62  }
0x3b: {  	[tilespmem:$0x4200] =	vst v1;
	v1 =	vand.u32 $0x3FFF, v2  }
0x3c: {  	[tilespmem:$0x4090] =	vst v1;
	v1 =	vshrl.u32 v2, $0xE;
	v2 =	vld [tilespmem:$0xC0]  }
0x3d: {  	[tilespmem:$0x4210] =	vst v1;
	v1 =	vand.u32 $0x3FFF, v3  }
0x3e: {  	[tilespmem:$0x40A0] =	vst v1;
	v1 =	vshrl.u32 v3, $0xE  }
0x3f: {  	[tilespmem:$0x4220] =	vst v1;
	v1 =	vand.u32 $0x3FFF, v63  }
0x40: {  	[tilespmem:$0x40B0] =	vst v1;
	v1 =	vshrl.u32 v63, $0xE  }
0x41: {  	[tilespmem:$0x4230] =	vst v1;
	v1 =	vand.u32 $0x3FFF, v2  }
0x42: {  	[tilespmem:$0x40C0] =	vst v1;
	v1 =	vshrl.u32 v2, $0xE  }
0x43: {  	s5 =	simm.s32 $0x0;
	s7 =	simm.s32 $0x200;
	[tilespmem:$0x4240] =	vst v1  }
0x44: {  	[tilespmem:s21], [sflag:$0x2] =	stream.indirect.gather [hbm4b:s4+s17], $0x80, s20, s17, $0xb8;
	[tilespmem:$0x1F700] =	vst v63  }
.LBB2_2:
0x45: {  	p0 =	sne.s32 s7, $0x9E00;
	[tilespmem:s5+$0x9370] =	vst v0  }
0x46: {  	[tilespmem:s5+$0x9300] =	vst v0  }
0x47: {  	[tilespmem:s5+$0x9310] =	vst v0  }
.Ltmp2:
0x48: {  	[tilespmem:s5+$0x9320] =	vst v0;
	(pc) =	sbr.rel @p0 .LBB2_2-.Ltmp2, $4  }
0x49: {  	[tilespmem:s5+$0x9330] =	vst v0  }
0x4a: {  	[tilespmem:s5+$0x9340] =	vst v0  }
0x4b: {  	[tilespmem:s5+$0x9350] =	vst v0  }
0x4c: {  	[tilespmem:s5+$0x9360] =	vst v0;
	s5 =	sshra.s32 s7, $0x2;
	s7 =	sadd.s32 $0x200, s7  }
0x4d: {  	[tilespmem:s5+$0x9370] =	vst v0  }
0x4e: {  	[tilespmem:s5+$0x9300] =	vst v0  }
0x4f: {  	[tilespmem:s5+$0x9310] =	vst v0  }
0x50: {  	[tilespmem:s5+$0x9320] =	vst v0  }
0x51: {  	[tilespmem:s5+$0x9330] =	vst v0  }
0x52: {  	[tilespmem:s5+$0x9340] =	vst v0  }
0x53: {  	[tilespmem:s5+$0x9350] =	vst v0  }
0x54: {  	[tilespmem:s5+$0x9360] =	vst v0  }
0x55: {  	[spmem:s6] =	stream.linear.scatter [tilespmem:s22], [sflag:$0x7], $0x2800, $0x38;
	[tilespmem:$0x1F700] =	vst v63  }
0x56: {  	_ =	swait.ge [sflag:s16], $0x2800  }
0x57: {  	[sflag:s16] =	ssyncset.done $0x0  }
0x58: {  	[sflag:s16] =	ssyncadd.s32 $0xFFFFD800  }
0x59: {  	[spmem:s10] =	stream.linear.scatter [tilespmem:s22], [sflag:$0x7], $0x2800, $0x38;
	[tilespmem:$0x1F700] =	vst v63  }
0x5a: {  	_ =	swait.ge [sflag:s16], $0x2800  }
0x5b: {  	[sflag:s16] =	ssyncset.done $0x0  }
0x5c: {  	[sflag:s16] =	ssyncadd.s32 $0xFFFFD800  }
0x5d: {  	[spmem:s11] =	stream.linear.scatter [tilespmem:s22], [sflag:$0x7], $0x2800, $0x38;
	[tilespmem:$0x1F700] =	vst v63  }
0x5e: {  	_ =	swait.ge [sflag:s16], $0x2800  }
0x5f: {  	[sflag:s16] =	ssyncset.done $0x0  }
0x60: {  	[sflag:s16] =	ssyncadd.s32 $0xFFFFD800  }
0x61: {  	[spmem:s12] =	stream.linear.scatter [tilespmem:s22], [sflag:$0x7], $0x2800, $0x38;
	[tilespmem:$0x1F700] =	vst v63  }
0x62: {  	_ =	swait.ge [sflag:s16], $0x2800  }
0x63: {  	[sflag:s16] =	ssyncset.done $0x0  }
0x64: {  	[sflag:s16] =	ssyncadd.s32 $0xFFFFD800  }
0x65: {  	[spmem:s13] =	stream.linear.scatter [tilespmem:s22], [sflag:$0x7], $0x2800, $0x38;
	[tilespmem:$0x1F700] =	vst v63  }
0x66: {  	_ =	swait.ge [sflag:s16], $0x2800  }
0x67: {  	[sflag:s16] =	ssyncset.done $0x0  }
0x68: {  	[sflag:s16] =	ssyncadd.s32 $0xFFFFD800  }
0x69: {  	[spmem:s14] =	stream.linear.scatter [tilespmem:s22], [sflag:$0x7], $0x2800, $0x38;
	[tilespmem:$0x1F700] =	vst v63  }
0x6a: {  	_ =	swait.ge [sflag:s16], $0x2800  }
0x6b: {  	[sflag:s16] =	ssyncset.done $0x0  }
0x6c: {  	[sflag:s16] =	ssyncadd.s32 $0xFFFFD800  }
0x6d: {  	[spmem:s15] =	stream.linear.scatter [tilespmem:s22], [sflag:$0x7], $0x2800, $0x38;
	[tilespmem:$0x1F700] =	vst v63  }
0x6e: {  	_ =	swait.ge [sflag:s16], $0x2800  }
0x6f: {  	[sflag:s16] =	ssyncset.done $0x0  }
0x70: {  	s7 =	rddreg [dreg:$0x4];
	[sflag:s16] =	ssyncadd.s32 $0xFFFFD800  }
0x71: {  	[spmem:s7] =	stream.linear.scatter [tilespmem:s22], [sflag:$0x7], $0x2400, $0x38;
	[tilespmem:$0x1F700] =	vst v63  }
.Ltmp3:
0x72: {  	_ =	swait.ge [sflag:s16], $0x2400;
	(pc) =	sbr.rel .LBB2_4-.Ltmp3, $4  }
0x73: {  	[sflag:s16] =	ssyncset.done $0x0  }
0x74: {  	[sflag:s16] =	ssyncadd.s32 $0xFFFFDC00  }
0x75: {  	[bflag:$0x0] =	sbarrier.arrive $0xFFFF  }
0x76: {  	s5 =	simm.s32 $0x0  }
.LBB2_6:
0x77: {  	_ =	swait.ge [sflag:s26], $0x2800  }
0x78: {  	[sflag:s26] =	ssyncset.done $0x0  }
0x79: {  	[sflag:s26] =	ssyncadd.s32 $0xFFFFD800  }
0x7a: {  	[spmem:s1] =	stream.indirect.scatter.add.f32 [tilespmem:s21], [sflag:$0x5], $0x80, s28, s17, $0xb8;
	[tilespmem:$0x1F700] =	vst v63  }
.LBB2_7:
0x7b: {  	s5 =	sadd.s32 $0x600, s5  }
0x7c: {  	p0 =	sne.s32 s5, $0xFC00  }
.Ltmp4:
0x7d: {  	_ = 	snop;
	(pc) =	sbr.rel @!p0 .LBB2_8-.Ltmp4, $4  }
0x7e: {  	_ =	swait.ge [sflag:s29], $0x2800  }
0x7f: {  	[sflag:s29] =	ssyncset.done $0x0  }
0x80: {  	[sflag:s29] =	ssyncadd.s32 $0xFFFFD800  }
0x81: {  	[spmem:s1] =	stream.indirect.scatter.add.f32 [tilespmem:s22], [sflag:$0x6], $0x80, s30, s17, $0xb8;
	[tilespmem:$0x1F700] =	vst v63  }
.LBB2_4:
0x82: {  	p0 =	seq.s32 s5, $0x0  }
0x83: {  	s7 =	simm.s32 @!p0 $0x6  }
0x84: {  	_ =	swait.ge @!p0 [sflag:s7], $0x2800  }
0x85: {  	[sflag:s7] =	ssyncset.done @!p0 $0x0  }
0x86: {  	[sflag:s7] =	ssyncadd.s32 @!p0 $0xFFFFD800;
	s7 =	sshra.s32 s5, $0x2  }
0x87: {  	v1 =	vld [tilespmem:s7+$0x100];
	_ =	sdelay $0x4  }
0x88: {  	v2 =	vand.u32 $0x3FFF, v1  }
0x89: {  	v1 =	vshrl.u32 v1, $0xE;
	[tilespmem:$0x4100] =	vst v2  }
0x8a: {  	[tilespmem:$0x4280] =	vst v1  }
0x8b: {  	v1 =	vld [tilespmem:s7+$0x110];
	_ =	sdelay $0x4  }
0x8c: {  	v2 =	vand.u32 $0x3FFF, v1  }
0x8d: {  	v1 =	vshrl.u32 v1, $0xE;
	[tilespmem:$0x4110] =	vst v2  }
0x8e: {  	[tilespmem:$0x4290] =	vst v1  }
0x8f: {  	v1 =	vld [tilespmem:s7+$0x120];
	_ =	sdelay $0x4  }
0x90: {  	v2 =	vand.u32 $0x3FFF, v1  }
0x91: {  	v1 =	vshrl.u32 v1, $0xE;
	[tilespmem:$0x4120] =	vst v2  }
0x92: {  	[tilespmem:$0x42A0] =	vst v1  }
0x93: {  	v1 =	vld [tilespmem:s7+$0x130];
	_ =	sdelay $0x4  }
0x94: {  	v2 =	vand.u32 $0x3FFF, v1  }
0x95: {  	v1 =	vshrl.u32 v1, $0xE;
	[tilespmem:$0x4130] =	vst v2  }
0x96: {  	[tilespmem:$0x42B0] =	vst v1  }
0x97: {  	v1 =	vld [tilespmem:s7+$0x140];
	_ =	sdelay $0x4  }
0x98: {  	v2 =	vand.u32 $0x3FFF, v1  }
0x99: {  	v1 =	vshrl.u32 v1, $0xE;
	[tilespmem:$0x4140] =	vst v2  }
0x9a: {  	p0 =	seq.s32 s5, $0xF600;
	[tilespmem:$0x42C0] =	vst v1  }
0x9b: {  	[tilespmem:s22], [sflag:$0x3] =	stream.indirect.gather [hbm4b:s4+s17], $0x80, s23, s17, $0xb8;
	[tilespmem:$0x1F700] =	vst v63  }
.Ltmp5:
0x9c: {  	_ = 	snop;
	(pc) =	sbr.rel @p0 .LBB2_6-.Ltmp5, $4  }
0x9d: {  	_ =	swait.ge [sflag:s24], $0x2800  }
0x9e: {  	[sflag:s24] =	ssyncset.done $0x0  }
0x9f: {  	[sflag:s24] =	ssyncadd.s32 $0xFFFFD800  }
0xa0: {  	[spmem:s1] =	stream.indirect.scatter.add.f32 [tilespmem:s19], [sflag:$0x4], $0x80, s25, s17, $0xb8;
	[tilespmem:$0x1F700] =	vst v63  }
0xa1: {  	_ =	swait.ge [sflag:s31], $0x2800  }
0xa2: {  	[sflag:s31] =	ssyncset.done $0x0  }
0xa3: {  	[sflag:s31] =	ssyncadd.s32 $0xFFFFD800  }
0xa4: {  	v1 =	vld [tilespmem:s7+$0x180];
	_ =	sdelay $0x4  }
0xa5: {  	v2 =	vand.u32 $0x3FFF, v1  }
0xa6: {  	v1 =	vshrl.u32 v1, $0xE;
	[tilespmem:$0x4000] =	vst v2  }
0xa7: {  	[tilespmem:$0x4180] =	vst v1  }
0xa8: {  	v1 =	vld [tilespmem:s7+$0x190];
	_ =	sdelay $0x4  }
0xa9: {  	v2 =	vand.u32 $0x3FFF, v1  }
0xaa: {  	v1 =	vshrl.u32 v1, $0xE;
	[tilespmem:$0x4010] =	vst v2  }
0xab: {  	[tilespmem:$0x4190] =	vst v1  }
0xac: {  	v1 =	vld [tilespmem:s7+$0x1A0];
	_ =	sdelay $0x4  }
0xad: {  	v2 =	vand.u32 $0x3FFF, v1  }
0xae: {  	v1 =	vshrl.u32 v1, $0xE;
	[tilespmem:$0x4020] =	vst v2  }
0xaf: {  	[tilespmem:$0x41A0] =	vst v1  }
0xb0: {  	v1 =	vld [tilespmem:s7+$0x1B0];
	_ =	sdelay $0x4  }
0xb1: {  	v2 =	vand.u32 $0x3FFF, v1  }
0xb2: {  	v1 =	vshrl.u32 v1, $0xE;
	[tilespmem:$0x4030] =	vst v2  }
0xb3: {  	[tilespmem:$0x41B0] =	vst v1  }
0xb4: {  	v1 =	vld [tilespmem:s7+$0x1C0];
	_ =	sdelay $0x4  }
0xb5: {  	v2 =	vand.u32 $0x3FFF, v1  }
0xb6: {  	v1 =	vshrl.u32 v1, $0xE;
	[tilespmem:$0x4040] =	vst v2  }
0xb7: {  	[tilespmem:$0x41C0] =	vst v1  }
0xb8: {  	[tilespmem:s19], [sflag:$0x1] =	stream.indirect.gather [hbm4b:s4+s17], $0x80, s18, s17, $0xb8;
	[tilespmem:$0x1F700] =	vst v63  }
0xb9: {  	_ =	swait.ge [sflag:s26], $0x2800  }
0xba: {  	[sflag:s26] =	ssyncset.done $0x0  }
0xbb: {  	[sflag:s26] =	ssyncadd.s32 $0xFFFFD800  }
0xbc: {  	[spmem:s1] =	stream.indirect.scatter.add.f32 [tilespmem:s21], [sflag:$0x5], $0x80, s28, s17, $0xb8;
	[tilespmem:$0x1F700] =	vst v63  }
0xbd: {  	_ =	swait.ge [sflag:s0], $0x2800  }
0xbe: {  	[sflag:s0] =	ssyncset.done $0x0  }
0xbf: {  	[sflag:s0] =	ssyncadd.s32 $0xFFFFD800  }
0xc0: {  	v1 =	vld [tilespmem:s7+$0x200];
	_ =	sdelay $0x4  }
0xc1: {  	v2 =	vand.u32 $0x3FFF, v1  }
0xc2: {  	v1 =	vshrl.u32 v1, $0xE;
	[tilespmem:$0x4080] =	vst v2  }
0xc3: {  	[tilespmem:$0x4200] =	vst v1  }
0xc4: {  	v1 =	vld [tilespmem:s7+$0x210];
	_ =	sdelay $0x4  }
0xc5: {  	v2 =	vand.u32 $0x3FFF, v1  }
0xc6: {  	v1 =	vshrl.u32 v1, $0xE;
	[tilespmem:$0x4090] =	vst v2  }
0xc7: {  	[tilespmem:$0x4210] =	vst v1  }
0xc8: {  	v1 =	vld [tilespmem:s7+$0x220];
	_ =	sdelay $0x4  }
0xc9: {  	v2 =	vand.u32 $0x3FFF, v1  }
0xca: {  	v1 =	vshrl.u32 v1, $0xE;
	[tilespmem:$0x40A0] =	vst v2  }
0xcb: {  	[tilespmem:$0x4220] =	vst v1  }
0xcc: {  	v1 =	vld [tilespmem:s7+$0x230];
	_ =	sdelay $0x4  }
0xcd: {  	v2 =	vand.u32 $0x3FFF, v1  }
0xce: {  	v1 =	vshrl.u32 v1, $0xE;
	[tilespmem:$0x40B0] =	vst v2  }
0xcf: {  	[tilespmem:$0x4230] =	vst v1  }
0xd0: {  	v1 =	vld [tilespmem:s7+$0x240];
	_ =	sdelay $0x3  }
.Ltmp6:
0xd1: {  	_ = 	snop;
	(pc) =	sbr.rel .LBB2_7-.Ltmp6, $4  }
0xd2: {  	v2 =	vand.u32 $0x3FFF, v1  }
0xd3: {  	v1 =	vshrl.u32 v1, $0xE;
	[tilespmem:$0x40C0] =	vst v2  }
0xd4: {  	[tilespmem:$0x4240] =	vst v1  }
0xd5: {  	[tilespmem:s21], [sflag:$0x2] =	stream.indirect.gather [hbm4b:s4+s17], $0x80, s20, s17, $0xb8;
	[tilespmem:$0x1F700] =	vst v63  }
.LBB2_9:
0xd6: {  	_ =	sfence.sel $0x180000  }
0xd7: {  	[bflag:$0x0] =	sbarrier.arrive $0xFFFF  }
0xd8: {  	_ =	strace $0x9000004D  }
0xd9: {  	s0 =	stileid.u32;
	[bflag:$0x2] =	sbarrier.arrive $0xFFFF  }
0xda: {  	p0 =	sne.s32 s0, $0x0;
	s0 =	rddreg [dreg:$0x2]  }
0xdb: {  	s0 =	sadd.s32 @!p0 $0x100000, s0  }
0xdc: {  	[sflag:s0] =	ssyncadd.tile.s32 @!p0 $0x1;
	_ =	shalt  }
.Lfunc_end2:
_tile_overlayer_lowered:
.L_overlay_start_2:
0xdd: {  	(tag) =	ssettag $0x2  }
0xde: {  	s0 =	rddreg [dreg:$0x0];
	s2 =	stileid.u32  }
0xdf: {  	s1 =	rddreg [dreg:$0x1];
	p0 =	sne.s32 s2, $0x0  }
0xe0: {  	s3 =	rddreg [dreg:$0x2];
	[bflag:$0x3] =	sbarrier.arrive $0xFFFF;
	s2 =	simm.s32 @!p0 $0x1C07  }
0xe1: {  	[timem:s3], [sflag:s2] =	dma.local @!p0 [hbm:s0], s1  }
0xe2: {  	s0 =	simm.s32 @!p0 $0x7  }
0xe3: {  	_ =	swait.ge @!p0 [sflag:s0], s1  }
0xe4: {  	s1 =	ssub.s32 @!p0 $0x0, s1;
	[sflag:s0] =	ssyncset.done @!p0 $0x0  }
0xe5: {  	[sflag:s0] =	ssyncadd.s32 @!p0 s1  }
0xe6: {  	[bflag:$0x3] =	sbarrier.arrive $0xFFFF  }
0xe7: {  	_ =	shalt  }

// kernel: kernel.19.cloned.1.call-start
scs
__scs_entry_jumppad:
0x0: {  	(pc) =	sbr.rel $0x88, $3  }
0x1: {  	(tag) =	ssettag $0x0;
	lr =	simm.s32 $0x1  }
0x2: {  	[smem:$0x3F79] =	sst lr;
	_ =	strace $0xD0000000  }
0x3: {  	_ = 	snop  }
0x4: {  	_ = 	snop  }
0x5: {  	_ = 	snop  }
0x6: {  	_ = 	snop  }
0x7: {  	_ = 	snop  }
__scs_overlays_trampoline_lowered:
0x8: {  	[smem:$0x3F88] =	sst s0  }
0x9: {  	[smem:$0x3F89] =	sst s1  }
0xa: {  	[smem:$0x3F8A] =	sst s2  }
0xb: {  	[smem:$0x3F8B] =	sst s3  }
0xc: {  	[smem:$0x3F8C] =	sst s4  }
0xd: {  	[smem:$0x3F8D] =	sst s5  }
0xe: {  	[smem:$0x3F8E] =	sst s6  }
0xf: {  	[smem:$0x3F8F] =	sst s7  }
0x10: {  	[smem:$0x3F90] =	sst s8  }
0x11: {  	[smem:$0x3F91] =	sst s9;
	s0 =	simm.s32 @!p0 $0x0  }
0x12: {  	s1 =	sld [smem:$0x3F77];
	s0 =	simm.s32 @p0 $0x1  }
0x13: {  	[smem:$0x3F92] =	sst s0;
	s0 =	simm.s32 @!p1 $0x0  }
0x14: {  	s2 =	sld [smem:$0x3F76];
	s0 =	simm.s32 @p1 $0x1  }
0x15: {  	[smem:$0x3F93] =	sst s0;
	s0 =	simm.s32 @!p2 $0x0  }
0x16: {  	s3 =	sld [smem:$0x3FDB];
	s0 =	simm.s32 @p2 $0x1  }
0x17: {  	s4 =	simm.s32 $0x1BF5;
	[smem:$0x3F95] =	sst s0  }
0x18: {  	s0 =	sld [smem:$0x3F78];
	_ =	swait.ge [sflag:s4], $0x0  }
0x19: {  	s7 =	sld [smem:$0x3F79]  }
0x1a: {  	s8 =	sadd.s32 $0xFFFFE003, lr  }
0x1b: {  	s9 =	sadd.s32 $0xFFFFFEF7, lr;
	s5 =	simm.s32 $0xFFFFFFFF;
	p2 =	slt.u32 s8, $0xFFFFF086  }
0x1c: {  	p1 =	slt.u32 s9, $0xF7A;
	s5 =	simm.s32 @!p2 $0x0  }
0x1d: {  	s5 =	simm.s32 @p1 $0x1;
	p0 =	seq.s32 s7, s2  }
0x1e: {  	s7 =	smul.u32 @!p0 $0xF7A, s2;
	p2 =	seq.s32 @!p0 s5, $0x0  }
0x1f: {  	s9 =	smul.u32 $0xF7A, s1;
	s8 =	simm.s32 @!p0 $0x1BF5;
	p2 =	por !p2, p0  }
0x20: {  	[sflag:s8] =	ssyncset.s32 @!p0 $0xFFFFF086;
	s6 =	sadd.s32 @!p0 s3, s7;
	s7 =	simm.s32 @!p0 $0x108  }
0x21: {  	s3 =	sadd.s32 s3, s9;
	s6 =	sadd.s32 @!p0 $0x88, s6;
	s7 =	simm.s32 @p2 $0x1082  }
0x22: {  	[simem:s7], [sflag:s8] =	dma.local @!p0 [hbm:s6], $0xF7A  }
0x23: {  	s9 =	sor.u32 $0xD0000000, s2;
	s6 =	simm.s32 $0x108;
	_ =	swait.ge @!p0 [sflag:s8], $0x0  }
0x24: {  	s3 =	sadd.s32 $0x88, s3;
	s6 =	simm.s32 @!p1 $0x1082;
	[sflag:s4] =	ssyncset.s32 $0xFFFFF086  }
0x25: {  	[simem:s6], [sflag:s4] =	dma.local [hbm:s3], $0xF7A  }
0x26: {  	[smem:$0x3F79] =	sst s1;
	(tag) =	ssettag s2;
	_ =	strace s9  }
0x27: {  	s1 =	sld [smem:$0x3F89]  }
0x28: {  	s2 =	sld [smem:$0x3F8A]  }
0x29: {  	s4 =	sld [smem:$0x3F8C]  }
0x2a: {  	p0 =	seq.s32 s5, $0x0;
	s5 =	sld [smem:$0x3F8D]  }
0x2b: {  	s6 =	sld [smem:$0x3F8E]  }
0x2c: {  	s7 =	sld [smem:$0x3F8F]  }
0x2d: {  	s3 =	simm.s32 $0x108;
	s8 =	sld [smem:$0x3F90]  }
0x2e: {  	s3 =	simm.s32 @!p0 $0x1082;
	s9 =	sld [smem:$0x3F91]  }
0x2f: {  	lr =	sadd.s32 s0, s3;
	s0 =	sld [smem:$0x3F88]  }
0x30: {  	s3 =	sld [smem:$0x3F8B]  }
0x31: {  	[smem:$0x3F94] =	sst s10  }
0x32: {  	s10 =	sld [smem:$0x3F92];
	_ =	sdelay $0x3  }
0x33: {  	p0 =	seq.s32 s10, $0x1;
	s10 =	sld [smem:$0x3F94];
	_ =	sdelay $0x3  }
0x34: {  	[smem:$0x3F94] =	sst s10  }
0x35: {  	s10 =	sld [smem:$0x3F93];
	_ =	sdelay $0x3  }
0x36: {  	p1 =	seq.s32 s10, $0x1;
	s10 =	sld [smem:$0x3F94];
	_ =	sdelay $0x3  }
0x37: {  	[smem:$0x3F94] =	sst s10  }
0x38: {  	s10 =	sld [smem:$0x3F95]  }
0x39: {  	_ = 	snop;
	(pc) =	sbr.ind lr, $3  }
0x3a: {  	_ = 	snop  }
0x3b: {  	_ = 	snop  }
0x3c: {  	p2 =	seq.s32 s10, $0x1;
	s10 =	sld [smem:$0x3F94]  }
0x3d: {  	_ =	shalt  }
0x3e: {  	_ =	shalt  }
0x3f: {  	_ =	shalt  }
0x40: {  	_ =	shalt  }
0x41: {  	_ =	shalt  }
0x42: {  	_ =	shalt  }
0x43: {  	_ =	shalt  }
0x44: {  	_ =	shalt  }
0x45: {  	_ =	shalt  }
0x46: {  	_ =	shalt  }
0x47: {  	_ =	shalt  }
0x48: {  	_ =	shalt  }
0x49: {  	_ =	shalt  }
0x4a: {  	_ =	shalt  }
0x4b: {  	_ =	shalt  }
0x4c: {  	_ =	shalt  }
0x4d: {  	_ =	shalt  }
0x4e: {  	_ =	shalt  }
0x4f: {  	_ =	shalt  }
0x50: {  	_ =	shalt  }
0x51: {  	_ =	shalt  }
0x52: {  	_ =	shalt  }
0x53: {  	_ =	shalt  }
0x54: {  	_ =	shalt  }
0x55: {  	_ =	shalt  }
0x56: {  	_ =	shalt  }
0x57: {  	_ =	shalt  }
0x58: {  	_ =	shalt  }
0x59: {  	_ =	shalt  }
0x5a: {  	_ =	shalt  }
0x5b: {  	_ =	shalt  }
0x5c: {  	_ =	shalt  }
0x5d: {  	_ =	shalt  }
0x5e: {  	_ =	shalt  }
0x5f: {  	_ =	shalt  }
0x60: {  	_ =	shalt  }
0x61: {  	_ =	shalt  }
0x62: {  	_ =	shalt  }
0x63: {  	_ =	shalt  }
0x64: {  	_ =	shalt  }
0x65: {  	_ =	shalt  }
0x66: {  	_ =	shalt  }
0x67: {  	_ =	shalt  }
0x68: {  	_ =	shalt  }
0x69: {  	_ =	shalt  }
0x6a: {  	_ =	shalt  }
0x6b: {  	_ =	shalt  }
0x6c: {  	_ =	shalt  }
0x6d: {  	_ =	shalt  }
0x6e: {  	_ =	shalt  }
0x6f: {  	_ =	shalt  }
0x70: {  	_ =	shalt  }
0x71: {  	_ =	shalt  }
0x72: {  	_ =	shalt  }
0x73: {  	_ =	shalt  }
0x74: {  	_ =	shalt  }
0x75: {  	_ =	shalt  }
0x76: {  	_ =	shalt  }
0x77: {  	_ =	shalt  }
0x78: {  	_ =	shalt  }
0x79: {  	_ =	shalt  }
0x7a: {  	_ =	shalt  }
0x7b: {  	_ =	shalt  }
0x7c: {  	_ =	shalt  }
0x7d: {  	_ =	shalt  }
0x7e: {  	_ =	shalt  }
0x7f: {  	_ =	shalt  }
0x80: {  	_ =	shalt  }
0x81: {  	_ =	shalt  }
0x82: {  	_ =	shalt  }
0x83: {  	_ =	shalt  }
0x84: {  	_ =	shalt  }
0x85: {  	_ =	shalt  }
0x86: {  	_ =	shalt  }
0x87: {  	_ =	shalt  }
.Lfunc_end0:
.L_simem_size_0:
called_computation.3_lowered:
.L_overlay_start_0:
0x88: {  	s2 =	sld [smem:$0x3FD9]  }
0x89: {  	s3 =	sld [smem:$0x3FFE];
	_ =	sdelay $0x1  }
0x8a: {  	s1 =	srdreg.scid  }
0x8b: {  	s0 =	sand.u32 $0x1, s1  }
0x8c: {  	s16 =	sshll.u32 s0, $0xA;
	s2 =	sadd.s32 s3, s2  }
0x8d: {  	s2 =	sadd.s32 s2, s16  }
0x8e: {  	[smem:$0x3FA0] =	sst s2  }
0x8f: {  	_ = 	snop  }
0x90: {  	(tm) =	ssettm $0x1  }
0x91: {  	s17 =	sld [smem:$0x3FFB];
	_ =	sdelay $0x3  }
0x92: {  	_ =	strace s17  }
0x93: {  	s2 =	sld [smem:$0x3FFC];
	_ =	sdelay $0x3  }
0x94: {  	_ =	strace s2  }
0x95: {  	s2 =	sld [smem:$0x3FFD];
	_ =	sdelay $0x3  }
0x96: {  	_ =	strace s2  }
0x97: {  	_ =	strace $0x8FFFFFFF  }
0x98: {  	s18 =	sld [smem:$0x3FDB];
	_ =	sdelay $0x1  }
0x99: {  	s19 =	simm.s32 $_scs_section_size  }
0x9a: {  	s4 =	simm.s32 $_size__tile_overlayer_lowered;
	s5 =	simm.s32 $_tile_overlayer_lowered  }
0x9b: {  	s22 =	simm.s32 $0x1BFF;
	s21 =	sshll.u32 s5, $0x1;
	s2 =	sadd.s32 s19, s18  }
0x9c: {  	s6 =	simm.s32 $0x0;
	s20 =	sshll.u32 s4, $0x1;
	s4 =	sadd.s32 s21, s2  }
0x9d: {  	[timem:s6], [sflag:s22] =	dma.local [hbm:s4], s20  }
0x9e: {  	_ =	swait.ge [sflag:s22], s20  }
0x9f: {  	s3 =	ssub.s32 $0x0, s20;
	[sflag:s22] =	ssyncset.done $0x0  }
0xa0: {  	[sflag:s22] =	ssyncadd.s32 s3;
	_ =	sdelay $0x1  }
0xa1: {  	s23 =	simm.s32 $0x1B8B  }
0xa2: {  	_ =	swait.ge [sflag:s23], $0x1  }
0xa3: {  	[sflag:s23] =	ssyncset.done $0x0  }
0xa4: {  	s25 =	simm.s32 $0x1B8E;
	s24 =	sld [smem:$0x3FFE];
	[sflag:s23] =	ssyncadd.s32 $0xFFFFFFFF  }
0xa5: {  	s26 =	simm.s32 $execute0_lowered;
	[smem:$0x3FD2] =	sst s25  }
0xa6: {  	s4 =	sshll.u32 s26, $0x1;
	_ =	strace $0x8000004F;
	[dreg:$0x1] =	wrdreg $0xFFFFFFFF  }
0xa7: {  	s28 =	simm.s32 $_size_execute0_lowered;
	s2 =	sadd.s32 s2, s4;
	[dreg:$0x0] =	wrdreg $0x0  }
0xa8: {  	s4 =	sshll.u32 s28, $0x1;
	[dreg:$0x2] =	wrdreg s2  }
0xa9: {  	[dreg:$0x3] =	wrdreg s4  }
0xaa: {  	[dreg:$0x4] =	wrdreg $0xC0  }
0xab: {  	_ =	task [dreg:s6], $0x5FFFF  }
0xac: {  	[dreg:$0x1] =	wrdreg $0xFFFFFFFF  }
0xad: {  	[dreg:$0x0] =	wrdreg $0x60  }
0xae: {  	[dreg:$0x2] =	wrdreg s24  }
0xaf: {  	[dreg:$0x3] =	wrdreg $0xBB000  }
0xb0: {  	[dreg:$0x4] =	wrdreg $0x9  }
0xb1: {  	_ =	task.clear_ibuf [dreg:s6], $0x5FFFF;
	_ =	strace $0x9000004F  }
0xb2: {  	s29 =	simm.s32 $0x9;
	_ =	strace $0x80000051  }
0xb3: {  	_ =	swait.ge [sflag:s29], $0x1  }
0xb4: {  	[sflag:s29] =	ssyncadd.s32 $0xFFFFFFFF  }
0xb5: {  	_ =	strace $0x90000051  }
0xb6: {  	_ =	sfence  }
0xb7: {  	s30 =	sld [smem:$0x0];
	_ =	sdelay $0x2  }
0xb8: {  	s31 =	sshll.u32 s1, $0xD;
	s1 =	sshrl.u32 s1, $0x2  }
0xb9: {  	s3 =	sand.u32 $0x4000, s31;
	s1 =	sadd.s32 s1, s30  }
0xba: {  	s0 =	sor.u32 s3, s0;
	s1 =	sshll.u32 s1, $0x11  }
0xbb: {  	s0 =	sor.u32 s1, s0  }
0xbc: {  	s0 =	sadd.s32 $0x8F2B, s0  }
0xbd: {  	[sflag:s0] =	ssyncadd.remote.s32 $0x1  }
0xbe: {  	_ =	sfence.sel $0xFFFF  }
0xbf: {  	[dreg:$0x0] =	wrdreg $0xFFFFFFFF;
	(pc) =	sbr.abs _section_cstart, $3  }
0xc0: {  	[dreg:$0x1] =	wrdreg $0xFFFFFFFF  }
0xc1: {  	_ =	task.clear_ibuf [dreg:s6], $0x2FFFF;
	_ =	strace $0x9FFFFFFF  }
0xc2: {  	(tm) =	ssettm $0x7FFFFFFF  }
0xc3: {  	_ =	shalt  }
tec
execute0_lowered:
.L_overlay_start_1:
0x0: {  	(tag) =	ssettag $0x1  }
0x1: {  	s0 =	rddreg [dreg:$0x0]  }
0x2: {  	s1 =	rddreg [dreg:$0x1];
	s2 =	srdreg.scid;
	s4 =	simm.s32 $0x0  }
0x3: {  	s7 =	stileid.u32;
	s16 =	simm.s32 $0x7;
	s17 =	simm.s32 $0x50  }
0x4: {  	s18 =	simm.s32 $0x4000;
	s19 =	simm.s32 $0x4300;
	s20 =	simm.s32 $0x4080  }
0x5: {  	s28 =	simm.s32 $0x4200;
	s29 =	simm.s32 $0x3;
	s30 =	simm.s32 $0x4280  }
0x6: {  	s31 =	simm.s32 $0x4;
	s2 =	sand.u32 $0x1, s2;
	s5 =	smul.u32 $0x13C00, s7  }
0x7: {  	[smem:$0x7FF] =	sst s4;
	s4 =	sadd.s32 $0x16800, s0;
	s22 =	smul.u32 $0x4F000, s7  }
0x8: {  	s6 =	sshll.u32 s7, $0xB;
	s3 =	smul.u32 $0x13C000, s2;
	_ =	strace $0x80000050  }
0x9: {  	s21 =	sadd.s32 s6, s0;
	s23 =	ssub.s32 $0x2, s2;
	s2 =	sshll.u32 s2, $0xF  }
0xa: {  	s24 =	sshrl.u32 s23, $0x1;
	s2 =	sadd.s32 s2, s21;
	s25 =	sshrl.u32 s22, $0x2  }
0xb: {  	s21 =	simm.s32 $0x6B00;
	s22 =	simm.s32 $0x9300;
	s3 =	sadd.s32 s5, s3  }
0xc: {  	s2 =	sadd.s32 $0x6800, s2;
	s6 =	sadd.s32 s25, s1;
	s25 =	simm.s32 $0x4180  }
0xd: {  	s3 =	sshrl.u32 s3, $0x3;
	[dreg:$0x3] =	wrdreg s2;
	s26 =	sadd.s32 $0x11800, s6  }
0xe: {  	s10 =	sadd.s32 $0x2800, s6;
	s11 =	sadd.s32 $0x5000, s6;
	s12 =	sadd.s32 $0x7800, s6  }
.Ltmp0:
0xf: {  	s13 =	sadd.s32 $0xA000, s6;
	s14 =	sadd.s32 $0xC800, s6;
	(pc) =	sbr.rel .LBB2_1-.Ltmp0, $4  }
0x10: {  	s15 =	sadd.s32 $0xF000, s6;
	s2 =	simm.s32 $0x0;
	s0 =	sadd.s32 s3, s0  }
0x11: {  	s3 =	ssub.s32 s23, s24;
	[dreg:$0x4] =	wrdreg s26;
	s23 =	simm.s32 $0x4100  }
0x12: {  	s24 =	simm.s32 $0x1;
	s26 =	simm.s32 $0x2;
	s8 =	sadd.s32 $0x3DA00, s0  }
0x13: {  	v0 =	vimm.f32 $0.0e+00;
	s9 =	smax.u32 s3, $0x1;
	s0 =	simm.s32 $0x5;
	s3 =	simm.s32 $0x6  }
.LBB2_8:
0x14: {  	_ =	swait.ge [sflag:s31], $0x2800  }
0x15: {  	[sflag:s31] =	ssyncset.done $0x0  }
0x16: {  	[sflag:s31] =	ssyncadd.s32 $0xFFFFD800  }
0x17: {  	_ =	swait.ge [sflag:s0], $0x2800  }
0x18: {  	[sflag:s0] =	ssyncset.done $0x0  }
0x19: {  	[sflag:s0] =	ssyncadd.s32 $0xFFFFD800  }
0x1a: {  	s5 =	stileid.u32;
	_ =	swait.ge [sflag:s3], $0x2800  }
0x1b: {  	s7 =	sshrl.u32 s6, $0x3;
	s2 =	sadd.s32 $0x1, s2;
	[sflag:s3] =	ssyncset.done $0x0  }
0x1c: {  	s5 =	sshll.u32 s5, $0x6;
	p0 =	sne.s32 s2, s9;
	[sflag:s3] =	ssyncadd.s32 $0xFFFFD800  }
.Ltmp1:
0x1d: {  	s5 =	sor.u32 $0x1C07, s5;
	[bflag:$0x0] =	sbarrier.arrive $0xFFFF;
	(pc) =	sbr.rel @!p0 .LBB2_9-.Ltmp1, $4  }
0x1e: {  	[hbm:s8], [sflag:s5] =	dma.local [spmem:s7], $0x2780  }
0x1f: {  	_ =	swait.ge [sflag:s16], $0x2780  }
0x20: {  	[sflag:s16] =	ssyncset.done $0x0  }
0x21: {  	[sflag:s16] =	ssyncadd.s32 $0xFFFFD880  }
.LBB2_1:
0x22: {  	s5 =	simm.s32 $0x0;
	s7 =	rddreg [dreg:$0x3]  }
0x23: {  	[tilespmem:s5], [sflag:$0x7] =	stream.linear.gather [hbm4b:s7+s5], $0x3F00, $0x38;
	[tilespmem:$0x1F700] =	vst v63  }
0x24: {  	_ =	swait.ge [sflag:s16], $0x3F00  }
0x25: {  	[sflag:s16] =	ssyncset.done $0x0  }
0x26: {  	[sflag:s16] =	ssyncadd.s32 $0xFFFFC100  }
0x27: {  	v1 =	vld [tilespmem:$0x0];
	_ =	sdelay $0x1  }
0x28: {  	v2 =	vld [tilespmem:$0x10];
	_ =	sdelay $0x1  }
0x29: {  	v3 =	vld [tilespmem:$0x20]  }
0x2a: {  	v4 =	vand.u32 $0x3FFF, v1  }
0x2b: {  	v61 =	vld [tilespmem:$0x30];
	v1 =	vshrl.u32 v1, $0xE;
	[tilespmem:$0x4000] =	vst v4  }
0x2c: {  	[tilespmem:$0x4180] =	vst v1;
	v1 =	vand.u32 $0x3FFF, v2  }
0x2d: {  	[tilespmem:$0x4010] =	vst v1;
	v1 =	vshrl.u32 v2, $0xE;
	v2 =	vld [tilespmem:$0x40]  }
0x2e: {  	[tilespmem:$0x4190] =	vst v1;
	v1 =	vand.u32 $0x3FFF, v3  }
0x2f: {  	[tilespmem:$0x4020] =	vst v1;
	v1 =	vshrl.u32 v3, $0xE  }
0x30: {  	[tilespmem:$0x41A0] =	vst v1;
	v1 =	vand.u32 $0x3FFF, v61  }
0x31: {  	[tilespmem:$0x4030] =	vst v1;
	v1 =	vshrl.u32 v61, $0xE  }
0x32: {  	[tilespmem:$0x41B0] =	vst v1;
	v1 =	vand.u32 $0x3FFF, v2  }
0x33: {  	[tilespmem:$0x4040] =	vst v1;
	v1 =	vshrl.u32 v2, $0xE  }
0x34: {  	[tilespmem:$0x41C0] =	vst v1  }
0x35: {  	[tilespmem:s19], [sflag:$0x1] =	stream.indirect.gather [hbm4b:s4+s17], $0x80, s18, s17, $0xb8;
	[tilespmem:$0x1F700] =	vst v63  }
0x36: {  	v1 =	vld [tilespmem:$0x80];
	_ =	sdelay $0x1  }
0x37: {  	v2 =	vld [tilespmem:$0x90];
	_ =	sdelay $0x1  }
0x38: {  	v3 =	vld [tilespmem:$0xA0]  }
0x39: {  	v62 =	vand.u32 $0x3FFF, v1  }
0x3a: {  	v63 =	vld [tilespmem:$0xB0];
	v1 =	vshrl.u32 v1, $0xE;
	[tilespmem:$0x4080] =	vst v62  }
0x3b: {  	[tilespmem:$0x4200] =	vst v1;
	v1 =	vand.u32 $0x3FFF, v2  }
0x3c: {  	[tilespmem:$0x4090] =	vst v1;
	v1 =	vshrl.u32 v2, $0xE;
	v2 =	vld [tilespmem:$0xC0]  }
0x3d: {  	[tilespmem:$0x4210] =	vst v1;
	v1 =	vand.u32 $0x3FFF, v3  }
0x3e: {  	[tilespmem:$0x40A0] =	vst v1;
	v1 =	vshrl.u32 v3, $0xE  }
0x3f: {  	[tilespmem:$0x4220] =	vst v1;
	v1 =	vand.u32 $0x3FFF, v63  }
0x40: {  	[tilespmem:$0x40B0] =	vst v1;
	v1 =	vshrl.u32 v63, $0xE  }
0x41: {  	[tilespmem:$0x4230] =	vst v1;
	v1 =	vand.u32 $0x3FFF, v2  }
0x42: {  	[tilespmem:$0x40C0] =	vst v1;
	v1 =	vshrl.u32 v2, $0xE  }
0x43: {  	s5 =	simm.s32 $0x0;
	s7 =	simm.s32 $0x200;
	[tilespmem:$0x4240] =	vst v1  }
0x44: {  	[tilespmem:s21], [sflag:$0x2] =	stream.indirect.gather [hbm4b:s4+s17], $0x80, s20, s17, $0xb8;
	[tilespmem:$0x1F700] =	vst v63  }
.LBB2_2:
0x45: {  	p0 =	sne.s32 s7, $0x9E00;
	[tilespmem:s5+$0x9370] =	vst v0  }
0x46: {  	[tilespmem:s5+$0x9300] =	vst v0  }
0x47: {  	[tilespmem:s5+$0x9310] =	vst v0  }
.Ltmp2:
0x48: {  	[tilespmem:s5+$0x9320] =	vst v0;
	(pc) =	sbr.rel @p0 .LBB2_2-.Ltmp2, $4  }
0x49: {  	[tilespmem:s5+$0x9330] =	vst v0  }
0x4a: {  	[tilespmem:s5+$0x9340] =	vst v0  }
0x4b: {  	[tilespmem:s5+$0x9350] =	vst v0  }
0x4c: {  	[tilespmem:s5+$0x9360] =	vst v0;
	s5 =	sshra.s32 s7, $0x2;
	s7 =	sadd.s32 $0x200, s7  }
0x4d: {  	[tilespmem:s5+$0x9370] =	vst v0  }
0x4e: {  	[tilespmem:s5+$0x9300] =	vst v0  }
0x4f: {  	[tilespmem:s5+$0x9310] =	vst v0  }
0x50: {  	[tilespmem:s5+$0x9320] =	vst v0  }
0x51: {  	[tilespmem:s5+$0x9330] =	vst v0  }
0x52: {  	[tilespmem:s5+$0x9340] =	vst v0  }
0x53: {  	[tilespmem:s5+$0x9350] =	vst v0  }
0x54: {  	[tilespmem:s5+$0x9360] =	vst v0  }
0x55: {  	[spmem:s6] =	stream.linear.scatter [tilespmem:s22], [sflag:$0x7], $0x2800, $0x38;
	[tilespmem:$0x1F700] =	vst v63  }
0x56: {  	_ =	swait.ge [sflag:s16], $0x2800  }
0x57: {  	[sflag:s16] =	ssyncset.done $0x0  }
0x58: {  	[sflag:s16] =	ssyncadd.s32 $0xFFFFD800  }
0x59: {  	[spmem:s10] =	stream.linear.scatter [tilespmem:s22], [sflag:$0x7], $0x2800, $0x38;
	[tilespmem:$0x1F700] =	vst v63  }
0x5a: {  	_ =	swait.ge [sflag:s16], $0x2800  }
0x5b: {  	[sflag:s16] =	ssyncset.done $0x0  }
0x5c: {  	[sflag:s16] =	ssyncadd.s32 $0xFFFFD800  }
0x5d: {  	[spmem:s11] =	stream.linear.scatter [tilespmem:s22], [sflag:$0x7], $0x2800, $0x38;
	[tilespmem:$0x1F700] =	vst v63  }
0x5e: {  	_ =	swait.ge [sflag:s16], $0x2800  }
0x5f: {  	[sflag:s16] =	ssyncset.done $0x0  }
0x60: {  	[sflag:s16] =	ssyncadd.s32 $0xFFFFD800  }
0x61: {  	[spmem:s12] =	stream.linear.scatter [tilespmem:s22], [sflag:$0x7], $0x2800, $0x38;
	[tilespmem:$0x1F700] =	vst v63  }
0x62: {  	_ =	swait.ge [sflag:s16], $0x2800  }
0x63: {  	[sflag:s16] =	ssyncset.done $0x0  }
0x64: {  	[sflag:s16] =	ssyncadd.s32 $0xFFFFD800  }
0x65: {  	[spmem:s13] =	stream.linear.scatter [tilespmem:s22], [sflag:$0x7], $0x2800, $0x38;
	[tilespmem:$0x1F700] =	vst v63  }
0x66: {  	_ =	swait.ge [sflag:s16], $0x2800  }
0x67: {  	[sflag:s16] =	ssyncset.done $0x0  }
0x68: {  	[sflag:s16] =	ssyncadd.s32 $0xFFFFD800  }
0x69: {  	[spmem:s14] =	stream.linear.scatter [tilespmem:s22], [sflag:$0x7], $0x2800, $0x38;
	[tilespmem:$0x1F700] =	vst v63  }
0x6a: {  	_ =	swait.ge [sflag:s16], $0x2800  }
0x6b: {  	[sflag:s16] =	ssyncset.done $0x0  }
0x6c: {  	[sflag:s16] =	ssyncadd.s32 $0xFFFFD800  }
0x6d: {  	[spmem:s15] =	stream.linear.scatter [tilespmem:s22], [sflag:$0x7], $0x2800, $0x38;
	[tilespmem:$0x1F700] =	vst v63  }
0x6e: {  	_ =	swait.ge [sflag:s16], $0x2800  }
0x6f: {  	[sflag:s16] =	ssyncset.done $0x0  }
0x70: {  	s7 =	rddreg [dreg:$0x4];
	[sflag:s16] =	ssyncadd.s32 $0xFFFFD800  }
0x71: {  	[spmem:s7] =	stream.linear.scatter [tilespmem:s22], [sflag:$0x7], $0x2400, $0x38;
	[tilespmem:$0x1F700] =	vst v63  }
.Ltmp3:
0x72: {  	_ =	swait.ge [sflag:s16], $0x2400;
	(pc) =	sbr.rel .LBB2_4-.Ltmp3, $4  }
0x73: {  	[sflag:s16] =	ssyncset.done $0x0  }
0x74: {  	[sflag:s16] =	ssyncadd.s32 $0xFFFFDC00  }
0x75: {  	[bflag:$0x0] =	sbarrier.arrive $0xFFFF  }
0x76: {  	s5 =	simm.s32 $0x0  }
.LBB2_6:
0x77: {  	_ =	swait.ge [sflag:s26], $0x2800  }
0x78: {  	[sflag:s26] =	ssyncset.done $0x0  }
0x79: {  	[sflag:s26] =	ssyncadd.s32 $0xFFFFD800  }
0x7a: {  	[spmem:s1] =	stream.indirect.scatter.add.f32 [tilespmem:s21], [sflag:$0x5], $0x80, s28, s17, $0xb8;
	[tilespmem:$0x1F700] =	vst v63  }
.LBB2_7:
0x7b: {  	s5 =	sadd.s32 $0x600, s5  }
0x7c: {  	p0 =	sne.s32 s5, $0xFC00  }
.Ltmp4:
0x7d: {  	_ = 	snop;
	(pc) =	sbr.rel @!p0 .LBB2_8-.Ltmp4, $4  }
0x7e: {  	_ =	swait.ge [sflag:s29], $0x2800  }
0x7f: {  	[sflag:s29] =	ssyncset.done $0x0  }
0x80: {  	[sflag:s29] =	ssyncadd.s32 $0xFFFFD800  }
0x81: {  	[spmem:s1] =	stream.indirect.scatter.add.f32 [tilespmem:s22], [sflag:$0x6], $0x80, s30, s17, $0xb8;
	[tilespmem:$0x1F700] =	vst v63  }
.LBB2_4:
0x82: {  	p0 =	seq.s32 s5, $0x0  }
0x83: {  	s7 =	simm.s32 @!p0 $0x6  }
0x84: {  	_ =	swait.ge @!p0 [sflag:s7], $0x2800  }
0x85: {  	[sflag:s7] =	ssyncset.done @!p0 $0x0  }
0x86: {  	[sflag:s7] =	ssyncadd.s32 @!p0 $0xFFFFD800;
	s7 =	sshra.s32 s5, $0x2  }
0x87: {  	v1 =	vld [tilespmem:s7+$0x100];
	_ =	sdelay $0x4  }
0x88: {  	v2 =	vand.u32 $0x3FFF, v1  }
0x89: {  	v1 =	vshrl.u32 v1, $0xE;
	[tilespmem:$0x4100] =	vst v2  }
0x8a: {  	[tilespmem:$0x4280] =	vst v1  }
0x8b: {  	v1 =	vld [tilespmem:s7+$0x110];
	_ =	sdelay $0x4  }
0x8c: {  	v2 =	vand.u32 $0x3FFF, v1  }
0x8d: {  	v1 =	vshrl.u32 v1, $0xE;
	[tilespmem:$0x4110] =	vst v2  }
0x8e: {  	[tilespmem:$0x4290] =	vst v1  }
0x8f: {  	v1 =	vld [tilespmem:s7+$0x120];
	_ =	sdelay $0x4  }
0x90: {  	v2 =	vand.u32 $0x3FFF, v1  }
0x91: {  	v1 =	vshrl.u32 v1, $0xE;
	[tilespmem:$0x4120] =	vst v2  }
0x92: {  	[tilespmem:$0x42A0] =	vst v1  }
0x93: {  	v1 =	vld [tilespmem:s7+$0x130];
	_ =	sdelay $0x4  }
0x94: {  	v2 =	vand.u32 $0x3FFF, v1  }
0x95: {  	v1 =	vshrl.u32 v1, $0xE;
	[tilespmem:$0x4130] =	vst v2  }
0x96: {  	[tilespmem:$0x42B0] =	vst v1  }
0x97: {  	v1 =	vld [tilespmem:s7+$0x140];
	_ =	sdelay $0x4  }
0x98: {  	v2 =	vand.u32 $0x3FFF, v1  }
0x99: {  	v1 =	vshrl.u32 v1, $0xE;
	[tilespmem:$0x4140] =	vst v2  }
0x9a: {  	p0 =	seq.s32 s5, $0xF600;
	[tilespmem:$0x42C0] =	vst v1  }
0x9b: {  	[tilespmem:s22], [sflag:$0x3] =	stream.indirect.gather [hbm4b:s4+s17], $0x80, s23, s17, $0xb8;
	[tilespmem:$0x1F700] =	vst v63  }
.Ltmp5:
0x9c: {  	_ = 	snop;
	(pc) =	sbr.rel @p0 .LBB2_6-.Ltmp5, $4  }
0x9d: {  	_ =	swait.ge [sflag:s24], $0x2800  }
0x9e: {  	[sflag:s24] =	ssyncset.done $0x0  }
0x9f: {  	[sflag:s24] =	ssyncadd.s32 $0xFFFFD800  }
0xa0: {  	[spmem:s1] =	stream.indirect.scatter.add.f32 [tilespmem:s19], [sflag:$0x4], $0x80, s25, s17, $0xb8;
	[tilespmem:$0x1F700] =	vst v63  }
0xa1: {  	_ =	swait.ge [sflag:s31], $0x2800  }
0xa2: {  	[sflag:s31] =	ssyncset.done $0x0  }
0xa3: {  	[sflag:s31] =	ssyncadd.s32 $0xFFFFD800  }
0xa4: {  	v1 =	vld [tilespmem:s7+$0x180];
	_ =	sdelay $0x4  }
0xa5: {  	v2 =	vand.u32 $0x3FFF, v1  }
0xa6: {  	v1 =	vshrl.u32 v1, $0xE;
	[tilespmem:$0x4000] =	vst v2  }
0xa7: {  	[tilespmem:$0x4180] =	vst v1  }
0xa8: {  	v1 =	vld [tilespmem:s7+$0x190];
	_ =	sdelay $0x4  }
0xa9: {  	v2 =	vand.u32 $0x3FFF, v1  }
0xaa: {  	v1 =	vshrl.u32 v1, $0xE;
	[tilespmem:$0x4010] =	vst v2  }
0xab: {  	[tilespmem:$0x4190] =	vst v1  }
0xac: {  	v1 =	vld [tilespmem:s7+$0x1A0];
	_ =	sdelay $0x4  }
0xad: {  	v2 =	vand.u32 $0x3FFF, v1  }
0xae: {  	v1 =	vshrl.u32 v1, $0xE;
	[tilespmem:$0x4020] =	vst v2  }
0xaf: {  	[tilespmem:$0x41A0] =	vst v1  }
0xb0: {  	v1 =	vld [tilespmem:s7+$0x1B0];
	_ =	sdelay $0x4  }
0xb1: {  	v2 =	vand.u32 $0x3FFF, v1  }
0xb2: {  	v1 =	vshrl.u32 v1, $0xE;
	[tilespmem:$0x4030] =	vst v2  }
0xb3: {  	[tilespmem:$0x41B0] =	vst v1  }
0xb4: {  	v1 =	vld [tilespmem:s7+$0x1C0];
	_ =	sdelay $0x4  }
0xb5: {  	v2 =	vand.u32 $0x3FFF, v1  }
0xb6: {  	v1 =	vshrl.u32 v1, $0xE;
	[tilespmem:$0x4040] =	vst v2  }
0xb7: {  	[tilespmem:$0x41C0] =	vst v1  }
0xb8: {  	[tilespmem:s19], [sflag:$0x1] =	stream.indirect.gather [hbm4b:s4+s17], $0x80, s18, s17, $0xb8;
	[tilespmem:$0x1F700] =	vst v63  }
0xb9: {  	_ =	swait.ge [sflag:s26], $0x2800  }
0xba: {  	[sflag:s26] =	ssyncset.done $0x0  }
0xbb: {  	[sflag:s26] =	ssyncadd.s32 $0xFFFFD800  }
0xbc: {  	[spmem:s1] =	stream.indirect.scatter.add.f32 [tilespmem:s21], [sflag:$0x5], $0x80, s28, s17, $0xb8;
	[tilespmem:$0x1F700] =	vst v63  }
0xbd: {  	_ =	swait.ge [sflag:s0], $0x2800  }
0xbe: {  	[sflag:s0] =	ssyncset.done $0x0  }
0xbf: {  	[sflag:s0] =	ssyncadd.s32 $0xFFFFD800  }
0xc0: {  	v1 =	vld [tilespmem:s7+$0x200];
	_ =	sdelay $0x4  }
0xc1: {  	v2 =	vand.u32 $0x3FFF, v1  }
0xc2: {  	v1 =	vshrl.u32 v1, $0xE;
	[tilespmem:$0x4080] =	vst v2  }
0xc3: {  	[tilespmem:$0x4200] =	vst v1  }
0xc4: {  	v1 =	vld [tilespmem:s7+$0x210];
	_ =	sdelay $0x4  }
0xc5: {  	v2 =	vand.u32 $0x3FFF, v1  }
0xc6: {  	v1 =	vshrl.u32 v1, $0xE;
	[tilespmem:$0x4090] =	vst v2  }
0xc7: {  	[tilespmem:$0x4210] =	vst v1  }
0xc8: {  	v1 =	vld [tilespmem:s7+$0x220];
	_ =	sdelay $0x4  }
0xc9: {  	v2 =	vand.u32 $0x3FFF, v1  }
0xca: {  	v1 =	vshrl.u32 v1, $0xE;
	[tilespmem:$0x40A0] =	vst v2  }
0xcb: {  	[tilespmem:$0x4220] =	vst v1  }
0xcc: {  	v1 =	vld [tilespmem:s7+$0x230];
	_ =	sdelay $0x4  }
0xcd: {  	v2 =	vand.u32 $0x3FFF, v1  }
0xce: {  	v1 =	vshrl.u32 v1, $0xE;
	[tilespmem:$0x40B0] =	vst v2  }
0xcf: {  	[tilespmem:$0x4230] =	vst v1  }
0xd0: {  	v1 =	vld [tilespmem:s7+$0x240];
	_ =	sdelay $0x3  }
.Ltmp6:
0xd1: {  	_ = 	snop;
	(pc) =	sbr.rel .LBB2_7-.Ltmp6, $4  }
0xd2: {  	v2 =	vand.u32 $0x3FFF, v1  }
0xd3: {  	v1 =	vshrl.u32 v1, $0xE;
	[tilespmem:$0x40C0] =	vst v2  }
0xd4: {  	[tilespmem:$0x4240] =	vst v1  }
0xd5: {  	[tilespmem:s21], [sflag:$0x2] =	stream.indirect.gather [hbm4b:s4+s17], $0x80, s20, s17, $0xb8;
	[tilespmem:$0x1F700] =	vst v63  }
.LBB2_9:
0xd6: {  	_ =	sfence.sel $0x180000  }
0xd7: {  	[bflag:$0x0] =	sbarrier.arrive $0xFFFF  }
0xd8: {  	_ =	strace $0x90000050  }
0xd9: {  	s0 =	stileid.u32;
	[bflag:$0x2] =	sbarrier.arrive $0xFFFF  }
0xda: {  	p0 =	sne.s32 s0, $0x0;
	s0 =	rddreg [dreg:$0x2]  }
0xdb: {  	s0 =	sadd.s32 @!p0 $0x100000, s0  }
0xdc: {  	[sflag:s0] =	ssyncadd.tile.s32 @!p0 $0x1;
	_ =	shalt  }
.Lfunc_end2:
_tile_overlayer_lowered:
.L_overlay_start_2:
0xdd: {  	(tag) =	ssettag $0x2  }
0xde: {  	s0 =	rddreg [dreg:$0x0];
	s2 =	stileid.u32  }
0xdf: {  	s1 =	rddreg [dreg:$0x1];
	p0 =	sne.s32 s2, $0x0  }
0xe0: {  	s3 =	rddreg [dreg:$0x2];
	[bflag:$0x3] =	sbarrier.arrive $0xFFFF;
	s2 =	simm.s32 @!p0 $0x1C07  }
0xe1: {  	[timem:s3], [sflag:s2] =	dma.local @!p0 [hbm:s0], s1  }
0xe2: {  	s0 =	simm.s32 @!p0 $0x7  }
0xe3: {  	_ =	swait.ge @!p0 [sflag:s0], s1  }
0xe4: {  	s1 =	ssub.s32 @!p0 $0x0, s1;
	[sflag:s0] =	ssyncset.done @!p0 $0x0  }
0xe5: {  	[sflag:s0] =	ssyncadd.s32 @!p0 s1  }
0xe6: {  	[bflag:$0x3] =	sbarrier.arrive $0xFFFF  }
0xe7: {  	_ =	shalt  }

</sc_bundles>
